<compile_context>
chip_gen: v7x
topology: tpu7x:2x2x1
jax: 0.10.2.dev20260603
libtpu: 0.0.44.dev20260713+nightly
codegen_flags: <defaults>
</compile_context>

<pallas_src>
import functools

import jax
import jax.numpy as jnp
from jax import lax
from jax.experimental import pallas as pl
from jax.experimental.pallas import tpu as pltpu
from jax.experimental.pallas import tpu_sc as plsc

N = 20000
NPAD = 20480
T = 16
CH = NPAD // T
VR = CH // 16
FULL_T = N // CH
TAIL = N - FULL_T * CH
RADIX = 256
IR = 128
NR = CH // IR
SUB = 320

_MESH = plsc.VectorSubcoreMesh(core_axis_name="c", subcore_axis_name="s")


@functools.partial(
    pl.kernel,
    out_type=jax.ShapeDtypeStruct((2 * 3 * NPAD,), jnp.float32),
    mesh=_MESH,
    compiler_params=pltpu.CompilerParams(needs_layout_passes=False),
    scratch_types=[
        pltpu.VMEM((SUB, 16), jnp.float32),
        pltpu.VMEM((CH,), jnp.float32),
        pltpu.VMEM((NPAD,), jnp.int32),
        pltpu.VMEM((CH,), jnp.int32),
        pltpu.VMEM((3 * NR, IR), jnp.int32),
        pltpu.VMEM((RADIX,), jnp.int32),
        pltpu.VMEM((RADIX,), jnp.int32),
        pltpu.VMEM((T, RADIX), jnp.int32),
        pltpu.VMEM((3 * CH,), jnp.float32),
        pltpu.VMEM_SHARED((T, RADIX), jnp.int32),
        pltpu.VMEM_SHARED((NPAD,), jnp.int32),
        pltpu.VMEM_SHARED((NPAD,), jnp.int32),
        pltpu.VMEM_SHARED((NPAD,), jnp.int32),
        pltpu.VMEM_SHARED((3 * NPAD,), jnp.float32),
        pltpu.SemaphoreType.DMA,
    ],
)
def _sc_sort(in0_hbm, in1_hbm, sorted_hbm, blk, kb, m_all, iv, posb, hist,
             off, histall, rgbb, hist_sh, m_sh, iSh0, iSh1, rgb_sh, sem):
    c = lax.axis_index("c")
    s = lax.axis_index("s")
    base = s * CH
    ones = jnp.ones((16,), jnp.int32)
    lane = lax.iota(jnp.int32, 16)

    def _load_cols(src, sizes):
        for q, sz in enumerate(sizes):
            pltpu.sync_copy(src.at[pl.ds(base + q * SUB, sz)],
                            blk.at[pl.ds(0, sz)])

            def ext(v, _):
                idx = v * 16 + lane
                k = plsc.load_gather(blk, [idx, ones])
                kb[pl.ds(q * SUB + v * 16, 16)] = k
                for col in range(3):
                    val = plsc.load_gather(
                        blk, [idx, jnp.full((16,), 4 + col, jnp.int32)])
                    rgbb[pl.ds(col * CH + q * SUB + v * 16, 16)] = val
                return 0
            lax.fori_loop(0, sz // 16, ext, 0)

    _FULL = (SUB, SUB, SUB, SUB)
    _TAILS = (SUB, SUB, TAIL - 2 * SUB)

    @pl.when(jnp.logical_and(c == 0, s < FULL_T))
    def _():
        _load_cols(in0_hbm, _FULL)

    @pl.when(jnp.logical_and(c == 1, s < FULL_T))
    def _():
        _load_cols(in1_hbm, _FULL)

    @pl.when(jnp.logical_and(c == 0, s == FULL_T))
    def _():
        _load_cols(in0_hbm, _TAILS)

    @pl.when(jnp.logical_and(c == 1, s == FULL_T))
    def _():
        _load_cols(in1_hbm, _TAILS)

    def p0(v, _):
        idx = v * 16 + lane
        k = kb[pl.ds(v * 16, 16)]
        b = plsc.bitcast(k + jnp.float32(0.0), jnp.int32)
        m = jnp.where(b >= 0, b ^ jnp.int32(-2**31), ~b)
        m = jnp.where(base + idx < N, m, jnp.int32(-1))
        m_all[pl.ds(v * 16, 16)] = m
        return 0

    lax.fori_loop(0, VR, p0, 0)
    pltpu.sync_copy(m_all.at[pl.ds(0, CH)], m_sh.at[pl.ds(base, CH)])
    for col in range(3):
        pltpu.sync_copy(rgbb.at[pl.ds(col * CH, CH)],
                        rgb_sh.at[pl.ds(col * NPAD + base, CH)])
    plsc.subcore_barrier()
    pltpu.sync_copy(m_sh, m_all)

    def run_pass(p, i_src, i_dst):
        sh = 8 * p
        if i_src is None:
            def dig(v):
                return m_all[pl.ds(base + v * 16, 16)]
        else:
            pltpu.sync_copy(i_src.at[pl.ds(base, CH)], iv)

            def dig(v):
                return plsc.load_gather(m_all, [iv[pl.ds(v * 16, 16)]])

        def zero(j, _):
            hist[pl.ds(j * 16, 16)] = jnp.zeros((16,), jnp.int32)
            return 0
        lax.fori_loop(0, RADIX // 16, zero, 0)

        def histo(v, _):
            d = lax.shift_right_logical(dig(v), sh) & 255
            plsc.addupdate_scatter(hist, [d], ones)
            return 0
        lax.fori_loop(0, VR, histo, 0)

        pltpu.sync_copy(hist, hist_sh.at[s])
        plsc.subcore_barrier()

        pltpu.sync_copy(hist_sh, histall)

        def offs(j, carry):
            def acc(t, tp):
                tot, pri = tp
                h = histall[t, pl.ds(j * 16, 16)]
                return tot + h, pri + jnp.where(t < s, h, jnp.int32(0))
            tot, pri = lax.fori_loop(
                0, T, acc, (jnp.zeros((16,), jnp.int32),
                            jnp.zeros((16,), jnp.int32)))
            incl = plsc.cumsum(tot)
            off[pl.ds(j * 16, 16)] = carry + (incl - tot) + pri
            return carry + jnp.max(incl)
        lax.fori_loop(0, RADIX // 16, offs, jnp.int32(0))

        def posl(v, _):
            d = lax.shift_right_logical(dig(v), sh) & 255
            cur = plsc.load_gather(off, [d])
            occ, _unused = plsc.scan_count(d)
            posb[v // 8, pl.ds((v % 8) * 16, 16)] = cur + occ - 1
            plsc.addupdate_scatter(off, [d], ones)
            return 0
        lax.fori_loop(0, VR, posl, 0)

        if i_src is None:
            def cp(v, _):
                iv[pl.ds(v * 16, 16)] = base + v * 16 + lane
                return 0
            lax.fori_loop(0, VR, cp, 0)
        copies = [pltpu.async_copy(iv.at[pl.ds(j * IR, IR)],
                                   i_dst.at[posb.at[j]], sem)
                  for j in range(NR)]
        for cpy in copies:
            cpy.wait()
        plsc.subcore_barrier()

    run_pass(0, None, iSh0)
    run_pass(1, iSh0, iSh1)
    run_pass(2, iSh1, iSh0)
    run_pass(3, iSh0, iSh1)

    pltpu.sync_copy(iSh1.at[pl.ds(base, CH)], iv)

    def cpyi(v, _):
        e = iv[pl.ds(v * 16, 16)]
        for col in range(3):
            posb[col * NR + v // 8, pl.ds((v % 8) * 16, 16)] = \
                col * NPAD + e
        return 0
    lax.fori_loop(0, VR, cpyi, 0)

    cps = [pltpu.async_copy(rgb_sh.at[posb.at[r]],
                            rgbb.at[pl.ds(r * IR, IR)], sem)
           for r in range(3 * NR)]
    for cpy in cps:
        cpy.wait()

    for col in range(3):
        pltpu.sync_copy(rgbb.at[pl.ds(col * CH, CH)],
                        sorted_hbm.at[pl.ds((c * 3 + col) * NPAD + base, CH)])


_CROWS = 3 * NPAD // 128


def _cmp_body(s_ref, o_ref):
    x = s_ref[...]
    f = (lax.broadcasted_iota(jnp.int32, (_CROWS, 128), 0) * 128
         + lax.broadcasted_iota(jnp.int32, (_CROWS, 128), 1))
    pos = f - (f // NPAD) * NPAD
    bad = jnp.where((x[:_CROWS] != x[_CROWS:]) & (pos < N), 1.0, 0.0)
    o_ref[0, 0] = jnp.where(jnp.sum(bad) == 0.0, 1.0, 0.0)


def kernel(ocm0, ocm1):
    srt = _sc_sort(ocm0, ocm1)
    res = pl.pallas_call(
        _cmp_body,
        out_shape=jax.ShapeDtypeStruct((1, 1), jnp.float32),
        out_specs=pl.BlockSpec(memory_space=pltpu.SMEM),
    )(srt.reshape(2 * _CROWS, 128))
    return res.reshape(())

# --- scband reference (transcript-rebuilt; emitter-appended) ---
"""Pipeline reference for scband-vfgsymmetry-color-57913339019949 (READ-ONLY COPY).

The authoritative reference and input builder live on the scoring server;
editing this copy changes nothing except your own understanding.
"""

import jax, jax.numpy as jnp
import numpy as np

# prop_idx_dict assumption: rgb_r=4, rgb_g=5, rgb_b=6
RGB_IDX = (4, 5, 6)
N, P = 20000, 16


def setup_inputs(seed: int = 0) -> dict:
    key = jax.random.key(seed)
    k0, k1 = jax.random.split(key)
    ocm0 = jax.random.normal(k0, (N, P), dtype=jnp.float32)
    ocm1 = jax.random.normal(k1, (N, P), dtype=jnp.float32)
    return {"ocm0": ocm0, "ocm1": ocm1}


def reference(ocm0, ocm1):
    # group_data = args_dict[bk.var_dtype_group_objs]['ocms'] -> [ocm0, ocm1]
    group_data = [ocm0, ocm1]
    sorted_ocms = []
    for g_ocm in group_data:
        # torch.sort(g_ocm[:, 1])[1] -> sort indices by column 1
        indices = jnp.argsort(g_ocm[:, 1])
        sorted_ocms.append(jnp.take(g_ocm, indices, axis=0))
    sorted_ocms = jnp.stack(sorted_ocms, axis=0)  # [2, N, P]
    # len(group_data) == 2, so we do not hit the early-return 0.0 branch
    shape_indices = jnp.array(RGB_IDX)
    # per-object torch.equal on the rgb slice, accumulated as a product
    a = sorted_ocms[1][:, shape_indices]  # [N, 3]
    b = sorted_ocms[0][:, shape_indices]  # [N, 3]
    same_shape = jnp.all(a == b, axis=1).astype(jnp.float32)  # [N]
    all_same = jnp.prod(same_shape)  # product over all rows, matching the loop
    return all_same

if __name__ == "__main__":
    import jax
    _d = setup_inputs()
    print(jax.jit(kernel)(*tuple(_d.values())))

</pallas_src>

<mosaic_0001>
#map = affine_map<(d0, d1) -> (0, 0)>
#map1 = affine_map<(d0, d1) -> (0)>
module attributes {stable_mosaic.version = 14 : i64} {
  func.func @_sc_sort(%arg0: i32, %arg1: i32, %arg2: memref<20000x16xf32, #tpu.memory_space<hbm>>, %arg3: memref<20000x16xf32, #tpu.memory_space<hbm>>, %arg4: memref<122880xf32, #tpu.memory_space<hbm>>, %arg5: memref<320x16xf32, #tpu.memory_space<vmem>>, %arg6: memref<1280xf32, #tpu.memory_space<vmem>>, %arg7: memref<20480xi32, #tpu.memory_space<vmem>>, %arg8: memref<1280xi32, #tpu.memory_space<vmem>>, %arg9: memref<30x128xi32, #tpu.memory_space<vmem>>, %arg10: memref<256xi32, #tpu.memory_space<vmem>>, %arg11: memref<256xi32, #tpu.memory_space<vmem>>, %arg12: memref<16x256xi32, #tpu.memory_space<vmem>>, %arg13: memref<3840xf32, #tpu.memory_space<vmem>>, %arg14: memref<16x256xi32, #tpu.memory_space<vmem_shared>>, %arg15: memref<20480xi32, #tpu.memory_space<vmem_shared>>, %arg16: memref<20480xi32, #tpu.memory_space<vmem_shared>>, %arg17: memref<20480xi32, #tpu.memory_space<vmem_shared>>, %arg18: memref<61440xf32, #tpu.memory_space<vmem_shared>>, %arg19: memref<!tpu.dma_semaphore, #tpu.memory_space<semaphore_mem>>) attributes {dimension_semantics = [#tpu.dimension_semantics<core_parallel>, #tpu.dimension_semantics<subcore_parallel>], iteration_bounds = array<i64: 2, 16>, scalar_prefetch = 0 : i64, scratch_operands = 15 : i64, tpu.core_type = #tpu.core_type<sc_vector_subcore>, window_params = [{transform_indices = #map}, {transform_indices = #map}, {transform_indices = #map1}]} {
    %mul3A = arith.constant 1280 : i32
    %mul3A_0 = arith.muli %arg1, %mul3A : i32
    %broadcast_in_dim3A = arith.constant 1 : i32
    %broadcast_in_dim3A_1 = vector.broadcast %broadcast_in_dim3A : i32 to vector<16xi32>
    %iota3A = tpu.iota {dimensions = array<i32: 0>} : vector<16xi32>
    %eq3A = arith.constant 0 : i32
    %eq3A_2 = arith.cmpi eq, %arg0, %eq3A : i32
    %lt3A = arith.constant 15 : i32
    %lt3A_3 = arith.cmpi slt, %arg1, %lt3A : i32
    %and3A = arith.andi %eq3A_2, %lt3A_3 : i1
    %convert_element_type3A = arith.extui %and3A : i1 to i32
    %cond3A = arith.constant 0 : i32
    %cond3A_4 = arith.cmpi ne, %convert_element_type3A, %cond3A : i32
    scf.if %cond3A_4 {
      %add3A_1313 = arith.constant 0 : i32
      %add3A_1314 = arith.addi %mul3A_0, %add3A_1313 : i32
      "tpu.region"() ({
        %run_scoped3A = tpu.sem_alloc : memref<!tpu.dma_semaphore, #tpu.memory_space<semaphore_mem>>
        %dma_start3A_1349 = arith.constant 0 : i32
        %dma_start3A_1350 = arith.constant 0 : i32
        %dma_start3A_1351 = tpu.memref_slice %arg5[%dma_start3A_1349, %dma_start3A_1350] : memref<320x16xf32, #tpu.memory_space<vmem>> -> memref<320x16xf32, #tpu.memory_space<vmem>>
        %dma_start3A_1352 = arith.constant 0 : i32
        %dma_start3A_1353 = tpu.memref_slice %arg2[%add3A_1314, %dma_start3A_1352] : memref<20000x16xf32, #tpu.memory_space<hbm>> -> memref<320x16xf32, #tpu.memory_space<hbm>>
        %dma_start3A_1354 = arith.constant 0 : i32
        %dma_start3A_1355 = arith.constant 0 : i32
        %dma_start3A_1356 = tpu.memref_slice %arg5[%dma_start3A_1354, %dma_start3A_1355] : memref<320x16xf32, #tpu.memory_space<vmem>> -> memref<320x16xf32, #tpu.memory_space<vmem>>
        %dma_start3A_1357 = arith.constant 0 : i32
        %dma_start3A_1358 = tpu.memref_slice %arg2[%add3A_1314, %dma_start3A_1357] : memref<20000x16xf32, #tpu.memory_space<hbm>> -> memref<320x16xf32, #tpu.memory_space<hbm>>
        tpu.enqueue_dma source(%dma_start3A_1358 : memref<320x16xf32, #tpu.memory_space<hbm>>) target(%dma_start3A_1356 : memref<320x16xf32, #tpu.memory_space<vmem>>) target_semaphore(%run_scoped3A : memref<!tpu.dma_semaphore, #tpu.memory_space<semaphore_mem>>)
        %dma_wait3A_1359 = arith.constant 0 : i32
        %dma_wait3A_1360 = arith.constant 0 : i32
        %dma_wait3A_1361 = tpu.memref_slice %arg5[%dma_wait3A_1359, %dma_wait3A_1360] : memref<320x16xf32, #tpu.memory_space<vmem>> -> memref<320x16xf32, #tpu.memory_space<vmem>>
        %dma_wait3A_1362 = arith.constant 0 : i32
        %dma_wait3A_1363 = tpu.memref_slice %arg2[%add3A_1314, %dma_wait3A_1362] : memref<20000x16xf32, #tpu.memory_space<hbm>> -> memref<320x16xf32, #tpu.memory_space<hbm>>
        %dma_wait3A_1364 = arith.constant 0 : i32
        %dma_wait3A_1365 = arith.constant 0 : i32
        %dma_wait3A_1366 = tpu.memref_slice %arg5[%dma_wait3A_1364, %dma_wait3A_1365] : memref<320x16xf32, #tpu.memory_space<vmem>> -> memref<320x16xf32, #tpu.memory_space<vmem>>
        %dma_wait3A_1367 = arith.constant 0 : i32
        %dma_wait3A_1368 = tpu.memref_slice %arg2[%add3A_1314, %dma_wait3A_1367] : memref<20000x16xf32, #tpu.memory_space<hbm>> -> memref<320x16xf32, #tpu.memory_space<hbm>>
        tpu.wait_dma2 semaphore(%run_scoped3A : memref<!tpu.dma_semaphore, #tpu.memory_space<semaphore_mem>>) src(%dma_wait3A_1368 : memref<320x16xf32, #tpu.memory_space<hbm>>) dst(%dma_wait3A_1366 : memref<320x16xf32, #tpu.memory_space<vmem>>)
        tpu.yield
      }) : () -> ()
      %scan3A_1315 = arith.constant 0 : i32
      %scan3A_1316 = arith.constant 0 : i32
      %scan3A_1317 = arith.constant 20 : i32
      %scan3A_1318 = arith.addi %scan3A_1316, %scan3A_1317 : i32
      %scan3A_1319 = arith.constant 1 : i32
      %scan3A_1320 = scf.for %scan3A_1349 = %scan3A_1316 to %scan3A_1318 step %scan3A_1319 iter_args(%scan3A_1350 = %scan3A_1315) -> (i32)  : i32 {
        %mul3A_1351 = arith.constant 16 : i32
        %mul3A_1352 = arith.muli %scan3A_1349, %mul3A_1351 : i32
        %add3A_1353 = vector.broadcast %mul3A_1352 : i32 to vector<16xi32>
        %add3A_1354 = arith.addi %add3A_1353, %iota3A : vector<16xi32>
        %gather3A = tpu.vector_load_idx %arg5[%add3A_1354, %broadcast_in_dim3A_1] : memref<320x16xf32, #tpu.memory_space<vmem>>[vector<16xi32>, vector<16xi32>], vector<16xf32>,
        %mul3A_1355 = arith.constant 16 : i32
        %mul3A_1356 = arith.muli %scan3A_1349, %mul3A_1355 : i32
        %add3A_1357 = arith.constant 0 : i32
        %add3A_1358 = arith.addi %add3A_1357, %mul3A_1356 : i32
        %swap3A = arith.index_cast %add3A_1358 : i32 to index
        %swap3A_1359 = tpu.vector_load %arg6[%swap3A] {strides = array<i32>} : memref<1280xf32, #tpu.memory_space<vmem>>, vector<16xf32>,
        tpu.vector_store %arg6[%swap3A], %gather3A {strides = array<i32>} : memref<1280xf32, #tpu.memory_space<vmem>>, vector<16xf32>,
        %broadcast_in_dim3A_1360 = arith.constant 4 : i32
        %broadcast_in_dim3A_1361 = vector.broadcast %broadcast_in_dim3A_1360 : i32 to vector<16xi32>
        %gather3A_1362 = tpu.vector_load_idx %arg5[%add3A_1354, %broadcast_in_dim3A_1361] : memref<320x16xf32, #tpu.memory_space<vmem>>[vector<16xi32>, vector<16xi32>], vector<16xf32>,
        %mul3A_1363 = arith.constant 16 : i32
        %mul3A_1364 = arith.muli %scan3A_1349, %mul3A_1363 : i32
        %add3A_1365 = arith.constant 0 : i32
        %add3A_1366 = arith.addi %add3A_1365, %mul3A_1364 : i32
        %swap3A_1367 = arith.index_cast %add3A_1366 : i32 to index
        %swap3A_1368 = tpu.vector_load %arg13[%swap3A_1367] {strides = array<i32>} : memref<3840xf32, #tpu.memory_space<vmem>>, vector<16xf32>,
        tpu.vector_store %arg13[%swap3A_1367], %gather3A_1362 {strides = array<i32>} : memref<3840xf32, #tpu.memory_space<vmem>>, vector<16xf32>,
        %broadcast_in_dim3A_1369 = arith.constant 5 : i32
        %broadcast_in_dim3A_1370 = vector.broadcast %broadcast_in_dim3A_1369 : i32 to vector<16xi32>
        %gather3A_1371 = tpu.vector_load_idx %arg5[%add3A_1354, %broadcast_in_dim3A_1370] : memref<320x16xf32, #tpu.memory_space<vmem>>[vector<16xi32>, vector<16xi32>], vector<16xf32>,
        %mul3A_1372 = arith.constant 16 : i32
        %mul3A_1373 = arith.muli %scan3A_1349, %mul3A_1372 : i32
        %add3A_1374 = arith.constant 1280 : i32
        %add3A_1375 = arith.addi %add3A_1374, %mul3A_1373 : i32
        %swap3A_1376 = arith.index_cast %add3A_1375 : i32 to index
        %swap3A_1377 = tpu.vector_load %arg13[%swap3A_1376] {strides = array<i32>} : memref<3840xf32, #tpu.memory_space<vmem>>, vector<16xf32>,
        tpu.vector_store %arg13[%swap3A_1376], %gather3A_1371 {strides = array<i32>} : memref<3840xf32, #tpu.memory_space<vmem>>, vector<16xf32>,
        %broadcast_in_dim3A_1378 = arith.constant 6 : i32
        %broadcast_in_dim3A_1379 = vector.broadcast %broadcast_in_dim3A_1378 : i32 to vector<16xi32>
        %gather3A_1380 = tpu.vector_load_idx %arg5[%add3A_1354, %broadcast_in_dim3A_1379] : memref<320x16xf32, #tpu.memory_space<vmem>>[vector<16xi32>, vector<16xi32>], vector<16xf32>,
        %mul3A_1381 = arith.constant 16 : i32
        %mul3A_1382 = arith.muli %scan3A_1349, %mul3A_1381 : i32
        %add3A_1383 = arith.constant 2560 : i32
        %add3A_1384 = arith.addi %add3A_1383, %mul3A_1382 : i32
        %swap3A_1385 = arith.index_cast %add3A_1384 : i32 to index
        %swap3A_1386 = tpu.vector_load %arg13[%swap3A_1385] {strides = array<i32>} : memref<3840xf32, #tpu.memory_space<vmem>>, vector<16xf32>,
        tpu.vector_store %arg13[%swap3A_1385], %gather3A_1380 {strides = array<i32>} : memref<3840xf32, #tpu.memory_space<vmem>>, vector<16xf32>,
        %scan3A_1387 = arith.constant 0 : i32
        scf.yield %scan3A_1387 : i32
      }
      %scan3A_1321 = arith.constant 20 : i32
      %add3A_1322 = arith.constant 320 : i32
      %add3A_1323 = arith.addi %mul3A_0, %add3A_1322 : i32
      "tpu.region"() ({
        %run_scoped3A = tpu.sem_alloc : memref<!tpu.dma_semaphore, #tpu.memory_space<semaphore_mem>>
        %dma_start3A_1349 = arith.constant 0 : i32
        %dma_start3A_1350 = arith.constant 0 : i32
        %dma_start3A_1351 = tpu.memref_slice %arg5[%dma_start3A_1349, %dma_start3A_1350] : memref<320x16xf32, #tpu.memory_space<vmem>> -> memref<320x16xf32, #tpu.memory_space<vmem>>
        %dma_start3A_1352 = arith.constant 0 : i32
        %dma_start3A_1353 = tpu.memref_slice %arg2[%add3A_1323, %dma_start3A_1352] : memref<20000x16xf32, #tpu.memory_space<hbm>> -> memref<320x16xf32, #tpu.memory_space<hbm>>
        %dma_start3A_1354 = arith.constant 0 : i32
        %dma_start3A_1355 = arith.constant 0 : i32
        %dma_start3A_1356 = tpu.memref_slice %arg5[%dma_start3A_1354, %dma_start3A_1355] : memref<320x16xf32, #tpu.memory_space<vmem>> -> memref<320x16xf32, #tpu.memory_space<vmem>>
        %dma_start3A_1357 = arith.constant 0 : i32
        %dma_start3A_1358 = tpu.memref_slice %arg2[%add3A_1323, %dma_start3A_1357] : memref<20000x16xf32, #tpu.memory_space<hbm>> -> memref<320x16xf32, #tpu.memory_space<hbm>>
        tpu.enqueue_dma source(%dma_start3A_1358 : memref<320x16xf32, #tpu.memory_space<hbm>>) target(%dma_start3A_1356 : memref<320x16xf32, #tpu.memory_space<vmem>>) target_semaphore(%run_scoped3A : memref<!tpu.dma_semaphore, #tpu.memory_space<semaphore_mem>>)
        %dma_wait3A_1359 = arith.constant 0 : i32
        %dma_wait3A_1360 = arith.constant 0 : i32
        %dma_wait3A_1361 = tpu.memref_slice %arg5[%dma_wait3A_1359, %dma_wait3A_1360] : memref<320x16xf32, #tpu.memory_space<vmem>> -> memref<320x16xf32, #tpu.memory_space<vmem>>
        %dma_wait3A_1362 = arith.constant 0 : i32
        %dma_wait3A_1363 = tpu.memref_slice %arg2[%add3A_1323, %dma_wait3A_1362] : memref<20000x16xf32, #tpu.memory_space<hbm>> -> memref<320x16xf32, #tpu.memory_space<hbm>>
        %dma_wait3A_1364 = arith.constant 0 : i32
        %dma_wait3A_1365 = arith.constant 0 : i32
        %dma_wait3A_1366 = tpu.memref_slice %arg5[%dma_wait3A_1364, %dma_wait3A_1365] : memref<320x16xf32, #tpu.memory_space<vmem>> -> memref<320x16xf32, #tpu.memory_space<vmem>>
        %dma_wait3A_1367 = arith.constant 0 : i32
        %dma_wait3A_1368 = tpu.memref_slice %arg2[%add3A_1323, %dma_wait3A_1367] : memref<20000x16xf32, #tpu.memory_space<hbm>> -> memref<320x16xf32, #tpu.memory_space<hbm>>
        tpu.wait_dma2 semaphore(%run_scoped3A : memref<!tpu.dma_semaphore, #tpu.memory_space<semaphore_mem>>) src(%dma_wait3A_1368 : memref<320x16xf32, #tpu.memory_space<hbm>>) dst(%dma_wait3A_1366 : memref<320x16xf32, #tpu.memory_space<vmem>>)
        tpu.yield
      }) : () -> ()
      %scan3A_1324 = arith.constant 0 : i32
      %scan3A_1325 = arith.constant 0 : i32
      %scan3A_1326 = arith.constant 20 : i32
      %scan3A_1327 = arith.addi %scan3A_1325, %scan3A_1326 : i32
      %scan3A_1328 = arith.constant 1 : i32
      %scan3A_1329 = scf.for %scan3A_1349 = %scan3A_1325 to %scan3A_1327 step %scan3A_1328 iter_args(%scan3A_1350 = %scan3A_1324) -> (i32)  : i32 {
        %mul3A_1351 = arith.constant 16 : i32
        %mul3A_1352 = arith.muli %scan3A_1349, %mul3A_1351 : i32
        %add3A_1353 = vector.broadcast %mul3A_1352 : i32 to vector<16xi32>
        %add3A_1354 = arith.addi %add3A_1353, %iota3A : vector<16xi32>
        %gather3A = tpu.vector_load_idx %arg5[%add3A_1354, %broadcast_in_dim3A_1] : memref<320x16xf32, #tpu.memory_space<vmem>>[vector<16xi32>, vector<16xi32>], vector<16xf32>,
        %mul3A_1355 = arith.constant 16 : i32
        %mul3A_1356 = arith.muli %scan3A_1349, %mul3A_1355 : i32
        %add3A_1357 = arith.constant 320 : i32
        %add3A_1358 = arith.addi %add3A_1357, %mul3A_1356 : i32
        %swap3A = arith.index_cast %add3A_1358 : i32 to index
        %swap3A_1359 = tpu.vector_load %arg6[%swap3A] {strides = array<i32>} : memref<1280xf32, #tpu.memory_space<vmem>>, vector<16xf32>,
        tpu.vector_store %arg6[%swap3A], %gather3A {strides = array<i32>} : memref<1280xf32, #tpu.memory_space<vmem>>, vector<16xf32>,
        %broadcast_in_dim3A_1360 = arith.constant 4 : i32
        %broadcast_in_dim3A_1361 = vector.broadcast %broadcast_in_dim3A_1360 : i32 to vector<16xi32>
        %gather3A_1362 = tpu.vector_load_idx %arg5[%add3A_1354, %broadcast_in_dim3A_1361] : memref<320x16xf32, #tpu.memory_space<vmem>>[vector<16xi32>, vector<16xi32>], vector<16xf32>,
        %mul3A_1363 = arith.constant 16 : i32
        %mul3A_1364 = arith.muli %scan3A_1349, %mul3A_1363 : i32
        %add3A_1365 = arith.constant 320 : i32
        %add3A_1366 = arith.addi %add3A_1365, %mul3A_1364 : i32
        %swap3A_1367 = arith.index_cast %add3A_1366 : i32 to index
        %swap3A_1368 = tpu.vector_load %arg13[%swap3A_1367] {strides = array<i32>} : memref<3840xf32, #tpu.memory_space<vmem>>, vector<16xf32>,
        tpu.vector_store %arg13[%swap3A_1367], %gather3A_1362 {strides = array<i32>} : memref<3840xf32, #tpu.memory_space<vmem>>, vector<16xf32>,
        %broadcast_in_dim3A_1369 = arith.constant 5 : i32
        %broadcast_in_dim3A_1370 = vector.broadcast %broadcast_in_dim3A_1369 : i32 to vector<16xi32>
        %gather3A_1371 = tpu.vector_load_idx %arg5[%add3A_1354, %broadcast_in_dim3A_1370] : memref<320x16xf32, #tpu.memory_space<vmem>>[vector<16xi32>, vector<16xi32>], vector<16xf32>,
        %mul3A_1372 = arith.constant 16 : i32
        %mul3A_1373 = arith.muli %scan3A_1349, %mul3A_1372 : i32
        %add3A_1374 = arith.constant 1600 : i32
        %add3A_1375 = arith.addi %add3A_1374, %mul3A_1373 : i32
        %swap3A_1376 = arith.index_cast %add3A_1375 : i32 to index
        %swap3A_1377 = tpu.vector_load %arg13[%swap3A_1376] {strides = array<i32>} : memref<3840xf32, #tpu.memory_space<vmem>>, vector<16xf32>,
        tpu.vector_store %arg13[%swap3A_1376], %gather3A_1371 {strides = array<i32>} : memref<3840xf32, #tpu.memory_space<vmem>>, vector<16xf32>,
        %broadcast_in_dim3A_1378 = arith.constant 6 : i32
        %broadcast_in_dim3A_1379 = vector.broadcast %broadcast_in_dim3A_1378 : i32 to vector<16xi32>
        %gather3A_1380 = tpu.vector_load_idx %arg5[%add3A_1354, %broadcast_in_dim3A_1379] : memref<320x16xf32, #tpu.memory_space<vmem>>[vector<16xi32>, vector<16xi32>], vector<16xf32>,
        %mul3A_1381 = arith.constant 16 : i32
        %mul3A_1382 = arith.muli %scan3A_1349, %mul3A_1381 : i32
        %add3A_1383 = arith.constant 2880 : i32
        %add3A_1384 = arith.addi %add3A_1383, %mul3A_1382 : i32
        %swap3A_1385 = arith.index_cast %add3A_1384 : i32 to index
        %swap3A_1386 = tpu.vector_load %arg13[%swap3A_1385] {strides = array<i32>} : memref<3840xf32, #tpu.memory_space<vmem>>, vector<16xf32>,
        tpu.vector_store %arg13[%swap3A_1385], %gather3A_1380 {strides = array<i32>} : memref<3840xf32, #tpu.memory_space<vmem>>, vector<16xf32>,
        %scan3A_1387 = arith.constant 0 : i32
        scf.yield %scan3A_1387 : i32
      }
      %scan3A_1330 = arith.constant 20 : i32
      %add3A_1331 = arith.constant 640 : i32
      %add3A_1332 = arith.addi %mul3A_0, %add3A_1331 : i32
      "tpu.region"() ({
        %run_scoped3A = tpu.sem_alloc : memref<!tpu.dma_semaphore, #tpu.memory_space<semaphore_mem>>
        %dma_start3A_1349 = arith.constant 0 : i32
        %dma_start3A_1350 = arith.constant 0 : i32
        %dma_start3A_1351 = tpu.memref_slice %arg5[%dma_start3A_1349, %dma_start3A_1350] : memref<320x16xf32, #tpu.memory_space<vmem>> -> memref<320x16xf32, #tpu.memory_space<vmem>>
        %dma_start3A_1352 = arith.constant 0 : i32
        %dma_start3A_1353 = tpu.memref_slice %arg2[%add3A_1332, %dma_start3A_1352] : memref<20000x16xf32, #tpu.memory_space<hbm>> -> memref<320x16xf32, #tpu.memory_space<hbm>>
        %dma_start3A_1354 = arith.constant 0 : i32
        %dma_start3A_1355 = arith.constant 0 : i32
        %dma_start3A_1356 = tpu.memref_slice %arg5[%dma_start3A_1354, %dma_start3A_1355] : memref<320x16xf32, #tpu.memory_space<vmem>> -> memref<320x16xf32, #tpu.memory_space<vmem>>
        %dma_start3A_1357 = arith.constant 0 : i32
        %dma_start3A_1358 = tpu.memref_slice %arg2[%add3A_1332, %dma_start3A_1357] : memref<20000x16xf32, #tpu.memory_space<hbm>> -> memref<320x16xf32, #tpu.memory_space<hbm>>
        tpu.enqueue_dma source(%dma_start3A_1358 : memref<320x16xf32, #tpu.memory_space<hbm>>) target(%dma_start3A_1356 : memref<320x16xf32, #tpu.memory_space<vmem>>) target_semaphore(%run_scoped3A : memref<!tpu.dma_semaphore, #tpu.memory_space<semaphore_mem>>)
        %dma_wait3A_1359 = arith.constant 0 : i32
        %dma_wait3A_1360 = arith.constant 0 : i32
        %dma_wait3A_1361 = tpu.memref_slice %arg5[%dma_wait3A_1359, %dma_wait3A_1360] : memref<320x16xf32, #tpu.memory_space<vmem>> -> memref<320x16xf32, #tpu.memory_space<vmem>>
        %dma_wait3A_1362 = arith.constant 0 : i32
        %dma_wait3A_1363 = tpu.memref_slice %arg2[%add3A_1332, %dma_wait3A_1362] : memref<20000x16xf32, #tpu.memory_space<hbm>> -> memref<320x16xf32, #tpu.memory_space<hbm>>
        %dma_wait3A_1364 = arith.constant 0 : i32
        %dma_wait3A_1365 = arith.constant 0 : i32
        %dma_wait3A_1366 = tpu.memref_slice %arg5[%dma_wait3A_1364, %dma_wait3A_1365] : memref<320x16xf32, #tpu.memory_space<vmem>> -> memref<320x16xf32, #tpu.memory_space<vmem>>
        %dma_wait3A_1367 = arith.constant 0 : i32
        %dma_wait3A_1368 = tpu.memref_slice %arg2[%add3A_1332, %dma_wait3A_1367] : memref<20000x16xf32, #tpu.memory_space<hbm>> -> memref<320x16xf32, #tpu.memory_space<hbm>>
        tpu.wait_dma2 semaphore(%run_scoped3A : memref<!tpu.dma_semaphore, #tpu.memory_space<semaphore_mem>>) src(%dma_wait3A_1368 : memref<320x16xf32, #tpu.memory_space<hbm>>) dst(%dma_wait3A_1366 : memref<320x16xf32, #tpu.memory_space<vmem>>)
        tpu.yield
      }) : () -> ()
      %scan3A_1333 = arith.constant 0 : i32
      %scan3A_1334 = arith.constant 0 : i32
      %scan3A_1335 = arith.constant 20 : i32
      %scan3A_1336 = arith.addi %scan3A_1334, %scan3A_1335 : i32
      %scan3A_1337 = arith.constant 1 : i32
      %scan3A_1338 = scf.for %scan3A_1349 = %scan3A_1334 to %scan3A_1336 step %scan3A_1337 iter_args(%scan3A_1350 = %scan3A_1333) -> (i32)  : i32 {
        %mul3A_1351 = arith.constant 16 : i32
        %mul3A_1352 = arith.muli %scan3A_1349, %mul3A_1351 : i32
        %add3A_1353 = vector.broadcast %mul3A_1352 : i32 to vector<16xi32>
        %add3A_1354 = arith.addi %add3A_1353, %iota3A : vector<16xi32>
        %gather3A = tpu.vector_load_idx %arg5[%add3A_1354, %broadcast_in_dim3A_1] : memref<320x16xf32, #tpu.memory_space<vmem>>[vector<16xi32>, vector<16xi32>], vector<16xf32>,
        %mul3A_1355 = arith.constant 16 : i32
        %mul3A_1356 = arith.muli %scan3A_1349, %mul3A_1355 : i32
        %add3A_1357 = arith.constant 640 : i32
        %add3A_1358 = arith.addi %add3A_1357, %mul3A_1356 : i32
        %swap3A = arith.index_cast %add3A_1358 : i32 to index
        %swap3A_1359 = tpu.vector_load %arg6[%swap3A] {strides = array<i32>} : memref<1280xf32, #tpu.memory_space<vmem>>, vector<16xf32>,
        tpu.vector_store %arg6[%swap3A], %gather3A {strides = array<i32>} : memref<1280xf32, #tpu.memory_space<vmem>>, vector<16xf32>,
        %broadcast_in_dim3A_1360 = arith.constant 4 : i32
        %broadcast_in_dim3A_1361 = vector.broadcast %broadcast_in_dim3A_1360 : i32 to vector<16xi32>
        %gather3A_1362 = tpu.vector_load_idx %arg5[%add3A_1354, %broadcast_in_dim3A_1361] : memref<320x16xf32, #tpu.memory_space<vmem>>[vector<16xi32>, vector<16xi32>], vector<16xf32>,
        %mul3A_1363 = arith.constant 16 : i32
        %mul3A_1364 = arith.muli %scan3A_1349, %mul3A_1363 : i32
        %add3A_1365 = arith.constant 640 : i32
        %add3A_1366 = arith.addi %add3A_1365, %mul3A_1364 : i32
        %swap3A_1367 = arith.index_cast %add3A_1366 : i32 to index
        %swap3A_1368 = tpu.vector_load %arg13[%swap3A_1367] {strides = array<i32>} : memref<3840xf32, #tpu.memory_space<vmem>>, vector<16xf32>,
        tpu.vector_store %arg13[%swap3A_1367], %gather3A_1362 {strides = array<i32>} : memref<3840xf32, #tpu.memory_space<vmem>>, vector<16xf32>,
        %broadcast_in_dim3A_1369 = arith.constant 5 : i32
        %broadcast_in_dim3A_1370 = vector.broadcast %broadcast_in_dim3A_1369 : i32 to vector<16xi32>
        %gather3A_1371 = tpu.vector_load_idx %arg5[%add3A_1354, %broadcast_in_dim3A_1370] : memref<320x16xf32, #tpu.memory_space<vmem>>[vector<16xi32>, vector<16xi32>], vector<16xf32>,
        %mul3A_1372 = arith.constant 16 : i32
        %mul3A_1373 = arith.muli %scan3A_1349, %mul3A_1372 : i32
        %add3A_1374 = arith.constant 1920 : i32
        %add3A_1375 = arith.addi %add3A_1374, %mul3A_1373 : i32
        %swap3A_1376 = arith.index_cast %add3A_1375 : i32 to index
        %swap3A_1377 = tpu.vector_load %arg13[%swap3A_1376] {strides = array<i32>} : memref<3840xf32, #tpu.memory_space<vmem>>, vector<16xf32>,
        tpu.vector_store %arg13[%swap3A_1376], %gather3A_1371 {strides = array<i32>} : memref<3840xf32, #tpu.memory_space<vmem>>, vector<16xf32>,
        %broadcast_in_dim3A_1378 = arith.constant 6 : i32
        %broadcast_in_dim3A_1379 = vector.broadcast %broadcast_in_dim3A_1378 : i32 to vector<16xi32>
        %gather3A_1380 = tpu.vector_load_idx %arg5[%add3A_1354, %broadcast_in_dim3A_1379] : memref<320x16xf32, #tpu.memory_space<vmem>>[vector<16xi32>, vector<16xi32>], vector<16xf32>,
        %mul3A_1381 = arith.constant 16 : i32
        %mul3A_1382 = arith.muli %scan3A_1349, %mul3A_1381 : i32
        %add3A_1383 = arith.constant 3200 : i32
        %add3A_1384 = arith.addi %add3A_1383, %mul3A_1382 : i32
        %swap3A_1385 = arith.index_cast %add3A_1384 : i32 to index
        %swap3A_1386 = tpu.vector_load %arg13[%swap3A_1385] {strides = array<i32>} : memref<3840xf32, #tpu.memory_space<vmem>>, vector<16xf32>,
        tpu.vector_store %arg13[%swap3A_1385], %gather3A_1380 {strides = array<i32>} : memref<3840xf32, #tpu.memory_space<vmem>>, vector<16xf32>,
        %scan3A_1387 = arith.constant 0 : i32
        scf.yield %scan3A_1387 : i32
      }
      %scan3A_1339 = arith.constant 20 : i32
      %add3A_1340 = arith.constant 960 : i32
      %add3A_1341 = arith.addi %mul3A_0, %add3A_1340 : i32
      "tpu.region"() ({
        %run_scoped3A = tpu.sem_alloc : memref<!tpu.dma_semaphore, #tpu.memory_space<semaphore_mem>>
        %dma_start3A_1349 = arith.constant 0 : i32
        %dma_start3A_1350 = arith.constant 0 : i32
        %dma_start3A_1351 = tpu.memref_slice %arg5[%dma_start3A_1349, %dma_start3A_1350] : memref<320x16xf32, #tpu.memory_space<vmem>> -> memref<320x16xf32, #tpu.memory_space<vmem>>
        %dma_start3A_1352 = arith.constant 0 : i32
        %dma_start3A_1353 = tpu.memref_slice %arg2[%add3A_1341, %dma_start3A_1352] : memref<20000x16xf32, #tpu.memory_space<hbm>> -> memref<320x16xf32, #tpu.memory_space<hbm>>
        %dma_start3A_1354 = arith.constant 0 : i32
        %dma_start3A_1355 = arith.constant 0 : i32
        %dma_start3A_1356 = tpu.memref_slice %arg5[%dma_start3A_1354, %dma_start3A_1355] : memref<320x16xf32, #tpu.memory_space<vmem>> -> memref<320x16xf32, #tpu.memory_space<vmem>>
        %dma_start3A_1357 = arith.constant 0 : i32
        %dma_start3A_1358 = tpu.memref_slice %arg2[%add3A_1341, %dma_start3A_1357] : memref<20000x16xf32, #tpu.memory_space<hbm>> -> memref<320x16xf32, #tpu.memory_space<hbm>>
        tpu.enqueue_dma source(%dma_start3A_1358 : memref<320x16xf32, #tpu.memory_space<hbm>>) target(%dma_start3A_1356 : memref<320x16xf32, #tpu.memory_space<vmem>>) target_semaphore(%run_scoped3A : memref<!tpu.dma_semaphore, #tpu.memory_space<semaphore_mem>>)
        %dma_wait3A_1359 = arith.constant 0 : i32
        %dma_wait3A_1360 = arith.constant 0 : i32
        %dma_wait3A_1361 = tpu.memref_slice %arg5[%dma_wait3A_1359, %dma_wait3A_1360] : memref<320x16xf32, #tpu.memory_space<vmem>> -> memref<320x16xf32, #tpu.memory_space<vmem>>
        %dma_wait3A_1362 = arith.constant 0 : i32
        %dma_wait3A_1363 = tpu.memref_slice %arg2[%add3A_1341, %dma_wait3A_1362] : memref<20000x16xf32, #tpu.memory_space<hbm>> -> memref<320x16xf32, #tpu.memory_space<hbm>>
        %dma_wait3A_1364 = arith.constant 0 : i32
        %dma_wait3A_1365 = arith.constant 0 : i32
        %dma_wait3A_1366 = tpu.memref_slice %arg5[%dma_wait3A_1364, %dma_wait3A_1365] : memref<320x16xf32, #tpu.memory_space<vmem>> -> memref<320x16xf32, #tpu.memory_space<vmem>>
        %dma_wait3A_1367 = arith.constant 0 : i32
        %dma_wait3A_1368 = tpu.memref_slice %arg2[%add3A_1341, %dma_wait3A_1367] : memref<20000x16xf32, #tpu.memory_space<hbm>> -> memref<320x16xf32, #tpu.memory_space<hbm>>
        tpu.wait_dma2 semaphore(%run_scoped3A : memref<!tpu.dma_semaphore, #tpu.memory_space<semaphore_mem>>) src(%dma_wait3A_1368 : memref<320x16xf32, #tpu.memory_space<hbm>>) dst(%dma_wait3A_1366 : memref<320x16xf32, #tpu.memory_space<vmem>>)
        tpu.yield
      }) : () -> ()
      %scan3A_1342 = arith.constant 0 : i32
      %scan3A_1343 = arith.constant 0 : i32
      %scan3A_1344 = arith.constant 20 : i32
      %scan3A_1345 = arith.addi %scan3A_1343, %scan3A_1344 : i32
      %scan3A_1346 = arith.constant 1 : i32
      %scan3A_1347 = scf.for %scan3A_1349 = %scan3A_1343 to %scan3A_1345 step %scan3A_1346 iter_args(%scan3A_1350 = %scan3A_1342) -> (i32)  : i32 {
        %mul3A_1351 = arith.constant 16 : i32
        %mul3A_1352 = arith.muli %scan3A_1349, %mul3A_1351 : i32
        %add3A_1353 = vector.broadcast %mul3A_1352 : i32 to vector<16xi32>
        %add3A_1354 = arith.addi %add3A_1353, %iota3A : vector<16xi32>
        %gather3A = tpu.vector_load_idx %arg5[%add3A_1354, %broadcast_in_dim3A_1] : memref<320x16xf32, #tpu.memory_space<vmem>>[vector<16xi32>, vector<16xi32>], vector<16xf32>,
        %mul3A_1355 = arith.constant 16 : i32
        %mul3A_1356 = arith.muli %scan3A_1349, %mul3A_1355 : i32
        %add3A_1357 = arith.constant 960 : i32
        %add3A_1358 = arith.addi %add3A_1357, %mul3A_1356 : i32
        %swap3A = arith.index_cast %add3A_1358 : i32 to index
        %swap3A_1359 = tpu.vector_load %arg6[%swap3A] {strides = array<i32>} : memref<1280xf32, #tpu.memory_space<vmem>>, vector<16xf32>,
        tpu.vector_store %arg6[%swap3A], %gather3A {strides = array<i32>} : memref<1280xf32, #tpu.memory_space<vmem>>, vector<16xf32>,
        %broadcast_in_dim3A_1360 = arith.constant 4 : i32
        %broadcast_in_dim3A_1361 = vector.broadcast %broadcast_in_dim3A_1360 : i32 to vector<16xi32>
        %gather3A_1362 = tpu.vector_load_idx %arg5[%add3A_1354, %broadcast_in_dim3A_1361] : memref<320x16xf32, #tpu.memory_space<vmem>>[vector<16xi32>, vector<16xi32>], vector<16xf32>,
        %mul3A_1363 = arith.constant 16 : i32
        %mul3A_1364 = arith.muli %scan3A_1349, %mul3A_1363 : i32
        %add3A_1365 = arith.constant 960 : i32
        %add3A_1366 = arith.addi %add3A_1365, %mul3A_1364 : i32
        %swap3A_1367 = arith.index_cast %add3A_1366 : i32 to index
        %swap3A_1368 = tpu.vector_load %arg13[%swap3A_1367] {strides = array<i32>} : memref<3840xf32, #tpu.memory_space<vmem>>, vector<16xf32>,
        tpu.vector_store %arg13[%swap3A_1367], %gather3A_1362 {strides = array<i32>} : memref<3840xf32, #tpu.memory_space<vmem>>, vector<16xf32>,
        %broadcast_in_dim3A_1369 = arith.constant 5 : i32
        %broadcast_in_dim3A_1370 = vector.broadcast %broadcast_in_dim3A_1369 : i32 to vector<16xi32>
        %gather3A_1371 = tpu.vector_load_idx %arg5[%add3A_1354, %broadcast_in_dim3A_1370] : memref<320x16xf32, #tpu.memory_space<vmem>>[vector<16xi32>, vector<16xi32>], vector<16xf32>,
        %mul3A_1372 = arith.constant 16 : i32
        %mul3A_1373 = arith.muli %scan3A_1349, %mul3A_1372 : i32
        %add3A_1374 = arith.constant 2240 : i32
        %add3A_1375 = arith.addi %add3A_1374, %mul3A_1373 : i32
        %swap3A_1376 = arith.index_cast %add3A_1375 : i32 to index
        %swap3A_1377 = tpu.vector_load %arg13[%swap3A_1376] {strides = array<i32>} : memref<3840xf32, #tpu.memory_space<vmem>>, vector<16xf32>,
        tpu.vector_store %arg13[%swap3A_1376], %gather3A_1371 {strides = array<i32>} : memref<3840xf32, #tpu.memory_space<vmem>>, vector<16xf32>,
        %broadcast_in_dim3A_1378 = arith.constant 6 : i32
        %broadcast_in_dim3A_1379 = vector.broadcast %broadcast_in_dim3A_1378 : i32 to vector<16xi32>
        %gather3A_1380 = tpu.vector_load_idx %arg5[%add3A_1354, %broadcast_in_dim3A_1379] : memref<320x16xf32, #tpu.memory_space<vmem>>[vector<16xi32>, vector<16xi32>], vector<16xf32>,
        %mul3A_1381 = arith.constant 16 : i32
        %mul3A_1382 = arith.muli %scan3A_1349, %mul3A_1381 : i32
        %add3A_1383 = arith.constant 3520 : i32
        %add3A_1384 = arith.addi %add3A_1383, %mul3A_1382 : i32
        %swap3A_1385 = arith.index_cast %add3A_1384 : i32 to index
        %swap3A_1386 = tpu.vector_load %arg13[%swap3A_1385] {strides = array<i32>} : memref<3840xf32, #tpu.memory_space<vmem>>, vector<16xf32>,
        tpu.vector_store %arg13[%swap3A_1385], %gather3A_1380 {strides = array<i32>} : memref<3840xf32, #tpu.memory_space<vmem>>, vector<16xf32>,
        %scan3A_1387 = arith.constant 0 : i32
        scf.yield %scan3A_1387 : i32
      }
      %scan3A_1348 = arith.constant 20 : i32
    } else {
    }
    %eq3A_5 = arith.constant 1 : i32
    %eq3A_6 = arith.cmpi eq, %arg0, %eq3A_5 : i32
    %lt3A_7 = arith.constant 15 : i32
    %lt3A_8 = arith.cmpi slt, %arg1, %lt3A_7 : i32
    %and3A_9 = arith.andi %eq3A_6, %lt3A_8 : i1
    %convert_element_type3A_10 = arith.extui %and3A_9 : i1 to i32
    %cond3A_11 = arith.constant 0 : i32
    %cond3A_12 = arith.cmpi ne, %convert_element_type3A_10, %cond3A_11 : i32
    scf.if %cond3A_12 {
      %add3A_1313 = arith.constant 0 : i32
      %add3A_1314 = arith.addi %mul3A_0, %add3A_1313 : i32
      "tpu.region"() ({
        %run_scoped3A = tpu.sem_alloc : memref<!tpu.dma_semaphore, #tpu.memory_space<semaphore_mem>>
        %dma_start3A_1349 = arith.constant 0 : i32
        %dma_start3A_1350 = arith.constant 0 : i32
        %dma_start3A_1351 = tpu.memref_slice %arg5[%dma_start3A_1349, %dma_start3A_1350] : memref<320x16xf32, #tpu.memory_space<vmem>> -> memref<320x16xf32, #tpu.memory_space<vmem>>
        %dma_start3A_1352 = arith.constant 0 : i32
        %dma_start3A_1353 = tpu.memref_slice %arg3[%add3A_1314, %dma_start3A_1352] : memref<20000x16xf32, #tpu.memory_space<hbm>> -> memref<320x16xf32, #tpu.memory_space<hbm>>
        %dma_start3A_1354 = arith.constant 0 : i32
        %dma_start3A_1355 = arith.constant 0 : i32
        %dma_start3A_1356 = tpu.memref_slice %arg5[%dma_start3A_1354, %dma_start3A_1355] : memref<320x16xf32, #tpu.memory_space<vmem>> -> memref<320x16xf32, #tpu.memory_space<vmem>>
        %dma_start3A_1357 = arith.constant 0 : i32
        %dma_start3A_1358 = tpu.memref_slice %arg3[%add3A_1314, %dma_start3A_1357] : memref<20000x16xf32, #tpu.memory_space<hbm>> -> memref<320x16xf32, #tpu.memory_space<hbm>>
        tpu.enqueue_dma source(%dma_start3A_1358 : memref<320x16xf32, #tpu.memory_space<hbm>>) target(%dma_start3A_1356 : memref<320x16xf32, #tpu.memory_space<vmem>>) target_semaphore(%run_scoped3A : memref<!tpu.dma_semaphore, #tpu.memory_space<semaphore_mem>>)
        %dma_wait3A_1359 = arith.constant 0 : i32
        %dma_wait3A_1360 = arith.constant 0 : i32
        %dma_wait3A_1361 = tpu.memref_slice %arg5[%dma_wait3A_1359, %dma_wait3A_1360] : memref<320x16xf32, #tpu.memory_space<vmem>> -> memref<320x16xf32, #tpu.memory_space<vmem>>
        %dma_wait3A_1362 = arith.constant 0 : i32
        %dma_wait3A_1363 = tpu.memref_slice %arg3[%add3A_1314, %dma_wait3A_1362] : memref<20000x16xf32, #tpu.memory_space<hbm>> -> memref<320x16xf32, #tpu.memory_space<hbm>>
        %dma_wait3A_1364 = arith.constant 0 : i32
        %dma_wait3A_1365 = arith.constant 0 : i32
        %dma_wait3A_1366 = tpu.memref_slice %arg5[%dma_wait3A_1364, %dma_wait3A_1365] : memref<320x16xf32, #tpu.memory_space<vmem>> -> memref<320x16xf32, #tpu.memory_space<vmem>>
        %dma_wait3A_1367 = arith.constant 0 : i32
        %dma_wait3A_1368 = tpu.memref_slice %arg3[%add3A_1314, %dma_wait3A_1367] : memref<20000x16xf32, #tpu.memory_space<hbm>> -> memref<320x16xf32, #tpu.memory_space<hbm>>
        tpu.wait_dma2 semaphore(%run_scoped3A : memref<!tpu.dma_semaphore, #tpu.memory_space<semaphore_mem>>) src(%dma_wait3A_1368 : memref<320x16xf32, #tpu.memory_space<hbm>>) dst(%dma_wait3A_1366 : memref<320x16xf32, #tpu.memory_space<vmem>>)
        tpu.yield
      }) : () -> ()
      %scan3A_1315 = arith.constant 0 : i32
      %scan3A_1316 = arith.constant 0 : i32
      %scan3A_1317 = arith.constant 20 : i32
      %scan3A_1318 = arith.addi %scan3A_1316, %scan3A_1317 : i32
      %scan3A_1319 = arith.constant 1 : i32
      %scan3A_1320 = scf.for %scan3A_1349 = %scan3A_1316 to %scan3A_1318 step %scan3A_1319 iter_args(%scan3A_1350 = %scan3A_1315) -> (i32)  : i32 {
        %mul3A_1351 = arith.constant 16 : i32
        %mul3A_1352 = arith.muli %scan3A_1349, %mul3A_1351 : i32
        %add3A_1353 = vector.broadcast %mul3A_1352 : i32 to vector<16xi32>
        %add3A_1354 = arith.addi %add3A_1353, %iota3A : vector<16xi32>
        %gather3A = tpu.vector_load_idx %arg5[%add3A_1354, %broadcast_in_dim3A_1] : memref<320x16xf32, #tpu.memory_space<vmem>>[vector<16xi32>, vector<16xi32>], vector<16xf32>,
        %mul3A_1355 = arith.constant 16 : i32
        %mul3A_1356 = arith.muli %scan3A_1349, %mul3A_1355 : i32
        %add3A_1357 = arith.constant 0 : i32
        %add3A_1358 = arith.addi %add3A_1357, %mul3A_1356 : i32
        %swap3A = arith.index_cast %add3A_1358 : i32 to index
        %swap3A_1359 = tpu.vector_load %arg6[%swap3A] {strides = array<i32>} : memref<1280xf32, #tpu.memory_space<vmem>>, vector<16xf32>,
        tpu.vector_store %arg6[%swap3A], %gather3A {strides = array<i32>} : memref<1280xf32, #tpu.memory_space<vmem>>, vector<16xf32>,
        %broadcast_in_dim3A_1360 = arith.constant 4 : i32
        %broadcast_in_dim3A_1361 = vector.broadcast %broadcast_in_dim3A_1360 : i32 to vector<16xi32>
        %gather3A_1362 = tpu.vector_load_idx %arg5[%add3A_1354, %broadcast_in_dim3A_1361] : memref<320x16xf32, #tpu.memory_space<vmem>>[vector<16xi32>, vector<16xi32>], vector<16xf32>,
        %mul3A_1363 = arith.constant 16 : i32
        %mul3A_1364 = arith.muli %scan3A_1349, %mul3A_1363 : i32
        %add3A_1365 = arith.constant 0 : i32
        %add3A_1366 = arith.addi %add3A_1365, %mul3A_1364 : i32
        %swap3A_1367 = arith.index_cast %add3A_1366 : i32 to index
        %swap3A_1368 = tpu.vector_load %arg13[%swap3A_1367] {strides = array<i32>} : memref<3840xf32, #tpu.memory_space<vmem>>, vector<16xf32>,
        tpu.vector_store %arg13[%swap3A_1367], %gather3A_1362 {strides = array<i32>} : memref<3840xf32, #tpu.memory_space<vmem>>, vector<16xf32>,
        %broadcast_in_dim3A_1369 = arith.constant 5 : i32
        %broadcast_in_dim3A_1370 = vector.broadcast %broadcast_in_dim3A_1369 : i32 to vector<16xi32>
        %gather3A_1371 = tpu.vector_load_idx %arg5[%add3A_1354, %broadcast_in_dim3A_1370] : memref<320x16xf32, #tpu.memory_space<vmem>>[vector<16xi32>, vector<16xi32>], vector<16xf32>,
        %mul3A_1372 = arith.constant 16 : i32
        %mul3A_1373 = arith.muli %scan3A_1349, %mul3A_1372 : i32
        %add3A_1374 = arith.constant 1280 : i32
        %add3A_1375 = arith.addi %add3A_1374, %mul3A_1373 : i32
        %swap3A_1376 = arith.index_cast %add3A_1375 : i32 to index
        %swap3A_1377 = tpu.vector_load %arg13[%swap3A_1376] {strides = array<i32>} : memref<3840xf32, #tpu.memory_space<vmem>>, vector<16xf32>,
        tpu.vector_store %arg13[%swap3A_1376], %gather3A_1371 {strides = array<i32>} : memref<3840xf32, #tpu.memory_space<vmem>>, vector<16xf32>,
        %broadcast_in_dim3A_1378 = arith.constant 6 : i32
        %broadcast_in_dim3A_1379 = vector.broadcast %broadcast_in_dim3A_1378 : i32 to vector<16xi32>
        %gather3A_1380 = tpu.vector_load_idx %arg5[%add3A_1354, %broadcast_in_dim3A_1379] : memref<320x16xf32, #tpu.memory_space<vmem>>[vector<16xi32>, vector<16xi32>], vector<16xf32>,
        %mul3A_1381 = arith.constant 16 : i32
        %mul3A_1382 = arith.muli %scan3A_1349, %mul3A_1381 : i32
        %add3A_1383 = arith.constant 2560 : i32
        %add3A_1384 = arith.addi %add3A_1383, %mul3A_1382 : i32
        %swap3A_1385 = arith.index_cast %add3A_1384 : i32 to index
        %swap3A_1386 = tpu.vector_load %arg13[%swap3A_1385] {strides = array<i32>} : memref<3840xf32, #tpu.memory_space<vmem>>, vector<16xf32>,
        tpu.vector_store %arg13[%swap3A_1385], %gather3A_1380 {strides = array<i32>} : memref<3840xf32, #tpu.memory_space<vmem>>, vector<16xf32>,
        %scan3A_1387 = arith.constant 0 : i32
        scf.yield %scan3A_1387 : i32
      }
      %scan3A_1321 = arith.constant 20 : i32
      %add3A_1322 = arith.constant 320 : i32
      %add3A_1323 = arith.addi %mul3A_0, %add3A_1322 : i32
      "tpu.region"() ({
        %run_scoped3A = tpu.sem_alloc : memref<!tpu.dma_semaphore, #tpu.memory_space<semaphore_mem>>
        %dma_start3A_1349 = arith.constant 0 : i32
        %dma_start3A_1350 = arith.constant 0 : i32
        %dma_start3A_1351 = tpu.memref_slice %arg5[%dma_start3A_1349, %dma_start3A_1350] : memref<320x16xf32, #tpu.memory_space<vmem>> -> memref<320x16xf32, #tpu.memory_space<vmem>>
        %dma_start3A_1352 = arith.constant 0 : i32
        %dma_start3A_1353 = tpu.memref_slice %arg3[%add3A_1323, %dma_start3A_1352] : memref<20000x16xf32, #tpu.memory_space<hbm>> -> memref<320x16xf32, #tpu.memory_space<hbm>>
        %dma_start3A_1354 = arith.constant 0 : i32
        %dma_start3A_1355 = arith.constant 0 : i32
        %dma_start3A_1356 = tpu.memref_slice %arg5[%dma_start3A_1354, %dma_start3A_1355] : memref<320x16xf32, #tpu.memory_space<vmem>> -> memref<320x16xf32, #tpu.memory_space<vmem>>
        %dma_start3A_1357 = arith.constant 0 : i32
        %dma_start3A_1358 = tpu.memref_slice %arg3[%add3A_1323, %dma_start3A_1357] : memref<20000x16xf32, #tpu.memory_space<hbm>> -> memref<320x16xf32, #tpu.memory_space<hbm>>
        tpu.enqueue_dma source(%dma_start3A_1358 : memref<320x16xf32, #tpu.memory_space<hbm>>) target(%dma_start3A_1356 : memref<320x16xf32, #tpu.memory_space<vmem>>) target_semaphore(%run_scoped3A : memref<!tpu.dma_semaphore, #tpu.memory_space<semaphore_mem>>)
        %dma_wait3A_1359 = arith.constant 0 : i32
        %dma_wait3A_1360 = arith.constant 0 : i32
        %dma_wait3A_1361 = tpu.memref_slice %arg5[%dma_wait3A_1359, %dma_wait3A_1360] : memref<320x16xf32, #tpu.memory_space<vmem>> -> memref<320x16xf32, #tpu.memory_space<vmem>>
        %dma_wait3A_1362 = arith.constant 0 : i32
        %dma_wait3A_1363 = tpu.memref_slice %arg3[%add3A_1323, %dma_wait3A_1362] : memref<20000x16xf32, #tpu.memory_space<hbm>> -> memref<320x16xf32, #tpu.memory_space<hbm>>
        %dma_wait3A_1364 = arith.constant 0 : i32
        %dma_wait3A_1365 = arith.constant 0 : i32
        %dma_wait3A_1366 = tpu.memref_slice %arg5[%dma_wait3A_1364, %dma_wait3A_1365] : memref<320x16xf32, #tpu.memory_space<vmem>> -> memref<320x16xf32, #tpu.memory_space<vmem>>
        %dma_wait3A_1367 = arith.constant 0 : i32
        %dma_wait3A_1368 = tpu.memref_slice %arg3[%add3A_1323, %dma_wait3A_1367] : memref<20000x16xf32, #tpu.memory_space<hbm>> -> memref<320x16xf32, #tpu.memory_space<hbm>>
        tpu.wait_dma2 semaphore(%run_scoped3A : memref<!tpu.dma_semaphore, #tpu.memory_space<semaphore_mem>>) src(%dma_wait3A_1368 : memref<320x16xf32, #tpu.memory_space<hbm>>) dst(%dma_wait3A_1366 : memref<320x16xf32, #tpu.memory_space<vmem>>)
        tpu.yield
      }) : () -> ()
      %scan3A_1324 = arith.constant 0 : i32
      %scan3A_1325 = arith.constant 0 : i32
      %scan3A_1326 = arith.constant 20 : i32
      %scan3A_1327 = arith.addi %scan3A_1325, %scan3A_1326 : i32
      %scan3A_1328 = arith.constant 1 : i32
      %scan3A_1329 = scf.for %scan3A_1349 = %scan3A_1325 to %scan3A_1327 step %scan3A_1328 iter_args(%scan3A_1350 = %scan3A_1324) -> (i32)  : i32 {
        %mul3A_1351 = arith.constant 16 : i32
        %mul3A_1352 = arith.muli %scan3A_1349, %mul3A_1351 : i32
        %add3A_1353 = vector.broadcast %mul3A_1352 : i32 to vector<16xi32>
        %add3A_1354 = arith.addi %add3A_1353, %iota3A : vector<16xi32>
        %gather3A = tpu.vector_load_idx %arg5[%add3A_1354, %broadcast_in_dim3A_1] : memref<320x16xf32, #tpu.memory_space<vmem>>[vector<16xi32>, vector<16xi32>], vector<16xf32>,
        %mul3A_1355 = arith.constant 16 : i32
        %mul3A_1356 = arith.muli %scan3A_1349, %mul3A_1355 : i32
        %add3A_1357 = arith.constant 320 : i32
        %add3A_1358 = arith.addi %add3A_1357, %mul3A_1356 : i32
        %swap3A = arith.index_cast %add3A_1358 : i32 to index
        %swap3A_1359 = tpu.vector_load %arg6[%swap3A] {strides = array<i32>} : memref<1280xf32, #tpu.memory_space<vmem>>, vector<16xf32>,
        tpu.vector_store %arg6[%swap3A], %gather3A {strides = array<i32>} : memref<1280xf32, #tpu.memory_space<vmem>>, vector<16xf32>,
        %broadcast_in_dim3A_1360 = arith.constant 4 : i32
        %broadcast_in_dim3A_1361 = vector.broadcast %broadcast_in_dim3A_1360 : i32 to vector<16xi32>
        %gather3A_1362 = tpu.vector_load_idx %arg5[%add3A_1354, %broadcast_in_dim3A_1361] : memref<320x16xf32, #tpu.memory_space<vmem>>[vector<16xi32>, vector<16xi32>], vector<16xf32>,
        %mul3A_1363 = arith.constant 16 : i32
        %mul3A_1364 = arith.muli %scan3A_1349, %mul3A_1363 : i32
        %add3A_1365 = arith.constant 320 : i32
        %add3A_1366 = arith.addi %add3A_1365, %mul3A_1364 : i32
        %swap3A_1367 = arith.index_cast %add3A_1366 : i32 to index
        %swap3A_1368 = tpu.vector_load %arg13[%swap3A_1367] {strides = array<i32>} : memref<3840xf32, #tpu.memory_space<vmem>>, vector<16xf32>,
        tpu.vector_store %arg13[%swap3A_1367], %gather3A_1362 {strides = array<i32>} : memref<3840xf32, #tpu.memory_space<vmem>>, vector<16xf32>,
        %broadcast_in_dim3A_1369 = arith.constant 5 : i32
        %broadcast_in_dim3A_1370 = vector.broadcast %broadcast_in_dim3A_1369 : i32 to vector<16xi32>
        %gather3A_1371 = tpu.vector_load_idx %arg5[%add3A_1354, %broadcast_in_dim3A_1370] : memref<320x16xf32, #tpu.memory_space<vmem>>[vector<16xi32>, vector<16xi32>], vector<16xf32>,
        %mul3A_1372 = arith.constant 16 : i32
        %mul3A_1373 = arith.muli %scan3A_1349, %mul3A_1372 : i32
        %add3A_1374 = arith.constant 1600 : i32
        %add3A_1375 = arith.addi %add3A_1374, %mul3A_1373 : i32
        %swap3A_1376 = arith.index_cast %add3A_1375 : i32 to index
        %swap3A_1377 = tpu.vector_load %arg13[%swap3A_1376] {strides = array<i32>} : memref<3840xf32, #tpu.memory_space<vmem>>, vector<16xf32>,
        tpu.vector_store %arg13[%swap3A_1376], %gather3A_1371 {strides = array<i32>} : memref<3840xf32, #tpu.memory_space<vmem>>, vector<16xf32>,
        %broadcast_in_dim3A_1378 = arith.constant 6 : i32
        %broadcast_in_dim3A_1379 = vector.broadcast %broadcast_in_dim3A_1378 : i32 to vector<16xi32>
        %gather3A_1380 = tpu.vector_load_idx %arg5[%add3A_1354, %broadcast_in_dim3A_1379] : memref<320x16xf32, #tpu.memory_space<vmem>>[vector<16xi32>, vector<16xi32>], vector<16xf32>,
        %mul3A_1381 = arith.constant 16 : i32
        %mul3A_1382 = arith.muli %scan3A_1349, %mul3A_1381 : i32
        %add3A_1383 = arith.constant 2880 : i32
        %add3A_1384 = arith.addi %add3A_1383, %mul3A_1382 : i32
        %swap3A_1385 = arith.index_cast %add3A_1384 : i32 to index
        %swap3A_1386 = tpu.vector_load %arg13[%swap3A_1385] {strides = array<i32>} : memref<3840xf32, #tpu.memory_space<vmem>>, vector<16xf32>,
        tpu.vector_store %arg13[%swap3A_1385], %gather3A_1380 {strides = array<i32>} : memref<3840xf32, #tpu.memory_space<vmem>>, vector<16xf32>,
        %scan3A_1387 = arith.constant 0 : i32
        scf.yield %scan3A_1387 : i32
      }
      %scan3A_1330 = arith.constant 20 : i32
      %add3A_1331 = arith.constant 640 : i32
      %add3A_1332 = arith.addi %mul3A_0, %add3A_1331 : i32
      "tpu.region"() ({
        %run_scoped3A = tpu.sem_alloc : memref<!tpu.dma_semaphore, #tpu.memory_space<semaphore_mem>>
        %dma_start3A_1349 = arith.constant 0 : i32
        %dma_start3A_1350 = arith.constant 0 : i32
        %dma_start3A_1351 = tpu.memref_slice %arg5[%dma_start3A_1349, %dma_start3A_1350] : memref<320x16xf32, #tpu.memory_space<vmem>> -> memref<320x16xf32, #tpu.memory_space<vmem>>
        %dma_start3A_1352 = arith.constant 0 : i32
        %dma_start3A_1353 = tpu.memref_slice %arg3[%add3A_1332, %dma_start3A_1352] : memref<20000x16xf32, #tpu.memory_space<hbm>> -> memref<320x16xf32, #tpu.memory_space<hbm>>
        %dma_start3A_1354 = arith.constant 0 : i32
        %dma_start3A_1355 = arith.constant 0 : i32
        %dma_start3A_1356 = tpu.memref_slice %arg5[%dma_start3A_1354, %dma_start3A_1355] : memref<320x16xf32, #tpu.memory_space<vmem>> -> memref<320x16xf32, #tpu.memory_space<vmem>>
        %dma_start3A_1357 = arith.constant 0 : i32
        %dma_start3A_1358 = tpu.memref_slice %arg3[%add3A_1332, %dma_start3A_1357] : memref<20000x16xf32, #tpu.memory_space<hbm>> -> memref<320x16xf32, #tpu.memory_space<hbm>>
        tpu.enqueue_dma source(%dma_start3A_1358 : memref<320x16xf32, #tpu.memory_space<hbm>>) target(%dma_start3A_1356 : memref<320x16xf32, #tpu.memory_space<vmem>>) target_semaphore(%run_scoped3A : memref<!tpu.dma_semaphore, #tpu.memory_space<semaphore_mem>>)
        %dma_wait3A_1359 = arith.constant 0 : i32
        %dma_wait3A_1360 = arith.constant 0 : i32
        %dma_wait3A_1361 = tpu.memref_slice %arg5[%dma_wait3A_1359, %dma_wait3A_1360] : memref<320x16xf32, #tpu.memory_space<vmem>> -> memref<320x16xf32, #tpu.memory_space<vmem>>
        %dma_wait3A_1362 = arith.constant 0 : i32
        %dma_wait3A_1363 = tpu.memref_slice %arg3[%add3A_1332, %dma_wait3A_1362] : memref<20000x16xf32, #tpu.memory_space<hbm>> -> memref<320x16xf32, #tpu.memory_space<hbm>>
        %dma_wait3A_1364 = arith.constant 0 : i32
        %dma_wait3A_1365 = arith.constant 0 : i32
        %dma_wait3A_1366 = tpu.memref_slice %arg5[%dma_wait3A_1364, %dma_wait3A_1365] : memref<320x16xf32, #tpu.memory_space<vmem>> -> memref<320x16xf32, #tpu.memory_space<vmem>>
        %dma_wait3A_1367 = arith.constant 0 : i32
        %dma_wait3A_1368 = tpu.memref_slice %arg3[%add3A_1332, %dma_wait3A_1367] : memref<20000x16xf32, #tpu.memory_space<hbm>> -> memref<320x16xf32, #tpu.memory_space<hbm>>
        tpu.wait_dma2 semaphore(%run_scoped3A : memref<!tpu.dma_semaphore, #tpu.memory_space<semaphore_mem>>) src(%dma_wait3A_1368 : memref<320x16xf32, #tpu.memory_space<hbm>>) dst(%dma_wait3A_1366 : memref<320x16xf32, #tpu.memory_space<vmem>>)
        tpu.yield
      }) : () -> ()
      %scan3A_1333 = arith.constant 0 : i32
      %scan3A_1334 = arith.constant 0 : i32
      %scan3A_1335 = arith.constant 20 : i32
      %scan3A_1336 = arith.addi %scan3A_1334, %scan3A_1335 : i32
      %scan3A_1337 = arith.constant 1 : i32
      %scan3A_1338 = scf.for %scan3A_1349 = %scan3A_1334 to %scan3A_1336 step %scan3A_1337 iter_args(%scan3A_1350 = %scan3A_1333) -> (i32)  : i32 {
        %mul3A_1351 = arith.constant 16 : i32
        %mul3A_1352 = arith.muli %scan3A_1349, %mul3A_1351 : i32
        %add3A_1353 = vector.broadcast %mul3A_1352 : i32 to vector<16xi32>
        %add3A_1354 = arith.addi %add3A_1353, %iota3A : vector<16xi32>
        %gather3A = tpu.vector_load_idx %arg5[%add3A_1354, %broadcast_in_dim3A_1] : memref<320x16xf32, #tpu.memory_space<vmem>>[vector<16xi32>, vector<16xi32>], vector<16xf32>,
        %mul3A_1355 = arith.constant 16 : i32
        %mul3A_1356 = arith.muli %scan3A_1349, %mul3A_1355 : i32
        %add3A_1357 = arith.constant 640 : i32
        %add3A_1358 = arith.addi %add3A_1357, %mul3A_1356 : i32
        %swap3A = arith.index_cast %add3A_1358 : i32 to index
        %swap3A_1359 = tpu.vector_load %arg6[%swap3A] {strides = array<i32>} : memref<1280xf32, #tpu.memory_space<vmem>>, vector<16xf32>,
        tpu.vector_store %arg6[%swap3A], %gather3A {strides = array<i32>} : memref<1280xf32, #tpu.memory_space<vmem>>, vector<16xf32>,
        %broadcast_in_dim3A_1360 = arith.constant 4 : i32
        %broadcast_in_dim3A_1361 = vector.broadcast %broadcast_in_dim3A_1360 : i32 to vector<16xi32>
        %gather3A_1362 = tpu.vector_load_idx %arg5[%add3A_1354, %broadcast_in_dim3A_1361] : memref<320x16xf32, #tpu.memory_space<vmem>>[vector<16xi32>, vector<16xi32>], vector<16xf32>,
        %mul3A_1363 = arith.constant 16 : i32
        %mul3A_1364 = arith.muli %scan3A_1349, %mul3A_1363 : i32
        %add3A_1365 = arith.constant 640 : i32
        %add3A_1366 = arith.addi %add3A_1365, %mul3A_1364 : i32
        %swap3A_1367 = arith.index_cast %add3A_1366 : i32 to index
        %swap3A_1368 = tpu.vector_load %arg13[%swap3A_1367] {strides = array<i32>} : memref<3840xf32, #tpu.memory_space<vmem>>, vector<16xf32>,
        tpu.vector_store %arg13[%swap3A_1367], %gather3A_1362 {strides = array<i32>} : memref<3840xf32, #tpu.memory_space<vmem>>, vector<16xf32>,
        %broadcast_in_dim3A_1369 = arith.constant 5 : i32
        %broadcast_in_dim3A_1370 = vector.broadcast %broadcast_in_dim3A_1369 : i32 to vector<16xi32>
        %gather3A_1371 = tpu.vector_load_idx %arg5[%add3A_1354, %broadcast_in_dim3A_1370] : memref<320x16xf32, #tpu.memory_space<vmem>>[vector<16xi32>, vector<16xi32>], vector<16xf32>,
        %mul3A_1372 = arith.constant 16 : i32
        %mul3A_1373 = arith.muli %scan3A_1349, %mul3A_1372 : i32
        %add3A_1374 = arith.constant 1920 : i32
        %add3A_1375 = arith.addi %add3A_1374, %mul3A_1373 : i32
        %swap3A_1376 = arith.index_cast %add3A_1375 : i32 to index
        %swap3A_1377 = tpu.vector_load %arg13[%swap3A_1376] {strides = array<i32>} : memref<3840xf32, #tpu.memory_space<vmem>>, vector<16xf32>,
        tpu.vector_store %arg13[%swap3A_1376], %gather3A_1371 {strides = array<i32>} : memref<3840xf32, #tpu.memory_space<vmem>>, vector<16xf32>,
        %broadcast_in_dim3A_1378 = arith.constant 6 : i32
        %broadcast_in_dim3A_1379 = vector.broadcast %broadcast_in_dim3A_1378 : i32 to vector<16xi32>
        %gather3A_1380 = tpu.vector_load_idx %arg5[%add3A_1354, %broadcast_in_dim3A_1379] : memref<320x16xf32, #tpu.memory_space<vmem>>[vector<16xi32>, vector<16xi32>], vector<16xf32>,
        %mul3A_1381 = arith.constant 16 : i32
        %mul3A_1382 = arith.muli %scan3A_1349, %mul3A_1381 : i32
        %add3A_1383 = arith.constant 3200 : i32
        %add3A_1384 = arith.addi %add3A_1383, %mul3A_1382 : i32
        %swap3A_1385 = arith.index_cast %add3A_1384 : i32 to index
        %swap3A_1386 = tpu.vector_load %arg13[%swap3A_1385] {strides = array<i32>} : memref<3840xf32, #tpu.memory_space<vmem>>, vector<16xf32>,
        tpu.vector_store %arg13[%swap3A_1385], %gather3A_1380 {strides = array<i32>} : memref<3840xf32, #tpu.memory_space<vmem>>, vector<16xf32>,
        %scan3A_1387 = arith.constant 0 : i32
        scf.yield %scan3A_1387 : i32
      }
      %scan3A_1339 = arith.constant 20 : i32
      %add3A_1340 = arith.constant 960 : i32
      %add3A_1341 = arith.addi %mul3A_0, %add3A_1340 : i32
      "tpu.region"() ({
        %run_scoped3A = tpu.sem_alloc : memref<!tpu.dma_semaphore, #tpu.memory_space<semaphore_mem>>
        %dma_start3A_1349 = arith.constant 0 : i32
        %dma_start3A_1350 = arith.constant 0 : i32
        %dma_start3A_1351 = tpu.memref_slice %arg5[%dma_start3A_1349, %dma_start3A_1350] : memref<320x16xf32, #tpu.memory_space<vmem>> -> memref<320x16xf32, #tpu.memory_space<vmem>>
        %dma_start3A_1352 = arith.constant 0 : i32
        %dma_start3A_1353 = tpu.memref_slice %arg3[%add3A_1341, %dma_start3A_1352] : memref<20000x16xf32, #tpu.memory_space<hbm>> -> memref<320x16xf32, #tpu.memory_space<hbm>>
        %dma_start3A_1354 = arith.constant 0 : i32
        %dma_start3A_1355 = arith.constant 0 : i32
        %dma_start3A_1356 = tpu.memref_slice %arg5[%dma_start3A_1354, %dma_start3A_1355] : memref<320x16xf32, #tpu.memory_space<vmem>> -> memref<320x16xf32, #tpu.memory_space<vmem>>
        %dma_start3A_1357 = arith.constant 0 : i32
        %dma_start3A_1358 = tpu.memref_slice %arg3[%add3A_1341, %dma_start3A_1357] : memref<20000x16xf32, #tpu.memory_space<hbm>> -> memref<320x16xf32, #tpu.memory_space<hbm>>
        tpu.enqueue_dma source(%dma_start3A_1358 : memref<320x16xf32, #tpu.memory_space<hbm>>) target(%dma_start3A_1356 : memref<320x16xf32, #tpu.memory_space<vmem>>) target_semaphore(%run_scoped3A : memref<!tpu.dma_semaphore, #tpu.memory_space<semaphore_mem>>)
        %dma_wait3A_1359 = arith.constant 0 : i32
        %dma_wait3A_1360 = arith.constant 0 : i32
        %dma_wait3A_1361 = tpu.memref_slice %arg5[%dma_wait3A_1359, %dma_wait3A_1360] : memref<320x16xf32, #tpu.memory_space<vmem>> -> memref<320x16xf32, #tpu.memory_space<vmem>>
        %dma_wait3A_1362 = arith.constant 0 : i32
        %dma_wait3A_1363 = tpu.memref_slice %arg3[%add3A_1341, %dma_wait3A_1362] : memref<20000x16xf32, #tpu.memory_space<hbm>> -> memref<320x16xf32, #tpu.memory_space<hbm>>
        %dma_wait3A_1364 = arith.constant 0 : i32
        %dma_wait3A_1365 = arith.constant 0 : i32
        %dma_wait3A_1366 = tpu.memref_slice %arg5[%dma_wait3A_1364, %dma_wait3A_1365] : memref<320x16xf32, #tpu.memory_space<vmem>> -> memref<320x16xf32, #tpu.memory_space<vmem>>
        %dma_wait3A_1367 = arith.constant 0 : i32
        %dma_wait3A_1368 = tpu.memref_slice %arg3[%add3A_1341, %dma_wait3A_1367] : memref<20000x16xf32, #tpu.memory_space<hbm>> -> memref<320x16xf32, #tpu.memory_space<hbm>>
        tpu.wait_dma2 semaphore(%run_scoped3A : memref<!tpu.dma_semaphore, #tpu.memory_space<semaphore_mem>>) src(%dma_wait3A_1368 : memref<320x16xf32, #tpu.memory_space<hbm>>) dst(%dma_wait3A_1366 : memref<320x16xf32, #tpu.memory_space<vmem>>)
        tpu.yield
      }) : () -> ()
      %scan3A_1342 = arith.constant 0 : i32
      %scan3A_1343 = arith.constant 0 : i32
      %scan3A_1344 = arith.constant 20 : i32
      %scan3A_1345 = arith.addi %scan3A_1343, %scan3A_1344 : i32
      %scan3A_1346 = arith.constant 1 : i32
      %scan3A_1347 = scf.for %scan3A_1349 = %scan3A_1343 to %scan3A_1345 step %scan3A_1346 iter_args(%scan3A_1350 = %scan3A_1342) -> (i32)  : i32 {
        %mul3A_1351 = arith.constant 16 : i32
        %mul3A_1352 = arith.muli %scan3A_1349, %mul3A_1351 : i32
        %add3A_1353 = vector.broadcast %mul3A_1352 : i32 to vector<16xi32>
        %add3A_1354 = arith.addi %add3A_1353, %iota3A : vector<16xi32>
        %gather3A = tpu.vector_load_idx %arg5[%add3A_1354, %broadcast_in_dim3A_1] : memref<320x16xf32, #tpu.memory_space<vmem>>[vector<16xi32>, vector<16xi32>], vector<16xf32>,
        %mul3A_1355 = arith.constant 16 : i32
        %mul3A_1356 = arith.muli %scan3A_1349, %mul3A_1355 : i32
        %add3A_1357 = arith.constant 960 : i32
        %add3A_1358 = arith.addi %add3A_1357, %mul3A_1356 : i32
        %swap3A = arith.index_cast %add3A_1358 : i32 to index
        %swap3A_1359 = tpu.vector_load %arg6[%swap3A] {strides = array<i32>} : memref<1280xf32, #tpu.memory_space<vmem>>, vector<16xf32>,
        tpu.vector_store %arg6[%swap3A], %gather3A {strides = array<i32>} : memref<1280xf32, #tpu.memory_space<vmem>>, vector<16xf32>,
        %broadcast_in_dim3A_1360 = arith.constant 4 : i32
        %broadcast_in_dim3A_1361 = vector.broadcast %broadcast_in_dim3A_1360 : i32 to vector<16xi32>
        %gather3A_1362 = tpu.vector_load_idx %arg5[%add3A_1354, %broadcast_in_dim3A_1361] : memref<320x16xf32, #tpu.memory_space<vmem>>[vector<16xi32>, vector<16xi32>], vector<16xf32>,
        %mul3A_1363 = arith.constant 16 : i32
        %mul3A_1364 = arith.muli %scan3A_1349, %mul3A_1363 : i32
        %add3A_1365 = arith.constant 960 : i32
        %add3A_1366 = arith.addi %add3A_1365, %mul3A_1364 : i32
        %swap3A_1367 = arith.index_cast %add3A_1366 : i32 to index
        %swap3A_1368 = tpu.vector_load %arg13[%swap3A_1367] {strides = array<i32>} : memref<3840xf32, #tpu.memory_space<vmem>>, vector<16xf32>,
        tpu.vector_store %arg13[%swap3A_1367], %gather3A_1362 {strides = array<i32>} : memref<3840xf32, #tpu.memory_space<vmem>>, vector<16xf32>,
        %broadcast_in_dim3A_1369 = arith.constant 5 : i32
        %broadcast_in_dim3A_1370 = vector.broadcast %broadcast_in_dim3A_1369 : i32 to vector<16xi32>
        %gather3A_1371 = tpu.vector_load_idx %arg5[%add3A_1354, %broadcast_in_dim3A_1370] : memref<320x16xf32, #tpu.memory_space<vmem>>[vector<16xi32>, vector<16xi32>], vector<16xf32>,
        %mul3A_1372 = arith.constant 16 : i32
        %mul3A_1373 = arith.muli %scan3A_1349, %mul3A_1372 : i32
        %add3A_1374 = arith.constant 2240 : i32
        %add3A_1375 = arith.addi %add3A_1374, %mul3A_1373 : i32
        %swap3A_1376 = arith.index_cast %add3A_1375 : i32 to index
        %swap3A_1377 = tpu.vector_load %arg13[%swap3A_1376] {strides = array<i32>} : memref<3840xf32, #tpu.memory_space<vmem>>, vector<16xf32>,
        tpu.vector_store %arg13[%swap3A_1376], %gather3A_1371 {strides = array<i32>} : memref<3840xf32, #tpu.memory_space<vmem>>, vector<16xf32>,
        %broadcast_in_dim3A_1378 = arith.constant 6 : i32
        %broadcast_in_dim3A_1379 = vector.broadcast %broadcast_in_dim3A_1378 : i32 to vector<16xi32>
        %gather3A_1380 = tpu.vector_load_idx %arg5[%add3A_1354, %broadcast_in_dim3A_1379] : memref<320x16xf32, #tpu.memory_space<vmem>>[vector<16xi32>, vector<16xi32>], vector<16xf32>,
        %mul3A_1381 = arith.constant 16 : i32
        %mul3A_1382 = arith.muli %scan3A_1349, %mul3A_1381 : i32
        %add3A_1383 = arith.constant 3520 : i32
        %add3A_1384 = arith.addi %add3A_1383, %mul3A_1382 : i32
        %swap3A_1385 = arith.index_cast %add3A_1384 : i32 to index
        %swap3A_1386 = tpu.vector_load %arg13[%swap3A_1385] {strides = array<i32>} : memref<3840xf32, #tpu.memory_space<vmem>>, vector<16xf32>,
        tpu.vector_store %arg13[%swap3A_1385], %gather3A_1380 {strides = array<i32>} : memref<3840xf32, #tpu.memory_space<vmem>>, vector<16xf32>,
        %scan3A_1387 = arith.constant 0 : i32
        scf.yield %scan3A_1387 : i32
      }
      %scan3A_1348 = arith.constant 20 : i32
    } else {
    }
    %eq3A_13 = arith.constant 0 : i32
    %eq3A_14 = arith.cmpi eq, %arg0, %eq3A_13 : i32
    %eq3A_15 = arith.constant 15 : i32
    %eq3A_16 = arith.cmpi eq, %arg1, %eq3A_15 : i32
    %and3A_17 = arith.andi %eq3A_14, %eq3A_16 : i1
    %convert_element_type3A_18 = arith.extui %and3A_17 : i1 to i32
    %cond3A_19 = arith.constant 0 : i32
    %cond3A_20 = arith.cmpi ne, %convert_element_type3A_18, %cond3A_19 : i32
    scf.if %cond3A_20 {
      %add3A_1313 = arith.constant 0 : i32
      %add3A_1314 = arith.addi %mul3A_0, %add3A_1313 : i32
      "tpu.region"() ({
        %run_scoped3A = tpu.sem_alloc : memref<!tpu.dma_semaphore, #tpu.memory_space<semaphore_mem>>
        %dma_start3A_1340 = arith.constant 0 : i32
        %dma_start3A_1341 = arith.constant 0 : i32
        %dma_start3A_1342 = tpu.memref_slice %arg5[%dma_start3A_1340, %dma_start3A_1341] : memref<320x16xf32, #tpu.memory_space<vmem>> -> memref<320x16xf32, #tpu.memory_space<vmem>>
        %dma_start3A_1343 = arith.constant 0 : i32
        %dma_start3A_1344 = tpu.memref_slice %arg2[%add3A_1314, %dma_start3A_1343] : memref<20000x16xf32, #tpu.memory_space<hbm>> -> memref<320x16xf32, #tpu.memory_space<hbm>>
        %dma_start3A_1345 = arith.constant 0 : i32
        %dma_start3A_1346 = arith.constant 0 : i32
        %dma_start3A_1347 = tpu.memref_slice %arg5[%dma_start3A_1345, %dma_start3A_1346] : memref<320x16xf32, #tpu.memory_space<vmem>> -> memref<320x16xf32, #tpu.memory_space<vmem>>
        %dma_start3A_1348 = arith.constant 0 : i32
        %dma_start3A_1349 = tpu.memref_slice %arg2[%add3A_1314, %dma_start3A_1348] : memref<20000x16xf32, #tpu.memory_space<hbm>> -> memref<320x16xf32, #tpu.memory_space<hbm>>
        tpu.enqueue_dma source(%dma_start3A_1349 : memref<320x16xf32, #tpu.memory_space<hbm>>) target(%dma_start3A_1347 : memref<320x16xf32, #tpu.memory_space<vmem>>) target_semaphore(%run_scoped3A : memref<!tpu.dma_semaphore, #tpu.memory_space<semaphore_mem>>)
        %dma_wait3A_1350 = arith.constant 0 : i32
        %dma_wait3A_1351 = arith.constant 0 : i32
        %dma_wait3A_1352 = tpu.memref_slice %arg5[%dma_wait3A_1350, %dma_wait3A_1351] : memref<320x16xf32, #tpu.memory_space<vmem>> -> memref<320x16xf32, #tpu.memory_space<vmem>>
        %dma_wait3A_1353 = arith.constant 0 : i32
        %dma_wait3A_1354 = tpu.memref_slice %arg2[%add3A_1314, %dma_wait3A_1353] : memref<20000x16xf32, #tpu.memory_space<hbm>> -> memref<320x16xf32, #tpu.memory_space<hbm>>
        %dma_wait3A_1355 = arith.constant 0 : i32
        %dma_wait3A_1356 = arith.constant 0 : i32
        %dma_wait3A_1357 = tpu.memref_slice %arg5[%dma_wait3A_1355, %dma_wait3A_1356] : memref<320x16xf32, #tpu.memory_space<vmem>> -> memref<320x16xf32, #tpu.memory_space<vmem>>
        %dma_wait3A_1358 = arith.constant 0 : i32
        %dma_wait3A_1359 = tpu.memref_slice %arg2[%add3A_1314, %dma_wait3A_1358] : memref<20000x16xf32, #tpu.memory_space<hbm>> -> memref<320x16xf32, #tpu.memory_space<hbm>>
        tpu.wait_dma2 semaphore(%run_scoped3A : memref<!tpu.dma_semaphore, #tpu.memory_space<semaphore_mem>>) src(%dma_wait3A_1359 : memref<320x16xf32, #tpu.memory_space<hbm>>) dst(%dma_wait3A_1357 : memref<320x16xf32, #tpu.memory_space<vmem>>)
        tpu.yield
      }) : () -> ()
      %scan3A_1315 = arith.constant 0 : i32
      %scan3A_1316 = arith.constant 0 : i32
      %scan3A_1317 = arith.constant 20 : i32
      %scan3A_1318 = arith.addi %scan3A_1316, %scan3A_1317 : i32
      %scan3A_1319 = arith.constant 1 : i32
      %scan3A_1320 = scf.for %scan3A_1340 = %scan3A_1316 to %scan3A_1318 step %scan3A_1319 iter_args(%scan3A_1341 = %scan3A_1315) -> (i32)  : i32 {
        %mul3A_1342 = arith.constant 16 : i32
        %mul3A_1343 = arith.muli %scan3A_1340, %mul3A_1342 : i32
        %add3A_1344 = vector.broadcast %mul3A_1343 : i32 to vector<16xi32>
        %add3A_1345 = arith.addi %add3A_1344, %iota3A : vector<16xi32>
        %gather3A = tpu.vector_load_idx %arg5[%add3A_1345, %broadcast_in_dim3A_1] : memref<320x16xf32, #tpu.memory_space<vmem>>[vector<16xi32>, vector<16xi32>], vector<16xf32>,
        %mul3A_1346 = arith.constant 16 : i32
        %mul3A_1347 = arith.muli %scan3A_1340, %mul3A_1346 : i32
        %add3A_1348 = arith.constant 0 : i32
        %add3A_1349 = arith.addi %add3A_1348, %mul3A_1347 : i32
        %swap3A = arith.index_cast %add3A_1349 : i32 to index
        %swap3A_1350 = tpu.vector_load %arg6[%swap3A] {strides = array<i32>} : memref<1280xf32, #tpu.memory_space<vmem>>, vector<16xf32>,
        tpu.vector_store %arg6[%swap3A], %gather3A {strides = array<i32>} : memref<1280xf32, #tpu.memory_space<vmem>>, vector<16xf32>,
        %broadcast_in_dim3A_1351 = arith.constant 4 : i32
        %broadcast_in_dim3A_1352 = vector.broadcast %broadcast_in_dim3A_1351 : i32 to vector<16xi32>
        %gather3A_1353 = tpu.vector_load_idx %arg5[%add3A_1345, %broadcast_in_dim3A_1352] : memref<320x16xf32, #tpu.memory_space<vmem>>[vector<16xi32>, vector<16xi32>], vector<16xf32>,
        %mul3A_1354 = arith.constant 16 : i32
        %mul3A_1355 = arith.muli %scan3A_1340, %mul3A_1354 : i32
        %add3A_1356 = arith.constant 0 : i32
        %add3A_1357 = arith.addi %add3A_1356, %mul3A_1355 : i32
        %swap3A_1358 = arith.index_cast %add3A_1357 : i32 to index
        %swap3A_1359 = tpu.vector_load %arg13[%swap3A_1358] {strides = array<i32>} : memref<3840xf32, #tpu.memory_space<vmem>>, vector<16xf32>,
        tpu.vector_store %arg13[%swap3A_1358], %gather3A_1353 {strides = array<i32>} : memref<3840xf32, #tpu.memory_space<vmem>>, vector<16xf32>,
        %broadcast_in_dim3A_1360 = arith.constant 5 : i32
        %broadcast_in_dim3A_1361 = vector.broadcast %broadcast_in_dim3A_1360 : i32 to vector<16xi32>
        %gather3A_1362 = tpu.vector_load_idx %arg5[%add3A_1345, %broadcast_in_dim3A_1361] : memref<320x16xf32, #tpu.memory_space<vmem>>[vector<16xi32>, vector<16xi32>], vector<16xf32>,
        %mul3A_1363 = arith.constant 16 : i32
        %mul3A_1364 = arith.muli %scan3A_1340, %mul3A_1363 : i32
        %add3A_1365 = arith.constant 1280 : i32
        %add3A_1366 = arith.addi %add3A_1365, %mul3A_1364 : i32
        %swap3A_1367 = arith.index_cast %add3A_1366 : i32 to index
        %swap3A_1368 = tpu.vector_load %arg13[%swap3A_1367] {strides = array<i32>} : memref<3840xf32, #tpu.memory_space<vmem>>, vector<16xf32>,
        tpu.vector_store %arg13[%swap3A_1367], %gather3A_1362 {strides = array<i32>} : memref<3840xf32, #tpu.memory_space<vmem>>, vector<16xf32>,
        %broadcast_in_dim3A_1369 = arith.constant 6 : i32
        %broadcast_in_dim3A_1370 = vector.broadcast %broadcast_in_dim3A_1369 : i32 to vector<16xi32>
        %gather3A_1371 = tpu.vector_load_idx %arg5[%add3A_1345, %broadcast_in_dim3A_1370] : memref<320x16xf32, #tpu.memory_space<vmem>>[vector<16xi32>, vector<16xi32>], vector<16xf32>,
        %mul3A_1372 = arith.constant 16 : i32
        %mul3A_1373 = arith.muli %scan3A_1340, %mul3A_1372 : i32
        %add3A_1374 = arith.constant 2560 : i32
        %add3A_1375 = arith.addi %add3A_1374, %mul3A_1373 : i32
        %swap3A_1376 = arith.index_cast %add3A_1375 : i32 to index
        %swap3A_1377 = tpu.vector_load %arg13[%swap3A_1376] {strides = array<i32>} : memref<3840xf32, #tpu.memory_space<vmem>>, vector<16xf32>,
        tpu.vector_store %arg13[%swap3A_1376], %gather3A_1371 {strides = array<i32>} : memref<3840xf32, #tpu.memory_space<vmem>>, vector<16xf32>,
        %scan3A_1378 = arith.constant 0 : i32
        scf.yield %scan3A_1378 : i32
      }
      %scan3A_1321 = arith.constant 20 : i32
      %add3A_1322 = arith.constant 320 : i32
      %add3A_1323 = arith.addi %mul3A_0, %add3A_1322 : i32
      "tpu.region"() ({
        %run_scoped3A = tpu.sem_alloc : memref<!tpu.dma_semaphore, #tpu.memory_space<semaphore_mem>>
        %dma_start3A_1340 = arith.constant 0 : i32
        %dma_start3A_1341 = arith.constant 0 : i32
        %dma_start3A_1342 = tpu.memref_slice %arg5[%dma_start3A_1340, %dma_start3A_1341] : memref<320x16xf32, #tpu.memory_space<vmem>> -> memref<320x16xf32, #tpu.memory_space<vmem>>
        %dma_start3A_1343 = arith.constant 0 : i32
        %dma_start3A_1344 = tpu.memref_slice %arg2[%add3A_1323, %dma_start3A_1343] : memref<20000x16xf32, #tpu.memory_space<hbm>> -> memref<320x16xf32, #tpu.memory_space<hbm>>
        %dma_start3A_1345 = arith.constant 0 : i32
        %dma_start3A_1346 = arith.constant 0 : i32
        %dma_start3A_1347 = tpu.memref_slice %arg5[%dma_start3A_1345, %dma_start3A_1346] : memref<320x16xf32, #tpu.memory_space<vmem>> -> memref<320x16xf32, #tpu.memory_space<vmem>>
        %dma_start3A_1348 = arith.constant 0 : i32
        %dma_start3A_1349 = tpu.memref_slice %arg2[%add3A_1323, %dma_start3A_1348] : memref<20000x16xf32, #tpu.memory_space<hbm>> -> memref<320x16xf32, #tpu.memory_space<hbm>>
        tpu.enqueue_dma source(%dma_start3A_1349 : memref<320x16xf32, #tpu.memory_space<hbm>>) target(%dma_start3A_1347 : memref<320x16xf32, #tpu.memory_space<vmem>>) target_semaphore(%run_scoped3A : memref<!tpu.dma_semaphore, #tpu.memory_space<semaphore_mem>>)
        %dma_wait3A_1350 = arith.constant 0 : i32
        %dma_wait3A_1351 = arith.constant 0 : i32
        %dma_wait3A_1352 = tpu.memref_slice %arg5[%dma_wait3A_1350, %dma_wait3A_1351] : memref<320x16xf32, #tpu.memory_space<vmem>> -> memref<320x16xf32, #tpu.memory_space<vmem>>
        %dma_wait3A_1353 = arith.constant 0 : i32
        %dma_wait3A_1354 = tpu.memref_slice %arg2[%add3A_1323, %dma_wait3A_1353] : memref<20000x16xf32, #tpu.memory_space<hbm>> -> memref<320x16xf32, #tpu.memory_space<hbm>>
        %dma_wait3A_1355 = arith.constant 0 : i32
        %dma_wait3A_1356 = arith.constant 0 : i32
        %dma_wait3A_1357 = tpu.memref_slice %arg5[%dma_wait3A_1355, %dma_wait3A_1356] : memref<320x16xf32, #tpu.memory_space<vmem>> -> memref<320x16xf32, #tpu.memory_space<vmem>>
        %dma_wait3A_1358 = arith.constant 0 : i32
        %dma_wait3A_1359 = tpu.memref_slice %arg2[%add3A_1323, %dma_wait3A_1358] : memref<20000x16xf32, #tpu.memory_space<hbm>> -> memref<320x16xf32, #tpu.memory_space<hbm>>
        tpu.wait_dma2 semaphore(%run_scoped3A : memref<!tpu.dma_semaphore, #tpu.memory_space<semaphore_mem>>) src(%dma_wait3A_1359 : memref<320x16xf32, #tpu.memory_space<hbm>>) dst(%dma_wait3A_1357 : memref<320x16xf32, #tpu.memory_space<vmem>>)
        tpu.yield
      }) : () -> ()
      %scan3A_1324 = arith.constant 0 : i32
      %scan3A_1325 = arith.constant 0 : i32
      %scan3A_1326 = arith.constant 20 : i32
      %scan3A_1327 = arith.addi %scan3A_1325, %scan3A_1326 : i32
      %scan3A_1328 = arith.constant 1 : i32
      %scan3A_1329 = scf.for %scan3A_1340 = %scan3A_1325 to %scan3A_1327 step %scan3A_1328 iter_args(%scan3A_1341 = %scan3A_1324) -> (i32)  : i32 {
        %mul3A_1342 = arith.constant 16 : i32
        %mul3A_1343 = arith.muli %scan3A_1340, %mul3A_1342 : i32
        %add3A_1344 = vector.broadcast %mul3A_1343 : i32 to vector<16xi32>
        %add3A_1345 = arith.addi %add3A_1344, %iota3A : vector<16xi32>
        %gather3A = tpu.vector_load_idx %arg5[%add3A_1345, %broadcast_in_dim3A_1] : memref<320x16xf32, #tpu.memory_space<vmem>>[vector<16xi32>, vector<16xi32>], vector<16xf32>,
        %mul3A_1346 = arith.constant 16 : i32
        %mul3A_1347 = arith.muli %scan3A_1340, %mul3A_1346 : i32
        %add3A_1348 = arith.constant 320 : i32
        %add3A_1349 = arith.addi %add3A_1348, %mul3A_1347 : i32
        %swap3A = arith.index_cast %add3A_1349 : i32 to index
        %swap3A_1350 = tpu.vector_load %arg6[%swap3A] {strides = array<i32>} : memref<1280xf32, #tpu.memory_space<vmem>>, vector<16xf32>,
        tpu.vector_store %arg6[%swap3A], %gather3A {strides = array<i32>} : memref<1280xf32, #tpu.memory_space<vmem>>, vector<16xf32>,
        %broadcast_in_dim3A_1351 = arith.constant 4 : i32
        %broadcast_in_dim3A_1352 = vector.broadcast %broadcast_in_dim3A_1351 : i32 to vector<16xi32>
        %gather3A_1353 = tpu.vector_load_idx %arg5[%add3A_1345, %broadcast_in_dim3A_1352] : memref<320x16xf32, #tpu.memory_space<vmem>>[vector<16xi32>, vector<16xi32>], vector<16xf32>,
        %mul3A_1354 = arith.constant 16 : i32
        %mul3A_1355 = arith.muli %scan3A_1340, %mul3A_1354 : i32
        %add3A_1356 = arith.constant 320 : i32
        %add3A_1357 = arith.addi %add3A_1356, %mul3A_1355 : i32
        %swap3A_1358 = arith.index_cast %add3A_1357 : i32 to index
        %swap3A_1359 = tpu.vector_load %arg13[%swap3A_1358] {strides = array<i32>} : memref<3840xf32, #tpu.memory_space<vmem>>, vector<16xf32>,
        tpu.vector_store %arg13[%swap3A_1358], %gather3A_1353 {strides = array<i32>} : memref<3840xf32, #tpu.memory_space<vmem>>, vector<16xf32>,
        %broadcast_in_dim3A_1360 = arith.constant 5 : i32
        %broadcast_in_dim3A_1361 = vector.broadcast %broadcast_in_dim3A_1360 : i32 to vector<16xi32>
        %gather3A_1362 = tpu.vector_load_idx %arg5[%add3A_1345, %broadcast_in_dim3A_1361] : memref<320x16xf32, #tpu.memory_space<vmem>>[vector<16xi32>, vector<16xi32>], vector<16xf32>,
        %mul3A_1363 = arith.constant 16 : i32
        %mul3A_1364 = arith.muli %scan3A_1340, %mul3A_1363 : i32
        %add3A_1365 = arith.constant 1600 : i32
        %add3A_1366 = arith.addi %add3A_1365, %mul3A_1364 : i32
        %swap3A_1367 = arith.index_cast %add3A_1366 : i32 to index
        %swap3A_1368 = tpu.vector_load %arg13[%swap3A_1367] {strides = array<i32>} : memref<3840xf32, #tpu.memory_space<vmem>>, vector<16xf32>,
        tpu.vector_store %arg13[%swap3A_1367], %gather3A_1362 {strides = array<i32>} : memref<3840xf32, #tpu.memory_space<vmem>>, vector<16xf32>,
        %broadcast_in_dim3A_1369 = arith.constant 6 : i32
        %broadcast_in_dim3A_1370 = vector.broadcast %broadcast_in_dim3A_1369 : i32 to vector<16xi32>
        %gather3A_1371 = tpu.vector_load_idx %arg5[%add3A_1345, %broadcast_in_dim3A_1370] : memref<320x16xf32, #tpu.memory_space<vmem>>[vector<16xi32>, vector<16xi32>], vector<16xf32>,
        %mul3A_1372 = arith.constant 16 : i32
        %mul3A_1373 = arith.muli %scan3A_1340, %mul3A_1372 : i32
        %add3A_1374 = arith.constant 2880 : i32
        %add3A_1375 = arith.addi %add3A_1374, %mul3A_1373 : i32
        %swap3A_1376 = arith.index_cast %add3A_1375 : i32 to index
        %swap3A_1377 = tpu.vector_load %arg13[%swap3A_1376] {strides = array<i32>} : memref<3840xf32, #tpu.memory_space<vmem>>, vector<16xf32>,
        tpu.vector_store %arg13[%swap3A_1376], %gather3A_1371 {strides = array<i32>} : memref<3840xf32, #tpu.memory_space<vmem>>, vector<16xf32>,
        %scan3A_1378 = arith.constant 0 : i32
        scf.yield %scan3A_1378 : i32
      }
      %scan3A_1330 = arith.constant 20 : i32
      %add3A_1331 = arith.constant 640 : i32
      %add3A_1332 = arith.addi %mul3A_0, %add3A_1331 : i32
      "tpu.region"() ({
        %run_scoped3A = tpu.sem_alloc : memref<!tpu.dma_semaphore, #tpu.memory_space<semaphore_mem>>
        %dma_start3A_1340 = arith.constant 0 : i32
        %dma_start3A_1341 = arith.constant 0 : i32
        %dma_start3A_1342 = tpu.memref_slice %arg5[%dma_start3A_1340, %dma_start3A_1341] : memref<320x16xf32, #tpu.memory_space<vmem>> -> memref<160x16xf32, #tpu.memory_space<vmem>>
        %dma_start3A_1343 = arith.constant 0 : i32
        %dma_start3A_1344 = tpu.memref_slice %arg2[%add3A_1332, %dma_start3A_1343] : memref<20000x16xf32, #tpu.memory_space<hbm>> -> memref<160x16xf32, #tpu.memory_space<hbm>>
        %dma_start3A_1345 = arith.constant 0 : i32
        %dma_start3A_1346 = arith.constant 0 : i32
        %dma_start3A_1347 = tpu.memref_slice %arg5[%dma_start3A_1345, %dma_start3A_1346] : memref<320x16xf32, #tpu.memory_space<vmem>> -> memref<160x16xf32, #tpu.memory_space<vmem>>
        %dma_start3A_1348 = arith.constant 0 : i32
        %dma_start3A_1349 = tpu.memref_slice %arg2[%add3A_1332, %dma_start3A_1348] : memref<20000x16xf32, #tpu.memory_space<hbm>> -> memref<160x16xf32, #tpu.memory_space<hbm>>
        tpu.enqueue_dma source(%dma_start3A_1349 : memref<160x16xf32, #tpu.memory_space<hbm>>) target(%dma_start3A_1347 : memref<160x16xf32, #tpu.memory_space<vmem>>) target_semaphore(%run_scoped3A : memref<!tpu.dma_semaphore, #tpu.memory_space<semaphore_mem>>)
        %dma_wait3A_1350 = arith.constant 0 : i32
        %dma_wait3A_1351 = arith.constant 0 : i32
        %dma_wait3A_1352 = tpu.memref_slice %arg5[%dma_wait3A_1350, %dma_wait3A_1351] : memref<320x16xf32, #tpu.memory_space<vmem>> -> memref<160x16xf32, #tpu.memory_space<vmem>>
        %dma_wait3A_1353 = arith.constant 0 : i32
        %dma_wait3A_1354 = tpu.memref_slice %arg2[%add3A_1332, %dma_wait3A_1353] : memref<20000x16xf32, #tpu.memory_space<hbm>> -> memref<160x16xf32, #tpu.memory_space<hbm>>
        %dma_wait3A_1355 = arith.constant 0 : i32
        %dma_wait3A_1356 = arith.constant 0 : i32
        %dma_wait3A_1357 = tpu.memref_slice %arg5[%dma_wait3A_1355, %dma_wait3A_1356] : memref<320x16xf32, #tpu.memory_space<vmem>> -> memref<160x16xf32, #tpu.memory_space<vmem>>
        %dma_wait3A_1358 = arith.constant 0 : i32
        %dma_wait3A_1359 = tpu.memref_slice %arg2[%add3A_1332, %dma_wait3A_1358] : memref<20000x16xf32, #tpu.memory_space<hbm>> -> memref<160x16xf32, #tpu.memory_space<hbm>>
        tpu.wait_dma2 semaphore(%run_scoped3A : memref<!tpu.dma_semaphore, #tpu.memory_space<semaphore_mem>>) src(%dma_wait3A_1359 : memref<160x16xf32, #tpu.memory_space<hbm>>) dst(%dma_wait3A_1357 : memref<160x16xf32, #tpu.memory_space<vmem>>)
        tpu.yield
      }) : () -> ()
      %scan3A_1333 = arith.constant 0 : i32
      %scan3A_1334 = arith.constant 0 : i32
      %scan3A_1335 = arith.constant 10 : i32
      %scan3A_1336 = arith.addi %scan3A_1334, %scan3A_1335 : i32
      %scan3A_1337 = arith.constant 1 : i32
      %scan3A_1338 = scf.for %scan3A_1340 = %scan3A_1334 to %scan3A_1336 step %scan3A_1337 iter_args(%scan3A_1341 = %scan3A_1333) -> (i32)  : i32 {
        %mul3A_1342 = arith.constant 16 : i32
        %mul3A_1343 = arith.muli %scan3A_1340, %mul3A_1342 : i32
        %add3A_1344 = vector.broadcast %mul3A_1343 : i32 to vector<16xi32>
        %add3A_1345 = arith.addi %add3A_1344, %iota3A : vector<16xi32>
        %gather3A = tpu.vector_load_idx %arg5[%add3A_1345, %broadcast_in_dim3A_1] : memref<320x16xf32, #tpu.memory_space<vmem>>[vector<16xi32>, vector<16xi32>], vector<16xf32>,
        %mul3A_1346 = arith.constant 16 : i32
        %mul3A_1347 = arith.muli %scan3A_1340, %mul3A_1346 : i32
        %add3A_1348 = arith.constant 640 : i32
        %add3A_1349 = arith.addi %add3A_1348, %mul3A_1347 : i32
        %swap3A = arith.index_cast %add3A_1349 : i32 to index
        %swap3A_1350 = tpu.vector_load %arg6[%swap3A] {strides = array<i32>} : memref<1280xf32, #tpu.memory_space<vmem>>, vector<16xf32>,
        tpu.vector_store %arg6[%swap3A], %gather3A {strides = array<i32>} : memref<1280xf32, #tpu.memory_space<vmem>>, vector<16xf32>,
        %broadcast_in_dim3A_1351 = arith.constant 4 : i32
        %broadcast_in_dim3A_1352 = vector.broadcast %broadcast_in_dim3A_1351 : i32 to vector<16xi32>
        %gather3A_1353 = tpu.vector_load_idx %arg5[%add3A_1345, %broadcast_in_dim3A_1352] : memref<320x16xf32, #tpu.memory_space<vmem>>[vector<16xi32>, vector<16xi32>], vector<16xf32>,
        %mul3A_1354 = arith.constant 16 : i32
        %mul3A_1355 = arith.muli %scan3A_1340, %mul3A_1354 : i32
        %add3A_1356 = arith.constant 640 : i32
        %add3A_1357 = arith.addi %add3A_1356, %mul3A_1355 : i32
        %swap3A_1358 = arith.index_cast %add3A_1357 : i32 to index
        %swap3A_1359 = tpu.vector_load %arg13[%swap3A_1358] {strides = array<i32>} : memref<3840xf32, #tpu.memory_space<vmem>>, vector<16xf32>,
        tpu.vector_store %arg13[%swap3A_1358], %gather3A_1353 {strides = array<i32>} : memref<3840xf32, #tpu.memory_space<vmem>>, vector<16xf32>,
        %broadcast_in_dim3A_1360 = arith.constant 5 : i32
        %broadcast_in_dim3A_1361 = vector.broadcast %broadcast_in_dim3A_1360 : i32 to vector<16xi32>
        %gather3A_1362 = tpu.vector_load_idx %arg5[%add3A_1345, %broadcast_in_dim3A_1361] : memref<320x16xf32, #tpu.memory_space<vmem>>[vector<16xi32>, vector<16xi32>], vector<16xf32>,
        %mul3A_1363 = arith.constant 16 : i32
        %mul3A_1364 = arith.muli %scan3A_1340, %mul3A_1363 : i32
        %add3A_1365 = arith.constant 1920 : i32
        %add3A_1366 = arith.addi %add3A_1365, %mul3A_1364 : i32
        %swap3A_1367 = arith.index_cast %add3A_1366 : i32 to index
        %swap3A_1368 = tpu.vector_load %arg13[%swap3A_1367] {strides = array<i32>} : memref<3840xf32, #tpu.memory_space<vmem>>, vector<16xf32>,
        tpu.vector_store %arg13[%swap3A_1367], %gather3A_1362 {strides = array<i32>} : memref<3840xf32, #tpu.memory_space<vmem>>, vector<16xf32>,
        %broadcast_in_dim3A_1369 = arith.constant 6 : i32
        %broadcast_in_dim3A_1370 = vector.broadcast %broadcast_in_dim3A_1369 : i32 to vector<16xi32>
        %gather3A_1371 = tpu.vector_load_idx %arg5[%add3A_1345, %broadcast_in_dim3A_1370] : memref<320x16xf32, #tpu.memory_space<vmem>>[vector<16xi32>, vector<16xi32>], vector<16xf32>,
        %mul3A_1372 = arith.constant 16 : i32
        %mul3A_1373 = arith.muli %scan3A_1340, %mul3A_1372 : i32
        %add3A_1374 = arith.constant 3200 : i32
        %add3A_1375 = arith.addi %add3A_1374, %mul3A_1373 : i32
        %swap3A_1376 = arith.index_cast %add3A_1375 : i32 to index
        %swap3A_1377 = tpu.vector_load %arg13[%swap3A_1376] {strides = array<i32>} : memref<3840xf32, #tpu.memory_space<vmem>>, vector<16xf32>,
        tpu.vector_store %arg13[%swap3A_1376], %gather3A_1371 {strides = array<i32>} : memref<3840xf32, #tpu.memory_space<vmem>>, vector<16xf32>,
        %scan3A_1378 = arith.constant 0 : i32
        scf.yield %scan3A_1378 : i32
      }
      %scan3A_1339 = arith.constant 10 : i32
    } else {
    }
    %eq3A_21 = arith.constant 1 : i32
    %eq3A_22 = arith.cmpi eq, %arg0, %eq3A_21 : i32
    %eq3A_23 = arith.constant 15 : i32
    %eq3A_24 = arith.cmpi eq, %arg1, %eq3A_23 : i32
    %and3A_25 = arith.andi %eq3A_22, %eq3A_24 : i1
    %convert_element_type3A_26 = arith.extui %and3A_25 : i1 to i32
    %cond3A_27 = arith.constant 0 : i32
    %cond3A_28 = arith.cmpi ne, %convert_element_type3A_26, %cond3A_27 : i32
    scf.if %cond3A_28 {
      %add3A_1313 = arith.constant 0 : i32
      %add3A_1314 = arith.addi %mul3A_0, %add3A_1313 : i32
      "tpu.region"() ({
        %run_scoped3A = tpu.sem_alloc : memref<!tpu.dma_semaphore, #tpu.memory_space<semaphore_mem>>
        %dma_start3A_1340 = arith.constant 0 : i32
        %dma_start3A_1341 = arith.constant 0 : i32
        %dma_start3A_1342 = tpu.memref_slice %arg5[%dma_start3A_1340, %dma_start3A_1341] : memref<320x16xf32, #tpu.memory_space<vmem>> -> memref<320x16xf32, #tpu.memory_space<vmem>>
        %dma_start3A_1343 = arith.constant 0 : i32
        %dma_start3A_1344 = tpu.memref_slice %arg3[%add3A_1314, %dma_start3A_1343] : memref<20000x16xf32, #tpu.memory_space<hbm>> -> memref<320x16xf32, #tpu.memory_space<hbm>>
        %dma_start3A_1345 = arith.constant 0 : i32
        %dma_start3A_1346 = arith.constant 0 : i32
        %dma_start3A_1347 = tpu.memref_slice %arg5[%dma_start3A_1345, %dma_start3A_1346] : memref<320x16xf32, #tpu.memory_space<vmem>> -> memref<320x16xf32, #tpu.memory_space<vmem>>
        %dma_start3A_1348 = arith.constant 0 : i32
        %dma_start3A_1349 = tpu.memref_slice %arg3[%add3A_1314, %dma_start3A_1348] : memref<20000x16xf32, #tpu.memory_space<hbm>> -> memref<320x16xf32, #tpu.memory_space<hbm>>
        tpu.enqueue_dma source(%dma_start3A_1349 : memref<320x16xf32, #tpu.memory_space<hbm>>) target(%dma_start3A_1347 : memref<320x16xf32, #tpu.memory_space<vmem>>) target_semaphore(%run_scoped3A : memref<!tpu.dma_semaphore, #tpu.memory_space<semaphore_mem>>)
        %dma_wait3A_1350 = arith.constant 0 : i32
        %dma_wait3A_1351 = arith.constant 0 : i32
        %dma_wait3A_1352 = tpu.memref_slice %arg5[%dma_wait3A_1350, %dma_wait3A_1351] : memref<320x16xf32, #tpu.memory_space<vmem>> -> memref<320x16xf32, #tpu.memory_space<vmem>>
        %dma_wait3A_1353 = arith.constant 0 : i32
        %dma_wait3A_1354 = tpu.memref_slice %arg3[%add3A_1314, %dma_wait3A_1353] : memref<20000x16xf32, #tpu.memory_space<hbm>> -> memref<320x16xf32, #tpu.memory_space<hbm>>
        %dma_wait3A_1355 = arith.constant 0 : i32
        %dma_wait3A_1356 = arith.constant 0 : i32
        %dma_wait3A_1357 = tpu.memref_slice %arg5[%dma_wait3A_1355, %dma_wait3A_1356] : memref<320x16xf32, #tpu.memory_space<vmem>> -> memref<320x16xf32, #tpu.memory_space<vmem>>
        %dma_wait3A_1358 = arith.constant 0 : i32
        %dma_wait3A_1359 = tpu.memref_slice %arg3[%add3A_1314, %dma_wait3A_1358] : memref<20000x16xf32, #tpu.memory_space<hbm>> -> memref<320x16xf32, #tpu.memory_space<hbm>>
        tpu.wait_dma2 semaphore(%run_scoped3A : memref<!tpu.dma_semaphore, #tpu.memory_space<semaphore_mem>>) src(%dma_wait3A_1359 : memref<320x16xf32, #tpu.memory_space<hbm>>) dst(%dma_wait3A_1357 : memref<320x16xf32, #tpu.memory_space<vmem>>)
        tpu.yield
      }) : () -> ()
      %scan3A_1315 = arith.constant 0 : i32
      %scan3A_1316 = arith.constant 0 : i32
      %scan3A_1317 = arith.constant 20 : i32
      %scan3A_1318 = arith.addi %scan3A_1316, %scan3A_1317 : i32
      %scan3A_1319 = arith.constant 1 : i32
      %scan3A_1320 = scf.for %scan3A_1340 = %scan3A_1316 to %scan3A_1318 step %scan3A_1319 iter_args(%scan3A_1341 = %scan3A_1315) -> (i32)  : i32 {
        %mul3A_1342 = arith.constant 16 : i32
        %mul3A_1343 = arith.muli %scan3A_1340, %mul3A_1342 : i32
        %add3A_1344 = vector.broadcast %mul3A_1343 : i32 to vector<16xi32>
        %add3A_1345 = arith.addi %add3A_1344, %iota3A : vector<16xi32>
        %gather3A = tpu.vector_load_idx %arg5[%add3A_1345, %broadcast_in_dim3A_1] : memref<320x16xf32, #tpu.memory_space<vmem>>[vector<16xi32>, vector<16xi32>], vector<16xf32>,
        %mul3A_1346 = arith.constant 16 : i32
        %mul3A_1347 = arith.muli %scan3A_1340, %mul3A_1346 : i32
        %add3A_1348 = arith.constant 0 : i32
        %add3A_1349 = arith.addi %add3A_1348, %mul3A_1347 : i32
        %swap3A = arith.index_cast %add3A_1349 : i32 to index
        %swap3A_1350 = tpu.vector_load %arg6[%swap3A] {strides = array<i32>} : memref<1280xf32, #tpu.memory_space<vmem>>, vector<16xf32>,
        tpu.vector_store %arg6[%swap3A], %gather3A {strides = array<i32>} : memref<1280xf32, #tpu.memory_space<vmem>>, vector<16xf32>,
        %broadcast_in_dim3A_1351 = arith.constant 4 : i32
        %broadcast_in_dim3A_1352 = vector.broadcast %broadcast_in_dim3A_1351 : i32 to vector<16xi32>
        %gather3A_1353 = tpu.vector_load_idx %arg5[%add3A_1345, %broadcast_in_dim3A_1352] : memref<320x16xf32, #tpu.memory_space<vmem>>[vector<16xi32>, vector<16xi32>], vector<16xf32>,
        %mul3A_1354 = arith.constant 16 : i32
        %mul3A_1355 = arith.muli %scan3A_1340, %mul3A_1354 : i32
        %add3A_1356 = arith.constant 0 : i32
        %add3A_1357 = arith.addi %add3A_1356, %mul3A_1355 : i32
        %swap3A_1358 = arith.index_cast %add3A_1357 : i32 to index
        %swap3A_1359 = tpu.vector_load %arg13[%swap3A_1358] {strides = array<i32>} : memref<3840xf32, #tpu.memory_space<vmem>>, vector<16xf32>,
        tpu.vector_store %arg13[%swap3A_1358], %gather3A_1353 {strides = array<i32>} : memref<3840xf32, #tpu.memory_space<vmem>>, vector<16xf32>,
        %broadcast_in_dim3A_1360 = arith.constant 5 : i32
        %broadcast_in_dim3A_1361 = vector.broadcast %broadcast_in_dim3A_1360 : i32 to vector<16xi32>
        %gather3A_1362 = tpu.vector_load_idx %arg5[%add3A_1345, %broadcast_in_dim3A_1361] : memref<320x16xf32, #tpu.memory_space<vmem>>[vector<16xi32>, vector<16xi32>], vector<16xf32>,
        %mul3A_1363 = arith.constant 16 : i32
        %mul3A_1364 = arith.muli %scan3A_1340, %mul3A_1363 : i32
        %add3A_1365 = arith.constant 1280 : i32
        %add3A_1366 = arith.addi %add3A_1365, %mul3A_1364 : i32
        %swap3A_1367 = arith.index_cast %add3A_1366 : i32 to index
        %swap3A_1368 = tpu.vector_load %arg13[%swap3A_1367] {strides = array<i32>} : memref<3840xf32, #tpu.memory_space<vmem>>, vector<16xf32>,
        tpu.vector_store %arg13[%swap3A_1367], %gather3A_1362 {strides = array<i32>} : memref<3840xf32, #tpu.memory_space<vmem>>, vector<16xf32>,
        %broadcast_in_dim3A_1369 = arith.constant 6 : i32
        %broadcast_in_dim3A_1370 = vector.broadcast %broadcast_in_dim3A_1369 : i32 to vector<16xi32>
        %gather3A_1371 = tpu.vector_load_idx %arg5[%add3A_1345, %broadcast_in_dim3A_1370] : memref<320x16xf32, #tpu.memory_space<vmem>>[vector<16xi32>, vector<16xi32>], vector<16xf32>,
        %mul3A_1372 = arith.constant 16 : i32
        %mul3A_1373 = arith.muli %scan3A_1340, %mul3A_1372 : i32
        %add3A_1374 = arith.constant 2560 : i32
        %add3A_1375 = arith.addi %add3A_1374, %mul3A_1373 : i32
        %swap3A_1376 = arith.index_cast %add3A_1375 : i32 to index
        %swap3A_1377 = tpu.vector_load %arg13[%swap3A_1376] {strides = array<i32>} : memref<3840xf32, #tpu.memory_space<vmem>>, vector<16xf32>,
        tpu.vector_store %arg13[%swap3A_1376], %gather3A_1371 {strides = array<i32>} : memref<3840xf32, #tpu.memory_space<vmem>>, vector<16xf32>,
        %scan3A_1378 = arith.constant 0 : i32
        scf.yield %scan3A_1378 : i32
      }
      %scan3A_1321 = arith.constant 20 : i32
      %add3A_1322 = arith.constant 320 : i32
      %add3A_1323 = arith.addi %mul3A_0, %add3A_1322 : i32
      "tpu.region"() ({
        %run_scoped3A = tpu.sem_alloc : memref<!tpu.dma_semaphore, #tpu.memory_space<semaphore_mem>>
        %dma_start3A_1340 = arith.constant 0 : i32
        %dma_start3A_1341 = arith.constant 0 : i32
        %dma_start3A_1342 = tpu.memref_slice %arg5[%dma_start3A_1340, %dma_start3A_1341] : memref<320x16xf32, #tpu.memory_space<vmem>> -> memref<320x16xf32, #tpu.memory_space<vmem>>
        %dma_start3A_1343 = arith.constant 0 : i32
        %dma_start3A_1344 = tpu.memref_slice %arg3[%add3A_1323, %dma_start3A_1343] : memref<20000x16xf32, #tpu.memory_space<hbm>> -> memref<320x16xf32, #tpu.memory_space<hbm>>
        %dma_start3A_1345 = arith.constant 0 : i32
        %dma_start3A_1346 = arith.constant 0 : i32
        %dma_start3A_1347 = tpu.memref_slice %arg5[%dma_start3A_1345, %dma_start3A_1346] : memref<320x16xf32, #tpu.memory_space<vmem>> -> memref<320x16xf32, #tpu.memory_space<vmem>>
        %dma_start3A_1348 = arith.constant 0 : i32
        %dma_start3A_1349 = tpu.memref_slice %arg3[%add3A_1323, %dma_start3A_1348] : memref<20000x16xf32, #tpu.memory_space<hbm>> -> memref<320x16xf32, #tpu.memory_space<hbm>>
        tpu.enqueue_dma source(%dma_start3A_1349 : memref<320x16xf32, #tpu.memory_space<hbm>>) target(%dma_start3A_1347 : memref<320x16xf32, #tpu.memory_space<vmem>>) target_semaphore(%run_scoped3A : memref<!tpu.dma_semaphore, #tpu.memory_space<semaphore_mem>>)
        %dma_wait3A_1350 = arith.constant 0 : i32
        %dma_wait3A_1351 = arith.constant 0 : i32
        %dma_wait3A_1352 = tpu.memref_slice %arg5[%dma_wait3A_1350, %dma_wait3A_1351] : memref<320x16xf32, #tpu.memory_space<vmem>> -> memref<320x16xf32, #tpu.memory_space<vmem>>
        %dma_wait3A_1353 = arith.constant 0 : i32
        %dma_wait3A_1354 = tpu.memref_slice %arg3[%add3A_1323, %dma_wait3A_1353] : memref<20000x16xf32, #tpu.memory_space<hbm>> -> memref<320x16xf32, #tpu.memory_space<hbm>>
        %dma_wait3A_1355 = arith.constant 0 : i32
        %dma_wait3A_1356 = arith.constant 0 : i32
        %dma_wait3A_1357 = tpu.memref_slice %arg5[%dma_wait3A_1355, %dma_wait3A_1356] : memref<320x16xf32, #tpu.memory_space<vmem>> -> memref<320x16xf32, #tpu.memory_space<vmem>>
        %dma_wait3A_1358 = arith.constant 0 : i32
        %dma_wait3A_1359 = tpu.memref_slice %arg3[%add3A_1323, %dma_wait3A_1358] : memref<20000x16xf32, #tpu.memory_space<hbm>> -> memref<320x16xf32, #tpu.memory_space<hbm>>
        tpu.wait_dma2 semaphore(%run_scoped3A : memref<!tpu.dma_semaphore, #tpu.memory_space<semaphore_mem>>) src(%dma_wait3A_1359 : memref<320x16xf32, #tpu.memory_space<hbm>>) dst(%dma_wait3A_1357 : memref<320x16xf32, #tpu.memory_space<vmem>>)
        tpu.yield
      }) : () -> ()
      %scan3A_1324 = arith.constant 0 : i32
      %scan3A_1325 = arith.constant 0 : i32
      %scan3A_1326 = arith.constant 20 : i32
      %scan3A_1327 = arith.addi %scan3A_1325, %scan3A_1326 : i32
      %scan3A_1328 = arith.constant 1 : i32
      %scan3A_1329 = scf.for %scan3A_1340 = %scan3A_1325 to %scan3A_1327 step %scan3A_1328 iter_args(%scan3A_1341 = %scan3A_1324) -> (i32)  : i32 {
        %mul3A_1342 = arith.constant 16 : i32
        %mul3A_1343 = arith.muli %scan3A_1340, %mul3A_1342 : i32
        %add3A_1344 = vector.broadcast %mul3A_1343 : i32 to vector<16xi32>
        %add3A_1345 = arith.addi %add3A_1344, %iota3A : vector<16xi32>
        %gather3A = tpu.vector_load_idx %arg5[%add3A_1345, %broadcast_in_dim3A_1] : memref<320x16xf32, #tpu.memory_space<vmem>>[vector<16xi32>, vector<16xi32>], vector<16xf32>,
        %mul3A_1346 = arith.constant 16 : i32
        %mul3A_1347 = arith.muli %scan3A_1340, %mul3A_1346 : i32
        %add3A_1348 = arith.constant 320 : i32
        %add3A_1349 = arith.addi %add3A_1348, %mul3A_1347 : i32
        %swap3A = arith.index_cast %add3A_1349 : i32 to index
        %swap3A_1350 = tpu.vector_load %arg6[%swap3A] {strides = array<i32>} : memref<1280xf32, #tpu.memory_space<vmem>>, vector<16xf32>,
        tpu.vector_store %arg6[%swap3A], %gather3A {strides = array<i32>} : memref<1280xf32, #tpu.memory_space<vmem>>, vector<16xf32>,
        %broadcast_in_dim3A_1351 = arith.constant 4 : i32
        %broadcast_in_dim3A_1352 = vector.broadcast %broadcast_in_dim3A_1351 : i32 to vector<16xi32>
        %gather3A_1353 = tpu.vector_load_idx %arg5[%add3A_1345, %broadcast_in_dim3A_1352] : memref<320x16xf32, #tpu.memory_space<vmem>>[vector<16xi32>, vector<16xi32>], vector<16xf32>,
        %mul3A_1354 = arith.constant 16 : i32
        %mul3A_1355 = arith.muli %scan3A_1340, %mul3A_1354 : i32
        %add3A_1356 = arith.constant 320 : i32
        %add3A_1357 = arith.addi %add3A_1356, %mul3A_1355 : i32
        %swap3A_1358 = arith.index_cast %add3A_1357 : i32 to index
        %swap3A_1359 = tpu.vector_load %arg13[%swap3A_1358] {strides = array<i32>} : memref<3840xf32, #tpu.memory_space<vmem>>, vector<16xf32>,
        tpu.vector_store %arg13[%swap3A_1358], %gather3A_1353 {strides = array<i32>} : memref<3840xf32, #tpu.memory_space<vmem>>, vector<16xf32>,
        %broadcast_in_dim3A_1360 = arith.constant 5 : i32
        %broadcast_in_dim3A_1361 = vector.broadcast %broadcast_in_dim3A_1360 : i32 to vector<16xi32>
        %gather3A_1362 = tpu.vector_load_idx %arg5[%add3A_1345, %broadcast_in_dim3A_1361] : memref<320x16xf32, #tpu.memory_space<vmem>>[vector<16xi32>, vector<16xi32>], vector<16xf32>,
        %mul3A_1363 = arith.constant 16 : i32
        %mul3A_1364 = arith.muli %scan3A_1340, %mul3A_1363 : i32
        %add3A_1365 = arith.constant 1600 : i32
        %add3A_1366 = arith.addi %add3A_1365, %mul3A_1364 : i32
        %swap3A_1367 = arith.index_cast %add3A_1366 : i32 to index
        %swap3A_1368 = tpu.vector_load %arg13[%swap3A_1367] {strides = array<i32>} : memref<3840xf32, #tpu.memory_space<vmem>>, vector<16xf32>,
        tpu.vector_store %arg13[%swap3A_1367], %gather3A_1362 {strides = array<i32>} : memref<3840xf32, #tpu.memory_space<vmem>>, vector<16xf32>,
        %broadcast_in_dim3A_1369 = arith.constant 6 : i32
        %broadcast_in_dim3A_1370 = vector.broadcast %broadcast_in_dim3A_1369 : i32 to vector<16xi32>
        %gather3A_1371 = tpu.vector_load_idx %arg5[%add3A_1345, %broadcast_in_dim3A_1370] : memref<320x16xf32, #tpu.memory_space<vmem>>[vector<16xi32>, vector<16xi32>], vector<16xf32>,
        %mul3A_1372 = arith.constant 16 : i32
        %mul3A_1373 = arith.muli %scan3A_1340, %mul3A_1372 : i32
        %add3A_1374 = arith.constant 2880 : i32
        %add3A_1375 = arith.addi %add3A_1374, %mul3A_1373 : i32
        %swap3A_1376 = arith.index_cast %add3A_1375 : i32 to index
        %swap3A_1377 = tpu.vector_load %arg13[%swap3A_1376] {strides = array<i32>} : memref<3840xf32, #tpu.memory_space<vmem>>, vector<16xf32>,
        tpu.vector_store %arg13[%swap3A_1376], %gather3A_1371 {strides = array<i32>} : memref<3840xf32, #tpu.memory_space<vmem>>, vector<16xf32>,
        %scan3A_1378 = arith.constant 0 : i32
        scf.yield %scan3A_1378 : i32
      }
      %scan3A_1330 = arith.constant 20 : i32
      %add3A_1331 = arith.constant 640 : i32
      %add3A_1332 = arith.addi %mul3A_0, %add3A_1331 : i32
      "tpu.region"() ({
        %run_scoped3A = tpu.sem_alloc : memref<!tpu.dma_semaphore, #tpu.memory_space<semaphore_mem>>
        %dma_start3A_1340 = arith.constant 0 : i32
        %dma_start3A_1341 = arith.constant 0 : i32
        %dma_start3A_1342 = tpu.memref_slice %arg5[%dma_start3A_1340, %dma_start3A_1341] : memref<320x16xf32, #tpu.memory_space<vmem>> -> memref<160x16xf32, #tpu.memory_space<vmem>>
        %dma_start3A_1343 = arith.constant 0 : i32
        %dma_start3A_1344 = tpu.memref_slice %arg3[%add3A_1332, %dma_start3A_1343] : memref<20000x16xf32, #tpu.memory_space<hbm>> -> memref<160x16xf32, #tpu.memory_space<hbm>>
        %dma_start3A_1345 = arith.constant 0 : i32
        %dma_start3A_1346 = arith.constant 0 : i32
        %dma_start3A_1347 = tpu.memref_slice %arg5[%dma_start3A_1345, %dma_start3A_1346] : memref<320x16xf32, #tpu.memory_space<vmem>> -> memref<160x16xf32, #tpu.memory_space<vmem>>
        %dma_start3A_1348 = arith.constant 0 : i32
        %dma_start3A_1349 = tpu.memref_slice %arg3[%add3A_1332, %dma_start3A_1348] : memref<20000x16xf32, #tpu.memory_space<hbm>> -> memref<160x16xf32, #tpu.memory_space<hbm>>
        tpu.enqueue_dma source(%dma_start3A_1349 : memref<160x16xf32, #tpu.memory_space<hbm>>) target(%dma_start3A_1347 : memref<160x16xf32, #tpu.memory_space<vmem>>) target_semaphore(%run_scoped3A : memref<!tpu.dma_semaphore, #tpu.memory_space<semaphore_mem>>)
        %dma_wait3A_1350 = arith.constant 0 : i32
        %dma_wait3A_1351 = arith.constant 0 : i32
        %dma_wait3A_1352 = tpu.memref_slice %arg5[%dma_wait3A_1350, %dma_wait3A_1351] : memref<320x16xf32, #tpu.memory_space<vmem>> -> memref<160x16xf32, #tpu.memory_space<vmem>>
        %dma_wait3A_1353 = arith.constant 0 : i32
        %dma_wait3A_1354 = tpu.memref_slice %arg3[%add3A_1332, %dma_wait3A_1353] : memref<20000x16xf32, #tpu.memory_space<hbm>> -> memref<160x16xf32, #tpu.memory_space<hbm>>
        %dma_wait3A_1355 = arith.constant 0 : i32
        %dma_wait3A_1356 = arith.constant 0 : i32
        %dma_wait3A_1357 = tpu.memref_slice %arg5[%dma_wait3A_1355, %dma_wait3A_1356] : memref<320x16xf32, #tpu.memory_space<vmem>> -> memref<160x16xf32, #tpu.memory_space<vmem>>
        %dma_wait3A_1358 = arith.constant 0 : i32
        %dma_wait3A_1359 = tpu.memref_slice %arg3[%add3A_1332, %dma_wait3A_1358] : memref<20000x16xf32, #tpu.memory_space<hbm>> -> memref<160x16xf32, #tpu.memory_space<hbm>>
        tpu.wait_dma2 semaphore(%run_scoped3A : memref<!tpu.dma_semaphore, #tpu.memory_space<semaphore_mem>>) src(%dma_wait3A_1359 : memref<160x16xf32, #tpu.memory_space<hbm>>) dst(%dma_wait3A_1357 : memref<160x16xf32, #tpu.memory_space<vmem>>)
        tpu.yield
      }) : () -> ()
      %scan3A_1333 = arith.constant 0 : i32
      %scan3A_1334 = arith.constant 0 : i32
      %scan3A_1335 = arith.constant 10 : i32
      %scan3A_1336 = arith.addi %scan3A_1334, %scan3A_1335 : i32
      %scan3A_1337 = arith.constant 1 : i32
      %scan3A_1338 = scf.for %scan3A_1340 = %scan3A_1334 to %scan3A_1336 step %scan3A_1337 iter_args(%scan3A_1341 = %scan3A_1333) -> (i32)  : i32 {
        %mul3A_1342 = arith.constant 16 : i32
        %mul3A_1343 = arith.muli %scan3A_1340, %mul3A_1342 : i32
        %add3A_1344 = vector.broadcast %mul3A_1343 : i32 to vector<16xi32>
        %add3A_1345 = arith.addi %add3A_1344, %iota3A : vector<16xi32>
        %gather3A = tpu.vector_load_idx %arg5[%add3A_1345, %broadcast_in_dim3A_1] : memref<320x16xf32, #tpu.memory_space<vmem>>[vector<16xi32>, vector<16xi32>], vector<16xf32>,
        %mul3A_1346 = arith.constant 16 : i32
        %mul3A_1347 = arith.muli %scan3A_1340, %mul3A_1346 : i32
        %add3A_1348 = arith.constant 640 : i32
        %add3A_1349 = arith.addi %add3A_1348, %mul3A_1347 : i32
        %swap3A = arith.index_cast %add3A_1349 : i32 to index
        %swap3A_1350 = tpu.vector_load %arg6[%swap3A] {strides = array<i32>} : memref<1280xf32, #tpu.memory_space<vmem>>, vector<16xf32>,
        tpu.vector_store %arg6[%swap3A], %gather3A {strides = array<i32>} : memref<1280xf32, #tpu.memory_space<vmem>>, vector<16xf32>,
        %broadcast_in_dim3A_1351 = arith.constant 4 : i32
        %broadcast_in_dim3A_1352 = vector.broadcast %broadcast_in_dim3A_1351 : i32 to vector<16xi32>
        %gather3A_1353 = tpu.vector_load_idx %arg5[%add3A_1345, %broadcast_in_dim3A_1352] : memref<320x16xf32, #tpu.memory_space<vmem>>[vector<16xi32>, vector<16xi32>], vector<16xf32>,
        %mul3A_1354 = arith.constant 16 : i32
        %mul3A_1355 = arith.muli %scan3A_1340, %mul3A_1354 : i32
        %add3A_1356 = arith.constant 640 : i32
        %add3A_1357 = arith.addi %add3A_1356, %mul3A_1355 : i32
        %swap3A_1358 = arith.index_cast %add3A_1357 : i32 to index
        %swap3A_1359 = tpu.vector_load %arg13[%swap3A_1358] {strides = array<i32>} : memref<3840xf32, #tpu.memory_space<vmem>>, vector<16xf32>,
        tpu.vector_store %arg13[%swap3A_1358], %gather3A_1353 {strides = array<i32>} : memref<3840xf32, #tpu.memory_space<vmem>>, vector<16xf32>,
        %broadcast_in_dim3A_1360 = arith.constant 5 : i32
        %broadcast_in_dim3A_1361 = vector.broadcast %broadcast_in_dim3A_1360 : i32 to vector<16xi32>
        %gather3A_1362 = tpu.vector_load_idx %arg5[%add3A_1345, %broadcast_in_dim3A_1361] : memref<320x16xf32, #tpu.memory_space<vmem>>[vector<16xi32>, vector<16xi32>], vector<16xf32>,
        %mul3A_1363 = arith.constant 16 : i32
        %mul3A_1364 = arith.muli %scan3A_1340, %mul3A_1363 : i32
        %add3A_1365 = arith.constant 1920 : i32
        %add3A_1366 = arith.addi %add3A_1365, %mul3A_1364 : i32
        %swap3A_1367 = arith.index_cast %add3A_1366 : i32 to index
        %swap3A_1368 = tpu.vector_load %arg13[%swap3A_1367] {strides = array<i32>} : memref<3840xf32, #tpu.memory_space<vmem>>, vector<16xf32>,
        tpu.vector_store %arg13[%swap3A_1367], %gather3A_1362 {strides = array<i32>} : memref<3840xf32, #tpu.memory_space<vmem>>, vector<16xf32>,
        %broadcast_in_dim3A_1369 = arith.constant 6 : i32
        %broadcast_in_dim3A_1370 = vector.broadcast %broadcast_in_dim3A_1369 : i32 to vector<16xi32>
        %gather3A_1371 = tpu.vector_load_idx %arg5[%add3A_1345, %broadcast_in_dim3A_1370] : memref<320x16xf32, #tpu.memory_space<vmem>>[vector<16xi32>, vector<16xi32>], vector<16xf32>,
        %mul3A_1372 = arith.constant 16 : i32
        %mul3A_1373 = arith.muli %scan3A_1340, %mul3A_1372 : i32
        %add3A_1374 = arith.constant 3200 : i32
        %add3A_1375 = arith.addi %add3A_1374, %mul3A_1373 : i32
        %swap3A_1376 = arith.index_cast %add3A_1375 : i32 to index
        %swap3A_1377 = tpu.vector_load %arg13[%swap3A_1376] {strides = array<i32>} : memref<3840xf32, #tpu.memory_space<vmem>>, vector<16xf32>,
        tpu.vector_store %arg13[%swap3A_1376], %gather3A_1371 {strides = array<i32>} : memref<3840xf32, #tpu.memory_space<vmem>>, vector<16xf32>,
        %scan3A_1378 = arith.constant 0 : i32
        scf.yield %scan3A_1378 : i32
      }
      %scan3A_1339 = arith.constant 10 : i32
    } else {
    }
    %scan3A = arith.constant 0 : i32
    %scan3A_29 = arith.constant 0 : i32
    %scan3A_30 = arith.constant 80 : i32
    %scan3A_31 = arith.addi %scan3A_29, %scan3A_30 : i32
    %scan3A_32 = arith.constant 1 : i32
    %scan3A_33 = scf.for %scan3A_1313 = %scan3A_29 to %scan3A_31 step %scan3A_32 iter_args(%scan3A_1314 = %scan3A) -> (i32)  : i32 {
      %mul3A_1315 = arith.constant 16 : i32
      %mul3A_1316 = arith.muli %scan3A_1313, %mul3A_1315 : i32
      %add3A_1317 = vector.broadcast %mul3A_1316 : i32 to vector<16xi32>
      %add3A_1318 = arith.addi %add3A_1317, %iota3A : vector<16xi32>
      %mul3A_1319 = arith.constant 16 : i32
      %mul3A_1320 = arith.muli %scan3A_1313, %mul3A_1319 : i32
      %get3A = arith.index_cast %mul3A_1320 : i32 to index
      %get3A_1321 = tpu.vector_load %arg6[%get3A] {strides = array<i32>} : memref<1280xf32, #tpu.memory_space<vmem>>, vector<16xf32>,
      %add3A_1322 = arith.constant 0.000000e+00 : f32
      %add3A_1323 = vector.broadcast %add3A_1322 : f32 to vector<16xf32>
      %add3A_1324 = arith.addf %get3A_1321, %add3A_1323 : vector<16xf32>
      %bitcast3A = vector.bitcast %add3A_1324 : vector<16xf32> to vector<16xi32>
      %ge3A = arith.constant 0 : i32
      %ge3A_1325 = vector.broadcast %ge3A : i32 to vector<16xi32>
      %ge3A_1326 = arith.cmpi sge, %bitcast3A, %ge3A_1325 : vector<16xi32>
      %xor3A = arith.constant -2147483648 : i32
      %xor3A_1327 = vector.broadcast %xor3A : i32 to vector<16xi32>
      %xor3A_1328 = arith.xori %bitcast3A, %xor3A_1327 : vector<16xi32>
      %not3A = arith.constant dense<-1> : vector<16xi32>
      %not3A_1329 = arith.xori %bitcast3A, %not3A : vector<16xi32>
      %select_n3A = arith.select %ge3A_1326, %xor3A_1328, %not3A_1329 : vector<16xi1>, vector<16xi32>
      %add3A_1330 = vector.broadcast %mul3A_0 : i32 to vector<16xi32>
      %add3A_1331 = arith.addi %add3A_1330, %add3A_1318 : vector<16xi32>
      %lt3A_1332 = arith.constant 20000 : i32
      %lt3A_1333 = vector.broadcast %lt3A_1332 : i32 to vector<16xi32>
      %lt3A_1334 = arith.cmpi slt, %add3A_1331, %lt3A_1333 : vector<16xi32>
      %jit3A = arith.constant -1 : i32
      %broadcast_in_dim3A_1335 = vector.broadcast %jit3A : i32 to vector<16xi32>
      %select_n3A_1336 = arith.select %lt3A_1334, %select_n3A, %broadcast_in_dim3A_1335 : vector<16xi1>, vector<16xi32>
      %mul3A_1337 = arith.constant 16 : i32
      %mul3A_1338 = arith.muli %scan3A_1313, %mul3A_1337 : i32
      %swap3A = arith.index_cast %mul3A_1338 : i32 to index
      %swap3A_1339 = tpu.vector_load %arg7[%swap3A] {strides = array<i32>} : memref<20480xi32, #tpu.memory_space<vmem>>, vector<16xi32>,
      tpu.vector_store %arg7[%swap3A], %select_n3A_1336 {strides = array<i32>} : memref<20480xi32, #tpu.memory_space<vmem>>, vector<16xi32>,
      %scan3A_1340 = arith.constant 0 : i32
      scf.yield %scan3A_1340 : i32
    }
    %scan3A_34 = arith.constant 80 : i32
    "tpu.region"() ({
      %run_scoped3A = tpu.sem_alloc : memref<!tpu.dma_semaphore, #tpu.memory_space<semaphore_mem>>
      %dma_start3A_1313 = arith.constant 0 : i32
      %dma_start3A_1314 = tpu.memref_slice %arg7[%dma_start3A_1313] : memref<20480xi32, #tpu.memory_space<vmem>> -> memref<1280xi32, #tpu.memory_space<vmem>>
      %dma_start3A_1315 = tpu.memref_slice %arg15[%mul3A_0] : memref<20480xi32, #tpu.memory_space<vmem_shared>> -> memref<1280xi32, #tpu.memory_space<vmem_shared>>
      %dma_start3A_1316 = tpu.memref_slice %arg15[%mul3A_0] : memref<20480xi32, #tpu.memory_space<vmem_shared>> -> memref<1280xi32, #tpu.memory_space<vmem_shared>>
      %dma_start3A_1317 = arith.constant 0 : i32
      %dma_start3A_1318 = tpu.memref_slice %arg7[%dma_start3A_1317] : memref<20480xi32, #tpu.memory_space<vmem>> -> memref<1280xi32, #tpu.memory_space<vmem>>
      tpu.enqueue_dma source(%dma_start3A_1318 : memref<1280xi32, #tpu.memory_space<vmem>>) target(%dma_start3A_1316 : memref<1280xi32, #tpu.memory_space<vmem_shared>>) target_semaphore(%run_scoped3A : memref<!tpu.dma_semaphore, #tpu.memory_space<semaphore_mem>>)
      %dma_wait3A_1319 = arith.constant 0 : i32
      %dma_wait3A_1320 = tpu.memref_slice %arg7[%dma_wait3A_1319] : memref<20480xi32, #tpu.memory_space<vmem>> -> memref<1280xi32, #tpu.memory_space<vmem>>
      %dma_wait3A_1321 = tpu.memref_slice %arg15[%mul3A_0] : memref<20480xi32, #tpu.memory_space<vmem_shared>> -> memref<1280xi32, #tpu.memory_space<vmem_shared>>
      %dma_wait3A_1322 = tpu.memref_slice %arg15[%mul3A_0] : memref<20480xi32, #tpu.memory_space<vmem_shared>> -> memref<1280xi32, #tpu.memory_space<vmem_shared>>
      %dma_wait3A_1323 = arith.constant 0 : i32
      %dma_wait3A_1324 = tpu.memref_slice %arg7[%dma_wait3A_1323] : memref<20480xi32, #tpu.memory_space<vmem>> -> memref<1280xi32, #tpu.memory_space<vmem>>
      tpu.wait_dma2 semaphore(%run_scoped3A : memref<!tpu.dma_semaphore, #tpu.memory_space<semaphore_mem>>) src(%dma_wait3A_1324 : memref<1280xi32, #tpu.memory_space<vmem>>) dst(%dma_wait3A_1322 : memref<1280xi32, #tpu.memory_space<vmem_shared>>)
      tpu.yield
    }) : () -> ()
    %add3A = arith.constant 0 : i32
    %add3A_35 = arith.addi %add3A, %mul3A_0 : i32
    "tpu.region"() ({
      %run_scoped3A = tpu.sem_alloc : memref<!tpu.dma_semaphore, #tpu.memory_space<semaphore_mem>>
      %dma_start3A_1313 = arith.constant 0 : i32
      %dma_start3A_1314 = tpu.memref_slice %arg13[%dma_start3A_1313] : memref<3840xf32, #tpu.memory_space<vmem>> -> memref<1280xf32, #tpu.memory_space<vmem>>
      %dma_start3A_1315 = tpu.memref_slice %arg18[%add3A_35] : memref<61440xf32, #tpu.memory_space<vmem_shared>> -> memref<1280xf32, #tpu.memory_space<vmem_shared>>
      %dma_start3A_1316 = tpu.memref_slice %arg18[%add3A_35] : memref<61440xf32, #tpu.memory_space<vmem_shared>> -> memref<1280xf32, #tpu.memory_space<vmem_shared>>
      %dma_start3A_1317 = arith.constant 0 : i32
      %dma_start3A_1318 = tpu.memref_slice %arg13[%dma_start3A_1317] : memref<3840xf32, #tpu.memory_space<vmem>> -> memref<1280xf32, #tpu.memory_space<vmem>>
      tpu.enqueue_dma source(%dma_start3A_1318 : memref<1280xf32, #tpu.memory_space<vmem>>) target(%dma_start3A_1316 : memref<1280xf32, #tpu.memory_space<vmem_shared>>) target_semaphore(%run_scoped3A : memref<!tpu.dma_semaphore, #tpu.memory_space<semaphore_mem>>)
      %dma_wait3A_1319 = arith.constant 0 : i32
      %dma_wait3A_1320 = tpu.memref_slice %arg13[%dma_wait3A_1319] : memref<3840xf32, #tpu.memory_space<vmem>> -> memref<1280xf32, #tpu.memory_space<vmem>>
      %dma_wait3A_1321 = tpu.memref_slice %arg18[%add3A_35] : memref<61440xf32, #tpu.memory_space<vmem_shared>> -> memref<1280xf32, #tpu.memory_space<vmem_shared>>
      %dma_wait3A_1322 = tpu.memref_slice %arg18[%add3A_35] : memref<61440xf32, #tpu.memory_space<vmem_shared>> -> memref<1280xf32, #tpu.memory_space<vmem_shared>>
      %dma_wait3A_1323 = arith.constant 0 : i32
      %dma_wait3A_1324 = tpu.memref_slice %arg13[%dma_wait3A_1323] : memref<3840xf32, #tpu.memory_space<vmem>> -> memref<1280xf32, #tpu.memory_space<vmem>>
      tpu.wait_dma2 semaphore(%run_scoped3A : memref<!tpu.dma_semaphore, #tpu.memory_space<semaphore_mem>>) src(%dma_wait3A_1324 : memref<1280xf32, #tpu.memory_space<vmem>>) dst(%dma_wait3A_1322 : memref<1280xf32, #tpu.memory_space<vmem_shared>>)
      tpu.yield
    }) : () -> ()
    %add3A_36 = arith.constant 20480 : i32
    %add3A_37 = arith.addi %add3A_36, %mul3A_0 : i32
    "tpu.region"() ({
      %run_scoped3A = tpu.sem_alloc : memref<!tpu.dma_semaphore, #tpu.memory_space<semaphore_mem>>
      %dma_start3A_1313 = arith.constant 1280 : i32
      %dma_start3A_1314 = tpu.memref_slice %arg13[%dma_start3A_1313] : memref<3840xf32, #tpu.memory_space<vmem>> -> memref<1280xf32, #tpu.memory_space<vmem>>
      %dma_start3A_1315 = tpu.memref_slice %arg18[%add3A_37] : memref<61440xf32, #tpu.memory_space<vmem_shared>> -> memref<1280xf32, #tpu.memory_space<vmem_shared>>
      %dma_start3A_1316 = tpu.memref_slice %arg18[%add3A_37] : memref<61440xf32, #tpu.memory_space<vmem_shared>> -> memref<1280xf32, #tpu.memory_space<vmem_shared>>
      %dma_start3A_1317 = arith.constant 1280 : i32
      %dma_start3A_1318 = tpu.memref_slice %arg13[%dma_start3A_1317] : memref<3840xf32, #tpu.memory_space<vmem>> -> memref<1280xf32, #tpu.memory_space<vmem>>
      tpu.enqueue_dma source(%dma_start3A_1318 : memref<1280xf32, #tpu.memory_space<vmem>>) target(%dma_start3A_1316 : memref<1280xf32, #tpu.memory_space<vmem_shared>>) target_semaphore(%run_scoped3A : memref<!tpu.dma_semaphore, #tpu.memory_space<semaphore_mem>>)
      %dma_wait3A_1319 = arith.constant 1280 : i32
      %dma_wait3A_1320 = tpu.memref_slice %arg13[%dma_wait3A_1319] : memref<3840xf32, #tpu.memory_space<vmem>> -> memref<1280xf32, #tpu.memory_space<vmem>>
      %dma_wait3A_1321 = tpu.memref_slice %arg18[%add3A_37] : memref<61440xf32, #tpu.memory_space<vmem_shared>> -> memref<1280xf32, #tpu.memory_space<vmem_shared>>
      %dma_wait3A_1322 = tpu.memref_slice %arg18[%add3A_37] : memref<61440xf32, #tpu.memory_space<vmem_shared>> -> memref<1280xf32, #tpu.memory_space<vmem_shared>>
      %dma_wait3A_1323 = arith.constant 1280 : i32
      %dma_wait3A_1324 = tpu.memref_slice %arg13[%dma_wait3A_1323] : memref<3840xf32, #tpu.memory_space<vmem>> -> memref<1280xf32, #tpu.memory_space<vmem>>
      tpu.wait_dma2 semaphore(%run_scoped3A : memref<!tpu.dma_semaphore, #tpu.memory_space<semaphore_mem>>) src(%dma_wait3A_1324 : memref<1280xf32, #tpu.memory_space<vmem>>) dst(%dma_wait3A_1322 : memref<1280xf32, #tpu.memory_space<vmem_shared>>)
      tpu.yield
    }) : () -> ()
    %add3A_38 = arith.constant 40960 : i32
    %add3A_39 = arith.addi %add3A_38, %mul3A_0 : i32
    "tpu.region"() ({
      %run_scoped3A = tpu.sem_alloc : memref<!tpu.dma_semaphore, #tpu.memory_space<semaphore_mem>>
      %dma_start3A_1313 = arith.constant 2560 : i32
      %dma_start3A_1314 = tpu.memref_slice %arg13[%dma_start3A_1313] : memref<3840xf32, #tpu.memory_space<vmem>> -> memref<1280xf32, #tpu.memory_space<vmem>>
      %dma_start3A_1315 = tpu.memref_slice %arg18[%add3A_39] : memref<61440xf32, #tpu.memory_space<vmem_shared>> -> memref<1280xf32, #tpu.memory_space<vmem_shared>>
      %dma_start3A_1316 = tpu.memref_slice %arg18[%add3A_39] : memref<61440xf32, #tpu.memory_space<vmem_shared>> -> memref<1280xf32, #tpu.memory_space<vmem_shared>>
      %dma_start3A_1317 = arith.constant 2560 : i32
      %dma_start3A_1318 = tpu.memref_slice %arg13[%dma_start3A_1317] : memref<3840xf32, #tpu.memory_space<vmem>> -> memref<1280xf32, #tpu.memory_space<vmem>>
      tpu.enqueue_dma source(%dma_start3A_1318 : memref<1280xf32, #tpu.memory_space<vmem>>) target(%dma_start3A_1316 : memref<1280xf32, #tpu.memory_space<vmem_shared>>) target_semaphore(%run_scoped3A : memref<!tpu.dma_semaphore, #tpu.memory_space<semaphore_mem>>)
      %dma_wait3A_1319 = arith.constant 2560 : i32
      %dma_wait3A_1320 = tpu.memref_slice %arg13[%dma_wait3A_1319] : memref<3840xf32, #tpu.memory_space<vmem>> -> memref<1280xf32, #tpu.memory_space<vmem>>
      %dma_wait3A_1321 = tpu.memref_slice %arg18[%add3A_39] : memref<61440xf32, #tpu.memory_space<vmem_shared>> -> memref<1280xf32, #tpu.memory_space<vmem_shared>>
      %dma_wait3A_1322 = tpu.memref_slice %arg18[%add3A_39] : memref<61440xf32, #tpu.memory_space<vmem_shared>> -> memref<1280xf32, #tpu.memory_space<vmem_shared>>
      %dma_wait3A_1323 = arith.constant 2560 : i32
      %dma_wait3A_1324 = tpu.memref_slice %arg13[%dma_wait3A_1323] : memref<3840xf32, #tpu.memory_space<vmem>> -> memref<1280xf32, #tpu.memory_space<vmem>>
      tpu.wait_dma2 semaphore(%run_scoped3A : memref<!tpu.dma_semaphore, #tpu.memory_space<semaphore_mem>>) src(%dma_wait3A_1324 : memref<1280xf32, #tpu.memory_space<vmem>>) dst(%dma_wait3A_1322 : memref<1280xf32, #tpu.memory_space<vmem_shared>>)
      tpu.yield
    }) : () -> ()
    %barrier3A = arith.constant 0 : index
    tpu.barrier barrier_id(%barrier3A)
    "tpu.region"() ({
      %run_scoped3A = tpu.sem_alloc : memref<!tpu.dma_semaphore, #tpu.memory_space<semaphore_mem>>
      tpu.enqueue_dma source(%arg15 : memref<20480xi32, #tpu.memory_space<vmem_shared>>) target(%arg7 : memref<20480xi32, #tpu.memory_space<vmem>>) target_semaphore(%run_scoped3A : memref<!tpu.dma_semaphore, #tpu.memory_space<semaphore_mem>>)
      tpu.wait_dma2 semaphore(%run_scoped3A : memref<!tpu.dma_semaphore, #tpu.memory_space<semaphore_mem>>) src(%arg15 : memref<20480xi32, #tpu.memory_space<vmem_shared>>) dst(%arg7 : memref<20480xi32, #tpu.memory_space<vmem>>)
      tpu.yield
    }) : () -> ()
    %scan3A_40 = arith.constant 0 : i32
    %scan3A_41 = arith.constant 0 : i32
    %scan3A_42 = arith.constant 16 : i32
    %scan3A_43 = arith.addi %scan3A_41, %scan3A_42 : i32
    %scan3A_44 = arith.constant 1 : i32
    %scan3A_45 = scf.for %scan3A_1313 = %scan3A_41 to %scan3A_43 step %scan3A_44 iter_args(%scan3A_1314 = %scan3A_40) -> (i32)  : i32 {
      %broadcast_in_dim3A_1315 = arith.constant 0 : i32
      %broadcast_in_dim3A_1316 = vector.broadcast %broadcast_in_dim3A_1315 : i32 to vector<16xi32>
      %mul3A_1317 = arith.constant 16 : i32
      %mul3A_1318 = arith.muli %scan3A_1313, %mul3A_1317 : i32
      %swap3A = arith.index_cast %mul3A_1318 : i32 to index
      %swap3A_1319 = tpu.vector_load %arg10[%swap3A] {strides = array<i32>} : memref<256xi32, #tpu.memory_space<vmem>>, vector<16xi32>,
      tpu.vector_store %arg10[%swap3A], %broadcast_in_dim3A_1316 {strides = array<i32>} : memref<256xi32, #tpu.memory_space<vmem>>, vector<16xi32>,
      %scan3A_1320 = arith.constant 0 : i32
      scf.yield %scan3A_1320 : i32
    }
    %scan3A_46 = arith.constant 16 : i32
    %scan3A_47 = arith.constant 0 : i32
    %scan3A_48 = arith.constant 0 : i32
    %scan3A_49 = arith.constant 80 : i32
    %scan3A_50 = arith.addi %scan3A_48, %scan3A_49 : i32
    %scan3A_51 = arith.constant 1 : i32
    %scan3A_52 = scf.for %scan3A_1313 = %scan3A_48 to %scan3A_50 step %scan3A_51 iter_args(%scan3A_1314 = %scan3A_47) -> (i32)  : i32 {
      %mul3A_1315 = arith.constant 16 : i32
      %mul3A_1316 = arith.muli %scan3A_1313, %mul3A_1315 : i32
      %add3A_1317 = arith.addi %mul3A_0, %mul3A_1316 : i32
      %get3A = arith.index_cast %add3A_1317 : i32 to index
      %get3A_1318 = tpu.vector_load %arg7[%get3A] {strides = array<i32>} : memref<20480xi32, #tpu.memory_space<vmem>>, vector<16xi32>,
      %shift_right_logical3A = arith.constant 0 : i32
      %shift_right_logical3A_1319 = vector.broadcast %shift_right_logical3A : i32 to vector<16xi32>
      %shift_right_logical3A_1320 = arith.shrui %get3A_1318, %shift_right_logical3A_1319 : vector<16xi32>
      %and3A_1321 = arith.constant 255 : i32
      %and3A_1322 = vector.broadcast %and3A_1321 : i32 to vector<16xi32>
      %and3A_1323 = arith.andi %shift_right_logical3A_1320, %and3A_1322 : vector<16xi32>
      tpu.vector_store_idx %arg10[%and3A_1323], %broadcast_in_dim3A_1 {add = true} : memref<256xi32, #tpu.memory_space<vmem>>[vector<16xi32>], vector<16xi32>,
      %scan3A_1324 = arith.constant 0 : i32
      scf.yield %scan3A_1324 : i32
    }
    %scan3A_53 = arith.constant 80 : i32
    "tpu.region"() ({
      %run_scoped3A = tpu.sem_alloc : memref<!tpu.dma_semaphore, #tpu.memory_space<semaphore_mem>>
      %dma_start3A_1313 = arith.constant 0 : i32
      %dma_start3A_1314 = tpu.memref_slice %arg14[%arg1, %dma_start3A_1313] : memref<16x256xi32, #tpu.memory_space<vmem_shared>> -> memref<1x256xi32, #tpu.memory_space<vmem_shared>>
      %dma_start3A_1315 = tpu.memref_squeeze %dma_start3A_1314 : memref<1x256xi32, #tpu.memory_space<vmem_shared>> -> memref<256xi32, #tpu.memory_space<vmem_shared>>
      %dma_start3A_1316 = arith.constant 0 : i32
      %dma_start3A_1317 = tpu.memref_slice %arg14[%arg1, %dma_start3A_1316] : memref<16x256xi32, #tpu.memory_space<vmem_shared>> -> memref<1x256xi32, #tpu.memory_space<vmem_shared>>
      %dma_start3A_1318 = tpu.memref_squeeze %dma_start3A_1317 : memref<1x256xi32, #tpu.memory_space<vmem_shared>> -> memref<256xi32, #tpu.memory_space<vmem_shared>>
      tpu.enqueue_dma source(%arg10 : memref<256xi32, #tpu.memory_space<vmem>>) target(%dma_start3A_1318 : memref<256xi32, #tpu.memory_space<vmem_shared>>) target_semaphore(%run_scoped3A : memref<!tpu.dma_semaphore, #tpu.memory_space<semaphore_mem>>)
      %dma_wait3A_1319 = arith.constant 0 : i32
      %dma_wait3A_1320 = tpu.memref_slice %arg14[%arg1, %dma_wait3A_1319] : memref<16x256xi32, #tpu.memory_space<vmem_shared>> -> memref<1x256xi32, #tpu.memory_space<vmem_shared>>
      %dma_wait3A_1321 = tpu.memref_squeeze %dma_wait3A_1320 : memref<1x256xi32, #tpu.memory_space<vmem_shared>> -> memref<256xi32, #tpu.memory_space<vmem_shared>>
      %dma_wait3A_1322 = arith.constant 0 : i32
      %dma_wait3A_1323 = tpu.memref_slice %arg14[%arg1, %dma_wait3A_1322] : memref<16x256xi32, #tpu.memory_space<vmem_shared>> -> memref<1x256xi32, #tpu.memory_space<vmem_shared>>
      %dma_wait3A_1324 = tpu.memref_squeeze %dma_wait3A_1323 : memref<1x256xi32, #tpu.memory_space<vmem_shared>> -> memref<256xi32, #tpu.memory_space<vmem_shared>>
      tpu.wait_dma2 semaphore(%run_scoped3A : memref<!tpu.dma_semaphore, #tpu.memory_space<semaphore_mem>>) src(%arg10 : memref<256xi32, #tpu.memory_space<vmem>>) dst(%dma_wait3A_1324 : memref<256xi32, #tpu.memory_space<vmem_shared>>)
      tpu.yield
    }) : () -> ()
    %barrier3A_54 = arith.constant 0 : index
    tpu.barrier barrier_id(%barrier3A_54)
    "tpu.region"() ({
      %run_scoped3A = tpu.sem_alloc : memref<!tpu.dma_semaphore, #tpu.memory_space<semaphore_mem>>
      tpu.enqueue_dma source(%arg14 : memref<16x256xi32, #tpu.memory_space<vmem_shared>>) target(%arg12 : memref<16x256xi32, #tpu.memory_space<vmem>>) target_semaphore(%run_scoped3A : memref<!tpu.dma_semaphore, #tpu.memory_space<semaphore_mem>>)
      tpu.wait_dma2 semaphore(%run_scoped3A : memref<!tpu.dma_semaphore, #tpu.memory_space<semaphore_mem>>) src(%arg14 : memref<16x256xi32, #tpu.memory_space<vmem_shared>>) dst(%arg12 : memref<16x256xi32, #tpu.memory_space<vmem>>)
      tpu.yield
    }) : () -> ()
    %scan3A_55 = arith.constant 0 : i32
    %scan3A_56 = arith.constant 0 : i32
    %scan3A_57 = arith.constant 16 : i32
    %scan3A_58 = arith.addi %scan3A_56, %scan3A_57 : i32
    %scan3A_59 = arith.constant 1 : i32
    %scan3A_60 = scf.for %scan3A_1313 = %scan3A_56 to %scan3A_58 step %scan3A_59 iter_args(%scan3A_1314 = %scan3A_55) -> (i32)  : i32 {
      %broadcast_in_dim3A_1315 = arith.constant 0 : i32
      %broadcast_in_dim3A_1316 = vector.broadcast %broadcast_in_dim3A_1315 : i32 to vector<16xi32>
      %broadcast_in_dim3A_1317 = arith.constant 0 : i32
      %broadcast_in_dim3A_1318 = vector.broadcast %broadcast_in_dim3A_1317 : i32 to vector<16xi32>
      %scan3A_1319 = arith.constant 0 : i32
      %scan3A_1320 = arith.constant 16 : i32
      %scan3A_1321 = arith.addi %scan3A_1319, %scan3A_1320 : i32
      %scan3A_1322 = arith.constant 1 : i32
      %scan3A_1323:2 = scf.for %scan3A_1341 = %scan3A_1319 to %scan3A_1321 step %scan3A_1322 iter_args(%scan3A_1342 = %broadcast_in_dim3A_1316, %scan3A_1343 = %broadcast_in_dim3A_1318) -> (vector<16xi32>, vector<16xi32>)  : i32 {
        %mul3A_1344 = arith.constant 16 : i32
        %mul3A_1345 = arith.muli %scan3A_1313, %mul3A_1344 : i32
        %get3A = arith.index_cast %scan3A_1341 : i32 to index
        %get3A_1346 = arith.index_cast %mul3A_1345 : i32 to index
        %get3A_1347 = tpu.vector_load %arg12[%get3A, %get3A_1346] {strides = array<i32>} : memref<16x256xi32, #tpu.memory_space<vmem>>, vector<16xi32>,
        %add3A_1348 = arith.addi %scan3A_1342, %get3A_1347 : vector<16xi32>
        %lt3A_1349 = arith.cmpi slt, %scan3A_1341, %arg1 : i32
        %jit3A = arith.constant 0 : i32
        %broadcast_in_dim3A_1350 = vector.broadcast %jit3A : i32 to vector<16xi32>
        %select_n3A = arith.select %lt3A_1349, %get3A_1347, %broadcast_in_dim3A_1350 : vector<16xi32>
        %add3A_1351 = arith.addi %scan3A_1343, %select_n3A : vector<16xi32>
        scf.yield %add3A_1348, %add3A_1351 : vector<16xi32>, vector<16xi32>
      }
      %scan3A_1324 = arith.constant 16 : i32
      %broadcast_in_dim3A_1325 = arith.constant true
      %broadcast_in_dim3A_1326 = vector.broadcast %broadcast_in_dim3A_1325 : i1 to vector<16xi1>
      %masked_cumsum3A = tpu.scan <sum>, %scan3A_1323#0 masked %broadcast_in_dim3A_1326 : vector<16xi32>, vector<16xi1> -> vector<16xi32>
      %sub3A = arith.subi %masked_cumsum3A, %scan3A_1323#0 : vector<16xi32>
      %add3A_1327 = vector.broadcast %scan3A_1314 : i32 to vector<16xi32>
      %add3A_1328 = arith.addi %add3A_1327, %sub3A : vector<16xi32>
      %add3A_1329 = arith.addi %add3A_1328, %scan3A_1323#1 : vector<16xi32>
      %mul3A_1330 = arith.constant 16 : i32
      %mul3A_1331 = arith.muli %scan3A_1313, %mul3A_1330 : i32
      %swap3A = arith.index_cast %mul3A_1331 : i32 to index
      %swap3A_1332 = tpu.vector_load %arg11[%swap3A] {strides = array<i32>} : memref<256xi32, #tpu.memory_space<vmem>>, vector<16xi32>,
      tpu.vector_store %arg11[%swap3A], %add3A_1329 {strides = array<i32>} : memref<256xi32, #tpu.memory_space<vmem>>, vector<16xi32>,
      %reduce_max3A = arith.constant true
      %reduce_max3A_1333 = vector.broadcast %reduce_max3A : i1 to vector<16xi1>
      %reduce_max3A_1334 = arith.constant -2147483648 : i32
      %reduce_max3A_1335 = vector.broadcast %reduce_max3A_1334 : i32 to vector<16xi32>
      %reduce_max3A_1336 = arith.xori %masked_cumsum3A, %reduce_max3A_1335 : vector<16xi32>
      %reduce_max3A_1337 = tpu.scan <max>, %reduce_max3A_1336 masked %reduce_max3A_1333 : vector<16xi32>, vector<16xi1> -> vector<16xi32>
      %reduce_max3A_1338 = arith.xori %reduce_max3A_1337, %reduce_max3A_1335 : vector<16xi32>
      %reduce_max3A_1339 = vector.extract %reduce_max3A_1338[15] : i32 from vector<16xi32>
      %add3A_1340 = arith.addi %scan3A_1314, %reduce_max3A_1339 : i32
      scf.yield %add3A_1340 : i32
    }
    %scan3A_61 = arith.constant 16 : i32
    %scan3A_62 = arith.constant 0 : i32
    %scan3A_63 = arith.constant 0 : i32
    %scan3A_64 = arith.constant 80 : i32
    %scan3A_65 = arith.addi %scan3A_63, %scan3A_64 : i32
    %scan3A_66 = arith.constant 1 : i32
    %scan3A_67 = scf.for %scan3A_1313 = %scan3A_63 to %scan3A_65 step %scan3A_66 iter_args(%scan3A_1314 = %scan3A_62) -> (i32)  : i32 {
      %mul3A_1315 = arith.constant 16 : i32
      %mul3A_1316 = arith.muli %scan3A_1313, %mul3A_1315 : i32
      %add3A_1317 = arith.addi %mul3A_0, %mul3A_1316 : i32
      %get3A = arith.index_cast %add3A_1317 : i32 to index
      %get3A_1318 = tpu.vector_load %arg7[%get3A] {strides = array<i32>} : memref<20480xi32, #tpu.memory_space<vmem>>, vector<16xi32>,
      %shift_right_logical3A = arith.constant 0 : i32
      %shift_right_logical3A_1319 = vector.broadcast %shift_right_logical3A : i32 to vector<16xi32>
      %shift_right_logical3A_1320 = arith.shrui %get3A_1318, %shift_right_logical3A_1319 : vector<16xi32>
      %and3A_1321 = arith.constant 255 : i32
      %and3A_1322 = vector.broadcast %and3A_1321 : i32 to vector<16xi32>
      %and3A_1323 = arith.andi %shift_right_logical3A_1320, %and3A_1322 : vector<16xi32>
      %gather3A = tpu.vector_load_idx %arg11[%and3A_1323] : memref<256xi32, #tpu.memory_space<vmem>>[vector<16xi32>], vector<16xi32>,
      %broadcast_in_dim3A_1324 = arith.constant true
      %broadcast_in_dim3A_1325 = vector.broadcast %broadcast_in_dim3A_1324 : i1 to vector<16xi1>
      %unique3A, %unique3A_1326 = tpu.scan_count mask(%broadcast_in_dim3A_1325 : vector<16xi1>) value(%and3A_1323 : vector<16xi32>) : vector<16xi1>, vector<16xi32>
      %add3A_1327 = arith.addi %gather3A, %unique3A_1326 : vector<16xi32>
      %sub3A = arith.constant 1 : i32
      %sub3A_1328 = vector.broadcast %sub3A : i32 to vector<16xi32>
      %sub3A_1329 = arith.subi %add3A_1327, %sub3A_1328 : vector<16xi32>
      %jit3A = arith.constant 8 : i32
      %div3A = arith.divsi %scan3A_1313, %jit3A : i32
      %sign3A = arith.constant 0 : i32
      %sign3A_1330 = arith.cmpi sgt, %scan3A_1313, %sign3A : i32
      %sign3A_1331 = arith.extui %sign3A_1330 : i1 to i32
      %sign3A_1332 = arith.constant 0 : i32
      %sign3A_1333 = arith.cmpi slt, %scan3A_1313, %sign3A_1332 : i32
      %sign3A_1334 = arith.extui %sign3A_1333 : i1 to i32
      %sign3A_1335 = arith.subi %sign3A_1331, %sign3A_1334 : i32
      %sign3A_1336 = arith.constant 0 : i32
      %sign3A_1337 = arith.cmpi sgt, %jit3A, %sign3A_1336 : i32
      %sign3A_1338 = arith.extui %sign3A_1337 : i1 to i32
      %sign3A_1339 = arith.constant 0 : i32
      %sign3A_1340 = arith.cmpi slt, %jit3A, %sign3A_1339 : i32
      %sign3A_1341 = arith.extui %sign3A_1340 : i1 to i32
      %sign3A_1342 = arith.subi %sign3A_1338, %sign3A_1341 : i32
      %ne3A = arith.cmpi ne, %sign3A_1335, %sign3A_1342 : i32
      %rem3A = arith.remsi %scan3A_1313, %jit3A : i32
      %ne3A_1343 = arith.constant 0 : i32
      %ne3A_1344 = arith.cmpi ne, %rem3A, %ne3A_1343 : i32
      %and3A_1345 = arith.andi %ne3A, %ne3A_1344 : i1
      %sub3A_1346 = arith.constant 1 : i32
      %sub3A_1347 = arith.subi %div3A, %sub3A_1346 : i32
      %select_n3A = arith.select %and3A_1345, %sub3A_1347, %div3A : i32
      %jit3A_1348 = arith.constant 8 : i32
      %eq3A_1349 = arith.constant 0 : i32
      %eq3A_1350 = arith.cmpi eq, %jit3A_1348, %eq3A_1349 : i32
      %jit3A_1351 = arith.constant 1 : i32
      %select_n3A_1352 = arith.select %eq3A_1350, %jit3A_1351, %jit3A_1348 : i32
      %rem3A_1353 = arith.remsi %scan3A_1313, %select_n3A_1352 : i32
      %ne3A_1354 = arith.constant 0 : i32
      %ne3A_1355 = arith.cmpi ne, %rem3A_1353, %ne3A_1354 : i32
      %lt3A_1356 = arith.constant 0 : i32
      %lt3A_1357 = arith.cmpi slt, %rem3A_1353, %lt3A_1356 : i32
      %lt3A_1358 = arith.constant 0 : i32
      %lt3A_1359 = arith.cmpi slt, %select_n3A_1352, %lt3A_1358 : i32
      %ne3A_1360 = arith.xori %lt3A_1357, %lt3A_1359 : i1
      %and3A_1361 = arith.andi %ne3A_1360, %ne3A_1355 : i1
      %add3A_1362 = arith.addi %rem3A_1353, %select_n3A_1352 : i32
      %select_n3A_1363 = arith.select %and3A_1361, %add3A_1362, %rem3A_1353 : i32
      %mul3A_1364 = arith.constant 16 : i32
      %mul3A_1365 = arith.muli %select_n3A_1363, %mul3A_1364 : i32
      %swap3A = arith.index_cast %select_n3A : i32 to index
      %swap3A_1366 = arith.index_cast %mul3A_1365 : i32 to index
      %swap3A_1367 = tpu.vector_load %arg9[%swap3A, %swap3A_1366] {strides = array<i32>} : memref<30x128xi32, #tpu.memory_space<vmem>>, vector<16xi32>,
      tpu.vector_store %arg9[%swap3A, %swap3A_1366], %sub3A_1329 {strides = array<i32>} : memref<30x128xi32, #tpu.memory_space<vmem>>, vector<16xi32>,
      tpu.vector_store_idx %arg11[%and3A_1323], %broadcast_in_dim3A_1 {add = true} : memref<256xi32, #tpu.memory_space<vmem>>[vector<16xi32>], vector<16xi32>,
      %scan3A_1368 = arith.constant 0 : i32
      scf.yield %scan3A_1368 : i32
    }
    %scan3A_68 = arith.constant 80 : i32
    %scan3A_69 = arith.constant 0 : i32
    %scan3A_70 = arith.constant 0 : i32
    %scan3A_71 = arith.constant 80 : i32
    %scan3A_72 = arith.addi %scan3A_70, %scan3A_71 : i32
    %scan3A_73 = arith.constant 1 : i32
    %scan3A_74 = scf.for %scan3A_1313 = %scan3A_70 to %scan3A_72 step %scan3A_73 iter_args(%scan3A_1314 = %scan3A_69) -> (i32)  : i32 {
      %mul3A_1315 = arith.constant 16 : i32
      %mul3A_1316 = arith.muli %scan3A_1313, %mul3A_1315 : i32
      %add3A_1317 = arith.addi %mul3A_0, %mul3A_1316 : i32
      %add3A_1318 = vector.broadcast %add3A_1317 : i32 to vector<16xi32>
      %add3A_1319 = arith.addi %add3A_1318, %iota3A : vector<16xi32>
      %mul3A_1320 = arith.constant 16 : i32
      %mul3A_1321 = arith.muli %scan3A_1313, %mul3A_1320 : i32
      %swap3A = arith.index_cast %mul3A_1321 : i32 to index
      %swap3A_1322 = tpu.vector_load %arg8[%swap3A] {strides = array<i32>} : memref<1280xi32, #tpu.memory_space<vmem>>, vector<16xi32>,
      tpu.vector_store %arg8[%swap3A], %add3A_1319 {strides = array<i32>} : memref<1280xi32, #tpu.memory_space<vmem>>, vector<16xi32>,
      %scan3A_1323 = arith.constant 0 : i32
      scf.yield %scan3A_1323 : i32
    }
    %scan3A_75 = arith.constant 80 : i32
    %dma_start3A = arith.constant 0 : i32
    %dma_start3A_76 = arith.constant 0 : i32
    %dma_start3A_77 = tpu.memref_slice %arg8[%dma_start3A_76] : memref<1280xi32, #tpu.memory_space<vmem>> -> memref<128xi32, #tpu.memory_space<vmem>>
    %dma_start3A_78 = arith.constant 0 : i32
    %dma_start3A_79 = tpu.memref_slice %arg9[%dma_start3A, %dma_start3A_78] : memref<30x128xi32, #tpu.memory_space<vmem>> -> memref<1x128xi32, #tpu.memory_space<vmem>>
    %dma_start3A_80 = tpu.memref_squeeze %dma_start3A_79 : memref<1x128xi32, #tpu.memory_space<vmem>> -> memref<128xi32, #tpu.memory_space<vmem>>
    %dma_start3A_81 = arith.constant 0 : i32
    %dma_start3A_82 = tpu.memref_slice %arg16[%dma_start3A_81] : memref<20480xi32, #tpu.memory_space<vmem_shared>> -> memref<20480xi32, #tpu.memory_space<vmem_shared>>
    tpu.enqueue_indirect_dma source(%dma_start3A_77 : memref<128xi32, #tpu.memory_space<vmem>>) target(%dma_start3A_82 : memref<20480xi32, #tpu.memory_space<vmem_shared>>) offsets(%dma_start3A_80 : memref<128xi32, #tpu.memory_space<vmem>>) semaphore(%arg19 : memref<!tpu.dma_semaphore, #tpu.memory_space<semaphore_mem>>)
    %dma_start3A_83 = arith.constant 1 : i32
    %dma_start3A_84 = arith.constant 128 : i32
    %dma_start3A_85 = tpu.memref_slice %arg8[%dma_start3A_84] : memref<1280xi32, #tpu.memory_space<vmem>> -> memref<128xi32, #tpu.memory_space<vmem>>
    %dma_start3A_86 = arith.constant 0 : i32
    %dma_start3A_87 = tpu.memref_slice %arg9[%dma_start3A_83, %dma_start3A_86] : memref<30x128xi32, #tpu.memory_space<vmem>> -> memref<1x128xi32, #tpu.memory_space<vmem>>
    %dma_start3A_88 = tpu.memref_squeeze %dma_start3A_87 : memref<1x128xi32, #tpu.memory_space<vmem>> -> memref<128xi32, #tpu.memory_space<vmem>>
    %dma_start3A_89 = arith.constant 0 : i32
    %dma_start3A_90 = tpu.memref_slice %arg16[%dma_start3A_89] : memref<20480xi32, #tpu.memory_space<vmem_shared>> -> memref<20480xi32, #tpu.memory_space<vmem_shared>>
    tpu.enqueue_indirect_dma source(%dma_start3A_85 : memref<128xi32, #tpu.memory_space<vmem>>) target(%dma_start3A_90 : memref<20480xi32, #tpu.memory_space<vmem_shared>>) offsets(%dma_start3A_88 : memref<128xi32, #tpu.memory_space<vmem>>) semaphore(%arg19 : memref<!tpu.dma_semaphore, #tpu.memory_space<semaphore_mem>>)
    %dma_start3A_91 = arith.constant 2 : i32
    %dma_start3A_92 = arith.constant 256 : i32
    %dma_start3A_93 = tpu.memref_slice %arg8[%dma_start3A_92] : memref<1280xi32, #tpu.memory_space<vmem>> -> memref<128xi32, #tpu.memory_space<vmem>>
    %dma_start3A_94 = arith.constant 0 : i32
    %dma_start3A_95 = tpu.memref_slice %arg9[%dma_start3A_91, %dma_start3A_94] : memref<30x128xi32, #tpu.memory_space<vmem>> -> memref<1x128xi32, #tpu.memory_space<vmem>>
    %dma_start3A_96 = tpu.memref_squeeze %dma_start3A_95 : memref<1x128xi32, #tpu.memory_space<vmem>> -> memref<128xi32, #tpu.memory_space<vmem>>
    %dma_start3A_97 = arith.constant 0 : i32
    %dma_start3A_98 = tpu.memref_slice %arg16[%dma_start3A_97] : memref<20480xi32, #tpu.memory_space<vmem_shared>> -> memref<20480xi32, #tpu.memory_space<vmem_shared>>
    tpu.enqueue_indirect_dma source(%dma_start3A_93 : memref<128xi32, #tpu.memory_space<vmem>>) target(%dma_start3A_98 : memref<20480xi32, #tpu.memory_space<vmem_shared>>) offsets(%dma_start3A_96 : memref<128xi32, #tpu.memory_space<vmem>>) semaphore(%arg19 : memref<!tpu.dma_semaphore, #tpu.memory_space<semaphore_mem>>)
    %dma_start3A_99 = arith.constant 3 : i32
    %dma_start3A_100 = arith.constant 384 : i32
    %dma_start3A_101 = tpu.memref_slice %arg8[%dma_start3A_100] : memref<1280xi32, #tpu.memory_space<vmem>> -> memref<128xi32, #tpu.memory_space<vmem>>
    %dma_start3A_102 = arith.constant 0 : i32
    %dma_start3A_103 = tpu.memref_slice %arg9[%dma_start3A_99, %dma_start3A_102] : memref<30x128xi32, #tpu.memory_space<vmem>> -> memref<1x128xi32, #tpu.memory_space<vmem>>
    %dma_start3A_104 = tpu.memref_squeeze %dma_start3A_103 : memref<1x128xi32, #tpu.memory_space<vmem>> -> memref<128xi32, #tpu.memory_space<vmem>>
    %dma_start3A_105 = arith.constant 0 : i32
    %dma_start3A_106 = tpu.memref_slice %arg16[%dma_start3A_105] : memref<20480xi32, #tpu.memory_space<vmem_shared>> -> memref<20480xi32, #tpu.memory_space<vmem_shared>>
    tpu.enqueue_indirect_dma source(%dma_start3A_101 : memref<128xi32, #tpu.memory_space<vmem>>) target(%dma_start3A_106 : memref<20480xi32, #tpu.memory_space<vmem_shared>>) offsets(%dma_start3A_104 : memref<128xi32, #tpu.memory_space<vmem>>) semaphore(%arg19 : memref<!tpu.dma_semaphore, #tpu.memory_space<semaphore_mem>>)
    %dma_start3A_107 = arith.constant 4 : i32
    %dma_start3A_108 = arith.constant 512 : i32
    %dma_start3A_109 = tpu.memref_slice %arg8[%dma_start3A_108] : memref<1280xi32, #tpu.memory_space<vmem>> -> memref<128xi32, #tpu.memory_space<vmem>>
    %dma_start3A_110 = arith.constant 0 : i32
    %dma_start3A_111 = tpu.memref_slice %arg9[%dma_start3A_107, %dma_start3A_110] : memref<30x128xi32, #tpu.memory_space<vmem>> -> memref<1x128xi32, #tpu.memory_space<vmem>>
    %dma_start3A_112 = tpu.memref_squeeze %dma_start3A_111 : memref<1x128xi32, #tpu.memory_space<vmem>> -> memref<128xi32, #tpu.memory_space<vmem>>
    %dma_start3A_113 = arith.constant 0 : i32
    %dma_start3A_114 = tpu.memref_slice %arg16[%dma_start3A_113] : memref<20480xi32, #tpu.memory_space<vmem_shared>> -> memref<20480xi32, #tpu.memory_space<vmem_shared>>
    tpu.enqueue_indirect_dma source(%dma_start3A_109 : memref<128xi32, #tpu.memory_space<vmem>>) target(%dma_start3A_114 : memref<20480xi32, #tpu.memory_space<vmem_shared>>) offsets(%dma_start3A_112 : memref<128xi32, #tpu.memory_space<vmem>>) semaphore(%arg19 : memref<!tpu.dma_semaphore, #tpu.memory_space<semaphore_mem>>)
    %dma_start3A_115 = arith.constant 5 : i32
    %dma_start3A_116 = arith.constant 640 : i32
    %dma_start3A_117 = tpu.memref_slice %arg8[%dma_start3A_116] : memref<1280xi32, #tpu.memory_space<vmem>> -> memref<128xi32, #tpu.memory_space<vmem>>
    %dma_start3A_118 = arith.constant 0 : i32
    %dma_start3A_119 = tpu.memref_slice %arg9[%dma_start3A_115, %dma_start3A_118] : memref<30x128xi32, #tpu.memory_space<vmem>> -> memref<1x128xi32, #tpu.memory_space<vmem>>
    %dma_start3A_120 = tpu.memref_squeeze %dma_start3A_119 : memref<1x128xi32, #tpu.memory_space<vmem>> -> memref<128xi32, #tpu.memory_space<vmem>>
    %dma_start3A_121 = arith.constant 0 : i32
    %dma_start3A_122 = tpu.memref_slice %arg16[%dma_start3A_121] : memref<20480xi32, #tpu.memory_space<vmem_shared>> -> memref<20480xi32, #tpu.memory_space<vmem_shared>>
    tpu.enqueue_indirect_dma source(%dma_start3A_117 : memref<128xi32, #tpu.memory_space<vmem>>) target(%dma_start3A_122 : memref<20480xi32, #tpu.memory_space<vmem_shared>>) offsets(%dma_start3A_120 : memref<128xi32, #tpu.memory_space<vmem>>) semaphore(%arg19 : memref<!tpu.dma_semaphore, #tpu.memory_space<semaphore_mem>>)
    %dma_start3A_123 = arith.constant 6 : i32
    %dma_start3A_124 = arith.constant 768 : i32
    %dma_start3A_125 = tpu.memref_slice %arg8[%dma_start3A_124] : memref<1280xi32, #tpu.memory_space<vmem>> -> memref<128xi32, #tpu.memory_space<vmem>>
    %dma_start3A_126 = arith.constant 0 : i32
    %dma_start3A_127 = tpu.memref_slice %arg9[%dma_start3A_123, %dma_start3A_126] : memref<30x128xi32, #tpu.memory_space<vmem>> -> memref<1x128xi32, #tpu.memory_space<vmem>>
    %dma_start3A_128 = tpu.memref_squeeze %dma_start3A_127 : memref<1x128xi32, #tpu.memory_space<vmem>> -> memref<128xi32, #tpu.memory_space<vmem>>
    %dma_start3A_129 = arith.constant 0 : i32
    %dma_start3A_130 = tpu.memref_slice %arg16[%dma_start3A_129] : memref<20480xi32, #tpu.memory_space<vmem_shared>> -> memref<20480xi32, #tpu.memory_space<vmem_shared>>
    tpu.enqueue_indirect_dma source(%dma_start3A_125 : memref<128xi32, #tpu.memory_space<vmem>>) target(%dma_start3A_130 : memref<20480xi32, #tpu.memory_space<vmem_shared>>) offsets(%dma_start3A_128 : memref<128xi32, #tpu.memory_space<vmem>>) semaphore(%arg19 : memref<!tpu.dma_semaphore, #tpu.memory_space<semaphore_mem>>)
    %dma_start3A_131 = arith.constant 7 : i32
    %dma_start3A_132 = arith.constant 896 : i32
    %dma_start3A_133 = tpu.memref_slice %arg8[%dma_start3A_132] : memref<1280xi32, #tpu.memory_space<vmem>> -> memref<128xi32, #tpu.memory_space<vmem>>
    %dma_start3A_134 = arith.constant 0 : i32
    %dma_start3A_135 = tpu.memref_slice %arg9[%dma_start3A_131, %dma_start3A_134] : memref<30x128xi32, #tpu.memory_space<vmem>> -> memref<1x128xi32, #tpu.memory_space<vmem>>
    %dma_start3A_136 = tpu.memref_squeeze %dma_start3A_135 : memref<1x128xi32, #tpu.memory_space<vmem>> -> memref<128xi32, #tpu.memory_space<vmem>>
    %dma_start3A_137 = arith.constant 0 : i32
    %dma_start3A_138 = tpu.memref_slice %arg16[%dma_start3A_137] : memref<20480xi32, #tpu.memory_space<vmem_shared>> -> memref<20480xi32, #tpu.memory_space<vmem_shared>>
    tpu.enqueue_indirect_dma source(%dma_start3A_133 : memref<128xi32, #tpu.memory_space<vmem>>) target(%dma_start3A_138 : memref<20480xi32, #tpu.memory_space<vmem_shared>>) offsets(%dma_start3A_136 : memref<128xi32, #tpu.memory_space<vmem>>) semaphore(%arg19 : memref<!tpu.dma_semaphore, #tpu.memory_space<semaphore_mem>>)
    %dma_start3A_139 = arith.constant 8 : i32
    %dma_start3A_140 = arith.constant 1024 : i32
    %dma_start3A_141 = tpu.memref_slice %arg8[%dma_start3A_140] : memref<1280xi32, #tpu.memory_space<vmem>> -> memref<128xi32, #tpu.memory_space<vmem>>
    %dma_start3A_142 = arith.constant 0 : i32
    %dma_start3A_143 = tpu.memref_slice %arg9[%dma_start3A_139, %dma_start3A_142] : memref<30x128xi32, #tpu.memory_space<vmem>> -> memref<1x128xi32, #tpu.memory_space<vmem>>
    %dma_start3A_144 = tpu.memref_squeeze %dma_start3A_143 : memref<1x128xi32, #tpu.memory_space<vmem>> -> memref<128xi32, #tpu.memory_space<vmem>>
    %dma_start3A_145 = arith.constant 0 : i32
    %dma_start3A_146 = tpu.memref_slice %arg16[%dma_start3A_145] : memref<20480xi32, #tpu.memory_space<vmem_shared>> -> memref<20480xi32, #tpu.memory_space<vmem_shared>>
    tpu.enqueue_indirect_dma source(%dma_start3A_141 : memref<128xi32, #tpu.memory_space<vmem>>) target(%dma_start3A_146 : memref<20480xi32, #tpu.memory_space<vmem_shared>>) offsets(%dma_start3A_144 : memref<128xi32, #tpu.memory_space<vmem>>) semaphore(%arg19 : memref<!tpu.dma_semaphore, #tpu.memory_space<semaphore_mem>>)
    %dma_start3A_147 = arith.constant 9 : i32
    %dma_start3A_148 = arith.constant 1152 : i32
    %dma_start3A_149 = tpu.memref_slice %arg8[%dma_start3A_148] : memref<1280xi32, #tpu.memory_space<vmem>> -> memref<128xi32, #tpu.memory_space<vmem>>
    %dma_start3A_150 = arith.constant 0 : i32
    %dma_start3A_151 = tpu.memref_slice %arg9[%dma_start3A_147, %dma_start3A_150] : memref<30x128xi32, #tpu.memory_space<vmem>> -> memref<1x128xi32, #tpu.memory_space<vmem>>
    %dma_start3A_152 = tpu.memref_squeeze %dma_start3A_151 : memref<1x128xi32, #tpu.memory_space<vmem>> -> memref<128xi32, #tpu.memory_space<vmem>>
    %dma_start3A_153 = arith.constant 0 : i32
    %dma_start3A_154 = tpu.memref_slice %arg16[%dma_start3A_153] : memref<20480xi32, #tpu.memory_space<vmem_shared>> -> memref<20480xi32, #tpu.memory_space<vmem_shared>>
    tpu.enqueue_indirect_dma source(%dma_start3A_149 : memref<128xi32, #tpu.memory_space<vmem>>) target(%dma_start3A_154 : memref<20480xi32, #tpu.memory_space<vmem_shared>>) offsets(%dma_start3A_152 : memref<128xi32, #tpu.memory_space<vmem>>) semaphore(%arg19 : memref<!tpu.dma_semaphore, #tpu.memory_space<semaphore_mem>>)
    %dma_wait3A = arith.constant 0 : i32
    %dma_wait3A_155 = arith.constant 0 : i32
    %dma_wait3A_156 = tpu.memref_slice %arg8[%dma_wait3A_155] : memref<1280xi32, #tpu.memory_space<vmem>> -> memref<128xi32, #tpu.memory_space<vmem>>
    %dma_wait3A_157 = arith.constant 0 : i32
    %dma_wait3A_158 = tpu.memref_slice %arg9[%dma_wait3A, %dma_wait3A_157] : memref<30x128xi32, #tpu.memory_space<vmem>> -> memref<1x128xi32, #tpu.memory_space<vmem>>
    %dma_wait3A_159 = tpu.memref_squeeze %dma_wait3A_158 : memref<1x128xi32, #tpu.memory_space<vmem>> -> memref<128xi32, #tpu.memory_space<vmem>>
    %dma_wait3A_160 = arith.constant 0 : i32
    %dma_wait3A_161 = tpu.memref_slice %arg16[%dma_wait3A_160] : memref<20480xi32, #tpu.memory_space<vmem_shared>> -> memref<20480xi32, #tpu.memory_space<vmem_shared>>
    tpu.wait_indirect_dma semaphore(%arg19 : memref<!tpu.dma_semaphore, #tpu.memory_space<semaphore_mem>>) src(%dma_wait3A_156 : memref<128xi32, #tpu.memory_space<vmem>>) dst(%dma_wait3A_161 : memref<20480xi32, #tpu.memory_space<vmem_shared>>)
    %dma_wait3A_162 = arith.constant 1 : i32
    %dma_wait3A_163 = arith.constant 128 : i32
    %dma_wait3A_164 = tpu.memref_slice %arg8[%dma_wait3A_163] : memref<1280xi32, #tpu.memory_space<vmem>> -> memref<128xi32, #tpu.memory_space<vmem>>
    %dma_wait3A_165 = arith.constant 0 : i32
    %dma_wait3A_166 = tpu.memref_slice %arg9[%dma_wait3A_162, %dma_wait3A_165] : memref<30x128xi32, #tpu.memory_space<vmem>> -> memref<1x128xi32, #tpu.memory_space<vmem>>
    %dma_wait3A_167 = tpu.memref_squeeze %dma_wait3A_166 : memref<1x128xi32, #tpu.memory_space<vmem>> -> memref<128xi32, #tpu.memory_space<vmem>>
    %dma_wait3A_168 = arith.constant 0 : i32
    %dma_wait3A_169 = tpu.memref_slice %arg16[%dma_wait3A_168] : memref<20480xi32, #tpu.memory_space<vmem_shared>> -> memref<20480xi32, #tpu.memory_space<vmem_shared>>
    tpu.wait_indirect_dma semaphore(%arg19 : memref<!tpu.dma_semaphore, #tpu.memory_space<semaphore_mem>>) src(%dma_wait3A_164 : memref<128xi32, #tpu.memory_space<vmem>>) dst(%dma_wait3A_169 : memref<20480xi32, #tpu.memory_space<vmem_shared>>)
    %dma_wait3A_170 = arith.constant 2 : i32
    %dma_wait3A_171 = arith.constant 256 : i32
    %dma_wait3A_172 = tpu.memref_slice %arg8[%dma_wait3A_171] : memref<1280xi32, #tpu.memory_space<vmem>> -> memref<128xi32, #tpu.memory_space<vmem>>
    %dma_wait3A_173 = arith.constant 0 : i32
    %dma_wait3A_174 = tpu.memref_slice %arg9[%dma_wait3A_170, %dma_wait3A_173] : memref<30x128xi32, #tpu.memory_space<vmem>> -> memref<1x128xi32, #tpu.memory_space<vmem>>
    %dma_wait3A_175 = tpu.memref_squeeze %dma_wait3A_174 : memref<1x128xi32, #tpu.memory_space<vmem>> -> memref<128xi32, #tpu.memory_space<vmem>>
    %dma_wait3A_176 = arith.constant 0 : i32
    %dma_wait3A_177 = tpu.memref_slice %arg16[%dma_wait3A_176] : memref<20480xi32, #tpu.memory_space<vmem_shared>> -> memref<20480xi32, #tpu.memory_space<vmem_shared>>
    tpu.wait_indirect_dma semaphore(%arg19 : memref<!tpu.dma_semaphore, #tpu.memory_space<semaphore_mem>>) src(%dma_wait3A_172 : memref<128xi32, #tpu.memory_space<vmem>>) dst(%dma_wait3A_177 : memref<20480xi32, #tpu.memory_space<vmem_shared>>)
    %dma_wait3A_178 = arith.constant 3 : i32
    %dma_wait3A_179 = arith.constant 384 : i32
    %dma_wait3A_180 = tpu.memref_slice %arg8[%dma_wait3A_179] : memref<1280xi32, #tpu.memory_space<vmem>> -> memref<128xi32, #tpu.memory_space<vmem>>
    %dma_wait3A_181 = arith.constant 0 : i32
    %dma_wait3A_182 = tpu.memref_slice %arg9[%dma_wait3A_178, %dma_wait3A_181] : memref<30x128xi32, #tpu.memory_space<vmem>> -> memref<1x128xi32, #tpu.memory_space<vmem>>
    %dma_wait3A_183 = tpu.memref_squeeze %dma_wait3A_182 : memref<1x128xi32, #tpu.memory_space<vmem>> -> memref<128xi32, #tpu.memory_space<vmem>>
    %dma_wait3A_184 = arith.constant 0 : i32
    %dma_wait3A_185 = tpu.memref_slice %arg16[%dma_wait3A_184] : memref<20480xi32, #tpu.memory_space<vmem_shared>> -> memref<20480xi32, #tpu.memory_space<vmem_shared>>
    tpu.wait_indirect_dma semaphore(%arg19 : memref<!tpu.dma_semaphore, #tpu.memory_space<semaphore_mem>>) src(%dma_wait3A_180 : memref<128xi32, #tpu.memory_space<vmem>>) dst(%dma_wait3A_185 : memref<20480xi32, #tpu.memory_space<vmem_shared>>)
    %dma_wait3A_186 = arith.constant 4 : i32
    %dma_wait3A_187 = arith.constant 512 : i32
    %dma_wait3A_188 = tpu.memref_slice %arg8[%dma_wait3A_187] : memref<1280xi32, #tpu.memory_space<vmem>> -> memref<128xi32, #tpu.memory_space<vmem>>
    %dma_wait3A_189 = arith.constant 0 : i32
    %dma_wait3A_190 = tpu.memref_slice %arg9[%dma_wait3A_186, %dma_wait3A_189] : memref<30x128xi32, #tpu.memory_space<vmem>> -> memref<1x128xi32, #tpu.memory_space<vmem>>
    %dma_wait3A_191 = tpu.memref_squeeze %dma_wait3A_190 : memref<1x128xi32, #tpu.memory_space<vmem>> -> memref<128xi32, #tpu.memory_space<vmem>>
    %dma_wait3A_192 = arith.constant 0 : i32
    %dma_wait3A_193 = tpu.memref_slice %arg16[%dma_wait3A_192] : memref<20480xi32, #tpu.memory_space<vmem_shared>> -> memref<20480xi32, #tpu.memory_space<vmem_shared>>
    tpu.wait_indirect_dma semaphore(%arg19 : memref<!tpu.dma_semaphore, #tpu.memory_space<semaphore_mem>>) src(%dma_wait3A_188 : memref<128xi32, #tpu.memory_space<vmem>>) dst(%dma_wait3A_193 : memref<20480xi32, #tpu.memory_space<vmem_shared>>)
    %dma_wait3A_194 = arith.constant 5 : i32
    %dma_wait3A_195 = arith.constant 640 : i32
    %dma_wait3A_196 = tpu.memref_slice %arg8[%dma_wait3A_195] : memref<1280xi32, #tpu.memory_space<vmem>> -> memref<128xi32, #tpu.memory_space<vmem>>
    %dma_wait3A_197 = arith.constant 0 : i32
    %dma_wait3A_198 = tpu.memref_slice %arg9[%dma_wait3A_194, %dma_wait3A_197] : memref<30x128xi32, #tpu.memory_space<vmem>> -> memref<1x128xi32, #tpu.memory_space<vmem>>
    %dma_wait3A_199 = tpu.memref_squeeze %dma_wait3A_198 : memref<1x128xi32, #tpu.memory_space<vmem>> -> memref<128xi32, #tpu.memory_space<vmem>>
    %dma_wait3A_200 = arith.constant 0 : i32
    %dma_wait3A_201 = tpu.memref_slice %arg16[%dma_wait3A_200] : memref<20480xi32, #tpu.memory_space<vmem_shared>> -> memref<20480xi32, #tpu.memory_space<vmem_shared>>
    tpu.wait_indirect_dma semaphore(%arg19 : memref<!tpu.dma_semaphore, #tpu.memory_space<semaphore_mem>>) src(%dma_wait3A_196 : memref<128xi32, #tpu.memory_space<vmem>>) dst(%dma_wait3A_201 : memref<20480xi32, #tpu.memory_space<vmem_shared>>)
    %dma_wait3A_202 = arith.constant 6 : i32
    %dma_wait3A_203 = arith.constant 768 : i32
    %dma_wait3A_204 = tpu.memref_slice %arg8[%dma_wait3A_203] : memref<1280xi32, #tpu.memory_space<vmem>> -> memref<128xi32, #tpu.memory_space<vmem>>
    %dma_wait3A_205 = arith.constant 0 : i32
    %dma_wait3A_206 = tpu.memref_slice %arg9[%dma_wait3A_202, %dma_wait3A_205] : memref<30x128xi32, #tpu.memory_space<vmem>> -> memref<1x128xi32, #tpu.memory_space<vmem>>
    %dma_wait3A_207 = tpu.memref_squeeze %dma_wait3A_206 : memref<1x128xi32, #tpu.memory_space<vmem>> -> memref<128xi32, #tpu.memory_space<vmem>>
    %dma_wait3A_208 = arith.constant 0 : i32
    %dma_wait3A_209 = tpu.memref_slice %arg16[%dma_wait3A_208] : memref<20480xi32, #tpu.memory_space<vmem_shared>> -> memref<20480xi32, #tpu.memory_space<vmem_shared>>
    tpu.wait_indirect_dma semaphore(%arg19 : memref<!tpu.dma_semaphore, #tpu.memory_space<semaphore_mem>>) src(%dma_wait3A_204 : memref<128xi32, #tpu.memory_space<vmem>>) dst(%dma_wait3A_209 : memref<20480xi32, #tpu.memory_space<vmem_shared>>)
    %dma_wait3A_210 = arith.constant 7 : i32
    %dma_wait3A_211 = arith.constant 896 : i32
    %dma_wait3A_212 = tpu.memref_slice %arg8[%dma_wait3A_211] : memref<1280xi32, #tpu.memory_space<vmem>> -> memref<128xi32, #tpu.memory_space<vmem>>
    %dma_wait3A_213 = arith.constant 0 : i32
    %dma_wait3A_214 = tpu.memref_slice %arg9[%dma_wait3A_210, %dma_wait3A_213] : memref<30x128xi32, #tpu.memory_space<vmem>> -> memref<1x128xi32, #tpu.memory_space<vmem>>
    %dma_wait3A_215 = tpu.memref_squeeze %dma_wait3A_214 : memref<1x128xi32, #tpu.memory_space<vmem>> -> memref<128xi32, #tpu.memory_space<vmem>>
    %dma_wait3A_216 = arith.constant 0 : i32
    %dma_wait3A_217 = tpu.memref_slice %arg16[%dma_wait3A_216] : memref<20480xi32, #tpu.memory_space<vmem_shared>> -> memref<20480xi32, #tpu.memory_space<vmem_shared>>
    tpu.wait_indirect_dma semaphore(%arg19 : memref<!tpu.dma_semaphore, #tpu.memory_space<semaphore_mem>>) src(%dma_wait3A_212 : memref<128xi32, #tpu.memory_space<vmem>>) dst(%dma_wait3A_217 : memref<20480xi32, #tpu.memory_space<vmem_shared>>)
    %dma_wait3A_218 = arith.constant 8 : i32
    %dma_wait3A_219 = arith.constant 1024 : i32
    %dma_wait3A_220 = tpu.memref_slice %arg8[%dma_wait3A_219] : memref<1280xi32, #tpu.memory_space<vmem>> -> memref<128xi32, #tpu.memory_space<vmem>>
    %dma_wait3A_221 = arith.constant 0 : i32
    %dma_wait3A_222 = tpu.memref_slice %arg9[%dma_wait3A_218, %dma_wait3A_221] : memref<30x128xi32, #tpu.memory_space<vmem>> -> memref<1x128xi32, #tpu.memory_space<vmem>>
    %dma_wait3A_223 = tpu.memref_squeeze %dma_wait3A_222 : memref<1x128xi32, #tpu.memory_space<vmem>> -> memref<128xi32, #tpu.memory_space<vmem>>
    %dma_wait3A_224 = arith.constant 0 : i32
    %dma_wait3A_225 = tpu.memref_slice %arg16[%dma_wait3A_224] : memref<20480xi32, #tpu.memory_space<vmem_shared>> -> memref<20480xi32, #tpu.memory_space<vmem_shared>>
    tpu.wait_indirect_dma semaphore(%arg19 : memref<!tpu.dma_semaphore, #tpu.memory_space<semaphore_mem>>) src(%dma_wait3A_220 : memref<128xi32, #tpu.memory_space<vmem>>) dst(%dma_wait3A_225 : memref<20480xi32, #tpu.memory_space<vmem_shared>>)
    %dma_wait3A_226 = arith.constant 9 : i32
    %dma_wait3A_227 = arith.constant 1152 : i32
    %dma_wait3A_228 = tpu.memref_slice %arg8[%dma_wait3A_227] : memref<1280xi32, #tpu.memory_space<vmem>> -> memref<128xi32, #tpu.memory_space<vmem>>
    %dma_wait3A_229 = arith.constant 0 : i32
    %dma_wait3A_230 = tpu.memref_slice %arg9[%dma_wait3A_226, %dma_wait3A_229] : memref<30x128xi32, #tpu.memory_space<vmem>> -> memref<1x128xi32, #tpu.memory_space<vmem>>
    %dma_wait3A_231 = tpu.memref_squeeze %dma_wait3A_230 : memref<1x128xi32, #tpu.memory_space<vmem>> -> memref<128xi32, #tpu.memory_space<vmem>>
    %dma_wait3A_232 = arith.constant 0 : i32
    %dma_wait3A_233 = tpu.memref_slice %arg16[%dma_wait3A_232] : memref<20480xi32, #tpu.memory_space<vmem_shared>> -> memref<20480xi32, #tpu.memory_space<vmem_shared>>
    tpu.wait_indirect_dma semaphore(%arg19 : memref<!tpu.dma_semaphore, #tpu.memory_space<semaphore_mem>>) src(%dma_wait3A_228 : memref<128xi32, #tpu.memory_space<vmem>>) dst(%dma_wait3A_233 : memref<20480xi32, #tpu.memory_space<vmem_shared>>)
    %barrier3A_234 = arith.constant 0 : index
    tpu.barrier barrier_id(%barrier3A_234)
    "tpu.region"() ({
      %run_scoped3A = tpu.sem_alloc : memref<!tpu.dma_semaphore, #tpu.memory_space<semaphore_mem>>
      %dma_start3A_1313 = tpu.memref_slice %arg16[%mul3A_0] : memref<20480xi32, #tpu.memory_space<vmem_shared>> -> memref<1280xi32, #tpu.memory_space<vmem_shared>>
      %dma_start3A_1314 = tpu.memref_slice %arg16[%mul3A_0] : memref<20480xi32, #tpu.memory_space<vmem_shared>> -> memref<1280xi32, #tpu.memory_space<vmem_shared>>
      tpu.enqueue_dma source(%dma_start3A_1314 : memref<1280xi32, #tpu.memory_space<vmem_shared>>) target(%arg8 : memref<1280xi32, #tpu.memory_space<vmem>>) target_semaphore(%run_scoped3A : memref<!tpu.dma_semaphore, #tpu.memory_space<semaphore_mem>>)
      %dma_wait3A_1315 = tpu.memref_slice %arg16[%mul3A_0] : memref<20480xi32, #tpu.memory_space<vmem_shared>> -> memref<1280xi32, #tpu.memory_space<vmem_shared>>
      %dma_wait3A_1316 = tpu.memref_slice %arg16[%mul3A_0] : memref<20480xi32, #tpu.memory_space<vmem_shared>> -> memref<1280xi32, #tpu.memory_space<vmem_shared>>
      tpu.wait_dma2 semaphore(%run_scoped3A : memref<!tpu.dma_semaphore, #tpu.memory_space<semaphore_mem>>) src(%dma_wait3A_1316 : memref<1280xi32, #tpu.memory_space<vmem_shared>>) dst(%arg8 : memref<1280xi32, #tpu.memory_space<vmem>>)
      tpu.yield
    }) : () -> ()
    %scan3A_235 = arith.constant 0 : i32
    %scan3A_236 = arith.constant 0 : i32
    %scan3A_237 = arith.constant 16 : i32
    %scan3A_238 = arith.addi %scan3A_236, %scan3A_237 : i32
    %scan3A_239 = arith.constant 1 : i32
    %scan3A_240 = scf.for %scan3A_1313 = %scan3A_236 to %scan3A_238 step %scan3A_239 iter_args(%scan3A_1314 = %scan3A_235) -> (i32)  : i32 {
      %broadcast_in_dim3A_1315 = arith.constant 0 : i32
      %broadcast_in_dim3A_1316 = vector.broadcast %broadcast_in_dim3A_1315 : i32 to vector<16xi32>
      %mul3A_1317 = arith.constant 16 : i32
      %mul3A_1318 = arith.muli %scan3A_1313, %mul3A_1317 : i32
      %swap3A = arith.index_cast %mul3A_1318 : i32 to index
      %swap3A_1319 = tpu.vector_load %arg10[%swap3A] {strides = array<i32>} : memref<256xi32, #tpu.memory_space<vmem>>, vector<16xi32>,
      tpu.vector_store %arg10[%swap3A], %broadcast_in_dim3A_1316 {strides = array<i32>} : memref<256xi32, #tpu.memory_space<vmem>>, vector<16xi32>,
      %scan3A_1320 = arith.constant 0 : i32
      scf.yield %scan3A_1320 : i32
    }
    %scan3A_241 = arith.constant 16 : i32
    %scan3A_242 = arith.constant 0 : i32
    %scan3A_243 = arith.constant 0 : i32
    %scan3A_244 = arith.constant 80 : i32
    %scan3A_245 = arith.addi %scan3A_243, %scan3A_244 : i32
    %scan3A_246 = arith.constant 1 : i32
    %scan3A_247 = scf.for %scan3A_1313 = %scan3A_243 to %scan3A_245 step %scan3A_246 iter_args(%scan3A_1314 = %scan3A_242) -> (i32)  : i32 {
      %mul3A_1315 = arith.constant 16 : i32
      %mul3A_1316 = arith.muli %scan3A_1313, %mul3A_1315 : i32
      %get3A = arith.index_cast %mul3A_1316 : i32 to index
      %get3A_1317 = tpu.vector_load %arg8[%get3A] {strides = array<i32>} : memref<1280xi32, #tpu.memory_space<vmem>>, vector<16xi32>,
      %gather3A = tpu.vector_load_idx %arg7[%get3A_1317] : memref<20480xi32, #tpu.memory_space<vmem>>[vector<16xi32>], vector<16xi32>,
      %shift_right_logical3A = arith.constant 8 : i32
      %shift_right_logical3A_1318 = vector.broadcast %shift_right_logical3A : i32 to vector<16xi32>
      %shift_right_logical3A_1319 = arith.shrui %gather3A, %shift_right_logical3A_1318 : vector<16xi32>
      %and3A_1320 = arith.constant 255 : i32
      %and3A_1321 = vector.broadcast %and3A_1320 : i32 to vector<16xi32>
      %and3A_1322 = arith.andi %shift_right_logical3A_1319, %and3A_1321 : vector<16xi32>
      tpu.vector_store_idx %arg10[%and3A_1322], %broadcast_in_dim3A_1 {add = true} : memref<256xi32, #tpu.memory_space<vmem>>[vector<16xi32>], vector<16xi32>,
      %scan3A_1323 = arith.constant 0 : i32
      scf.yield %scan3A_1323 : i32
    }
    %scan3A_248 = arith.constant 80 : i32
    "tpu.region"() ({
      %run_scoped3A = tpu.sem_alloc : memref<!tpu.dma_semaphore, #tpu.memory_space<semaphore_mem>>
      %dma_start3A_1313 = arith.constant 0 : i32
      %dma_start3A_1314 = tpu.memref_slice %arg14[%arg1, %dma_start3A_1313] : memref<16x256xi32, #tpu.memory_space<vmem_shared>> -> memref<1x256xi32, #tpu.memory_space<vmem_shared>>
      %dma_start3A_1315 = tpu.memref_squeeze %dma_start3A_1314 : memref<1x256xi32, #tpu.memory_space<vmem_shared>> -> memref<256xi32, #tpu.memory_space<vmem_shared>>
      %dma_start3A_1316 = arith.constant 0 : i32
      %dma_start3A_1317 = tpu.memref_slice %arg14[%arg1, %dma_start3A_1316] : memref<16x256xi32, #tpu.memory_space<vmem_shared>> -> memref<1x256xi32, #tpu.memory_space<vmem_shared>>
      %dma_start3A_1318 = tpu.memref_squeeze %dma_start3A_1317 : memref<1x256xi32, #tpu.memory_space<vmem_shared>> -> memref<256xi32, #tpu.memory_space<vmem_shared>>
      tpu.enqueue_dma source(%arg10 : memref<256xi32, #tpu.memory_space<vmem>>) target(%dma_start3A_1318 : memref<256xi32, #tpu.memory_space<vmem_shared>>) target_semaphore(%run_scoped3A : memref<!tpu.dma_semaphore, #tpu.memory_space<semaphore_mem>>)
      %dma_wait3A_1319 = arith.constant 0 : i32
      %dma_wait3A_1320 = tpu.memref_slice %arg14[%arg1, %dma_wait3A_1319] : memref<16x256xi32, #tpu.memory_space<vmem_shared>> -> memref<1x256xi32, #tpu.memory_space<vmem_shared>>
      %dma_wait3A_1321 = tpu.memref_squeeze %dma_wait3A_1320 : memref<1x256xi32, #tpu.memory_space<vmem_shared>> -> memref<256xi32, #tpu.memory_space<vmem_shared>>
      %dma_wait3A_1322 = arith.constant 0 : i32
      %dma_wait3A_1323 = tpu.memref_slice %arg14[%arg1, %dma_wait3A_1322] : memref<16x256xi32, #tpu.memory_space<vmem_shared>> -> memref<1x256xi32, #tpu.memory_space<vmem_shared>>
      %dma_wait3A_1324 = tpu.memref_squeeze %dma_wait3A_1323 : memref<1x256xi32, #tpu.memory_space<vmem_shared>> -> memref<256xi32, #tpu.memory_space<vmem_shared>>
      tpu.wait_dma2 semaphore(%run_scoped3A : memref<!tpu.dma_semaphore, #tpu.memory_space<semaphore_mem>>) src(%arg10 : memref<256xi32, #tpu.memory_space<vmem>>) dst(%dma_wait3A_1324 : memref<256xi32, #tpu.memory_space<vmem_shared>>)
      tpu.yield
    }) : () -> ()
    %barrier3A_249 = arith.constant 0 : index
    tpu.barrier barrier_id(%barrier3A_249)
    "tpu.region"() ({
      %run_scoped3A = tpu.sem_alloc : memref<!tpu.dma_semaphore, #tpu.memory_space<semaphore_mem>>
      tpu.enqueue_dma source(%arg14 : memref<16x256xi32, #tpu.memory_space<vmem_shared>>) target(%arg12 : memref<16x256xi32, #tpu.memory_space<vmem>>) target_semaphore(%run_scoped3A : memref<!tpu.dma_semaphore, #tpu.memory_space<semaphore_mem>>)
      tpu.wait_dma2 semaphore(%run_scoped3A : memref<!tpu.dma_semaphore, #tpu.memory_space<semaphore_mem>>) src(%arg14 : memref<16x256xi32, #tpu.memory_space<vmem_shared>>) dst(%arg12 : memref<16x256xi32, #tpu.memory_space<vmem>>)
      tpu.yield
    }) : () -> ()
    %scan3A_250 = arith.constant 0 : i32
    %scan3A_251 = arith.constant 0 : i32
    %scan3A_252 = arith.constant 16 : i32
    %scan3A_253 = arith.addi %scan3A_251, %scan3A_252 : i32
    %scan3A_254 = arith.constant 1 : i32
    %scan3A_255 = scf.for %scan3A_1313 = %scan3A_251 to %scan3A_253 step %scan3A_254 iter_args(%scan3A_1314 = %scan3A_250) -> (i32)  : i32 {
      %broadcast_in_dim3A_1315 = arith.constant 0 : i32
      %broadcast_in_dim3A_1316 = vector.broadcast %broadcast_in_dim3A_1315 : i32 to vector<16xi32>
      %broadcast_in_dim3A_1317 = arith.constant 0 : i32
      %broadcast_in_dim3A_1318 = vector.broadcast %broadcast_in_dim3A_1317 : i32 to vector<16xi32>
      %scan3A_1319 = arith.constant 0 : i32
      %scan3A_1320 = arith.constant 16 : i32
      %scan3A_1321 = arith.addi %scan3A_1319, %scan3A_1320 : i32
      %scan3A_1322 = arith.constant 1 : i32
      %scan3A_1323:2 = scf.for %scan3A_1341 = %scan3A_1319 to %scan3A_1321 step %scan3A_1322 iter_args(%scan3A_1342 = %broadcast_in_dim3A_1316, %scan3A_1343 = %broadcast_in_dim3A_1318) -> (vector<16xi32>, vector<16xi32>)  : i32 {
        %mul3A_1344 = arith.constant 16 : i32
        %mul3A_1345 = arith.muli %scan3A_1313, %mul3A_1344 : i32
        %get3A = arith.index_cast %scan3A_1341 : i32 to index
        %get3A_1346 = arith.index_cast %mul3A_1345 : i32 to index
        %get3A_1347 = tpu.vector_load %arg12[%get3A, %get3A_1346] {strides = array<i32>} : memref<16x256xi32, #tpu.memory_space<vmem>>, vector<16xi32>,
        %add3A_1348 = arith.addi %scan3A_1342, %get3A_1347 : vector<16xi32>
        %lt3A_1349 = arith.cmpi slt, %scan3A_1341, %arg1 : i32
        %jit3A = arith.constant 0 : i32
        %broadcast_in_dim3A_1350 = vector.broadcast %jit3A : i32 to vector<16xi32>
        %select_n3A = arith.select %lt3A_1349, %get3A_1347, %broadcast_in_dim3A_1350 : vector<16xi32>
        %add3A_1351 = arith.addi %scan3A_1343, %select_n3A : vector<16xi32>
        scf.yield %add3A_1348, %add3A_1351 : vector<16xi32>, vector<16xi32>
      }
      %scan3A_1324 = arith.constant 16 : i32
      %broadcast_in_dim3A_1325 = arith.constant true
      %broadcast_in_dim3A_1326 = vector.broadcast %broadcast_in_dim3A_1325 : i1 to vector<16xi1>
      %masked_cumsum3A = tpu.scan <sum>, %scan3A_1323#0 masked %broadcast_in_dim3A_1326 : vector<16xi32>, vector<16xi1> -> vector<16xi32>
      %sub3A = arith.subi %masked_cumsum3A, %scan3A_1323#0 : vector<16xi32>
      %add3A_1327 = vector.broadcast %scan3A_1314 : i32 to vector<16xi32>
      %add3A_1328 = arith.addi %add3A_1327, %sub3A : vector<16xi32>
      %add3A_1329 = arith.addi %add3A_1328, %scan3A_1323#1 : vector<16xi32>
      %mul3A_1330 = arith.constant 16 : i32
      %mul3A_1331 = arith.muli %scan3A_1313, %mul3A_1330 : i32
      %swap3A = arith.index_cast %mul3A_1331 : i32 to index
      %swap3A_1332 = tpu.vector_load %arg11[%swap3A] {strides = array<i32>} : memref<256xi32, #tpu.memory_space<vmem>>, vector<16xi32>,
      tpu.vector_store %arg11[%swap3A], %add3A_1329 {strides = array<i32>} : memref<256xi32, #tpu.memory_space<vmem>>, vector<16xi32>,
      %reduce_max3A = arith.constant true
      %reduce_max3A_1333 = vector.broadcast %reduce_max3A : i1 to vector<16xi1>
      %reduce_max3A_1334 = arith.constant -2147483648 : i32
      %reduce_max3A_1335 = vector.broadcast %reduce_max3A_1334 : i32 to vector<16xi32>
      %reduce_max3A_1336 = arith.xori %masked_cumsum3A, %reduce_max3A_1335 : vector<16xi32>
      %reduce_max3A_1337 = tpu.scan <max>, %reduce_max3A_1336 masked %reduce_max3A_1333 : vector<16xi32>, vector<16xi1> -> vector<16xi32>
      %reduce_max3A_1338 = arith.xori %reduce_max3A_1337, %reduce_max3A_1335 : vector<16xi32>
      %reduce_max3A_1339 = vector.extract %reduce_max3A_1338[15] : i32 from vector<16xi32>
      %add3A_1340 = arith.addi %scan3A_1314, %reduce_max3A_1339 : i32
      scf.yield %add3A_1340 : i32
    }
    %scan3A_256 = arith.constant 16 : i32
    %scan3A_257 = arith.constant 0 : i32
    %scan3A_258 = arith.constant 0 : i32
    %scan3A_259 = arith.constant 80 : i32
    %scan3A_260 = arith.addi %scan3A_258, %scan3A_259 : i32
    %scan3A_261 = arith.constant 1 : i32
    %scan3A_262 = scf.for %scan3A_1313 = %scan3A_258 to %scan3A_260 step %scan3A_261 iter_args(%scan3A_1314 = %scan3A_257) -> (i32)  : i32 {
      %mul3A_1315 = arith.constant 16 : i32
      %mul3A_1316 = arith.muli %scan3A_1313, %mul3A_1315 : i32
      %get3A = arith.index_cast %mul3A_1316 : i32 to index
      %get3A_1317 = tpu.vector_load %arg8[%get3A] {strides = array<i32>} : memref<1280xi32, #tpu.memory_space<vmem>>, vector<16xi32>,
      %gather3A = tpu.vector_load_idx %arg7[%get3A_1317] : memref<20480xi32, #tpu.memory_space<vmem>>[vector<16xi32>], vector<16xi32>,
      %shift_right_logical3A = arith.constant 8 : i32
      %shift_right_logical3A_1318 = vector.broadcast %shift_right_logical3A : i32 to vector<16xi32>
      %shift_right_logical3A_1319 = arith.shrui %gather3A, %shift_right_logical3A_1318 : vector<16xi32>
      %and3A_1320 = arith.constant 255 : i32
      %and3A_1321 = vector.broadcast %and3A_1320 : i32 to vector<16xi32>
      %and3A_1322 = arith.andi %shift_right_logical3A_1319, %and3A_1321 : vector<16xi32>
      %gather3A_1323 = tpu.vector_load_idx %arg11[%and3A_1322] : memref<256xi32, #tpu.memory_space<vmem>>[vector<16xi32>], vector<16xi32>,
      %broadcast_in_dim3A_1324 = arith.constant true
      %broadcast_in_dim3A_1325 = vector.broadcast %broadcast_in_dim3A_1324 : i1 to vector<16xi1>
      %unique3A, %unique3A_1326 = tpu.scan_count mask(%broadcast_in_dim3A_1325 : vector<16xi1>) value(%and3A_1322 : vector<16xi32>) : vector<16xi1>, vector<16xi32>
      %add3A_1327 = arith.addi %gather3A_1323, %unique3A_1326 : vector<16xi32>
      %sub3A = arith.constant 1 : i32
      %sub3A_1328 = vector.broadcast %sub3A : i32 to vector<16xi32>
      %sub3A_1329 = arith.subi %add3A_1327, %sub3A_1328 : vector<16xi32>
      %jit3A = arith.constant 8 : i32
      %div3A = arith.divsi %scan3A_1313, %jit3A : i32
      %sign3A = arith.constant 0 : i32
      %sign3A_1330 = arith.cmpi sgt, %scan3A_1313, %sign3A : i32
      %sign3A_1331 = arith.extui %sign3A_1330 : i1 to i32
      %sign3A_1332 = arith.constant 0 : i32
      %sign3A_1333 = arith.cmpi slt, %scan3A_1313, %sign3A_1332 : i32
      %sign3A_1334 = arith.extui %sign3A_1333 : i1 to i32
      %sign3A_1335 = arith.subi %sign3A_1331, %sign3A_1334 : i32
      %sign3A_1336 = arith.constant 0 : i32
      %sign3A_1337 = arith.cmpi sgt, %jit3A, %sign3A_1336 : i32
      %sign3A_1338 = arith.extui %sign3A_1337 : i1 to i32
      %sign3A_1339 = arith.constant 0 : i32
      %sign3A_1340 = arith.cmpi slt, %jit3A, %sign3A_1339 : i32
      %sign3A_1341 = arith.extui %sign3A_1340 : i1 to i32
      %sign3A_1342 = arith.subi %sign3A_1338, %sign3A_1341 : i32
      %ne3A = arith.cmpi ne, %sign3A_1335, %sign3A_1342 : i32
      %rem3A = arith.remsi %scan3A_1313, %jit3A : i32
      %ne3A_1343 = arith.constant 0 : i32
      %ne3A_1344 = arith.cmpi ne, %rem3A, %ne3A_1343 : i32
      %and3A_1345 = arith.andi %ne3A, %ne3A_1344 : i1
      %sub3A_1346 = arith.constant 1 : i32
      %sub3A_1347 = arith.subi %div3A, %sub3A_1346 : i32
      %select_n3A = arith.select %and3A_1345, %sub3A_1347, %div3A : i32
      %jit3A_1348 = arith.constant 8 : i32
      %eq3A_1349 = arith.constant 0 : i32
      %eq3A_1350 = arith.cmpi eq, %jit3A_1348, %eq3A_1349 : i32
      %jit3A_1351 = arith.constant 1 : i32
      %select_n3A_1352 = arith.select %eq3A_1350, %jit3A_1351, %jit3A_1348 : i32
      %rem3A_1353 = arith.remsi %scan3A_1313, %select_n3A_1352 : i32
      %ne3A_1354 = arith.constant 0 : i32
      %ne3A_1355 = arith.cmpi ne, %rem3A_1353, %ne3A_1354 : i32
      %lt3A_1356 = arith.constant 0 : i32
      %lt3A_1357 = arith.cmpi slt, %rem3A_1353, %lt3A_1356 : i32
      %lt3A_1358 = arith.constant 0 : i32
      %lt3A_1359 = arith.cmpi slt, %select_n3A_1352, %lt3A_1358 : i32
      %ne3A_1360 = arith.xori %lt3A_1357, %lt3A_1359 : i1
      %and3A_1361 = arith.andi %ne3A_1360, %ne3A_1355 : i1
      %add3A_1362 = arith.addi %rem3A_1353, %select_n3A_1352 : i32
      %select_n3A_1363 = arith.select %and3A_1361, %add3A_1362, %rem3A_1353 : i32
      %mul3A_1364 = arith.constant 16 : i32
      %mul3A_1365 = arith.muli %select_n3A_1363, %mul3A_1364 : i32
      %swap3A = arith.index_cast %select_n3A : i32 to index
      %swap3A_1366 = arith.index_cast %mul3A_1365 : i32 to index
      %swap3A_1367 = tpu.vector_load %arg9[%swap3A, %swap3A_1366] {strides = array<i32>} : memref<30x128xi32, #tpu.memory_space<vmem>>, vector<16xi32>,
      tpu.vector_store %arg9[%swap3A, %swap3A_1366], %sub3A_1329 {strides = array<i32>} : memref<30x128xi32, #tpu.memory_space<vmem>>, vector<16xi32>,
      tpu.vector_store_idx %arg11[%and3A_1322], %broadcast_in_dim3A_1 {add = true} : memref<256xi32, #tpu.memory_space<vmem>>[vector<16xi32>], vector<16xi32>,
      %scan3A_1368 = arith.constant 0 : i32
      scf.yield %scan3A_1368 : i32
    }
    %scan3A_263 = arith.constant 80 : i32
    %dma_start3A_264 = arith.constant 0 : i32
    %dma_start3A_265 = arith.constant 0 : i32
    %dma_start3A_266 = tpu.memref_slice %arg8[%dma_start3A_265] : memref<1280xi32, #tpu.memory_space<vmem>> -> memref<128xi32, #tpu.memory_space<vmem>>
    %dma_start3A_267 = arith.constant 0 : i32
    %dma_start3A_268 = tpu.memref_slice %arg9[%dma_start3A_264, %dma_start3A_267] : memref<30x128xi32, #tpu.memory_space<vmem>> -> memref<1x128xi32, #tpu.memory_space<vmem>>
    %dma_start3A_269 = tpu.memref_squeeze %dma_start3A_268 : memref<1x128xi32, #tpu.memory_space<vmem>> -> memref<128xi32, #tpu.memory_space<vmem>>
    %dma_start3A_270 = arith.constant 0 : i32
    %dma_start3A_271 = tpu.memref_slice %arg17[%dma_start3A_270] : memref<20480xi32, #tpu.memory_space<vmem_shared>> -> memref<20480xi32, #tpu.memory_space<vmem_shared>>
    tpu.enqueue_indirect_dma source(%dma_start3A_266 : memref<128xi32, #tpu.memory_space<vmem>>) target(%dma_start3A_271 : memref<20480xi32, #tpu.memory_space<vmem_shared>>) offsets(%dma_start3A_269 : memref<128xi32, #tpu.memory_space<vmem>>) semaphore(%arg19 : memref<!tpu.dma_semaphore, #tpu.memory_space<semaphore_mem>>)
    %dma_start3A_272 = arith.constant 1 : i32
    %dma_start3A_273 = arith.constant 128 : i32
    %dma_start3A_274 = tpu.memref_slice %arg8[%dma_start3A_273] : memref<1280xi32, #tpu.memory_space<vmem>> -> memref<128xi32, #tpu.memory_space<vmem>>
    %dma_start3A_275 = arith.constant 0 : i32
    %dma_start3A_276 = tpu.memref_slice %arg9[%dma_start3A_272, %dma_start3A_275] : memref<30x128xi32, #tpu.memory_space<vmem>> -> memref<1x128xi32, #tpu.memory_space<vmem>>
    %dma_start3A_277 = tpu.memref_squeeze %dma_start3A_276 : memref<1x128xi32, #tpu.memory_space<vmem>> -> memref<128xi32, #tpu.memory_space<vmem>>
    %dma_start3A_278 = arith.constant 0 : i32
    %dma_start3A_279 = tpu.memref_slice %arg17[%dma_start3A_278] : memref<20480xi32, #tpu.memory_space<vmem_shared>> -> memref<20480xi32, #tpu.memory_space<vmem_shared>>
    tpu.enqueue_indirect_dma source(%dma_start3A_274 : memref<128xi32, #tpu.memory_space<vmem>>) target(%dma_start3A_279 : memref<20480xi32, #tpu.memory_space<vmem_shared>>) offsets(%dma_start3A_277 : memref<128xi32, #tpu.memory_space<vmem>>) semaphore(%arg19 : memref<!tpu.dma_semaphore, #tpu.memory_space<semaphore_mem>>)
    %dma_start3A_280 = arith.constant 2 : i32
    %dma_start3A_281 = arith.constant 256 : i32
    %dma_start3A_282 = tpu.memref_slice %arg8[%dma_start3A_281] : memref<1280xi32, #tpu.memory_space<vmem>> -> memref<128xi32, #tpu.memory_space<vmem>>
    %dma_start3A_283 = arith.constant 0 : i32
    %dma_start3A_284 = tpu.memref_slice %arg9[%dma_start3A_280, %dma_start3A_283] : memref<30x128xi32, #tpu.memory_space<vmem>> -> memref<1x128xi32, #tpu.memory_space<vmem>>
    %dma_start3A_285 = tpu.memref_squeeze %dma_start3A_284 : memref<1x128xi32, #tpu.memory_space<vmem>> -> memref<128xi32, #tpu.memory_space<vmem>>
    %dma_start3A_286 = arith.constant 0 : i32
    %dma_start3A_287 = tpu.memref_slice %arg17[%dma_start3A_286] : memref<20480xi32, #tpu.memory_space<vmem_shared>> -> memref<20480xi32, #tpu.memory_space<vmem_shared>>
    tpu.enqueue_indirect_dma source(%dma_start3A_282 : memref<128xi32, #tpu.memory_space<vmem>>) target(%dma_start3A_287 : memref<20480xi32, #tpu.memory_space<vmem_shared>>) offsets(%dma_start3A_285 : memref<128xi32, #tpu.memory_space<vmem>>) semaphore(%arg19 : memref<!tpu.dma_semaphore, #tpu.memory_space<semaphore_mem>>)
    %dma_start3A_288 = arith.constant 3 : i32
    %dma_start3A_289 = arith.constant 384 : i32
    %dma_start3A_290 = tpu.memref_slice %arg8[%dma_start3A_289] : memref<1280xi32, #tpu.memory_space<vmem>> -> memref<128xi32, #tpu.memory_space<vmem>>
    %dma_start3A_291 = arith.constant 0 : i32
    %dma_start3A_292 = tpu.memref_slice %arg9[%dma_start3A_288, %dma_start3A_291] : memref<30x128xi32, #tpu.memory_space<vmem>> -> memref<1x128xi32, #tpu.memory_space<vmem>>
    %dma_start3A_293 = tpu.memref_squeeze %dma_start3A_292 : memref<1x128xi32, #tpu.memory_space<vmem>> -> memref<128xi32, #tpu.memory_space<vmem>>
    %dma_start3A_294 = arith.constant 0 : i32
    %dma_start3A_295 = tpu.memref_slice %arg17[%dma_start3A_294] : memref<20480xi32, #tpu.memory_space<vmem_shared>> -> memref<20480xi32, #tpu.memory_space<vmem_shared>>
    tpu.enqueue_indirect_dma source(%dma_start3A_290 : memref<128xi32, #tpu.memory_space<vmem>>) target(%dma_start3A_295 : memref<20480xi32, #tpu.memory_space<vmem_shared>>) offsets(%dma_start3A_293 : memref<128xi32, #tpu.memory_space<vmem>>) semaphore(%arg19 : memref<!tpu.dma_semaphore, #tpu.memory_space<semaphore_mem>>)
    %dma_start3A_296 = arith.constant 4 : i32
    %dma_start3A_297 = arith.constant 512 : i32
    %dma_start3A_298 = tpu.memref_slice %arg8[%dma_start3A_297] : memref<1280xi32, #tpu.memory_space<vmem>> -> memref<128xi32, #tpu.memory_space<vmem>>
    %dma_start3A_299 = arith.constant 0 : i32
    %dma_start3A_300 = tpu.memref_slice %arg9[%dma_start3A_296, %dma_start3A_299] : memref<30x128xi32, #tpu.memory_space<vmem>> -> memref<1x128xi32, #tpu.memory_space<vmem>>
    %dma_start3A_301 = tpu.memref_squeeze %dma_start3A_300 : memref<1x128xi32, #tpu.memory_space<vmem>> -> memref<128xi32, #tpu.memory_space<vmem>>
    %dma_start3A_302 = arith.constant 0 : i32
    %dma_start3A_303 = tpu.memref_slice %arg17[%dma_start3A_302] : memref<20480xi32, #tpu.memory_space<vmem_shared>> -> memref<20480xi32, #tpu.memory_space<vmem_shared>>
    tpu.enqueue_indirect_dma source(%dma_start3A_298 : memref<128xi32, #tpu.memory_space<vmem>>) target(%dma_start3A_303 : memref<20480xi32, #tpu.memory_space<vmem_shared>>) offsets(%dma_start3A_301 : memref<128xi32, #tpu.memory_space<vmem>>) semaphore(%arg19 : memref<!tpu.dma_semaphore, #tpu.memory_space<semaphore_mem>>)
    %dma_start3A_304 = arith.constant 5 : i32
    %dma_start3A_305 = arith.constant 640 : i32
    %dma_start3A_306 = tpu.memref_slice %arg8[%dma_start3A_305] : memref<1280xi32, #tpu.memory_space<vmem>> -> memref<128xi32, #tpu.memory_space<vmem>>
    %dma_start3A_307 = arith.constant 0 : i32
    %dma_start3A_308 = tpu.memref_slice %arg9[%dma_start3A_304, %dma_start3A_307] : memref<30x128xi32, #tpu.memory_space<vmem>> -> memref<1x128xi32, #tpu.memory_space<vmem>>
    %dma_start3A_309 = tpu.memref_squeeze %dma_start3A_308 : memref<1x128xi32, #tpu.memory_space<vmem>> -> memref<128xi32, #tpu.memory_space<vmem>>
    %dma_start3A_310 = arith.constant 0 : i32
    %dma_start3A_311 = tpu.memref_slice %arg17[%dma_start3A_310] : memref<20480xi32, #tpu.memory_space<vmem_shared>> -> memref<20480xi32, #tpu.memory_space<vmem_shared>>
    tpu.enqueue_indirect_dma source(%dma_start3A_306 : memref<128xi32, #tpu.memory_space<vmem>>) target(%dma_start3A_311 : memref<20480xi32, #tpu.memory_space<vmem_shared>>) offsets(%dma_start3A_309 : memref<128xi32, #tpu.memory_space<vmem>>) semaphore(%arg19 : memref<!tpu.dma_semaphore, #tpu.memory_space<semaphore_mem>>)
    %dma_start3A_312 = arith.constant 6 : i32
    %dma_start3A_313 = arith.constant 768 : i32
    %dma_start3A_314 = tpu.memref_slice %arg8[%dma_start3A_313] : memref<1280xi32, #tpu.memory_space<vmem>> -> memref<128xi32, #tpu.memory_space<vmem>>
    %dma_start3A_315 = arith.constant 0 : i32
    %dma_start3A_316 = tpu.memref_slice %arg9[%dma_start3A_312, %dma_start3A_315] : memref<30x128xi32, #tpu.memory_space<vmem>> -> memref<1x128xi32, #tpu.memory_space<vmem>>
    %dma_start3A_317 = tpu.memref_squeeze %dma_start3A_316 : memref<1x128xi32, #tpu.memory_space<vmem>> -> memref<128xi32, #tpu.memory_space<vmem>>
    %dma_start3A_318 = arith.constant 0 : i32
    %dma_start3A_319 = tpu.memref_slice %arg17[%dma_start3A_318] : memref<20480xi32, #tpu.memory_space<vmem_shared>> -> memref<20480xi32, #tpu.memory_space<vmem_shared>>
    tpu.enqueue_indirect_dma source(%dma_start3A_314 : memref<128xi32, #tpu.memory_space<vmem>>) target(%dma_start3A_319 : memref<20480xi32, #tpu.memory_space<vmem_shared>>) offsets(%dma_start3A_317 : memref<128xi32, #tpu.memory_space<vmem>>) semaphore(%arg19 : memref<!tpu.dma_semaphore, #tpu.memory_space<semaphore_mem>>)
    %dma_start3A_320 = arith.constant 7 : i32
    %dma_start3A_321 = arith.constant 896 : i32
    %dma_start3A_322 = tpu.memref_slice %arg8[%dma_start3A_321] : memref<1280xi32, #tpu.memory_space<vmem>> -> memref<128xi32, #tpu.memory_space<vmem>>
    %dma_start3A_323 = arith.constant 0 : i32
    %dma_start3A_324 = tpu.memref_slice %arg9[%dma_start3A_320, %dma_start3A_323] : memref<30x128xi32, #tpu.memory_space<vmem>> -> memref<1x128xi32, #tpu.memory_space<vmem>>
    %dma_start3A_325 = tpu.memref_squeeze %dma_start3A_324 : memref<1x128xi32, #tpu.memory_space<vmem>> -> memref<128xi32, #tpu.memory_space<vmem>>
    %dma_start3A_326 = arith.constant 0 : i32
    %dma_start3A_327 = tpu.memref_slice %arg17[%dma_start3A_326] : memref<20480xi32, #tpu.memory_space<vmem_shared>> -> memref<20480xi32, #tpu.memory_space<vmem_shared>>
    tpu.enqueue_indirect_dma source(%dma_start3A_322 : memref<128xi32, #tpu.memory_space<vmem>>) target(%dma_start3A_327 : memref<20480xi32, #tpu.memory_space<vmem_shared>>) offsets(%dma_start3A_325 : memref<128xi32, #tpu.memory_space<vmem>>) semaphore(%arg19 : memref<!tpu.dma_semaphore, #tpu.memory_space<semaphore_mem>>)
    %dma_start3A_328 = arith.constant 8 : i32
    %dma_start3A_329 = arith.constant 1024 : i32
    %dma_start3A_330 = tpu.memref_slice %arg8[%dma_start3A_329] : memref<1280xi32, #tpu.memory_space<vmem>> -> memref<128xi32, #tpu.memory_space<vmem>>
    %dma_start3A_331 = arith.constant 0 : i32
    %dma_start3A_332 = tpu.memref_slice %arg9[%dma_start3A_328, %dma_start3A_331] : memref<30x128xi32, #tpu.memory_space<vmem>> -> memref<1x128xi32, #tpu.memory_space<vmem>>
    %dma_start3A_333 = tpu.memref_squeeze %dma_start3A_332 : memref<1x128xi32, #tpu.memory_space<vmem>> -> memref<128xi32, #tpu.memory_space<vmem>>
    %dma_start3A_334 = arith.constant 0 : i32
    %dma_start3A_335 = tpu.memref_slice %arg17[%dma_start3A_334] : memref<20480xi32, #tpu.memory_space<vmem_shared>> -> memref<20480xi32, #tpu.memory_space<vmem_shared>>
    tpu.enqueue_indirect_dma source(%dma_start3A_330 : memref<128xi32, #tpu.memory_space<vmem>>) target(%dma_start3A_335 : memref<20480xi32, #tpu.memory_space<vmem_shared>>) offsets(%dma_start3A_333 : memref<128xi32, #tpu.memory_space<vmem>>) semaphore(%arg19 : memref<!tpu.dma_semaphore, #tpu.memory_space<semaphore_mem>>)
    %dma_start3A_336 = arith.constant 9 : i32
    %dma_start3A_337 = arith.constant 1152 : i32
    %dma_start3A_338 = tpu.memref_slice %arg8[%dma_start3A_337] : memref<1280xi32, #tpu.memory_space<vmem>> -> memref<128xi32, #tpu.memory_space<vmem>>
    %dma_start3A_339 = arith.constant 0 : i32
    %dma_start3A_340 = tpu.memref_slice %arg9[%dma_start3A_336, %dma_start3A_339] : memref<30x128xi32, #tpu.memory_space<vmem>> -> memref<1x128xi32, #tpu.memory_space<vmem>>
    %dma_start3A_341 = tpu.memref_squeeze %dma_start3A_340 : memref<1x128xi32, #tpu.memory_space<vmem>> -> memref<128xi32, #tpu.memory_space<vmem>>
    %dma_start3A_342 = arith.constant 0 : i32
    %dma_start3A_343 = tpu.memref_slice %arg17[%dma_start3A_342] : memref<20480xi32, #tpu.memory_space<vmem_shared>> -> memref<20480xi32, #tpu.memory_space<vmem_shared>>
    tpu.enqueue_indirect_dma source(%dma_start3A_338 : memref<128xi32, #tpu.memory_space<vmem>>) target(%dma_start3A_343 : memref<20480xi32, #tpu.memory_space<vmem_shared>>) offsets(%dma_start3A_341 : memref<128xi32, #tpu.memory_space<vmem>>) semaphore(%arg19 : memref<!tpu.dma_semaphore, #tpu.memory_space<semaphore_mem>>)
    %dma_wait3A_344 = arith.constant 0 : i32
    %dma_wait3A_345 = arith.constant 0 : i32
    %dma_wait3A_346 = tpu.memref_slice %arg8[%dma_wait3A_345] : memref<1280xi32, #tpu.memory_space<vmem>> -> memref<128xi32, #tpu.memory_space<vmem>>
    %dma_wait3A_347 = arith.constant 0 : i32
    %dma_wait3A_348 = tpu.memref_slice %arg9[%dma_wait3A_344, %dma_wait3A_347] : memref<30x128xi32, #tpu.memory_space<vmem>> -> memref<1x128xi32, #tpu.memory_space<vmem>>
    %dma_wait3A_349 = tpu.memref_squeeze %dma_wait3A_348 : memref<1x128xi32, #tpu.memory_space<vmem>> -> memref<128xi32, #tpu.memory_space<vmem>>
    %dma_wait3A_350 = arith.constant 0 : i32
    %dma_wait3A_351 = tpu.memref_slice %arg17[%dma_wait3A_350] : memref<20480xi32, #tpu.memory_space<vmem_shared>> -> memref<20480xi32, #tpu.memory_space<vmem_shared>>
    tpu.wait_indirect_dma semaphore(%arg19 : memref<!tpu.dma_semaphore, #tpu.memory_space<semaphore_mem>>) src(%dma_wait3A_346 : memref<128xi32, #tpu.memory_space<vmem>>) dst(%dma_wait3A_351 : memref<20480xi32, #tpu.memory_space<vmem_shared>>)
    %dma_wait3A_352 = arith.constant 1 : i32
    %dma_wait3A_353 = arith.constant 128 : i32
    %dma_wait3A_354 = tpu.memref_slice %arg8[%dma_wait3A_353] : memref<1280xi32, #tpu.memory_space<vmem>> -> memref<128xi32, #tpu.memory_space<vmem>>
    %dma_wait3A_355 = arith.constant 0 : i32
    %dma_wait3A_356 = tpu.memref_slice %arg9[%dma_wait3A_352, %dma_wait3A_355] : memref<30x128xi32, #tpu.memory_space<vmem>> -> memref<1x128xi32, #tpu.memory_space<vmem>>
    %dma_wait3A_357 = tpu.memref_squeeze %dma_wait3A_356 : memref<1x128xi32, #tpu.memory_space<vmem>> -> memref<128xi32, #tpu.memory_space<vmem>>
    %dma_wait3A_358 = arith.constant 0 : i32
    %dma_wait3A_359 = tpu.memref_slice %arg17[%dma_wait3A_358] : memref<20480xi32, #tpu.memory_space<vmem_shared>> -> memref<20480xi32, #tpu.memory_space<vmem_shared>>
    tpu.wait_indirect_dma semaphore(%arg19 : memref<!tpu.dma_semaphore, #tpu.memory_space<semaphore_mem>>) src(%dma_wait3A_354 : memref<128xi32, #tpu.memory_space<vmem>>) dst(%dma_wait3A_359 : memref<20480xi32, #tpu.memory_space<vmem_shared>>)
    %dma_wait3A_360 = arith.constant 2 : i32
    %dma_wait3A_361 = arith.constant 256 : i32
    %dma_wait3A_362 = tpu.memref_slice %arg8[%dma_wait3A_361] : memref<1280xi32, #tpu.memory_space<vmem>> -> memref<128xi32, #tpu.memory_space<vmem>>
    %dma_wait3A_363 = arith.constant 0 : i32
    %dma_wait3A_364 = tpu.memref_slice %arg9[%dma_wait3A_360, %dma_wait3A_363] : memref<30x128xi32, #tpu.memory_space<vmem>> -> memref<1x128xi32, #tpu.memory_space<vmem>>
    %dma_wait3A_365 = tpu.memref_squeeze %dma_wait3A_364 : memref<1x128xi32, #tpu.memory_space<vmem>> -> memref<128xi32, #tpu.memory_space<vmem>>
    %dma_wait3A_366 = arith.constant 0 : i32
    %dma_wait3A_367 = tpu.memref_slice %arg17[%dma_wait3A_366] : memref<20480xi32, #tpu.memory_space<vmem_shared>> -> memref<20480xi32, #tpu.memory_space<vmem_shared>>
    tpu.wait_indirect_dma semaphore(%arg19 : memref<!tpu.dma_semaphore, #tpu.memory_space<semaphore_mem>>) src(%dma_wait3A_362 : memref<128xi32, #tpu.memory_space<vmem>>) dst(%dma_wait3A_367 : memref<20480xi32, #tpu.memory_space<vmem_shared>>)
    %dma_wait3A_368 = arith.constant 3 : i32
    %dma_wait3A_369 = arith.constant 384 : i32
    %dma_wait3A_370 = tpu.memref_slice %arg8[%dma_wait3A_369] : memref<1280xi32, #tpu.memory_space<vmem>> -> memref<128xi32, #tpu.memory_space<vmem>>
    %dma_wait3A_371 = arith.constant 0 : i32
    %dma_wait3A_372 = tpu.memref_slice %arg9[%dma_wait3A_368, %dma_wait3A_371] : memref<30x128xi32, #tpu.memory_space<vmem>> -> memref<1x128xi32, #tpu.memory_space<vmem>>
    %dma_wait3A_373 = tpu.memref_squeeze %dma_wait3A_372 : memref<1x128xi32, #tpu.memory_space<vmem>> -> memref<128xi32, #tpu.memory_space<vmem>>
    %dma_wait3A_374 = arith.constant 0 : i32
    %dma_wait3A_375 = tpu.memref_slice %arg17[%dma_wait3A_374] : memref<20480xi32, #tpu.memory_space<vmem_shared>> -> memref<20480xi32, #tpu.memory_space<vmem_shared>>
    tpu.wait_indirect_dma semaphore(%arg19 : memref<!tpu.dma_semaphore, #tpu.memory_space<semaphore_mem>>) src(%dma_wait3A_370 : memref<128xi32, #tpu.memory_space<vmem>>) dst(%dma_wait3A_375 : memref<20480xi32, #tpu.memory_space<vmem_shared>>)
    %dma_wait3A_376 = arith.constant 4 : i32
    %dma_wait3A_377 = arith.constant 512 : i32
    %dma_wait3A_378 = tpu.memref_slice %arg8[%dma_wait3A_377] : memref<1280xi32, #tpu.memory_space<vmem>> -> memref<128xi32, #tpu.memory_space<vmem>>
    %dma_wait3A_379 = arith.constant 0 : i32
    %dma_wait3A_380 = tpu.memref_slice %arg9[%dma_wait3A_376, %dma_wait3A_379] : memref<30x128xi32, #tpu.memory_space<vmem>> -> memref<1x128xi32, #tpu.memory_space<vmem>>
    %dma_wait3A_381 = tpu.memref_squeeze %dma_wait3A_380 : memref<1x128xi32, #tpu.memory_space<vmem>> -> memref<128xi32, #tpu.memory_space<vmem>>
    %dma_wait3A_382 = arith.constant 0 : i32
    %dma_wait3A_383 = tpu.memref_slice %arg17[%dma_wait3A_382] : memref<20480xi32, #tpu.memory_space<vmem_shared>> -> memref<20480xi32, #tpu.memory_space<vmem_shared>>
    tpu.wait_indirect_dma semaphore(%arg19 : memref<!tpu.dma_semaphore, #tpu.memory_space<semaphore_mem>>) src(%dma_wait3A_378 : memref<128xi32, #tpu.memory_space<vmem>>) dst(%dma_wait3A_383 : memref<20480xi32, #tpu.memory_space<vmem_shared>>)
    %dma_wait3A_384 = arith.constant 5 : i32
    %dma_wait3A_385 = arith.constant 640 : i32
    %dma_wait3A_386 = tpu.memref_slice %arg8[%dma_wait3A_385] : memref<1280xi32, #tpu.memory_space<vmem>> -> memref<128xi32, #tpu.memory_space<vmem>>
    %dma_wait3A_387 = arith.constant 0 : i32
    %dma_wait3A_388 = tpu.memref_slice %arg9[%dma_wait3A_384, %dma_wait3A_387] : memref<30x128xi32, #tpu.memory_space<vmem>> -> memref<1x128xi32, #tpu.memory_space<vmem>>
    %dma_wait3A_389 = tpu.memref_squeeze %dma_wait3A_388 : memref<1x128xi32, #tpu.memory_space<vmem>> -> memref<128xi32, #tpu.memory_space<vmem>>
    %dma_wait3A_390 = arith.constant 0 : i32
    %dma_wait3A_391 = tpu.memref_slice %arg17[%dma_wait3A_390] : memref<20480xi32, #tpu.memory_space<vmem_shared>> -> memref<20480xi32, #tpu.memory_space<vmem_shared>>
    tpu.wait_indirect_dma semaphore(%arg19 : memref<!tpu.dma_semaphore, #tpu.memory_space<semaphore_mem>>) src(%dma_wait3A_386 : memref<128xi32, #tpu.memory_space<vmem>>) dst(%dma_wait3A_391 : memref<20480xi32, #tpu.memory_space<vmem_shared>>)
    %dma_wait3A_392 = arith.constant 6 : i32
    %dma_wait3A_393 = arith.constant 768 : i32
    %dma_wait3A_394 = tpu.memref_slice %arg8[%dma_wait3A_393] : memref<1280xi32, #tpu.memory_space<vmem>> -> memref<128xi32, #tpu.memory_space<vmem>>
    %dma_wait3A_395 = arith.constant 0 : i32
    %dma_wait3A_396 = tpu.memref_slice %arg9[%dma_wait3A_392, %dma_wait3A_395] : memref<30x128xi32, #tpu.memory_space<vmem>> -> memref<1x128xi32, #tpu.memory_space<vmem>>
    %dma_wait3A_397 = tpu.memref_squeeze %dma_wait3A_396 : memref<1x128xi32, #tpu.memory_space<vmem>> -> memref<128xi32, #tpu.memory_space<vmem>>
    %dma_wait3A_398 = arith.constant 0 : i32
    %dma_wait3A_399 = tpu.memref_slice %arg17[%dma_wait3A_398] : memref<20480xi32, #tpu.memory_space<vmem_shared>> -> memref<20480xi32, #tpu.memory_space<vmem_shared>>
    tpu.wait_indirect_dma semaphore(%arg19 : memref<!tpu.dma_semaphore, #tpu.memory_space<semaphore_mem>>) src(%dma_wait3A_394 : memref<128xi32, #tpu.memory_space<vmem>>) dst(%dma_wait3A_399 : memref<20480xi32, #tpu.memory_space<vmem_shared>>)
    %dma_wait3A_400 = arith.constant 7 : i32
    %dma_wait3A_401 = arith.constant 896 : i32
    %dma_wait3A_402 = tpu.memref_slice %arg8[%dma_wait3A_401] : memref<1280xi32, #tpu.memory_space<vmem>> -> memref<128xi32, #tpu.memory_space<vmem>>
    %dma_wait3A_403 = arith.constant 0 : i32
    %dma_wait3A_404 = tpu.memref_slice %arg9[%dma_wait3A_400, %dma_wait3A_403] : memref<30x128xi32, #tpu.memory_space<vmem>> -> memref<1x128xi32, #tpu.memory_space<vmem>>
    %dma_wait3A_405 = tpu.memref_squeeze %dma_wait3A_404 : memref<1x128xi32, #tpu.memory_space<vmem>> -> memref<128xi32, #tpu.memory_space<vmem>>
    %dma_wait3A_406 = arith.constant 0 : i32
    %dma_wait3A_407 = tpu.memref_slice %arg17[%dma_wait3A_406] : memref<20480xi32, #tpu.memory_space<vmem_shared>> -> memref<20480xi32, #tpu.memory_space<vmem_shared>>
    tpu.wait_indirect_dma semaphore(%arg19 : memref<!tpu.dma_semaphore, #tpu.memory_space<semaphore_mem>>) src(%dma_wait3A_402 : memref<128xi32, #tpu.memory_space<vmem>>) dst(%dma_wait3A_407 : memref<20480xi32, #tpu.memory_space<vmem_shared>>)
    %dma_wait3A_408 = arith.constant 8 : i32
    %dma_wait3A_409 = arith.constant 1024 : i32
    %dma_wait3A_410 = tpu.memref_slice %arg8[%dma_wait3A_409] : memref<1280xi32, #tpu.memory_space<vmem>> -> memref<128xi32, #tpu.memory_space<vmem>>
    %dma_wait3A_411 = arith.constant 0 : i32
    %dma_wait3A_412 = tpu.memref_slice %arg9[%dma_wait3A_408, %dma_wait3A_411] : memref<30x128xi32, #tpu.memory_space<vmem>> -> memref<1x128xi32, #tpu.memory_space<vmem>>
    %dma_wait3A_413 = tpu.memref_squeeze %dma_wait3A_412 : memref<1x128xi32, #tpu.memory_space<vmem>> -> memref<128xi32, #tpu.memory_space<vmem>>
    %dma_wait3A_414 = arith.constant 0 : i32
    %dma_wait3A_415 = tpu.memref_slice %arg17[%dma_wait3A_414] : memref<20480xi32, #tpu.memory_space<vmem_shared>> -> memref<20480xi32, #tpu.memory_space<vmem_shared>>
    tpu.wait_indirect_dma semaphore(%arg19 : memref<!tpu.dma_semaphore, #tpu.memory_space<semaphore_mem>>) src(%dma_wait3A_410 : memref<128xi32, #tpu.memory_space<vmem>>) dst(%dma_wait3A_415 : memref<20480xi32, #tpu.memory_space<vmem_shared>>)
    %dma_wait3A_416 = arith.constant 9 : i32
    %dma_wait3A_417 = arith.constant 1152 : i32
    %dma_wait3A_418 = tpu.memref_slice %arg8[%dma_wait3A_417] : memref<1280xi32, #tpu.memory_space<vmem>> -> memref<128xi32, #tpu.memory_space<vmem>>
    %dma_wait3A_419 = arith.constant 0 : i32
    %dma_wait3A_420 = tpu.memref_slice %arg9[%dma_wait3A_416, %dma_wait3A_419] : memref<30x128xi32, #tpu.memory_space<vmem>> -> memref<1x128xi32, #tpu.memory_space<vmem>>
    %dma_wait3A_421 = tpu.memref_squeeze %dma_wait3A_420 : memref<1x128xi32, #tpu.memory_space<vmem>> -> memref<128xi32, #tpu.memory_space<vmem>>
    %dma_wait3A_422 = arith.constant 0 : i32
    %dma_wait3A_423 = tpu.memref_slice %arg17[%dma_wait3A_422] : memref<20480xi32, #tpu.memory_space<vmem_shared>> -> memref<20480xi32, #tpu.memory_space<vmem_shared>>
    tpu.wait_indirect_dma semaphore(%arg19 : memref<!tpu.dma_semaphore, #tpu.memory_space<semaphore_mem>>) src(%dma_wait3A_418 : memref<128xi32, #tpu.memory_space<vmem>>) dst(%dma_wait3A_423 : memref<20480xi32, #tpu.memory_space<vmem_shared>>)
    %barrier3A_424 = arith.constant 0 : index
    tpu.barrier barrier_id(%barrier3A_424)
    "tpu.region"() ({
      %run_scoped3A = tpu.sem_alloc : memref<!tpu.dma_semaphore, #tpu.memory_space<semaphore_mem>>
      %dma_start3A_1313 = tpu.memref_slice %arg17[%mul3A_0] : memref<20480xi32, #tpu.memory_space<vmem_shared>> -> memref<1280xi32, #tpu.memory_space<vmem_shared>>
      %dma_start3A_1314 = tpu.memref_slice %arg17[%mul3A_0] : memref<20480xi32, #tpu.memory_space<vmem_shared>> -> memref<1280xi32, #tpu.memory_space<vmem_shared>>
      tpu.enqueue_dma source(%dma_start3A_1314 : memref<1280xi32, #tpu.memory_space<vmem_shared>>) target(%arg8 : memref<1280xi32, #tpu.memory_space<vmem>>) target_semaphore(%run_scoped3A : memref<!tpu.dma_semaphore, #tpu.memory_space<semaphore_mem>>)
      %dma_wait3A_1315 = tpu.memref_slice %arg17[%mul3A_0] : memref<20480xi32, #tpu.memory_space<vmem_shared>> -> memref<1280xi32, #tpu.memory_space<vmem_shared>>
      %dma_wait3A_1316 = tpu.memref_slice %arg17[%mul3A_0] : memref<20480xi32, #tpu.memory_space<vmem_shared>> -> memref<1280xi32, #tpu.memory_space<vmem_shared>>
      tpu.wait_dma2 semaphore(%run_scoped3A : memref<!tpu.dma_semaphore, #tpu.memory_space<semaphore_mem>>) src(%dma_wait3A_1316 : memref<1280xi32, #tpu.memory_space<vmem_shared>>) dst(%arg8 : memref<1280xi32, #tpu.memory_space<vmem>>)
      tpu.yield
    }) : () -> ()
    %scan3A_425 = arith.constant 0 : i32
    %scan3A_426 = arith.constant 0 : i32
    %scan3A_427 = arith.constant 16 : i32
    %scan3A_428 = arith.addi %scan3A_426, %scan3A_427 : i32
    %scan3A_429 = arith.constant 1 : i32
    %scan3A_430 = scf.for %scan3A_1313 = %scan3A_426 to %scan3A_428 step %scan3A_429 iter_args(%scan3A_1314 = %scan3A_425) -> (i32)  : i32 {
      %broadcast_in_dim3A_1315 = arith.constant 0 : i32
      %broadcast_in_dim3A_1316 = vector.broadcast %broadcast_in_dim3A_1315 : i32 to vector<16xi32>
      %mul3A_1317 = arith.constant 16 : i32
      %mul3A_1318 = arith.muli %scan3A_1313, %mul3A_1317 : i32
      %swap3A = arith.index_cast %mul3A_1318 : i32 to index
      %swap3A_1319 = tpu.vector_load %arg10[%swap3A] {strides = array<i32>} : memref<256xi32, #tpu.memory_space<vmem>>, vector<16xi32>,
      tpu.vector_store %arg10[%swap3A], %broadcast_in_dim3A_1316 {strides = array<i32>} : memref<256xi32, #tpu.memory_space<vmem>>, vector<16xi32>,
      %scan3A_1320 = arith.constant 0 : i32
      scf.yield %scan3A_1320 : i32
    }
    %scan3A_431 = arith.constant 16 : i32
    %scan3A_432 = arith.constant 0 : i32
    %scan3A_433 = arith.constant 0 : i32
    %scan3A_434 = arith.constant 80 : i32
    %scan3A_435 = arith.addi %scan3A_433, %scan3A_434 : i32
    %scan3A_436 = arith.constant 1 : i32
    %scan3A_437 = scf.for %scan3A_1313 = %scan3A_433 to %scan3A_435 step %scan3A_436 iter_args(%scan3A_1314 = %scan3A_432) -> (i32)  : i32 {
      %mul3A_1315 = arith.constant 16 : i32
      %mul3A_1316 = arith.muli %scan3A_1313, %mul3A_1315 : i32
      %get3A = arith.index_cast %mul3A_1316 : i32 to index
      %get3A_1317 = tpu.vector_load %arg8[%get3A] {strides = array<i32>} : memref<1280xi32, #tpu.memory_space<vmem>>, vector<16xi32>,
      %gather3A = tpu.vector_load_idx %arg7[%get3A_1317] : memref<20480xi32, #tpu.memory_space<vmem>>[vector<16xi32>], vector<16xi32>,
      %shift_right_logical3A = arith.constant 16 : i32
      %shift_right_logical3A_1318 = vector.broadcast %shift_right_logical3A : i32 to vector<16xi32>
      %shift_right_logical3A_1319 = arith.shrui %gather3A, %shift_right_logical3A_1318 : vector<16xi32>
      %and3A_1320 = arith.constant 255 : i32
      %and3A_1321 = vector.broadcast %and3A_1320 : i32 to vector<16xi32>
      %and3A_1322 = arith.andi %shift_right_logical3A_1319, %and3A_1321 : vector<16xi32>
      tpu.vector_store_idx %arg10[%and3A_1322], %broadcast_in_dim3A_1 {add = true} : memref<256xi32, #tpu.memory_space<vmem>>[vector<16xi32>], vector<16xi32>,
      %scan3A_1323 = arith.constant 0 : i32
      scf.yield %scan3A_1323 : i32
    }
    %scan3A_438 = arith.constant 80 : i32
    "tpu.region"() ({
      %run_scoped3A = tpu.sem_alloc : memref<!tpu.dma_semaphore, #tpu.memory_space<semaphore_mem>>
      %dma_start3A_1313 = arith.constant 0 : i32
      %dma_start3A_1314 = tpu.memref_slice %arg14[%arg1, %dma_start3A_1313] : memref<16x256xi32, #tpu.memory_space<vmem_shared>> -> memref<1x256xi32, #tpu.memory_space<vmem_shared>>
      %dma_start3A_1315 = tpu.memref_squeeze %dma_start3A_1314 : memref<1x256xi32, #tpu.memory_space<vmem_shared>> -> memref<256xi32, #tpu.memory_space<vmem_shared>>
      %dma_start3A_1316 = arith.constant 0 : i32
      %dma_start3A_1317 = tpu.memref_slice %arg14[%arg1, %dma_start3A_1316] : memref<16x256xi32, #tpu.memory_space<vmem_shared>> -> memref<1x256xi32, #tpu.memory_space<vmem_shared>>
      %dma_start3A_1318 = tpu.memref_squeeze %dma_start3A_1317 : memref<1x256xi32, #tpu.memory_space<vmem_shared>> -> memref<256xi32, #tpu.memory_space<vmem_shared>>
      tpu.enqueue_dma source(%arg10 : memref<256xi32, #tpu.memory_space<vmem>>) target(%dma_start3A_1318 : memref<256xi32, #tpu.memory_space<vmem_shared>>) target_semaphore(%run_scoped3A : memref<!tpu.dma_semaphore, #tpu.memory_space<semaphore_mem>>)
      %dma_wait3A_1319 = arith.constant 0 : i32
      %dma_wait3A_1320 = tpu.memref_slice %arg14[%arg1, %dma_wait3A_1319] : memref<16x256xi32, #tpu.memory_space<vmem_shared>> -> memref<1x256xi32, #tpu.memory_space<vmem_shared>>
      %dma_wait3A_1321 = tpu.memref_squeeze %dma_wait3A_1320 : memref<1x256xi32, #tpu.memory_space<vmem_shared>> -> memref<256xi32, #tpu.memory_space<vmem_shared>>
      %dma_wait3A_1322 = arith.constant 0 : i32
      %dma_wait3A_1323 = tpu.memref_slice %arg14[%arg1, %dma_wait3A_1322] : memref<16x256xi32, #tpu.memory_space<vmem_shared>> -> memref<1x256xi32, #tpu.memory_space<vmem_shared>>
      %dma_wait3A_1324 = tpu.memref_squeeze %dma_wait3A_1323 : memref<1x256xi32, #tpu.memory_space<vmem_shared>> -> memref<256xi32, #tpu.memory_space<vmem_shared>>
      tpu.wait_dma2 semaphore(%run_scoped3A : memref<!tpu.dma_semaphore, #tpu.memory_space<semaphore_mem>>) src(%arg10 : memref<256xi32, #tpu.memory_space<vmem>>) dst(%dma_wait3A_1324 : memref<256xi32, #tpu.memory_space<vmem_shared>>)
      tpu.yield
    }) : () -> ()
    %barrier3A_439 = arith.constant 0 : index
    tpu.barrier barrier_id(%barrier3A_439)
    "tpu.region"() ({
      %run_scoped3A = tpu.sem_alloc : memref<!tpu.dma_semaphore, #tpu.memory_space<semaphore_mem>>
      tpu.enqueue_dma source(%arg14 : memref<16x256xi32, #tpu.memory_space<vmem_shared>>) target(%arg12 : memref<16x256xi32, #tpu.memory_space<vmem>>) target_semaphore(%run_scoped3A : memref<!tpu.dma_semaphore, #tpu.memory_space<semaphore_mem>>)
      tpu.wait_dma2 semaphore(%run_scoped3A : memref<!tpu.dma_semaphore, #tpu.memory_space<semaphore_mem>>) src(%arg14 : memref<16x256xi32, #tpu.memory_space<vmem_shared>>) dst(%arg12 : memref<16x256xi32, #tpu.memory_space<vmem>>)
      tpu.yield
    }) : () -> ()
    %scan3A_440 = arith.constant 0 : i32
    %scan3A_441 = arith.constant 0 : i32
    %scan3A_442 = arith.constant 16 : i32
    %scan3A_443 = arith.addi %scan3A_441, %scan3A_442 : i32
    %scan3A_444 = arith.constant 1 : i32
    %scan3A_445 = scf.for %scan3A_1313 = %scan3A_441 to %scan3A_443 step %scan3A_444 iter_args(%scan3A_1314 = %scan3A_440) -> (i32)  : i32 {
      %broadcast_in_dim3A_1315 = arith.constant 0 : i32
      %broadcast_in_dim3A_1316 = vector.broadcast %broadcast_in_dim3A_1315 : i32 to vector<16xi32>
      %broadcast_in_dim3A_1317 = arith.constant 0 : i32
      %broadcast_in_dim3A_1318 = vector.broadcast %broadcast_in_dim3A_1317 : i32 to vector<16xi32>
      %scan3A_1319 = arith.constant 0 : i32
      %scan3A_1320 = arith.constant 16 : i32
      %scan3A_1321 = arith.addi %scan3A_1319, %scan3A_1320 : i32
      %scan3A_1322 = arith.constant 1 : i32
      %scan3A_1323:2 = scf.for %scan3A_1341 = %scan3A_1319 to %scan3A_1321 step %scan3A_1322 iter_args(%scan3A_1342 = %broadcast_in_dim3A_1316, %scan3A_1343 = %broadcast_in_dim3A_1318) -> (vector<16xi32>, vector<16xi32>)  : i32 {
        %mul3A_1344 = arith.constant 16 : i32
        %mul3A_1345 = arith.muli %scan3A_1313, %mul3A_1344 : i32
        %get3A = arith.index_cast %scan3A_1341 : i32 to index
        %get3A_1346 = arith.index_cast %mul3A_1345 : i32 to index
        %get3A_1347 = tpu.vector_load %arg12[%get3A, %get3A_1346] {strides = array<i32>} : memref<16x256xi32, #tpu.memory_space<vmem>>, vector<16xi32>,
        %add3A_1348 = arith.addi %scan3A_1342, %get3A_1347 : vector<16xi32>
        %lt3A_1349 = arith.cmpi slt, %scan3A_1341, %arg1 : i32
        %jit3A = arith.constant 0 : i32
        %broadcast_in_dim3A_1350 = vector.broadcast %jit3A : i32 to vector<16xi32>
        %select_n3A = arith.select %lt3A_1349, %get3A_1347, %broadcast_in_dim3A_1350 : vector<16xi32>
        %add3A_1351 = arith.addi %scan3A_1343, %select_n3A : vector<16xi32>
        scf.yield %add3A_1348, %add3A_1351 : vector<16xi32>, vector<16xi32>
      }
      %scan3A_1324 = arith.constant 16 : i32
      %broadcast_in_dim3A_1325 = arith.constant true
      %broadcast_in_dim3A_1326 = vector.broadcast %broadcast_in_dim3A_1325 : i1 to vector<16xi1>
      %masked_cumsum3A = tpu.scan <sum>, %scan3A_1323#0 masked %broadcast_in_dim3A_1326 : vector<16xi32>, vector<16xi1> -> vector<16xi32>
      %sub3A = arith.subi %masked_cumsum3A, %scan3A_1323#0 : vector<16xi32>
      %add3A_1327 = vector.broadcast %scan3A_1314 : i32 to vector<16xi32>
      %add3A_1328 = arith.addi %add3A_1327, %sub3A : vector<16xi32>
      %add3A_1329 = arith.addi %add3A_1328, %scan3A_1323#1 : vector<16xi32>
      %mul3A_1330 = arith.constant 16 : i32
      %mul3A_1331 = arith.muli %scan3A_1313, %mul3A_1330 : i32
      %swap3A = arith.index_cast %mul3A_1331 : i32 to index
      %swap3A_1332 = tpu.vector_load %arg11[%swap3A] {strides = array<i32>} : memref<256xi32, #tpu.memory_space<vmem>>, vector<16xi32>,
      tpu.vector_store %arg11[%swap3A], %add3A_1329 {strides = array<i32>} : memref<256xi32, #tpu.memory_space<vmem>>, vector<16xi32>,
      %reduce_max3A = arith.constant true
      %reduce_max3A_1333 = vector.broadcast %reduce_max3A : i1 to vector<16xi1>
      %reduce_max3A_1334 = arith.constant -2147483648 : i32
      %reduce_max3A_1335 = vector.broadcast %reduce_max3A_1334 : i32 to vector<16xi32>
      %reduce_max3A_1336 = arith.xori %masked_cumsum3A, %reduce_max3A_1335 : vector<16xi32>
      %reduce_max3A_1337 = tpu.scan <max>, %reduce_max3A_1336 masked %reduce_max3A_1333 : vector<16xi32>, vector<16xi1> -> vector<16xi32>
      %reduce_max3A_1338 = arith.xori %reduce_max3A_1337, %reduce_max3A_1335 : vector<16xi32>
      %reduce_max3A_1339 = vector.extract %reduce_max3A_1338[15] : i32 from vector<16xi32>
      %add3A_1340 = arith.addi %scan3A_1314, %reduce_max3A_1339 : i32
      scf.yield %add3A_1340 : i32
    }
    %scan3A_446 = arith.constant 16 : i32
    %scan3A_447 = arith.constant 0 : i32
    %scan3A_448 = arith.constant 0 : i32
    %scan3A_449 = arith.constant 80 : i32
    %scan3A_450 = arith.addi %scan3A_448, %scan3A_449 : i32
    %scan3A_451 = arith.constant 1 : i32
    %scan3A_452 = scf.for %scan3A_1313 = %scan3A_448 to %scan3A_450 step %scan3A_451 iter_args(%scan3A_1314 = %scan3A_447) -> (i32)  : i32 {
      %mul3A_1315 = arith.constant 16 : i32
      %mul3A_1316 = arith.muli %scan3A_1313, %mul3A_1315 : i32
      %get3A = arith.index_cast %mul3A_1316 : i32 to index
      %get3A_1317 = tpu.vector_load %arg8[%get3A] {strides = array<i32>} : memref<1280xi32, #tpu.memory_space<vmem>>, vector<16xi32>,
      %gather3A = tpu.vector_load_idx %arg7[%get3A_1317] : memref<20480xi32, #tpu.memory_space<vmem>>[vector<16xi32>], vector<16xi32>,
      %shift_right_logical3A = arith.constant 16 : i32
      %shift_right_logical3A_1318 = vector.broadcast %shift_right_logical3A : i32 to vector<16xi32>
      %shift_right_logical3A_1319 = arith.shrui %gather3A, %shift_right_logical3A_1318 : vector<16xi32>
      %and3A_1320 = arith.constant 255 : i32
      %and3A_1321 = vector.broadcast %and3A_1320 : i32 to vector<16xi32>
      %and3A_1322 = arith.andi %shift_right_logical3A_1319, %and3A_1321 : vector<16xi32>
      %gather3A_1323 = tpu.vector_load_idx %arg11[%and3A_1322] : memref<256xi32, #tpu.memory_space<vmem>>[vector<16xi32>], vector<16xi32>,
      %broadcast_in_dim3A_1324 = arith.constant true
      %broadcast_in_dim3A_1325 = vector.broadcast %broadcast_in_dim3A_1324 : i1 to vector<16xi1>
      %unique3A, %unique3A_1326 = tpu.scan_count mask(%broadcast_in_dim3A_1325 : vector<16xi1>) value(%and3A_1322 : vector<16xi32>) : vector<16xi1>, vector<16xi32>
      %add3A_1327 = arith.addi %gather3A_1323, %unique3A_1326 : vector<16xi32>
      %sub3A = arith.constant 1 : i32
      %sub3A_1328 = vector.broadcast %sub3A : i32 to vector<16xi32>
      %sub3A_1329 = arith.subi %add3A_1327, %sub3A_1328 : vector<16xi32>
      %jit3A = arith.constant 8 : i32
      %div3A = arith.divsi %scan3A_1313, %jit3A : i32
      %sign3A = arith.constant 0 : i32
      %sign3A_1330 = arith.cmpi sgt, %scan3A_1313, %sign3A : i32
      %sign3A_1331 = arith.extui %sign3A_1330 : i1 to i32
      %sign3A_1332 = arith.constant 0 : i32
      %sign3A_1333 = arith.cmpi slt, %scan3A_1313, %sign3A_1332 : i32
      %sign3A_1334 = arith.extui %sign3A_1333 : i1 to i32
      %sign3A_1335 = arith.subi %sign3A_1331, %sign3A_1334 : i32
      %sign3A_1336 = arith.constant 0 : i32
      %sign3A_1337 = arith.cmpi sgt, %jit3A, %sign3A_1336 : i32
      %sign3A_1338 = arith.extui %sign3A_1337 : i1 to i32
      %sign3A_1339 = arith.constant 0 : i32
      %sign3A_1340 = arith.cmpi slt, %jit3A, %sign3A_1339 : i32
      %sign3A_1341 = arith.extui %sign3A_1340 : i1 to i32
      %sign3A_1342 = arith.subi %sign3A_1338, %sign3A_1341 : i32
      %ne3A = arith.cmpi ne, %sign3A_1335, %sign3A_1342 : i32
      %rem3A = arith.remsi %scan3A_1313, %jit3A : i32
      %ne3A_1343 = arith.constant 0 : i32
      %ne3A_1344 = arith.cmpi ne, %rem3A, %ne3A_1343 : i32
      %and3A_1345 = arith.andi %ne3A, %ne3A_1344 : i1
      %sub3A_1346 = arith.constant 1 : i32
      %sub3A_1347 = arith.subi %div3A, %sub3A_1346 : i32
      %select_n3A = arith.select %and3A_1345, %sub3A_1347, %div3A : i32
      %jit3A_1348 = arith.constant 8 : i32
      %eq3A_1349 = arith.constant 0 : i32
      %eq3A_1350 = arith.cmpi eq, %jit3A_1348, %eq3A_1349 : i32
      %jit3A_1351 = arith.constant 1 : i32
      %select_n3A_1352 = arith.select %eq3A_1350, %jit3A_1351, %jit3A_1348 : i32
      %rem3A_1353 = arith.remsi %scan3A_1313, %select_n3A_1352 : i32
      %ne3A_1354 = arith.constant 0 : i32
      %ne3A_1355 = arith.cmpi ne, %rem3A_1353, %ne3A_1354 : i32
      %lt3A_1356 = arith.constant 0 : i32
      %lt3A_1357 = arith.cmpi slt, %rem3A_1353, %lt3A_1356 : i32
      %lt3A_1358 = arith.constant 0 : i32
      %lt3A_1359 = arith.cmpi slt, %select_n3A_1352, %lt3A_1358 : i32
      %ne3A_1360 = arith.xori %lt3A_1357, %lt3A_1359 : i1
      %and3A_1361 = arith.andi %ne3A_1360, %ne3A_1355 : i1
      %add3A_1362 = arith.addi %rem3A_1353, %select_n3A_1352 : i32
      %select_n3A_1363 = arith.select %and3A_1361, %add3A_1362, %rem3A_1353 : i32
      %mul3A_1364 = arith.constant 16 : i32
      %mul3A_1365 = arith.muli %select_n3A_1363, %mul3A_1364 : i32
      %swap3A = arith.index_cast %select_n3A : i32 to index
      %swap3A_1366 = arith.index_cast %mul3A_1365 : i32 to index
      %swap3A_1367 = tpu.vector_load %arg9[%swap3A, %swap3A_1366] {strides = array<i32>} : memref<30x128xi32, #tpu.memory_space<vmem>>, vector<16xi32>,
      tpu.vector_store %arg9[%swap3A, %swap3A_1366], %sub3A_1329 {strides = array<i32>} : memref<30x128xi32, #tpu.memory_space<vmem>>, vector<16xi32>,
      tpu.vector_store_idx %arg11[%and3A_1322], %broadcast_in_dim3A_1 {add = true} : memref<256xi32, #tpu.memory_space<vmem>>[vector<16xi32>], vector<16xi32>,
      %scan3A_1368 = arith.constant 0 : i32
      scf.yield %scan3A_1368 : i32
    }
    %scan3A_453 = arith.constant 80 : i32
    %dma_start3A_454 = arith.constant 0 : i32
    %dma_start3A_455 = arith.constant 0 : i32
    %dma_start3A_456 = tpu.memref_slice %arg8[%dma_start3A_455] : memref<1280xi32, #tpu.memory_space<vmem>> -> memref<128xi32, #tpu.memory_space<vmem>>
    %dma_start3A_457 = arith.constant 0 : i32
    %dma_start3A_458 = tpu.memref_slice %arg9[%dma_start3A_454, %dma_start3A_457] : memref<30x128xi32, #tpu.memory_space<vmem>> -> memref<1x128xi32, #tpu.memory_space<vmem>>
    %dma_start3A_459 = tpu.memref_squeeze %dma_start3A_458 : memref<1x128xi32, #tpu.memory_space<vmem>> -> memref<128xi32, #tpu.memory_space<vmem>>
    %dma_start3A_460 = arith.constant 0 : i32
    %dma_start3A_461 = tpu.memref_slice %arg16[%dma_start3A_460] : memref<20480xi32, #tpu.memory_space<vmem_shared>> -> memref<20480xi32, #tpu.memory_space<vmem_shared>>
    tpu.enqueue_indirect_dma source(%dma_start3A_456 : memref<128xi32, #tpu.memory_space<vmem>>) target(%dma_start3A_461 : memref<20480xi32, #tpu.memory_space<vmem_shared>>) offsets(%dma_start3A_459 : memref<128xi32, #tpu.memory_space<vmem>>) semaphore(%arg19 : memref<!tpu.dma_semaphore, #tpu.memory_space<semaphore_mem>>)
    %dma_start3A_462 = arith.constant 1 : i32
    %dma_start3A_463 = arith.constant 128 : i32
    %dma_start3A_464 = tpu.memref_slice %arg8[%dma_start3A_463] : memref<1280xi32, #tpu.memory_space<vmem>> -> memref<128xi32, #tpu.memory_space<vmem>>
    %dma_start3A_465 = arith.constant 0 : i32
    %dma_start3A_466 = tpu.memref_slice %arg9[%dma_start3A_462, %dma_start3A_465] : memref<30x128xi32, #tpu.memory_space<vmem>> -> memref<1x128xi32, #tpu.memory_space<vmem>>
    %dma_start3A_467 = tpu.memref_squeeze %dma_start3A_466 : memref<1x128xi32, #tpu.memory_space<vmem>> -> memref<128xi32, #tpu.memory_space<vmem>>
    %dma_start3A_468 = arith.constant 0 : i32
    %dma_start3A_469 = tpu.memref_slice %arg16[%dma_start3A_468] : memref<20480xi32, #tpu.memory_space<vmem_shared>> -> memref<20480xi32, #tpu.memory_space<vmem_shared>>
    tpu.enqueue_indirect_dma source(%dma_start3A_464 : memref<128xi32, #tpu.memory_space<vmem>>) target(%dma_start3A_469 : memref<20480xi32, #tpu.memory_space<vmem_shared>>) offsets(%dma_start3A_467 : memref<128xi32, #tpu.memory_space<vmem>>) semaphore(%arg19 : memref<!tpu.dma_semaphore, #tpu.memory_space<semaphore_mem>>)
    %dma_start3A_470 = arith.constant 2 : i32
    %dma_start3A_471 = arith.constant 256 : i32
    %dma_start3A_472 = tpu.memref_slice %arg8[%dma_start3A_471] : memref<1280xi32, #tpu.memory_space<vmem>> -> memref<128xi32, #tpu.memory_space<vmem>>
    %dma_start3A_473 = arith.constant 0 : i32
    %dma_start3A_474 = tpu.memref_slice %arg9[%dma_start3A_470, %dma_start3A_473] : memref<30x128xi32, #tpu.memory_space<vmem>> -> memref<1x128xi32, #tpu.memory_space<vmem>>
    %dma_start3A_475 = tpu.memref_squeeze %dma_start3A_474 : memref<1x128xi32, #tpu.memory_space<vmem>> -> memref<128xi32, #tpu.memory_space<vmem>>
    %dma_start3A_476 = arith.constant 0 : i32
    %dma_start3A_477 = tpu.memref_slice %arg16[%dma_start3A_476] : memref<20480xi32, #tpu.memory_space<vmem_shared>> -> memref<20480xi32, #tpu.memory_space<vmem_shared>>
    tpu.enqueue_indirect_dma source(%dma_start3A_472 : memref<128xi32, #tpu.memory_space<vmem>>) target(%dma_start3A_477 : memref<20480xi32, #tpu.memory_space<vmem_shared>>) offsets(%dma_start3A_475 : memref<128xi32, #tpu.memory_space<vmem>>) semaphore(%arg19 : memref<!tpu.dma_semaphore, #tpu.memory_space<semaphore_mem>>)
    %dma_start3A_478 = arith.constant 3 : i32
    %dma_start3A_479 = arith.constant 384 : i32
    %dma_start3A_480 = tpu.memref_slice %arg8[%dma_start3A_479] : memref<1280xi32, #tpu.memory_space<vmem>> -> memref<128xi32, #tpu.memory_space<vmem>>
    %dma_start3A_481 = arith.constant 0 : i32
    %dma_start3A_482 = tpu.memref_slice %arg9[%dma_start3A_478, %dma_start3A_481] : memref<30x128xi32, #tpu.memory_space<vmem>> -> memref<1x128xi32, #tpu.memory_space<vmem>>
    %dma_start3A_483 = tpu.memref_squeeze %dma_start3A_482 : memref<1x128xi32, #tpu.memory_space<vmem>> -> memref<128xi32, #tpu.memory_space<vmem>>
    %dma_start3A_484 = arith.constant 0 : i32
    %dma_start3A_485 = tpu.memref_slice %arg16[%dma_start3A_484] : memref<20480xi32, #tpu.memory_space<vmem_shared>> -> memref<20480xi32, #tpu.memory_space<vmem_shared>>
    tpu.enqueue_indirect_dma source(%dma_start3A_480 : memref<128xi32, #tpu.memory_space<vmem>>) target(%dma_start3A_485 : memref<20480xi32, #tpu.memory_space<vmem_shared>>) offsets(%dma_start3A_483 : memref<128xi32, #tpu.memory_space<vmem>>) semaphore(%arg19 : memref<!tpu.dma_semaphore, #tpu.memory_space<semaphore_mem>>)
    %dma_start3A_486 = arith.constant 4 : i32
    %dma_start3A_487 = arith.constant 512 : i32
    %dma_start3A_488 = tpu.memref_slice %arg8[%dma_start3A_487] : memref<1280xi32, #tpu.memory_space<vmem>> -> memref<128xi32, #tpu.memory_space<vmem>>
    %dma_start3A_489 = arith.constant 0 : i32
    %dma_start3A_490 = tpu.memref_slice %arg9[%dma_start3A_486, %dma_start3A_489] : memref<30x128xi32, #tpu.memory_space<vmem>> -> memref<1x128xi32, #tpu.memory_space<vmem>>
    %dma_start3A_491 = tpu.memref_squeeze %dma_start3A_490 : memref<1x128xi32, #tpu.memory_space<vmem>> -> memref<128xi32, #tpu.memory_space<vmem>>
    %dma_start3A_492 = arith.constant 0 : i32
    %dma_start3A_493 = tpu.memref_slice %arg16[%dma_start3A_492] : memref<20480xi32, #tpu.memory_space<vmem_shared>> -> memref<20480xi32, #tpu.memory_space<vmem_shared>>
    tpu.enqueue_indirect_dma source(%dma_start3A_488 : memref<128xi32, #tpu.memory_space<vmem>>) target(%dma_start3A_493 : memref<20480xi32, #tpu.memory_space<vmem_shared>>) offsets(%dma_start3A_491 : memref<128xi32, #tpu.memory_space<vmem>>) semaphore(%arg19 : memref<!tpu.dma_semaphore, #tpu.memory_space<semaphore_mem>>)
    %dma_start3A_494 = arith.constant 5 : i32
    %dma_start3A_495 = arith.constant 640 : i32
    %dma_start3A_496 = tpu.memref_slice %arg8[%dma_start3A_495] : memref<1280xi32, #tpu.memory_space<vmem>> -> memref<128xi32, #tpu.memory_space<vmem>>
    %dma_start3A_497 = arith.constant 0 : i32
    %dma_start3A_498 = tpu.memref_slice %arg9[%dma_start3A_494, %dma_start3A_497] : memref<30x128xi32, #tpu.memory_space<vmem>> -> memref<1x128xi32, #tpu.memory_space<vmem>>
    %dma_start3A_499 = tpu.memref_squeeze %dma_start3A_498 : memref<1x128xi32, #tpu.memory_space<vmem>> -> memref<128xi32, #tpu.memory_space<vmem>>
    %dma_start3A_500 = arith.constant 0 : i32
    %dma_start3A_501 = tpu.memref_slice %arg16[%dma_start3A_500] : memref<20480xi32, #tpu.memory_space<vmem_shared>> -> memref<20480xi32, #tpu.memory_space<vmem_shared>>
    tpu.enqueue_indirect_dma source(%dma_start3A_496 : memref<128xi32, #tpu.memory_space<vmem>>) target(%dma_start3A_501 : memref<20480xi32, #tpu.memory_space<vmem_shared>>) offsets(%dma_start3A_499 : memref<128xi32, #tpu.memory_space<vmem>>) semaphore(%arg19 : memref<!tpu.dma_semaphore, #tpu.memory_space<semaphore_mem>>)
    %dma_start3A_502 = arith.constant 6 : i32
    %dma_start3A_503 = arith.constant 768 : i32
    %dma_start3A_504 = tpu.memref_slice %arg8[%dma_start3A_503] : memref<1280xi32, #tpu.memory_space<vmem>> -> memref<128xi32, #tpu.memory_space<vmem>>
    %dma_start3A_505 = arith.constant 0 : i32
    %dma_start3A_506 = tpu.memref_slice %arg9[%dma_start3A_502, %dma_start3A_505] : memref<30x128xi32, #tpu.memory_space<vmem>> -> memref<1x128xi32, #tpu.memory_space<vmem>>
    %dma_start3A_507 = tpu.memref_squeeze %dma_start3A_506 : memref<1x128xi32, #tpu.memory_space<vmem>> -> memref<128xi32, #tpu.memory_space<vmem>>
    %dma_start3A_508 = arith.constant 0 : i32
    %dma_start3A_509 = tpu.memref_slice %arg16[%dma_start3A_508] : memref<20480xi32, #tpu.memory_space<vmem_shared>> -> memref<20480xi32, #tpu.memory_space<vmem_shared>>
    tpu.enqueue_indirect_dma source(%dma_start3A_504 : memref<128xi32, #tpu.memory_space<vmem>>) target(%dma_start3A_509 : memref<20480xi32, #tpu.memory_space<vmem_shared>>) offsets(%dma_start3A_507 : memref<128xi32, #tpu.memory_space<vmem>>) semaphore(%arg19 : memref<!tpu.dma_semaphore, #tpu.memory_space<semaphore_mem>>)
    %dma_start3A_510 = arith.constant 7 : i32
    %dma_start3A_511 = arith.constant 896 : i32
    %dma_start3A_512 = tpu.memref_slice %arg8[%dma_start3A_511] : memref<1280xi32, #tpu.memory_space<vmem>> -> memref<128xi32, #tpu.memory_space<vmem>>
    %dma_start3A_513 = arith.constant 0 : i32
    %dma_start3A_514 = tpu.memref_slice %arg9[%dma_start3A_510, %dma_start3A_513] : memref<30x128xi32, #tpu.memory_space<vmem>> -> memref<1x128xi32, #tpu.memory_space<vmem>>
    %dma_start3A_515 = tpu.memref_squeeze %dma_start3A_514 : memref<1x128xi32, #tpu.memory_space<vmem>> -> memref<128xi32, #tpu.memory_space<vmem>>
    %dma_start3A_516 = arith.constant 0 : i32
    %dma_start3A_517 = tpu.memref_slice %arg16[%dma_start3A_516] : memref<20480xi32, #tpu.memory_space<vmem_shared>> -> memref<20480xi32, #tpu.memory_space<vmem_shared>>
    tpu.enqueue_indirect_dma source(%dma_start3A_512 : memref<128xi32, #tpu.memory_space<vmem>>) target(%dma_start3A_517 : memref<20480xi32, #tpu.memory_space<vmem_shared>>) offsets(%dma_start3A_515 : memref<128xi32, #tpu.memory_space<vmem>>) semaphore(%arg19 : memref<!tpu.dma_semaphore, #tpu.memory_space<semaphore_mem>>)
    %dma_start3A_518 = arith.constant 8 : i32
    %dma_start3A_519 = arith.constant 1024 : i32
    %dma_start3A_520 = tpu.memref_slice %arg8[%dma_start3A_519] : memref<1280xi32, #tpu.memory_space<vmem>> -> memref<128xi32, #tpu.memory_space<vmem>>
    %dma_start3A_521 = arith.constant 0 : i32
    %dma_start3A_522 = tpu.memref_slice %arg9[%dma_start3A_518, %dma_start3A_521] : memref<30x128xi32, #tpu.memory_space<vmem>> -> memref<1x128xi32, #tpu.memory_space<vmem>>
    %dma_start3A_523 = tpu.memref_squeeze %dma_start3A_522 : memref<1x128xi32, #tpu.memory_space<vmem>> -> memref<128xi32, #tpu.memory_space<vmem>>
    %dma_start3A_524 = arith.constant 0 : i32
    %dma_start3A_525 = tpu.memref_slice %arg16[%dma_start3A_524] : memref<20480xi32, #tpu.memory_space<vmem_shared>> -> memref<20480xi32, #tpu.memory_space<vmem_shared>>
    tpu.enqueue_indirect_dma source(%dma_start3A_520 : memref<128xi32, #tpu.memory_space<vmem>>) target(%dma_start3A_525 : memref<20480xi32, #tpu.memory_space<vmem_shared>>) offsets(%dma_start3A_523 : memref<128xi32, #tpu.memory_space<vmem>>) semaphore(%arg19 : memref<!tpu.dma_semaphore, #tpu.memory_space<semaphore_mem>>)
    %dma_start3A_526 = arith.constant 9 : i32
    %dma_start3A_527 = arith.constant 1152 : i32
    %dma_start3A_528 = tpu.memref_slice %arg8[%dma_start3A_527] : memref<1280xi32, #tpu.memory_space<vmem>> -> memref<128xi32, #tpu.memory_space<vmem>>
    %dma_start3A_529 = arith.constant 0 : i32
    %dma_start3A_530 = tpu.memref_slice %arg9[%dma_start3A_526, %dma_start3A_529] : memref<30x128xi32, #tpu.memory_space<vmem>> -> memref<1x128xi32, #tpu.memory_space<vmem>>
    %dma_start3A_531 = tpu.memref_squeeze %dma_start3A_530 : memref<1x128xi32, #tpu.memory_space<vmem>> -> memref<128xi32, #tpu.memory_space<vmem>>
    %dma_start3A_532 = arith.constant 0 : i32
    %dma_start3A_533 = tpu.memref_slice %arg16[%dma_start3A_532] : memref<20480xi32, #tpu.memory_space<vmem_shared>> -> memref<20480xi32, #tpu.memory_space<vmem_shared>>
    tpu.enqueue_indirect_dma source(%dma_start3A_528 : memref<128xi32, #tpu.memory_space<vmem>>) target(%dma_start3A_533 : memref<20480xi32, #tpu.memory_space<vmem_shared>>) offsets(%dma_start3A_531 : memref<128xi32, #tpu.memory_space<vmem>>) semaphore(%arg19 : memref<!tpu.dma_semaphore, #tpu.memory_space<semaphore_mem>>)
    %dma_wait3A_534 = arith.constant 0 : i32
    %dma_wait3A_535 = arith.constant 0 : i32
    %dma_wait3A_536 = tpu.memref_slice %arg8[%dma_wait3A_535] : memref<1280xi32, #tpu.memory_space<vmem>> -> memref<128xi32, #tpu.memory_space<vmem>>
    %dma_wait3A_537 = arith.constant 0 : i32
    %dma_wait3A_538 = tpu.memref_slice %arg9[%dma_wait3A_534, %dma_wait3A_537] : memref<30x128xi32, #tpu.memory_space<vmem>> -> memref<1x128xi32, #tpu.memory_space<vmem>>
    %dma_wait3A_539 = tpu.memref_squeeze %dma_wait3A_538 : memref<1x128xi32, #tpu.memory_space<vmem>> -> memref<128xi32, #tpu.memory_space<vmem>>
    %dma_wait3A_540 = arith.constant 0 : i32
    %dma_wait3A_541 = tpu.memref_slice %arg16[%dma_wait3A_540] : memref<20480xi32, #tpu.memory_space<vmem_shared>> -> memref<20480xi32, #tpu.memory_space<vmem_shared>>
    tpu.wait_indirect_dma semaphore(%arg19 : memref<!tpu.dma_semaphore, #tpu.memory_space<semaphore_mem>>) src(%dma_wait3A_536 : memref<128xi32, #tpu.memory_space<vmem>>) dst(%dma_wait3A_541 : memref<20480xi32, #tpu.memory_space<vmem_shared>>)
    %dma_wait3A_542 = arith.constant 1 : i32
    %dma_wait3A_543 = arith.constant 128 : i32
    %dma_wait3A_544 = tpu.memref_slice %arg8[%dma_wait3A_543] : memref<1280xi32, #tpu.memory_space<vmem>> -> memref<128xi32, #tpu.memory_space<vmem>>
    %dma_wait3A_545 = arith.constant 0 : i32
    %dma_wait3A_546 = tpu.memref_slice %arg9[%dma_wait3A_542, %dma_wait3A_545] : memref<30x128xi32, #tpu.memory_space<vmem>> -> memref<1x128xi32, #tpu.memory_space<vmem>>
    %dma_wait3A_547 = tpu.memref_squeeze %dma_wait3A_546 : memref<1x128xi32, #tpu.memory_space<vmem>> -> memref<128xi32, #tpu.memory_space<vmem>>
    %dma_wait3A_548 = arith.constant 0 : i32
    %dma_wait3A_549 = tpu.memref_slice %arg16[%dma_wait3A_548] : memref<20480xi32, #tpu.memory_space<vmem_shared>> -> memref<20480xi32, #tpu.memory_space<vmem_shared>>
    tpu.wait_indirect_dma semaphore(%arg19 : memref<!tpu.dma_semaphore, #tpu.memory_space<semaphore_mem>>) src(%dma_wait3A_544 : memref<128xi32, #tpu.memory_space<vmem>>) dst(%dma_wait3A_549 : memref<20480xi32, #tpu.memory_space<vmem_shared>>)
    %dma_wait3A_550 = arith.constant 2 : i32
    %dma_wait3A_551 = arith.constant 256 : i32
    %dma_wait3A_552 = tpu.memref_slice %arg8[%dma_wait3A_551] : memref<1280xi32, #tpu.memory_space<vmem>> -> memref<128xi32, #tpu.memory_space<vmem>>
    %dma_wait3A_553 = arith.constant 0 : i32
    %dma_wait3A_554 = tpu.memref_slice %arg9[%dma_wait3A_550, %dma_wait3A_553] : memref<30x128xi32, #tpu.memory_space<vmem>> -> memref<1x128xi32, #tpu.memory_space<vmem>>
    %dma_wait3A_555 = tpu.memref_squeeze %dma_wait3A_554 : memref<1x128xi32, #tpu.memory_space<vmem>> -> memref<128xi32, #tpu.memory_space<vmem>>
    %dma_wait3A_556 = arith.constant 0 : i32
    %dma_wait3A_557 = tpu.memref_slice %arg16[%dma_wait3A_556] : memref<20480xi32, #tpu.memory_space<vmem_shared>> -> memref<20480xi32, #tpu.memory_space<vmem_shared>>
    tpu.wait_indirect_dma semaphore(%arg19 : memref<!tpu.dma_semaphore, #tpu.memory_space<semaphore_mem>>) src(%dma_wait3A_552 : memref<128xi32, #tpu.memory_space<vmem>>) dst(%dma_wait3A_557 : memref<20480xi32, #tpu.memory_space<vmem_shared>>)
    %dma_wait3A_558 = arith.constant 3 : i32
    %dma_wait3A_559 = arith.constant 384 : i32
    %dma_wait3A_560 = tpu.memref_slice %arg8[%dma_wait3A_559] : memref<1280xi32, #tpu.memory_space<vmem>> -> memref<128xi32, #tpu.memory_space<vmem>>
    %dma_wait3A_561 = arith.constant 0 : i32
    %dma_wait3A_562 = tpu.memref_slice %arg9[%dma_wait3A_558, %dma_wait3A_561] : memref<30x128xi32, #tpu.memory_space<vmem>> -> memref<1x128xi32, #tpu.memory_space<vmem>>
    %dma_wait3A_563 = tpu.memref_squeeze %dma_wait3A_562 : memref<1x128xi32, #tpu.memory_space<vmem>> -> memref<128xi32, #tpu.memory_space<vmem>>
    %dma_wait3A_564 = arith.constant 0 : i32
    %dma_wait3A_565 = tpu.memref_slice %arg16[%dma_wait3A_564] : memref<20480xi32, #tpu.memory_space<vmem_shared>> -> memref<20480xi32, #tpu.memory_space<vmem_shared>>
    tpu.wait_indirect_dma semaphore(%arg19 : memref<!tpu.dma_semaphore, #tpu.memory_space<semaphore_mem>>) src(%dma_wait3A_560 : memref<128xi32, #tpu.memory_space<vmem>>) dst(%dma_wait3A_565 : memref<20480xi32, #tpu.memory_space<vmem_shared>>)
    %dma_wait3A_566 = arith.constant 4 : i32
    %dma_wait3A_567 = arith.constant 512 : i32
    %dma_wait3A_568 = tpu.memref_slice %arg8[%dma_wait3A_567] : memref<1280xi32, #tpu.memory_space<vmem>> -> memref<128xi32, #tpu.memory_space<vmem>>
    %dma_wait3A_569 = arith.constant 0 : i32
    %dma_wait3A_570 = tpu.memref_slice %arg9[%dma_wait3A_566, %dma_wait3A_569] : memref<30x128xi32, #tpu.memory_space<vmem>> -> memref<1x128xi32, #tpu.memory_space<vmem>>
    %dma_wait3A_571 = tpu.memref_squeeze %dma_wait3A_570 : memref<1x128xi32, #tpu.memory_space<vmem>> -> memref<128xi32, #tpu.memory_space<vmem>>
    %dma_wait3A_572 = arith.constant 0 : i32
    %dma_wait3A_573 = tpu.memref_slice %arg16[%dma_wait3A_572] : memref<20480xi32, #tpu.memory_space<vmem_shared>> -> memref<20480xi32, #tpu.memory_space<vmem_shared>>
    tpu.wait_indirect_dma semaphore(%arg19 : memref<!tpu.dma_semaphore, #tpu.memory_space<semaphore_mem>>) src(%dma_wait3A_568 : memref<128xi32, #tpu.memory_space<vmem>>) dst(%dma_wait3A_573 : memref<20480xi32, #tpu.memory_space<vmem_shared>>)
    %dma_wait3A_574 = arith.constant 5 : i32
    %dma_wait3A_575 = arith.constant 640 : i32
    %dma_wait3A_576 = tpu.memref_slice %arg8[%dma_wait3A_575] : memref<1280xi32, #tpu.memory_space<vmem>> -> memref<128xi32, #tpu.memory_space<vmem>>
    %dma_wait3A_577 = arith.constant 0 : i32
    %dma_wait3A_578 = tpu.memref_slice %arg9[%dma_wait3A_574, %dma_wait3A_577] : memref<30x128xi32, #tpu.memory_space<vmem>> -> memref<1x128xi32, #tpu.memory_space<vmem>>
    %dma_wait3A_579 = tpu.memref_squeeze %dma_wait3A_578 : memref<1x128xi32, #tpu.memory_space<vmem>> -> memref<128xi32, #tpu.memory_space<vmem>>
    %dma_wait3A_580 = arith.constant 0 : i32
    %dma_wait3A_581 = tpu.memref_slice %arg16[%dma_wait3A_580] : memref<20480xi32, #tpu.memory_space<vmem_shared>> -> memref<20480xi32, #tpu.memory_space<vmem_shared>>
    tpu.wait_indirect_dma semaphore(%arg19 : memref<!tpu.dma_semaphore, #tpu.memory_space<semaphore_mem>>) src(%dma_wait3A_576 : memref<128xi32, #tpu.memory_space<vmem>>) dst(%dma_wait3A_581 : memref<20480xi32, #tpu.memory_space<vmem_shared>>)
    %dma_wait3A_582 = arith.constant 6 : i32
    %dma_wait3A_583 = arith.constant 768 : i32
    %dma_wait3A_584 = tpu.memref_slice %arg8[%dma_wait3A_583] : memref<1280xi32, #tpu.memory_space<vmem>> -> memref<128xi32, #tpu.memory_space<vmem>>
    %dma_wait3A_585 = arith.constant 0 : i32
    %dma_wait3A_586 = tpu.memref_slice %arg9[%dma_wait3A_582, %dma_wait3A_585] : memref<30x128xi32, #tpu.memory_space<vmem>> -> memref<1x128xi32, #tpu.memory_space<vmem>>
    %dma_wait3A_587 = tpu.memref_squeeze %dma_wait3A_586 : memref<1x128xi32, #tpu.memory_space<vmem>> -> memref<128xi32, #tpu.memory_space<vmem>>
    %dma_wait3A_588 = arith.constant 0 : i32
    %dma_wait3A_589 = tpu.memref_slice %arg16[%dma_wait3A_588] : memref<20480xi32, #tpu.memory_space<vmem_shared>> -> memref<20480xi32, #tpu.memory_space<vmem_shared>>
    tpu.wait_indirect_dma semaphore(%arg19 : memref<!tpu.dma_semaphore, #tpu.memory_space<semaphore_mem>>) src(%dma_wait3A_584 : memref<128xi32, #tpu.memory_space<vmem>>) dst(%dma_wait3A_589 : memref<20480xi32, #tpu.memory_space<vmem_shared>>)
    %dma_wait3A_590 = arith.constant 7 : i32
    %dma_wait3A_591 = arith.constant 896 : i32
    %dma_wait3A_592 = tpu.memref_slice %arg8[%dma_wait3A_591] : memref<1280xi32, #tpu.memory_space<vmem>> -> memref<128xi32, #tpu.memory_space<vmem>>
    %dma_wait3A_593 = arith.constant 0 : i32
    %dma_wait3A_594 = tpu.memref_slice %arg9[%dma_wait3A_590, %dma_wait3A_593] : memref<30x128xi32, #tpu.memory_space<vmem>> -> memref<1x128xi32, #tpu.memory_space<vmem>>
    %dma_wait3A_595 = tpu.memref_squeeze %dma_wait3A_594 : memref<1x128xi32, #tpu.memory_space<vmem>> -> memref<128xi32, #tpu.memory_space<vmem>>
    %dma_wait3A_596 = arith.constant 0 : i32
    %dma_wait3A_597 = tpu.memref_slice %arg16[%dma_wait3A_596] : memref<20480xi32, #tpu.memory_space<vmem_shared>> -> memref<20480xi32, #tpu.memory_space<vmem_shared>>
    tpu.wait_indirect_dma semaphore(%arg19 : memref<!tpu.dma_semaphore, #tpu.memory_space<semaphore_mem>>) src(%dma_wait3A_592 : memref<128xi32, #tpu.memory_space<vmem>>) dst(%dma_wait3A_597 : memref<20480xi32, #tpu.memory_space<vmem_shared>>)
    %dma_wait3A_598 = arith.constant 8 : i32
    %dma_wait3A_599 = arith.constant 1024 : i32
    %dma_wait3A_600 = tpu.memref_slice %arg8[%dma_wait3A_599] : memref<1280xi32, #tpu.memory_space<vmem>> -> memref<128xi32, #tpu.memory_space<vmem>>
    %dma_wait3A_601 = arith.constant 0 : i32
    %dma_wait3A_602 = tpu.memref_slice %arg9[%dma_wait3A_598, %dma_wait3A_601] : memref<30x128xi32, #tpu.memory_space<vmem>> -> memref<1x128xi32, #tpu.memory_space<vmem>>
    %dma_wait3A_603 = tpu.memref_squeeze %dma_wait3A_602 : memref<1x128xi32, #tpu.memory_space<vmem>> -> memref<128xi32, #tpu.memory_space<vmem>>
    %dma_wait3A_604 = arith.constant 0 : i32
    %dma_wait3A_605 = tpu.memref_slice %arg16[%dma_wait3A_604] : memref<20480xi32, #tpu.memory_space<vmem_shared>> -> memref<20480xi32, #tpu.memory_space<vmem_shared>>
    tpu.wait_indirect_dma semaphore(%arg19 : memref<!tpu.dma_semaphore, #tpu.memory_space<semaphore_mem>>) src(%dma_wait3A_600 : memref<128xi32, #tpu.memory_space<vmem>>) dst(%dma_wait3A_605 : memref<20480xi32, #tpu.memory_space<vmem_shared>>)
    %dma_wait3A_606 = arith.constant 9 : i32
    %dma_wait3A_607 = arith.constant 1152 : i32
    %dma_wait3A_608 = tpu.memref_slice %arg8[%dma_wait3A_607] : memref<1280xi32, #tpu.memory_space<vmem>> -> memref<128xi32, #tpu.memory_space<vmem>>
    %dma_wait3A_609 = arith.constant 0 : i32
    %dma_wait3A_610 = tpu.memref_slice %arg9[%dma_wait3A_606, %dma_wait3A_609] : memref<30x128xi32, #tpu.memory_space<vmem>> -> memref<1x128xi32, #tpu.memory_space<vmem>>
    %dma_wait3A_611 = tpu.memref_squeeze %dma_wait3A_610 : memref<1x128xi32, #tpu.memory_space<vmem>> -> memref<128xi32, #tpu.memory_space<vmem>>
    %dma_wait3A_612 = arith.constant 0 : i32
    %dma_wait3A_613 = tpu.memref_slice %arg16[%dma_wait3A_612] : memref<20480xi32, #tpu.memory_space<vmem_shared>> -> memref<20480xi32, #tpu.memory_space<vmem_shared>>
    tpu.wait_indirect_dma semaphore(%arg19 : memref<!tpu.dma_semaphore, #tpu.memory_space<semaphore_mem>>) src(%dma_wait3A_608 : memref<128xi32, #tpu.memory_space<vmem>>) dst(%dma_wait3A_613 : memref<20480xi32, #tpu.memory_space<vmem_shared>>)
    %barrier3A_614 = arith.constant 0 : index
    tpu.barrier barrier_id(%barrier3A_614)
    "tpu.region"() ({
      %run_scoped3A = tpu.sem_alloc : memref<!tpu.dma_semaphore, #tpu.memory_space<semaphore_mem>>
      %dma_start3A_1313 = tpu.memref_slice %arg16[%mul3A_0] : memref<20480xi32, #tpu.memory_space<vmem_shared>> -> memref<1280xi32, #tpu.memory_space<vmem_shared>>
      %dma_start3A_1314 = tpu.memref_slice %arg16[%mul3A_0] : memref<20480xi32, #tpu.memory_space<vmem_shared>> -> memref<1280xi32, #tpu.memory_space<vmem_shared>>
      tpu.enqueue_dma source(%dma_start3A_1314 : memref<1280xi32, #tpu.memory_space<vmem_shared>>) target(%arg8 : memref<1280xi32, #tpu.memory_space<vmem>>) target_semaphore(%run_scoped3A : memref<!tpu.dma_semaphore, #tpu.memory_space<semaphore_mem>>)
      %dma_wait3A_1315 = tpu.memref_slice %arg16[%mul3A_0] : memref<20480xi32, #tpu.memory_space<vmem_shared>> -> memref<1280xi32, #tpu.memory_space<vmem_shared>>
      %dma_wait3A_1316 = tpu.memref_slice %arg16[%mul3A_0] : memref<20480xi32, #tpu.memory_space<vmem_shared>> -> memref<1280xi32, #tpu.memory_space<vmem_shared>>
      tpu.wait_dma2 semaphore(%run_scoped3A : memref<!tpu.dma_semaphore, #tpu.memory_space<semaphore_mem>>) src(%dma_wait3A_1316 : memref<1280xi32, #tpu.memory_space<vmem_shared>>) dst(%arg8 : memref<1280xi32, #tpu.memory_space<vmem>>)
      tpu.yield
    }) : () -> ()
    %scan3A_615 = arith.constant 0 : i32
    %scan3A_616 = arith.constant 0 : i32
    %scan3A_617 = arith.constant 16 : i32
    %scan3A_618 = arith.addi %scan3A_616, %scan3A_617 : i32
    %scan3A_619 = arith.constant 1 : i32
    %scan3A_620 = scf.for %scan3A_1313 = %scan3A_616 to %scan3A_618 step %scan3A_619 iter_args(%scan3A_1314 = %scan3A_615) -> (i32)  : i32 {
      %broadcast_in_dim3A_1315 = arith.constant 0 : i32
      %broadcast_in_dim3A_1316 = vector.broadcast %broadcast_in_dim3A_1315 : i32 to vector<16xi32>
      %mul3A_1317 = arith.constant 16 : i32
      %mul3A_1318 = arith.muli %scan3A_1313, %mul3A_1317 : i32
      %swap3A = arith.index_cast %mul3A_1318 : i32 to index
      %swap3A_1319 = tpu.vector_load %arg10[%swap3A] {strides = array<i32>} : memref<256xi32, #tpu.memory_space<vmem>>, vector<16xi32>,
      tpu.vector_store %arg10[%swap3A], %broadcast_in_dim3A_1316 {strides = array<i32>} : memref<256xi32, #tpu.memory_space<vmem>>, vector<16xi32>,
      %scan3A_1320 = arith.constant 0 : i32
      scf.yield %scan3A_1320 : i32
    }
    %scan3A_621 = arith.constant 16 : i32
    %scan3A_622 = arith.constant 0 : i32
    %scan3A_623 = arith.constant 0 : i32
    %scan3A_624 = arith.constant 80 : i32
    %scan3A_625 = arith.addi %scan3A_623, %scan3A_624 : i32
    %scan3A_626 = arith.constant 1 : i32
    %scan3A_627 = scf.for %scan3A_1313 = %scan3A_623 to %scan3A_625 step %scan3A_626 iter_args(%scan3A_1314 = %scan3A_622) -> (i32)  : i32 {
      %mul3A_1315 = arith.constant 16 : i32
      %mul3A_1316 = arith.muli %scan3A_1313, %mul3A_1315 : i32
      %get3A = arith.index_cast %mul3A_1316 : i32 to index
      %get3A_1317 = tpu.vector_load %arg8[%get3A] {strides = array<i32>} : memref<1280xi32, #tpu.memory_space<vmem>>, vector<16xi32>,
      %gather3A = tpu.vector_load_idx %arg7[%get3A_1317] : memref<20480xi32, #tpu.memory_space<vmem>>[vector<16xi32>], vector<16xi32>,
      %shift_right_logical3A = arith.constant 24 : i32
      %shift_right_logical3A_1318 = vector.broadcast %shift_right_logical3A : i32 to vector<16xi32>
      %shift_right_logical3A_1319 = arith.shrui %gather3A, %shift_right_logical3A_1318 : vector<16xi32>
      %and3A_1320 = arith.constant 255 : i32
      %and3A_1321 = vector.broadcast %and3A_1320 : i32 to vector<16xi32>
      %and3A_1322 = arith.andi %shift_right_logical3A_1319, %and3A_1321 : vector<16xi32>
      tpu.vector_store_idx %arg10[%and3A_1322], %broadcast_in_dim3A_1 {add = true} : memref<256xi32, #tpu.memory_space<vmem>>[vector<16xi32>], vector<16xi32>,
      %scan3A_1323 = arith.constant 0 : i32
      scf.yield %scan3A_1323 : i32
    }
    %scan3A_628 = arith.constant 80 : i32
    "tpu.region"() ({
      %run_scoped3A = tpu.sem_alloc : memref<!tpu.dma_semaphore, #tpu.memory_space<semaphore_mem>>
      %dma_start3A_1313 = arith.constant 0 : i32
      %dma_start3A_1314 = tpu.memref_slice %arg14[%arg1, %dma_start3A_1313] : memref<16x256xi32, #tpu.memory_space<vmem_shared>> -> memref<1x256xi32, #tpu.memory_space<vmem_shared>>
      %dma_start3A_1315 = tpu.memref_squeeze %dma_start3A_1314 : memref<1x256xi32, #tpu.memory_space<vmem_shared>> -> memref<256xi32, #tpu.memory_space<vmem_shared>>
      %dma_start3A_1316 = arith.constant 0 : i32
      %dma_start3A_1317 = tpu.memref_slice %arg14[%arg1, %dma_start3A_1316] : memref<16x256xi32, #tpu.memory_space<vmem_shared>> -> memref<1x256xi32, #tpu.memory_space<vmem_shared>>
      %dma_start3A_1318 = tpu.memref_squeeze %dma_start3A_1317 : memref<1x256xi32, #tpu.memory_space<vmem_shared>> -> memref<256xi32, #tpu.memory_space<vmem_shared>>
      tpu.enqueue_dma source(%arg10 : memref<256xi32, #tpu.memory_space<vmem>>) target(%dma_start3A_1318 : memref<256xi32, #tpu.memory_space<vmem_shared>>) target_semaphore(%run_scoped3A : memref<!tpu.dma_semaphore, #tpu.memory_space<semaphore_mem>>)
      %dma_wait3A_1319 = arith.constant 0 : i32
      %dma_wait3A_1320 = tpu.memref_slice %arg14[%arg1, %dma_wait3A_1319] : memref<16x256xi32, #tpu.memory_space<vmem_shared>> -> memref<1x256xi32, #tpu.memory_space<vmem_shared>>
      %dma_wait3A_1321 = tpu.memref_squeeze %dma_wait3A_1320 : memref<1x256xi32, #tpu.memory_space<vmem_shared>> -> memref<256xi32, #tpu.memory_space<vmem_shared>>
      %dma_wait3A_1322 = arith.constant 0 : i32
      %dma_wait3A_1323 = tpu.memref_slice %arg14[%arg1, %dma_wait3A_1322] : memref<16x256xi32, #tpu.memory_space<vmem_shared>> -> memref<1x256xi32, #tpu.memory_space<vmem_shared>>
      %dma_wait3A_1324 = tpu.memref_squeeze %dma_wait3A_1323 : memref<1x256xi32, #tpu.memory_space<vmem_shared>> -> memref<256xi32, #tpu.memory_space<vmem_shared>>
      tpu.wait_dma2 semaphore(%run_scoped3A : memref<!tpu.dma_semaphore, #tpu.memory_space<semaphore_mem>>) src(%arg10 : memref<256xi32, #tpu.memory_space<vmem>>) dst(%dma_wait3A_1324 : memref<256xi32, #tpu.memory_space<vmem_shared>>)
      tpu.yield
    }) : () -> ()
    %barrier3A_629 = arith.constant 0 : index
    tpu.barrier barrier_id(%barrier3A_629)
    "tpu.region"() ({
      %run_scoped3A = tpu.sem_alloc : memref<!tpu.dma_semaphore, #tpu.memory_space<semaphore_mem>>
      tpu.enqueue_dma source(%arg14 : memref<16x256xi32, #tpu.memory_space<vmem_shared>>) target(%arg12 : memref<16x256xi32, #tpu.memory_space<vmem>>) target_semaphore(%run_scoped3A : memref<!tpu.dma_semaphore, #tpu.memory_space<semaphore_mem>>)
      tpu.wait_dma2 semaphore(%run_scoped3A : memref<!tpu.dma_semaphore, #tpu.memory_space<semaphore_mem>>) src(%arg14 : memref<16x256xi32, #tpu.memory_space<vmem_shared>>) dst(%arg12 : memref<16x256xi32, #tpu.memory_space<vmem>>)
      tpu.yield
    }) : () -> ()
    %scan3A_630 = arith.constant 0 : i32
    %scan3A_631 = arith.constant 0 : i32
    %scan3A_632 = arith.constant 16 : i32
    %scan3A_633 = arith.addi %scan3A_631, %scan3A_632 : i32
    %scan3A_634 = arith.constant 1 : i32
    %scan3A_635 = scf.for %scan3A_1313 = %scan3A_631 to %scan3A_633 step %scan3A_634 iter_args(%scan3A_1314 = %scan3A_630) -> (i32)  : i32 {
      %broadcast_in_dim3A_1315 = arith.constant 0 : i32
      %broadcast_in_dim3A_1316 = vector.broadcast %broadcast_in_dim3A_1315 : i32 to vector<16xi32>
      %broadcast_in_dim3A_1317 = arith.constant 0 : i32
      %broadcast_in_dim3A_1318 = vector.broadcast %broadcast_in_dim3A_1317 : i32 to vector<16xi32>
      %scan3A_1319 = arith.constant 0 : i32
      %scan3A_1320 = arith.constant 16 : i32
      %scan3A_1321 = arith.addi %scan3A_1319, %scan3A_1320 : i32
      %scan3A_1322 = arith.constant 1 : i32
      %scan3A_1323:2 = scf.for %scan3A_1341 = %scan3A_1319 to %scan3A_1321 step %scan3A_1322 iter_args(%scan3A_1342 = %broadcast_in_dim3A_1316, %scan3A_1343 = %broadcast_in_dim3A_1318) -> (vector<16xi32>, vector<16xi32>)  : i32 {
        %mul3A_1344 = arith.constant 16 : i32
        %mul3A_1345 = arith.muli %scan3A_1313, %mul3A_1344 : i32
        %get3A = arith.index_cast %scan3A_1341 : i32 to index
        %get3A_1346 = arith.index_cast %mul3A_1345 : i32 to index
        %get3A_1347 = tpu.vector_load %arg12[%get3A, %get3A_1346] {strides = array<i32>} : memref<16x256xi32, #tpu.memory_space<vmem>>, vector<16xi32>,
        %add3A_1348 = arith.addi %scan3A_1342, %get3A_1347 : vector<16xi32>
        %lt3A_1349 = arith.cmpi slt, %scan3A_1341, %arg1 : i32
        %jit3A = arith.constant 0 : i32
        %broadcast_in_dim3A_1350 = vector.broadcast %jit3A : i32 to vector<16xi32>
        %select_n3A = arith.select %lt3A_1349, %get3A_1347, %broadcast_in_dim3A_1350 : vector<16xi32>
        %add3A_1351 = arith.addi %scan3A_1343, %select_n3A : vector<16xi32>
        scf.yield %add3A_1348, %add3A_1351 : vector<16xi32>, vector<16xi32>
      }
      %scan3A_1324 = arith.constant 16 : i32
      %broadcast_in_dim3A_1325 = arith.constant true
      %broadcast_in_dim3A_1326 = vector.broadcast %broadcast_in_dim3A_1325 : i1 to vector<16xi1>
      %masked_cumsum3A = tpu.scan <sum>, %scan3A_1323#0 masked %broadcast_in_dim3A_1326 : vector<16xi32>, vector<16xi1> -> vector<16xi32>
      %sub3A = arith.subi %masked_cumsum3A, %scan3A_1323#0 : vector<16xi32>
      %add3A_1327 = vector.broadcast %scan3A_1314 : i32 to vector<16xi32>
      %add3A_1328 = arith.addi %add3A_1327, %sub3A : vector<16xi32>
      %add3A_1329 = arith.addi %add3A_1328, %scan3A_1323#1 : vector<16xi32>
      %mul3A_1330 = arith.constant 16 : i32
      %mul3A_1331 = arith.muli %scan3A_1313, %mul3A_1330 : i32
      %swap3A = arith.index_cast %mul3A_1331 : i32 to index
      %swap3A_1332 = tpu.vector_load %arg11[%swap3A] {strides = array<i32>} : memref<256xi32, #tpu.memory_space<vmem>>, vector<16xi32>,
      tpu.vector_store %arg11[%swap3A], %add3A_1329 {strides = array<i32>} : memref<256xi32, #tpu.memory_space<vmem>>, vector<16xi32>,
      %reduce_max3A = arith.constant true
      %reduce_max3A_1333 = vector.broadcast %reduce_max3A : i1 to vector<16xi1>
      %reduce_max3A_1334 = arith.constant -2147483648 : i32
      %reduce_max3A_1335 = vector.broadcast %reduce_max3A_1334 : i32 to vector<16xi32>
      %reduce_max3A_1336 = arith.xori %masked_cumsum3A, %reduce_max3A_1335 : vector<16xi32>
      %reduce_max3A_1337 = tpu.scan <max>, %reduce_max3A_1336 masked %reduce_max3A_1333 : vector<16xi32>, vector<16xi1> -> vector<16xi32>
      %reduce_max3A_1338 = arith.xori %reduce_max3A_1337, %reduce_max3A_1335 : vector<16xi32>
      %reduce_max3A_1339 = vector.extract %reduce_max3A_1338[15] : i32 from vector<16xi32>
      %add3A_1340 = arith.addi %scan3A_1314, %reduce_max3A_1339 : i32
      scf.yield %add3A_1340 : i32
    }
    %scan3A_636 = arith.constant 16 : i32
    %scan3A_637 = arith.constant 0 : i32
    %scan3A_638 = arith.constant 0 : i32
    %scan3A_639 = arith.constant 80 : i32
    %scan3A_640 = arith.addi %scan3A_638, %scan3A_639 : i32
    %scan3A_641 = arith.constant 1 : i32
    %scan3A_642 = scf.for %scan3A_1313 = %scan3A_638 to %scan3A_640 step %scan3A_641 iter_args(%scan3A_1314 = %scan3A_637) -> (i32)  : i32 {
      %mul3A_1315 = arith.constant 16 : i32
      %mul3A_1316 = arith.muli %scan3A_1313, %mul3A_1315 : i32
      %get3A = arith.index_cast %mul3A_1316 : i32 to index
      %get3A_1317 = tpu.vector_load %arg8[%get3A] {strides = array<i32>} : memref<1280xi32, #tpu.memory_space<vmem>>, vector<16xi32>,
      %gather3A = tpu.vector_load_idx %arg7[%get3A_1317] : memref<20480xi32, #tpu.memory_space<vmem>>[vector<16xi32>], vector<16xi32>,
      %shift_right_logical3A = arith.constant 24 : i32
      %shift_right_logical3A_1318 = vector.broadcast %shift_right_logical3A : i32 to vector<16xi32>
      %shift_right_logical3A_1319 = arith.shrui %gather3A, %shift_right_logical3A_1318 : vector<16xi32>
      %and3A_1320 = arith.constant 255 : i32
      %and3A_1321 = vector.broadcast %and3A_1320 : i32 to vector<16xi32>
      %and3A_1322 = arith.andi %shift_right_logical3A_1319, %and3A_1321 : vector<16xi32>
      %gather3A_1323 = tpu.vector_load_idx %arg11[%and3A_1322] : memref<256xi32, #tpu.memory_space<vmem>>[vector<16xi32>], vector<16xi32>,
      %broadcast_in_dim3A_1324 = arith.constant true
      %broadcast_in_dim3A_1325 = vector.broadcast %broadcast_in_dim3A_1324 : i1 to vector<16xi1>
      %unique3A, %unique3A_1326 = tpu.scan_count mask(%broadcast_in_dim3A_1325 : vector<16xi1>) value(%and3A_1322 : vector<16xi32>) : vector<16xi1>, vector<16xi32>
      %add3A_1327 = arith.addi %gather3A_1323, %unique3A_1326 : vector<16xi32>
      %sub3A = arith.constant 1 : i32
      %sub3A_1328 = vector.broadcast %sub3A : i32 to vector<16xi32>
      %sub3A_1329 = arith.subi %add3A_1327, %sub3A_1328 : vector<16xi32>
      %jit3A = arith.constant 8 : i32
      %div3A = arith.divsi %scan3A_1313, %jit3A : i32
      %sign3A = arith.constant 0 : i32
      %sign3A_1330 = arith.cmpi sgt, %scan3A_1313, %sign3A : i32
      %sign3A_1331 = arith.extui %sign3A_1330 : i1 to i32
      %sign3A_1332 = arith.constant 0 : i32
      %sign3A_1333 = arith.cmpi slt, %scan3A_1313, %sign3A_1332 : i32
      %sign3A_1334 = arith.extui %sign3A_1333 : i1 to i32
      %sign3A_1335 = arith.subi %sign3A_1331, %sign3A_1334 : i32
      %sign3A_1336 = arith.constant 0 : i32
      %sign3A_1337 = arith.cmpi sgt, %jit3A, %sign3A_1336 : i32
      %sign3A_1338 = arith.extui %sign3A_1337 : i1 to i32
      %sign3A_1339 = arith.constant 0 : i32
      %sign3A_1340 = arith.cmpi slt, %jit3A, %sign3A_1339 : i32
      %sign3A_1341 = arith.extui %sign3A_1340 : i1 to i32
      %sign3A_1342 = arith.subi %sign3A_1338, %sign3A_1341 : i32
      %ne3A = arith.cmpi ne, %sign3A_1335, %sign3A_1342 : i32
      %rem3A = arith.remsi %scan3A_1313, %jit3A : i32
      %ne3A_1343 = arith.constant 0 : i32
      %ne3A_1344 = arith.cmpi ne, %rem3A, %ne3A_1343 : i32
      %and3A_1345 = arith.andi %ne3A, %ne3A_1344 : i1
      %sub3A_1346 = arith.constant 1 : i32
      %sub3A_1347 = arith.subi %div3A, %sub3A_1346 : i32
      %select_n3A = arith.select %and3A_1345, %sub3A_1347, %div3A : i32
      %jit3A_1348 = arith.constant 8 : i32
      %eq3A_1349 = arith.constant 0 : i32
      %eq3A_1350 = arith.cmpi eq, %jit3A_1348, %eq3A_1349 : i32
      %jit3A_1351 = arith.constant 1 : i32
      %select_n3A_1352 = arith.select %eq3A_1350, %jit3A_1351, %jit3A_1348 : i32
      %rem3A_1353 = arith.remsi %scan3A_1313, %select_n3A_1352 : i32
      %ne3A_1354 = arith.constant 0 : i32
      %ne3A_1355 = arith.cmpi ne, %rem3A_1353, %ne3A_1354 : i32
      %lt3A_1356 = arith.constant 0 : i32
      %lt3A_1357 = arith.cmpi slt, %rem3A_1353, %lt3A_1356 : i32
      %lt3A_1358 = arith.constant 0 : i32
      %lt3A_1359 = arith.cmpi slt, %select_n3A_1352, %lt3A_1358 : i32
      %ne3A_1360 = arith.xori %lt3A_1357, %lt3A_1359 : i1
      %and3A_1361 = arith.andi %ne3A_1360, %ne3A_1355 : i1
      %add3A_1362 = arith.addi %rem3A_1353, %select_n3A_1352 : i32
      %select_n3A_1363 = arith.select %and3A_1361, %add3A_1362, %rem3A_1353 : i32
      %mul3A_1364 = arith.constant 16 : i32
      %mul3A_1365 = arith.muli %select_n3A_1363, %mul3A_1364 : i32
      %swap3A = arith.index_cast %select_n3A : i32 to index
      %swap3A_1366 = arith.index_cast %mul3A_1365 : i32 to index
      %swap3A_1367 = tpu.vector_load %arg9[%swap3A, %swap3A_1366] {strides = array<i32>} : memref<30x128xi32, #tpu.memory_space<vmem>>, vector<16xi32>,
      tpu.vector_store %arg9[%swap3A, %swap3A_1366], %sub3A_1329 {strides = array<i32>} : memref<30x128xi32, #tpu.memory_space<vmem>>, vector<16xi32>,
      tpu.vector_store_idx %arg11[%and3A_1322], %broadcast_in_dim3A_1 {add = true} : memref<256xi32, #tpu.memory_space<vmem>>[vector<16xi32>], vector<16xi32>,
      %scan3A_1368 = arith.constant 0 : i32
      scf.yield %scan3A_1368 : i32
    }
    %scan3A_643 = arith.constant 80 : i32
    %dma_start3A_644 = arith.constant 0 : i32
    %dma_start3A_645 = arith.constant 0 : i32
    %dma_start3A_646 = tpu.memref_slice %arg8[%dma_start3A_645] : memref<1280xi32, #tpu.memory_space<vmem>> -> memref<128xi32, #tpu.memory_space<vmem>>
    %dma_start3A_647 = arith.constant 0 : i32
    %dma_start3A_648 = tpu.memref_slice %arg9[%dma_start3A_644, %dma_start3A_647] : memref<30x128xi32, #tpu.memory_space<vmem>> -> memref<1x128xi32, #tpu.memory_space<vmem>>
    %dma_start3A_649 = tpu.memref_squeeze %dma_start3A_648 : memref<1x128xi32, #tpu.memory_space<vmem>> -> memref<128xi32, #tpu.memory_space<vmem>>
    %dma_start3A_650 = arith.constant 0 : i32
    %dma_start3A_651 = tpu.memref_slice %arg17[%dma_start3A_650] : memref<20480xi32, #tpu.memory_space<vmem_shared>> -> memref<20480xi32, #tpu.memory_space<vmem_shared>>
    tpu.enqueue_indirect_dma source(%dma_start3A_646 : memref<128xi32, #tpu.memory_space<vmem>>) target(%dma_start3A_651 : memref<20480xi32, #tpu.memory_space<vmem_shared>>) offsets(%dma_start3A_649 : memref<128xi32, #tpu.memory_space<vmem>>) semaphore(%arg19 : memref<!tpu.dma_semaphore, #tpu.memory_space<semaphore_mem>>)
    %dma_start3A_652 = arith.constant 1 : i32
    %dma_start3A_653 = arith.constant 128 : i32
    %dma_start3A_654 = tpu.memref_slice %arg8[%dma_start3A_653] : memref<1280xi32, #tpu.memory_space<vmem>> -> memref<128xi32, #tpu.memory_space<vmem>>
    %dma_start3A_655 = arith.constant 0 : i32
    %dma_start3A_656 = tpu.memref_slice %arg9[%dma_start3A_652, %dma_start3A_655] : memref<30x128xi32, #tpu.memory_space<vmem>> -> memref<1x128xi32, #tpu.memory_space<vmem>>
    %dma_start3A_657 = tpu.memref_squeeze %dma_start3A_656 : memref<1x128xi32, #tpu.memory_space<vmem>> -> memref<128xi32, #tpu.memory_space<vmem>>
    %dma_start3A_658 = arith.constant 0 : i32
    %dma_start3A_659 = tpu.memref_slice %arg17[%dma_start3A_658] : memref<20480xi32, #tpu.memory_space<vmem_shared>> -> memref<20480xi32, #tpu.memory_space<vmem_shared>>
    tpu.enqueue_indirect_dma source(%dma_start3A_654 : memref<128xi32, #tpu.memory_space<vmem>>) target(%dma_start3A_659 : memref<20480xi32, #tpu.memory_space<vmem_shared>>) offsets(%dma_start3A_657 : memref<128xi32, #tpu.memory_space<vmem>>) semaphore(%arg19 : memref<!tpu.dma_semaphore, #tpu.memory_space<semaphore_mem>>)
    %dma_start3A_660 = arith.constant 2 : i32
    %dma_start3A_661 = arith.constant 256 : i32
    %dma_start3A_662 = tpu.memref_slice %arg8[%dma_start3A_661] : memref<1280xi32, #tpu.memory_space<vmem>> -> memref<128xi32, #tpu.memory_space<vmem>>
    %dma_start3A_663 = arith.constant 0 : i32
    %dma_start3A_664 = tpu.memref_slice %arg9[%dma_start3A_660, %dma_start3A_663] : memref<30x128xi32, #tpu.memory_space<vmem>> -> memref<1x128xi32, #tpu.memory_space<vmem>>
    %dma_start3A_665 = tpu.memref_squeeze %dma_start3A_664 : memref<1x128xi32, #tpu.memory_space<vmem>> -> memref<128xi32, #tpu.memory_space<vmem>>
    %dma_start3A_666 = arith.constant 0 : i32
    %dma_start3A_667 = tpu.memref_slice %arg17[%dma_start3A_666] : memref<20480xi32, #tpu.memory_space<vmem_shared>> -> memref<20480xi32, #tpu.memory_space<vmem_shared>>
    tpu.enqueue_indirect_dma source(%dma_start3A_662 : memref<128xi32, #tpu.memory_space<vmem>>) target(%dma_start3A_667 : memref<20480xi32, #tpu.memory_space<vmem_shared>>) offsets(%dma_start3A_665 : memref<128xi32, #tpu.memory_space<vmem>>) semaphore(%arg19 : memref<!tpu.dma_semaphore, #tpu.memory_space<semaphore_mem>>)
    %dma_start3A_668 = arith.constant 3 : i32
    %dma_start3A_669 = arith.constant 384 : i32
    %dma_start3A_670 = tpu.memref_slice %arg8[%dma_start3A_669] : memref<1280xi32, #tpu.memory_space<vmem>> -> memref<128xi32, #tpu.memory_space<vmem>>
    %dma_start3A_671 = arith.constant 0 : i32
    %dma_start3A_672 = tpu.memref_slice %arg9[%dma_start3A_668, %dma_start3A_671] : memref<30x128xi32, #tpu.memory_space<vmem>> -> memref<1x128xi32, #tpu.memory_space<vmem>>
    %dma_start3A_673 = tpu.memref_squeeze %dma_start3A_672 : memref<1x128xi32, #tpu.memory_space<vmem>> -> memref<128xi32, #tpu.memory_space<vmem>>
    %dma_start3A_674 = arith.constant 0 : i32
    %dma_start3A_675 = tpu.memref_slice %arg17[%dma_start3A_674] : memref<20480xi32, #tpu.memory_space<vmem_shared>> -> memref<20480xi32, #tpu.memory_space<vmem_shared>>
    tpu.enqueue_indirect_dma source(%dma_start3A_670 : memref<128xi32, #tpu.memory_space<vmem>>) target(%dma_start3A_675 : memref<20480xi32, #tpu.memory_space<vmem_shared>>) offsets(%dma_start3A_673 : memref<128xi32, #tpu.memory_space<vmem>>) semaphore(%arg19 : memref<!tpu.dma_semaphore, #tpu.memory_space<semaphore_mem>>)
    %dma_start3A_676 = arith.constant 4 : i32
    %dma_start3A_677 = arith.constant 512 : i32
    %dma_start3A_678 = tpu.memref_slice %arg8[%dma_start3A_677] : memref<1280xi32, #tpu.memory_space<vmem>> -> memref<128xi32, #tpu.memory_space<vmem>>
    %dma_start3A_679 = arith.constant 0 : i32
    %dma_start3A_680 = tpu.memref_slice %arg9[%dma_start3A_676, %dma_start3A_679] : memref<30x128xi32, #tpu.memory_space<vmem>> -> memref<1x128xi32, #tpu.memory_space<vmem>>
    %dma_start3A_681 = tpu.memref_squeeze %dma_start3A_680 : memref<1x128xi32, #tpu.memory_space<vmem>> -> memref<128xi32, #tpu.memory_space<vmem>>
    %dma_start3A_682 = arith.constant 0 : i32
    %dma_start3A_683 = tpu.memref_slice %arg17[%dma_start3A_682] : memref<20480xi32, #tpu.memory_space<vmem_shared>> -> memref<20480xi32, #tpu.memory_space<vmem_shared>>
    tpu.enqueue_indirect_dma source(%dma_start3A_678 : memref<128xi32, #tpu.memory_space<vmem>>) target(%dma_start3A_683 : memref<20480xi32, #tpu.memory_space<vmem_shared>>) offsets(%dma_start3A_681 : memref<128xi32, #tpu.memory_space<vmem>>) semaphore(%arg19 : memref<!tpu.dma_semaphore, #tpu.memory_space<semaphore_mem>>)
    %dma_start3A_684 = arith.constant 5 : i32
    %dma_start3A_685 = arith.constant 640 : i32
    %dma_start3A_686 = tpu.memref_slice %arg8[%dma_start3A_685] : memref<1280xi32, #tpu.memory_space<vmem>> -> memref<128xi32, #tpu.memory_space<vmem>>
    %dma_start3A_687 = arith.constant 0 : i32
    %dma_start3A_688 = tpu.memref_slice %arg9[%dma_start3A_684, %dma_start3A_687] : memref<30x128xi32, #tpu.memory_space<vmem>> -> memref<1x128xi32, #tpu.memory_space<vmem>>
    %dma_start3A_689 = tpu.memref_squeeze %dma_start3A_688 : memref<1x128xi32, #tpu.memory_space<vmem>> -> memref<128xi32, #tpu.memory_space<vmem>>
    %dma_start3A_690 = arith.constant 0 : i32
    %dma_start3A_691 = tpu.memref_slice %arg17[%dma_start3A_690] : memref<20480xi32, #tpu.memory_space<vmem_shared>> -> memref<20480xi32, #tpu.memory_space<vmem_shared>>
    tpu.enqueue_indirect_dma source(%dma_start3A_686 : memref<128xi32, #tpu.memory_space<vmem>>) target(%dma_start3A_691 : memref<20480xi32, #tpu.memory_space<vmem_shared>>) offsets(%dma_start3A_689 : memref<128xi32, #tpu.memory_space<vmem>>) semaphore(%arg19 : memref<!tpu.dma_semaphore, #tpu.memory_space<semaphore_mem>>)
    %dma_start3A_692 = arith.constant 6 : i32
    %dma_start3A_693 = arith.constant 768 : i32
    %dma_start3A_694 = tpu.memref_slice %arg8[%dma_start3A_693] : memref<1280xi32, #tpu.memory_space<vmem>> -> memref<128xi32, #tpu.memory_space<vmem>>
    %dma_start3A_695 = arith.constant 0 : i32
    %dma_start3A_696 = tpu.memref_slice %arg9[%dma_start3A_692, %dma_start3A_695] : memref<30x128xi32, #tpu.memory_space<vmem>> -> memref<1x128xi32, #tpu.memory_space<vmem>>
    %dma_start3A_697 = tpu.memref_squeeze %dma_start3A_696 : memref<1x128xi32, #tpu.memory_space<vmem>> -> memref<128xi32, #tpu.memory_space<vmem>>
    %dma_start3A_698 = arith.constant 0 : i32
    %dma_start3A_699 = tpu.memref_slice %arg17[%dma_start3A_698] : memref<20480xi32, #tpu.memory_space<vmem_shared>> -> memref<20480xi32, #tpu.memory_space<vmem_shared>>
    tpu.enqueue_indirect_dma source(%dma_start3A_694 : memref<128xi32, #tpu.memory_space<vmem>>) target(%dma_start3A_699 : memref<20480xi32, #tpu.memory_space<vmem_shared>>) offsets(%dma_start3A_697 : memref<128xi32, #tpu.memory_space<vmem>>) semaphore(%arg19 : memref<!tpu.dma_semaphore, #tpu.memory_space<semaphore_mem>>)
    %dma_start3A_700 = arith.constant 7 : i32
    %dma_start3A_701 = arith.constant 896 : i32
    %dma_start3A_702 = tpu.memref_slice %arg8[%dma_start3A_701] : memref<1280xi32, #tpu.memory_space<vmem>> -> memref<128xi32, #tpu.memory_space<vmem>>
    %dma_start3A_703 = arith.constant 0 : i32
    %dma_start3A_704 = tpu.memref_slice %arg9[%dma_start3A_700, %dma_start3A_703] : memref<30x128xi32, #tpu.memory_space<vmem>> -> memref<1x128xi32, #tpu.memory_space<vmem>>
    %dma_start3A_705 = tpu.memref_squeeze %dma_start3A_704 : memref<1x128xi32, #tpu.memory_space<vmem>> -> memref<128xi32, #tpu.memory_space<vmem>>
    %dma_start3A_706 = arith.constant 0 : i32
    %dma_start3A_707 = tpu.memref_slice %arg17[%dma_start3A_706] : memref<20480xi32, #tpu.memory_space<vmem_shared>> -> memref<20480xi32, #tpu.memory_space<vmem_shared>>
    tpu.enqueue_indirect_dma source(%dma_start3A_702 : memref<128xi32, #tpu.memory_space<vmem>>) target(%dma_start3A_707 : memref<20480xi32, #tpu.memory_space<vmem_shared>>) offsets(%dma_start3A_705 : memref<128xi32, #tpu.memory_space<vmem>>) semaphore(%arg19 : memref<!tpu.dma_semaphore, #tpu.memory_space<semaphore_mem>>)
    %dma_start3A_708 = arith.constant 8 : i32
    %dma_start3A_709 = arith.constant 1024 : i32
    %dma_start3A_710 = tpu.memref_slice %arg8[%dma_start3A_709] : memref<1280xi32, #tpu.memory_space<vmem>> -> memref<128xi32, #tpu.memory_space<vmem>>
    %dma_start3A_711 = arith.constant 0 : i32
    %dma_start3A_712 = tpu.memref_slice %arg9[%dma_start3A_708, %dma_start3A_711] : memref<30x128xi32, #tpu.memory_space<vmem>> -> memref<1x128xi32, #tpu.memory_space<vmem>>
    %dma_start3A_713 = tpu.memref_squeeze %dma_start3A_712 : memref<1x128xi32, #tpu.memory_space<vmem>> -> memref<128xi32, #tpu.memory_space<vmem>>
    %dma_start3A_714 = arith.constant 0 : i32
    %dma_start3A_715 = tpu.memref_slice %arg17[%dma_start3A_714] : memref<20480xi32, #tpu.memory_space<vmem_shared>> -> memref<20480xi32, #tpu.memory_space<vmem_shared>>
    tpu.enqueue_indirect_dma source(%dma_start3A_710 : memref<128xi32, #tpu.memory_space<vmem>>) target(%dma_start3A_715 : memref<20480xi32, #tpu.memory_space<vmem_shared>>) offsets(%dma_start3A_713 : memref<128xi32, #tpu.memory_space<vmem>>) semaphore(%arg19 : memref<!tpu.dma_semaphore, #tpu.memory_space<semaphore_mem>>)
    %dma_start3A_716 = arith.constant 9 : i32
    %dma_start3A_717 = arith.constant 1152 : i32
    %dma_start3A_718 = tpu.memref_slice %arg8[%dma_start3A_717] : memref<1280xi32, #tpu.memory_space<vmem>> -> memref<128xi32, #tpu.memory_space<vmem>>
    %dma_start3A_719 = arith.constant 0 : i32
    %dma_start3A_720 = tpu.memref_slice %arg9[%dma_start3A_716, %dma_start3A_719] : memref<30x128xi32, #tpu.memory_space<vmem>> -> memref<1x128xi32, #tpu.memory_space<vmem>>
    %dma_start3A_721 = tpu.memref_squeeze %dma_start3A_720 : memref<1x128xi32, #tpu.memory_space<vmem>> -> memref<128xi32, #tpu.memory_space<vmem>>
    %dma_start3A_722 = arith.constant 0 : i32
    %dma_start3A_723 = tpu.memref_slice %arg17[%dma_start3A_722] : memref<20480xi32, #tpu.memory_space<vmem_shared>> -> memref<20480xi32, #tpu.memory_space<vmem_shared>>
    tpu.enqueue_indirect_dma source(%dma_start3A_718 : memref<128xi32, #tpu.memory_space<vmem>>) target(%dma_start3A_723 : memref<20480xi32, #tpu.memory_space<vmem_shared>>) offsets(%dma_start3A_721 : memref<128xi32, #tpu.memory_space<vmem>>) semaphore(%arg19 : memref<!tpu.dma_semaphore, #tpu.memory_space<semaphore_mem>>)
    %dma_wait3A_724 = arith.constant 0 : i32
    %dma_wait3A_725 = arith.constant 0 : i32
    %dma_wait3A_726 = tpu.memref_slice %arg8[%dma_wait3A_725] : memref<1280xi32, #tpu.memory_space<vmem>> -> memref<128xi32, #tpu.memory_space<vmem>>
    %dma_wait3A_727 = arith.constant 0 : i32
    %dma_wait3A_728 = tpu.memref_slice %arg9[%dma_wait3A_724, %dma_wait3A_727] : memref<30x128xi32, #tpu.memory_space<vmem>> -> memref<1x128xi32, #tpu.memory_space<vmem>>
    %dma_wait3A_729 = tpu.memref_squeeze %dma_wait3A_728 : memref<1x128xi32, #tpu.memory_space<vmem>> -> memref<128xi32, #tpu.memory_space<vmem>>
    %dma_wait3A_730 = arith.constant 0 : i32
    %dma_wait3A_731 = tpu.memref_slice %arg17[%dma_wait3A_730] : memref<20480xi32, #tpu.memory_space<vmem_shared>> -> memref<20480xi32, #tpu.memory_space<vmem_shared>>
    tpu.wait_indirect_dma semaphore(%arg19 : memref<!tpu.dma_semaphore, #tpu.memory_space<semaphore_mem>>) src(%dma_wait3A_726 : memref<128xi32, #tpu.memory_space<vmem>>) dst(%dma_wait3A_731 : memref<20480xi32, #tpu.memory_space<vmem_shared>>)
    %dma_wait3A_732 = arith.constant 1 : i32
    %dma_wait3A_733 = arith.constant 128 : i32
    %dma_wait3A_734 = tpu.memref_slice %arg8[%dma_wait3A_733] : memref<1280xi32, #tpu.memory_space<vmem>> -> memref<128xi32, #tpu.memory_space<vmem>>
    %dma_wait3A_735 = arith.constant 0 : i32
    %dma_wait3A_736 = tpu.memref_slice %arg9[%dma_wait3A_732, %dma_wait3A_735] : memref<30x128xi32, #tpu.memory_space<vmem>> -> memref<1x128xi32, #tpu.memory_space<vmem>>
    %dma_wait3A_737 = tpu.memref_squeeze %dma_wait3A_736 : memref<1x128xi32, #tpu.memory_space<vmem>> -> memref<128xi32, #tpu.memory_space<vmem>>
    %dma_wait3A_738 = arith.constant 0 : i32
    %dma_wait3A_739 = tpu.memref_slice %arg17[%dma_wait3A_738] : memref<20480xi32, #tpu.memory_space<vmem_shared>> -> memref<20480xi32, #tpu.memory_space<vmem_shared>>
    tpu.wait_indirect_dma semaphore(%arg19 : memref<!tpu.dma_semaphore, #tpu.memory_space<semaphore_mem>>) src(%dma_wait3A_734 : memref<128xi32, #tpu.memory_space<vmem>>) dst(%dma_wait3A_739 : memref<20480xi32, #tpu.memory_space<vmem_shared>>)
    %dma_wait3A_740 = arith.constant 2 : i32
    %dma_wait3A_741 = arith.constant 256 : i32
    %dma_wait3A_742 = tpu.memref_slice %arg8[%dma_wait3A_741] : memref<1280xi32, #tpu.memory_space<vmem>> -> memref<128xi32, #tpu.memory_space<vmem>>
    %dma_wait3A_743 = arith.constant 0 : i32
    %dma_wait3A_744 = tpu.memref_slice %arg9[%dma_wait3A_740, %dma_wait3A_743] : memref<30x128xi32, #tpu.memory_space<vmem>> -> memref<1x128xi32, #tpu.memory_space<vmem>>
    %dma_wait3A_745 = tpu.memref_squeeze %dma_wait3A_744 : memref<1x128xi32, #tpu.memory_space<vmem>> -> memref<128xi32, #tpu.memory_space<vmem>>
    %dma_wait3A_746 = arith.constant 0 : i32
    %dma_wait3A_747 = tpu.memref_slice %arg17[%dma_wait3A_746] : memref<20480xi32, #tpu.memory_space<vmem_shared>> -> memref<20480xi32, #tpu.memory_space<vmem_shared>>
    tpu.wait_indirect_dma semaphore(%arg19 : memref<!tpu.dma_semaphore, #tpu.memory_space<semaphore_mem>>) src(%dma_wait3A_742 : memref<128xi32, #tpu.memory_space<vmem>>) dst(%dma_wait3A_747 : memref<20480xi32, #tpu.memory_space<vmem_shared>>)
    %dma_wait3A_748 = arith.constant 3 : i32
    %dma_wait3A_749 = arith.constant 384 : i32
    %dma_wait3A_750 = tpu.memref_slice %arg8[%dma_wait3A_749] : memref<1280xi32, #tpu.memory_space<vmem>> -> memref<128xi32, #tpu.memory_space<vmem>>
    %dma_wait3A_751 = arith.constant 0 : i32
    %dma_wait3A_752 = tpu.memref_slice %arg9[%dma_wait3A_748, %dma_wait3A_751] : memref<30x128xi32, #tpu.memory_space<vmem>> -> memref<1x128xi32, #tpu.memory_space<vmem>>
    %dma_wait3A_753 = tpu.memref_squeeze %dma_wait3A_752 : memref<1x128xi32, #tpu.memory_space<vmem>> -> memref<128xi32, #tpu.memory_space<vmem>>
    %dma_wait3A_754 = arith.constant 0 : i32
    %dma_wait3A_755 = tpu.memref_slice %arg17[%dma_wait3A_754] : memref<20480xi32, #tpu.memory_space<vmem_shared>> -> memref<20480xi32, #tpu.memory_space<vmem_shared>>
    tpu.wait_indirect_dma semaphore(%arg19 : memref<!tpu.dma_semaphore, #tpu.memory_space<semaphore_mem>>) src(%dma_wait3A_750 : memref<128xi32, #tpu.memory_space<vmem>>) dst(%dma_wait3A_755 : memref<20480xi32, #tpu.memory_space<vmem_shared>>)
    %dma_wait3A_756 = arith.constant 4 : i32
    %dma_wait3A_757 = arith.constant 512 : i32
    %dma_wait3A_758 = tpu.memref_slice %arg8[%dma_wait3A_757] : memref<1280xi32, #tpu.memory_space<vmem>> -> memref<128xi32, #tpu.memory_space<vmem>>
    %dma_wait3A_759 = arith.constant 0 : i32
    %dma_wait3A_760 = tpu.memref_slice %arg9[%dma_wait3A_756, %dma_wait3A_759] : memref<30x128xi32, #tpu.memory_space<vmem>> -> memref<1x128xi32, #tpu.memory_space<vmem>>
    %dma_wait3A_761 = tpu.memref_squeeze %dma_wait3A_760 : memref<1x128xi32, #tpu.memory_space<vmem>> -> memref<128xi32, #tpu.memory_space<vmem>>
    %dma_wait3A_762 = arith.constant 0 : i32
    %dma_wait3A_763 = tpu.memref_slice %arg17[%dma_wait3A_762] : memref<20480xi32, #tpu.memory_space<vmem_shared>> -> memref<20480xi32, #tpu.memory_space<vmem_shared>>
    tpu.wait_indirect_dma semaphore(%arg19 : memref<!tpu.dma_semaphore, #tpu.memory_space<semaphore_mem>>) src(%dma_wait3A_758 : memref<128xi32, #tpu.memory_space<vmem>>) dst(%dma_wait3A_763 : memref<20480xi32, #tpu.memory_space<vmem_shared>>)
    %dma_wait3A_764 = arith.constant 5 : i32
    %dma_wait3A_765 = arith.constant 640 : i32
    %dma_wait3A_766 = tpu.memref_slice %arg8[%dma_wait3A_765] : memref<1280xi32, #tpu.memory_space<vmem>> -> memref<128xi32, #tpu.memory_space<vmem>>
    %dma_wait3A_767 = arith.constant 0 : i32
    %dma_wait3A_768 = tpu.memref_slice %arg9[%dma_wait3A_764, %dma_wait3A_767] : memref<30x128xi32, #tpu.memory_space<vmem>> -> memref<1x128xi32, #tpu.memory_space<vmem>>
    %dma_wait3A_769 = tpu.memref_squeeze %dma_wait3A_768 : memref<1x128xi32, #tpu.memory_space<vmem>> -> memref<128xi32, #tpu.memory_space<vmem>>
    %dma_wait3A_770 = arith.constant 0 : i32
    %dma_wait3A_771 = tpu.memref_slice %arg17[%dma_wait3A_770] : memref<20480xi32, #tpu.memory_space<vmem_shared>> -> memref<20480xi32, #tpu.memory_space<vmem_shared>>
    tpu.wait_indirect_dma semaphore(%arg19 : memref<!tpu.dma_semaphore, #tpu.memory_space<semaphore_mem>>) src(%dma_wait3A_766 : memref<128xi32, #tpu.memory_space<vmem>>) dst(%dma_wait3A_771 : memref<20480xi32, #tpu.memory_space<vmem_shared>>)
    %dma_wait3A_772 = arith.constant 6 : i32
    %dma_wait3A_773 = arith.constant 768 : i32
    %dma_wait3A_774 = tpu.memref_slice %arg8[%dma_wait3A_773] : memref<1280xi32, #tpu.memory_space<vmem>> -> memref<128xi32, #tpu.memory_space<vmem>>
    %dma_wait3A_775 = arith.constant 0 : i32
    %dma_wait3A_776 = tpu.memref_slice %arg9[%dma_wait3A_772, %dma_wait3A_775] : memref<30x128xi32, #tpu.memory_space<vmem>> -> memref<1x128xi32, #tpu.memory_space<vmem>>
    %dma_wait3A_777 = tpu.memref_squeeze %dma_wait3A_776 : memref<1x128xi32, #tpu.memory_space<vmem>> -> memref<128xi32, #tpu.memory_space<vmem>>
    %dma_wait3A_778 = arith.constant 0 : i32
    %dma_wait3A_779 = tpu.memref_slice %arg17[%dma_wait3A_778] : memref<20480xi32, #tpu.memory_space<vmem_shared>> -> memref<20480xi32, #tpu.memory_space<vmem_shared>>
    tpu.wait_indirect_dma semaphore(%arg19 : memref<!tpu.dma_semaphore, #tpu.memory_space<semaphore_mem>>) src(%dma_wait3A_774 : memref<128xi32, #tpu.memory_space<vmem>>) dst(%dma_wait3A_779 : memref<20480xi32, #tpu.memory_space<vmem_shared>>)
    %dma_wait3A_780 = arith.constant 7 : i32
    %dma_wait3A_781 = arith.constant 896 : i32
    %dma_wait3A_782 = tpu.memref_slice %arg8[%dma_wait3A_781] : memref<1280xi32, #tpu.memory_space<vmem>> -> memref<128xi32, #tpu.memory_space<vmem>>
    %dma_wait3A_783 = arith.constant 0 : i32
    %dma_wait3A_784 = tpu.memref_slice %arg9[%dma_wait3A_780, %dma_wait3A_783] : memref<30x128xi32, #tpu.memory_space<vmem>> -> memref<1x128xi32, #tpu.memory_space<vmem>>
    %dma_wait3A_785 = tpu.memref_squeeze %dma_wait3A_784 : memref<1x128xi32, #tpu.memory_space<vmem>> -> memref<128xi32, #tpu.memory_space<vmem>>
    %dma_wait3A_786 = arith.constant 0 : i32
    %dma_wait3A_787 = tpu.memref_slice %arg17[%dma_wait3A_786] : memref<20480xi32, #tpu.memory_space<vmem_shared>> -> memref<20480xi32, #tpu.memory_space<vmem_shared>>
    tpu.wait_indirect_dma semaphore(%arg19 : memref<!tpu.dma_semaphore, #tpu.memory_space<semaphore_mem>>) src(%dma_wait3A_782 : memref<128xi32, #tpu.memory_space<vmem>>) dst(%dma_wait3A_787 : memref<20480xi32, #tpu.memory_space<vmem_shared>>)
    %dma_wait3A_788 = arith.constant 8 : i32
    %dma_wait3A_789 = arith.constant 1024 : i32
    %dma_wait3A_790 = tpu.memref_slice %arg8[%dma_wait3A_789] : memref<1280xi32, #tpu.memory_space<vmem>> -> memref<128xi32, #tpu.memory_space<vmem>>
    %dma_wait3A_791 = arith.constant 0 : i32
    %dma_wait3A_792 = tpu.memref_slice %arg9[%dma_wait3A_788, %dma_wait3A_791] : memref<30x128xi32, #tpu.memory_space<vmem>> -> memref<1x128xi32, #tpu.memory_space<vmem>>
    %dma_wait3A_793 = tpu.memref_squeeze %dma_wait3A_792 : memref<1x128xi32, #tpu.memory_space<vmem>> -> memref<128xi32, #tpu.memory_space<vmem>>
    %dma_wait3A_794 = arith.constant 0 : i32
    %dma_wait3A_795 = tpu.memref_slice %arg17[%dma_wait3A_794] : memref<20480xi32, #tpu.memory_space<vmem_shared>> -> memref<20480xi32, #tpu.memory_space<vmem_shared>>
    tpu.wait_indirect_dma semaphore(%arg19 : memref<!tpu.dma_semaphore, #tpu.memory_space<semaphore_mem>>) src(%dma_wait3A_790 : memref<128xi32, #tpu.memory_space<vmem>>) dst(%dma_wait3A_795 : memref<20480xi32, #tpu.memory_space<vmem_shared>>)
    %dma_wait3A_796 = arith.constant 9 : i32
    %dma_wait3A_797 = arith.constant 1152 : i32
    %dma_wait3A_798 = tpu.memref_slice %arg8[%dma_wait3A_797] : memref<1280xi32, #tpu.memory_space<vmem>> -> memref<128xi32, #tpu.memory_space<vmem>>
    %dma_wait3A_799 = arith.constant 0 : i32
    %dma_wait3A_800 = tpu.memref_slice %arg9[%dma_wait3A_796, %dma_wait3A_799] : memref<30x128xi32, #tpu.memory_space<vmem>> -> memref<1x128xi32, #tpu.memory_space<vmem>>
    %dma_wait3A_801 = tpu.memref_squeeze %dma_wait3A_800 : memref<1x128xi32, #tpu.memory_space<vmem>> -> memref<128xi32, #tpu.memory_space<vmem>>
    %dma_wait3A_802 = arith.constant 0 : i32
    %dma_wait3A_803 = tpu.memref_slice %arg17[%dma_wait3A_802] : memref<20480xi32, #tpu.memory_space<vmem_shared>> -> memref<20480xi32, #tpu.memory_space<vmem_shared>>
    tpu.wait_indirect_dma semaphore(%arg19 : memref<!tpu.dma_semaphore, #tpu.memory_space<semaphore_mem>>) src(%dma_wait3A_798 : memref<128xi32, #tpu.memory_space<vmem>>) dst(%dma_wait3A_803 : memref<20480xi32, #tpu.memory_space<vmem_shared>>)
    %barrier3A_804 = arith.constant 0 : index
    tpu.barrier barrier_id(%barrier3A_804)
    "tpu.region"() ({
      %run_scoped3A = tpu.sem_alloc : memref<!tpu.dma_semaphore, #tpu.memory_space<semaphore_mem>>
      %dma_start3A_1313 = tpu.memref_slice %arg17[%mul3A_0] : memref<20480xi32, #tpu.memory_space<vmem_shared>> -> memref<1280xi32, #tpu.memory_space<vmem_shared>>
      %dma_start3A_1314 = tpu.memref_slice %arg17[%mul3A_0] : memref<20480xi32, #tpu.memory_space<vmem_shared>> -> memref<1280xi32, #tpu.memory_space<vmem_shared>>
      tpu.enqueue_dma source(%dma_start3A_1314 : memref<1280xi32, #tpu.memory_space<vmem_shared>>) target(%arg8 : memref<1280xi32, #tpu.memory_space<vmem>>) target_semaphore(%run_scoped3A : memref<!tpu.dma_semaphore, #tpu.memory_space<semaphore_mem>>)
      %dma_wait3A_1315 = tpu.memref_slice %arg17[%mul3A_0] : memref<20480xi32, #tpu.memory_space<vmem_shared>> -> memref<1280xi32, #tpu.memory_space<vmem_shared>>
      %dma_wait3A_1316 = tpu.memref_slice %arg17[%mul3A_0] : memref<20480xi32, #tpu.memory_space<vmem_shared>> -> memref<1280xi32, #tpu.memory_space<vmem_shared>>
      tpu.wait_dma2 semaphore(%run_scoped3A : memref<!tpu.dma_semaphore, #tpu.memory_space<semaphore_mem>>) src(%dma_wait3A_1316 : memref<1280xi32, #tpu.memory_space<vmem_shared>>) dst(%arg8 : memref<1280xi32, #tpu.memory_space<vmem>>)
      tpu.yield
    }) : () -> ()
    %scan3A_805 = arith.constant 0 : i32
    %scan3A_806 = arith.constant 0 : i32
    %scan3A_807 = arith.constant 80 : i32
    %scan3A_808 = arith.addi %scan3A_806, %scan3A_807 : i32
    %scan3A_809 = arith.constant 1 : i32
    %scan3A_810 = scf.for %scan3A_1313 = %scan3A_806 to %scan3A_808 step %scan3A_809 iter_args(%scan3A_1314 = %scan3A_805) -> (i32)  : i32 {
      %mul3A_1315 = arith.constant 16 : i32
      %mul3A_1316 = arith.muli %scan3A_1313, %mul3A_1315 : i32
      %get3A = arith.index_cast %mul3A_1316 : i32 to index
      %get3A_1317 = tpu.vector_load %arg8[%get3A] {strides = array<i32>} : memref<1280xi32, #tpu.memory_space<vmem>>, vector<16xi32>,
      %add3A_1318 = arith.constant 0 : i32
      %add3A_1319 = vector.broadcast %add3A_1318 : i32 to vector<16xi32>
      %add3A_1320 = arith.addi %add3A_1319, %get3A_1317 : vector<16xi32>
      %jit3A = arith.constant 8 : i32
      %div3A = arith.divsi %scan3A_1313, %jit3A : i32
      %sign3A = arith.constant 0 : i32
      %sign3A_1321 = arith.cmpi sgt, %scan3A_1313, %sign3A : i32
      %sign3A_1322 = arith.extui %sign3A_1321 : i1 to i32
      %sign3A_1323 = arith.constant 0 : i32
      %sign3A_1324 = arith.cmpi slt, %scan3A_1313, %sign3A_1323 : i32
      %sign3A_1325 = arith.extui %sign3A_1324 : i1 to i32
      %sign3A_1326 = arith.subi %sign3A_1322, %sign3A_1325 : i32
      %sign3A_1327 = arith.constant 0 : i32
      %sign3A_1328 = arith.cmpi sgt, %jit3A, %sign3A_1327 : i32
      %sign3A_1329 = arith.extui %sign3A_1328 : i1 to i32
      %sign3A_1330 = arith.constant 0 : i32
      %sign3A_1331 = arith.cmpi slt, %jit3A, %sign3A_1330 : i32
      %sign3A_1332 = arith.extui %sign3A_1331 : i1 to i32
      %sign3A_1333 = arith.subi %sign3A_1329, %sign3A_1332 : i32
      %ne3A = arith.cmpi ne, %sign3A_1326, %sign3A_1333 : i32
      %rem3A = arith.remsi %scan3A_1313, %jit3A : i32
      %ne3A_1334 = arith.constant 0 : i32
      %ne3A_1335 = arith.cmpi ne, %rem3A, %ne3A_1334 : i32
      %and3A_1336 = arith.andi %ne3A, %ne3A_1335 : i1
      %sub3A = arith.constant 1 : i32
      %sub3A_1337 = arith.subi %div3A, %sub3A : i32
      %select_n3A = arith.select %and3A_1336, %sub3A_1337, %div3A : i32
      %add3A_1338 = arith.constant 0 : i32
      %add3A_1339 = arith.addi %add3A_1338, %select_n3A : i32
      %jit3A_1340 = arith.constant 8 : i32
      %eq3A_1341 = arith.constant 0 : i32
      %eq3A_1342 = arith.cmpi eq, %jit3A_1340, %eq3A_1341 : i32
      %jit3A_1343 = arith.constant 1 : i32
      %select_n3A_1344 = arith.select %eq3A_1342, %jit3A_1343, %jit3A_1340 : i32
      %rem3A_1345 = arith.remsi %scan3A_1313, %select_n3A_1344 : i32
      %ne3A_1346 = arith.constant 0 : i32
      %ne3A_1347 = arith.cmpi ne, %rem3A_1345, %ne3A_1346 : i32
      %lt3A_1348 = arith.constant 0 : i32
      %lt3A_1349 = arith.cmpi slt, %rem3A_1345, %lt3A_1348 : i32
      %lt3A_1350 = arith.constant 0 : i32
      %lt3A_1351 = arith.cmpi slt, %select_n3A_1344, %lt3A_1350 : i32
      %ne3A_1352 = arith.xori %lt3A_1349, %lt3A_1351 : i1
      %and3A_1353 = arith.andi %ne3A_1352, %ne3A_1347 : i1
      %add3A_1354 = arith.addi %rem3A_1345, %select_n3A_1344 : i32
      %select_n3A_1355 = arith.select %and3A_1353, %add3A_1354, %rem3A_1345 : i32
      %mul3A_1356 = arith.constant 16 : i32
      %mul3A_1357 = arith.muli %select_n3A_1355, %mul3A_1356 : i32
      %swap3A = arith.index_cast %add3A_1339 : i32 to index
      %swap3A_1358 = arith.index_cast %mul3A_1357 : i32 to index
      %swap3A_1359 = tpu.vector_load %arg9[%swap3A, %swap3A_1358] {strides = array<i32>} : memref<30x128xi32, #tpu.memory_space<vmem>>, vector<16xi32>,
      tpu.vector_store %arg9[%swap3A, %swap3A_1358], %add3A_1320 {strides = array<i32>} : memref<30x128xi32, #tpu.memory_space<vmem>>, vector<16xi32>,
      %add3A_1360 = arith.constant 20480 : i32
      %add3A_1361 = vector.broadcast %add3A_1360 : i32 to vector<16xi32>
      %add3A_1362 = arith.addi %add3A_1361, %get3A_1317 : vector<16xi32>
      %jit3A_1363 = arith.constant 8 : i32
      %div3A_1364 = arith.divsi %scan3A_1313, %jit3A_1363 : i32
      %sign3A_1365 = arith.constant 0 : i32
      %sign3A_1366 = arith.cmpi sgt, %scan3A_1313, %sign3A_1365 : i32
      %sign3A_1367 = arith.extui %sign3A_1366 : i1 to i32
      %sign3A_1368 = arith.constant 0 : i32
      %sign3A_1369 = arith.cmpi slt, %scan3A_1313, %sign3A_1368 : i32
      %sign3A_1370 = arith.extui %sign3A_1369 : i1 to i32
      %sign3A_1371 = arith.subi %sign3A_1367, %sign3A_1370 : i32
      %sign3A_1372 = arith.constant 0 : i32
      %sign3A_1373 = arith.cmpi sgt, %jit3A_1363, %sign3A_1372 : i32
      %sign3A_1374 = arith.extui %sign3A_1373 : i1 to i32
      %sign3A_1375 = arith.constant 0 : i32
      %sign3A_1376 = arith.cmpi slt, %jit3A_1363, %sign3A_1375 : i32
      %sign3A_1377 = arith.extui %sign3A_1376 : i1 to i32
      %sign3A_1378 = arith.subi %sign3A_1374, %sign3A_1377 : i32
      %ne3A_1379 = arith.cmpi ne, %sign3A_1371, %sign3A_1378 : i32
      %rem3A_1380 = arith.remsi %scan3A_1313, %jit3A_1363 : i32
      %ne3A_1381 = arith.constant 0 : i32
      %ne3A_1382 = arith.cmpi ne, %rem3A_1380, %ne3A_1381 : i32
      %and3A_1383 = arith.andi %ne3A_1379, %ne3A_1382 : i1
      %sub3A_1384 = arith.constant 1 : i32
      %sub3A_1385 = arith.subi %div3A_1364, %sub3A_1384 : i32
      %select_n3A_1386 = arith.select %and3A_1383, %sub3A_1385, %div3A_1364 : i32
      %add3A_1387 = arith.constant 10 : i32
      %add3A_1388 = arith.addi %add3A_1387, %select_n3A_1386 : i32
      %jit3A_1389 = arith.constant 8 : i32
      %eq3A_1390 = arith.constant 0 : i32
      %eq3A_1391 = arith.cmpi eq, %jit3A_1389, %eq3A_1390 : i32
      %jit3A_1392 = arith.constant 1 : i32
      %select_n3A_1393 = arith.select %eq3A_1391, %jit3A_1392, %jit3A_1389 : i32
      %rem3A_1394 = arith.remsi %scan3A_1313, %select_n3A_1393 : i32
      %ne3A_1395 = arith.constant 0 : i32
      %ne3A_1396 = arith.cmpi ne, %rem3A_1394, %ne3A_1395 : i32
      %lt3A_1397 = arith.constant 0 : i32
      %lt3A_1398 = arith.cmpi slt, %rem3A_1394, %lt3A_1397 : i32
      %lt3A_1399 = arith.constant 0 : i32
      %lt3A_1400 = arith.cmpi slt, %select_n3A_1393, %lt3A_1399 : i32
      %ne3A_1401 = arith.xori %lt3A_1398, %lt3A_1400 : i1
      %and3A_1402 = arith.andi %ne3A_1401, %ne3A_1396 : i1
      %add3A_1403 = arith.addi %rem3A_1394, %select_n3A_1393 : i32
      %select_n3A_1404 = arith.select %and3A_1402, %add3A_1403, %rem3A_1394 : i32
      %mul3A_1405 = arith.constant 16 : i32
      %mul3A_1406 = arith.muli %select_n3A_1404, %mul3A_1405 : i32
      %swap3A_1407 = arith.index_cast %add3A_1388 : i32 to index
      %swap3A_1408 = arith.index_cast %mul3A_1406 : i32 to index
      %swap3A_1409 = tpu.vector_load %arg9[%swap3A_1407, %swap3A_1408] {strides = array<i32>} : memref<30x128xi32, #tpu.memory_space<vmem>>, vector<16xi32>,
      tpu.vector_store %arg9[%swap3A_1407, %swap3A_1408], %add3A_1362 {strides = array<i32>} : memref<30x128xi32, #tpu.memory_space<vmem>>, vector<16xi32>,
      %add3A_1410 = arith.constant 40960 : i32
      %add3A_1411 = vector.broadcast %add3A_1410 : i32 to vector<16xi32>
      %add3A_1412 = arith.addi %add3A_1411, %get3A_1317 : vector<16xi32>
      %jit3A_1413 = arith.constant 8 : i32
      %div3A_1414 = arith.divsi %scan3A_1313, %jit3A_1413 : i32
      %sign3A_1415 = arith.constant 0 : i32
      %sign3A_1416 = arith.cmpi sgt, %scan3A_1313, %sign3A_1415 : i32
      %sign3A_1417 = arith.extui %sign3A_1416 : i1 to i32
      %sign3A_1418 = arith.constant 0 : i32
      %sign3A_1419 = arith.cmpi slt, %scan3A_1313, %sign3A_1418 : i32
      %sign3A_1420 = arith.extui %sign3A_1419 : i1 to i32
      %sign3A_1421 = arith.subi %sign3A_1417, %sign3A_1420 : i32
      %sign3A_1422 = arith.constant 0 : i32
      %sign3A_1423 = arith.cmpi sgt, %jit3A_1413, %sign3A_1422 : i32
      %sign3A_1424 = arith.extui %sign3A_1423 : i1 to i32
      %sign3A_1425 = arith.constant 0 : i32
      %sign3A_1426 = arith.cmpi slt, %jit3A_1413, %sign3A_1425 : i32
      %sign3A_1427 = arith.extui %sign3A_1426 : i1 to i32
      %sign3A_1428 = arith.subi %sign3A_1424, %sign3A_1427 : i32
      %ne3A_1429 = arith.cmpi ne, %sign3A_1421, %sign3A_1428 : i32
      %rem3A_1430 = arith.remsi %scan3A_1313, %jit3A_1413 : i32
      %ne3A_1431 = arith.constant 0 : i32
      %ne3A_1432 = arith.cmpi ne, %rem3A_1430, %ne3A_1431 : i32
      %and3A_1433 = arith.andi %ne3A_1429, %ne3A_1432 : i1
      %sub3A_1434 = arith.constant 1 : i32
      %sub3A_1435 = arith.subi %div3A_1414, %sub3A_1434 : i32
      %select_n3A_1436 = arith.select %and3A_1433, %sub3A_1435, %div3A_1414 : i32
      %add3A_1437 = arith.constant 20 : i32
      %add3A_1438 = arith.addi %add3A_1437, %select_n3A_1436 : i32
      %jit3A_1439 = arith.constant 8 : i32
      %eq3A_1440 = arith.constant 0 : i32
      %eq3A_1441 = arith.cmpi eq, %jit3A_1439, %eq3A_1440 : i32
      %jit3A_1442 = arith.constant 1 : i32
      %select_n3A_1443 = arith.select %eq3A_1441, %jit3A_1442, %jit3A_1439 : i32
      %rem3A_1444 = arith.remsi %scan3A_1313, %select_n3A_1443 : i32
      %ne3A_1445 = arith.constant 0 : i32
      %ne3A_1446 = arith.cmpi ne, %rem3A_1444, %ne3A_1445 : i32
      %lt3A_1447 = arith.constant 0 : i32
      %lt3A_1448 = arith.cmpi slt, %rem3A_1444, %lt3A_1447 : i32
      %lt3A_1449 = arith.constant 0 : i32
      %lt3A_1450 = arith.cmpi slt, %select_n3A_1443, %lt3A_1449 : i32
      %ne3A_1451 = arith.xori %lt3A_1448, %lt3A_1450 : i1
      %and3A_1452 = arith.andi %ne3A_1451, %ne3A_1446 : i1
      %add3A_1453 = arith.addi %rem3A_1444, %select_n3A_1443 : i32
      %select_n3A_1454 = arith.select %and3A_1452, %add3A_1453, %rem3A_1444 : i32
      %mul3A_1455 = arith.constant 16 : i32
      %mul3A_1456 = arith.muli %select_n3A_1454, %mul3A_1455 : i32
      %swap3A_1457 = arith.index_cast %add3A_1438 : i32 to index
      %swap3A_1458 = arith.index_cast %mul3A_1456 : i32 to index
      %swap3A_1459 = tpu.vector_load %arg9[%swap3A_1457, %swap3A_1458] {strides = array<i32>} : memref<30x128xi32, #tpu.memory_space<vmem>>, vector<16xi32>,
      tpu.vector_store %arg9[%swap3A_1457, %swap3A_1458], %add3A_1412 {strides = array<i32>} : memref<30x128xi32, #tpu.memory_space<vmem>>, vector<16xi32>,
      %scan3A_1460 = arith.constant 0 : i32
      scf.yield %scan3A_1460 : i32
    }
    %scan3A_811 = arith.constant 80 : i32
    %dma_start3A_812 = arith.constant 0 : i32
    %dma_start3A_813 = arith.constant 0 : i32
    %dma_start3A_814 = tpu.memref_slice %arg13[%dma_start3A_813] : memref<3840xf32, #tpu.memory_space<vmem>> -> memref<128xf32, #tpu.memory_space<vmem>>
    %dma_start3A_815 = arith.constant 0 : i32
    %dma_start3A_816 = tpu.memref_slice %arg9[%dma_start3A_812, %dma_start3A_815] : memref<30x128xi32, #tpu.memory_space<vmem>> -> memref<1x128xi32, #tpu.memory_space<vmem>>
    %dma_start3A_817 = tpu.memref_squeeze %dma_start3A_816 : memref<1x128xi32, #tpu.memory_space<vmem>> -> memref<128xi32, #tpu.memory_space<vmem>>
    %dma_start3A_818 = arith.constant 0 : i32
    %dma_start3A_819 = tpu.memref_slice %arg18[%dma_start3A_818] : memref<61440xf32, #tpu.memory_space<vmem_shared>> -> memref<61440xf32, #tpu.memory_space<vmem_shared>>
    tpu.enqueue_indirect_dma source(%dma_start3A_819 : memref<61440xf32, #tpu.memory_space<vmem_shared>>) target(%dma_start3A_814 : memref<128xf32, #tpu.memory_space<vmem>>) offsets(%dma_start3A_817 : memref<128xi32, #tpu.memory_space<vmem>>) semaphore(%arg19 : memref<!tpu.dma_semaphore, #tpu.memory_space<semaphore_mem>>)
    %dma_start3A_820 = arith.constant 1 : i32
    %dma_start3A_821 = arith.constant 128 : i32
    %dma_start3A_822 = tpu.memref_slice %arg13[%dma_start3A_821] : memref<3840xf32, #tpu.memory_space<vmem>> -> memref<128xf32, #tpu.memory_space<vmem>>
    %dma_start3A_823 = arith.constant 0 : i32
    %dma_start3A_824 = tpu.memref_slice %arg9[%dma_start3A_820, %dma_start3A_823] : memref<30x128xi32, #tpu.memory_space<vmem>> -> memref<1x128xi32, #tpu.memory_space<vmem>>
    %dma_start3A_825 = tpu.memref_squeeze %dma_start3A_824 : memref<1x128xi32, #tpu.memory_space<vmem>> -> memref<128xi32, #tpu.memory_space<vmem>>
    %dma_start3A_826 = arith.constant 0 : i32
    %dma_start3A_827 = tpu.memref_slice %arg18[%dma_start3A_826] : memref<61440xf32, #tpu.memory_space<vmem_shared>> -> memref<61440xf32, #tpu.memory_space<vmem_shared>>
    tpu.enqueue_indirect_dma source(%dma_start3A_827 : memref<61440xf32, #tpu.memory_space<vmem_shared>>) target(%dma_start3A_822 : memref<128xf32, #tpu.memory_space<vmem>>) offsets(%dma_start3A_825 : memref<128xi32, #tpu.memory_space<vmem>>) semaphore(%arg19 : memref<!tpu.dma_semaphore, #tpu.memory_space<semaphore_mem>>)
    %dma_start3A_828 = arith.constant 2 : i32
    %dma_start3A_829 = arith.constant 256 : i32
    %dma_start3A_830 = tpu.memref_slice %arg13[%dma_start3A_829] : memref<3840xf32, #tpu.memory_space<vmem>> -> memref<128xf32, #tpu.memory_space<vmem>>
    %dma_start3A_831 = arith.constant 0 : i32
    %dma_start3A_832 = tpu.memref_slice %arg9[%dma_start3A_828, %dma_start3A_831] : memref<30x128xi32, #tpu.memory_space<vmem>> -> memref<1x128xi32, #tpu.memory_space<vmem>>
    %dma_start3A_833 = tpu.memref_squeeze %dma_start3A_832 : memref<1x128xi32, #tpu.memory_space<vmem>> -> memref<128xi32, #tpu.memory_space<vmem>>
    %dma_start3A_834 = arith.constant 0 : i32
    %dma_start3A_835 = tpu.memref_slice %arg18[%dma_start3A_834] : memref<61440xf32, #tpu.memory_space<vmem_shared>> -> memref<61440xf32, #tpu.memory_space<vmem_shared>>
    tpu.enqueue_indirect_dma source(%dma_start3A_835 : memref<61440xf32, #tpu.memory_space<vmem_shared>>) target(%dma_start3A_830 : memref<128xf32, #tpu.memory_space<vmem>>) offsets(%dma_start3A_833 : memref<128xi32, #tpu.memory_space<vmem>>) semaphore(%arg19 : memref<!tpu.dma_semaphore, #tpu.memory_space<semaphore_mem>>)
    %dma_start3A_836 = arith.constant 3 : i32
    %dma_start3A_837 = arith.constant 384 : i32
    %dma_start3A_838 = tpu.memref_slice %arg13[%dma_start3A_837] : memref<3840xf32, #tpu.memory_space<vmem>> -> memref<128xf32, #tpu.memory_space<vmem>>
    %dma_start3A_839 = arith.constant 0 : i32
    %dma_start3A_840 = tpu.memref_slice %arg9[%dma_start3A_836, %dma_start3A_839] : memref<30x128xi32, #tpu.memory_space<vmem>> -> memref<1x128xi32, #tpu.memory_space<vmem>>
    %dma_start3A_841 = tpu.memref_squeeze %dma_start3A_840 : memref<1x128xi32, #tpu.memory_space<vmem>> -> memref<128xi32, #tpu.memory_space<vmem>>
    %dma_start3A_842 = arith.constant 0 : i32
    %dma_start3A_843 = tpu.memref_slice %arg18[%dma_start3A_842] : memref<61440xf32, #tpu.memory_space<vmem_shared>> -> memref<61440xf32, #tpu.memory_space<vmem_shared>>
    tpu.enqueue_indirect_dma source(%dma_start3A_843 : memref<61440xf32, #tpu.memory_space<vmem_shared>>) target(%dma_start3A_838 : memref<128xf32, #tpu.memory_space<vmem>>) offsets(%dma_start3A_841 : memref<128xi32, #tpu.memory_space<vmem>>) semaphore(%arg19 : memref<!tpu.dma_semaphore, #tpu.memory_space<semaphore_mem>>)
    %dma_start3A_844 = arith.constant 4 : i32
    %dma_start3A_845 = arith.constant 512 : i32
    %dma_start3A_846 = tpu.memref_slice %arg13[%dma_start3A_845] : memref<3840xf32, #tpu.memory_space<vmem>> -> memref<128xf32, #tpu.memory_space<vmem>>
    %dma_start3A_847 = arith.constant 0 : i32
    %dma_start3A_848 = tpu.memref_slice %arg9[%dma_start3A_844, %dma_start3A_847] : memref<30x128xi32, #tpu.memory_space<vmem>> -> memref<1x128xi32, #tpu.memory_space<vmem>>
    %dma_start3A_849 = tpu.memref_squeeze %dma_start3A_848 : memref<1x128xi32, #tpu.memory_space<vmem>> -> memref<128xi32, #tpu.memory_space<vmem>>
    %dma_start3A_850 = arith.constant 0 : i32
    %dma_start3A_851 = tpu.memref_slice %arg18[%dma_start3A_850] : memref<61440xf32, #tpu.memory_space<vmem_shared>> -> memref<61440xf32, #tpu.memory_space<vmem_shared>>
    tpu.enqueue_indirect_dma source(%dma_start3A_851 : memref<61440xf32, #tpu.memory_space<vmem_shared>>) target(%dma_start3A_846 : memref<128xf32, #tpu.memory_space<vmem>>) offsets(%dma_start3A_849 : memref<128xi32, #tpu.memory_space<vmem>>) semaphore(%arg19 : memref<!tpu.dma_semaphore, #tpu.memory_space<semaphore_mem>>)
    %dma_start3A_852 = arith.constant 5 : i32
    %dma_start3A_853 = arith.constant 640 : i32
    %dma_start3A_854 = tpu.memref_slice %arg13[%dma_start3A_853] : memref<3840xf32, #tpu.memory_space<vmem>> -> memref<128xf32, #tpu.memory_space<vmem>>
    %dma_start3A_855 = arith.constant 0 : i32
    %dma_start3A_856 = tpu.memref_slice %arg9[%dma_start3A_852, %dma_start3A_855] : memref<30x128xi32, #tpu.memory_space<vmem>> -> memref<1x128xi32, #tpu.memory_space<vmem>>
    %dma_start3A_857 = tpu.memref_squeeze %dma_start3A_856 : memref<1x128xi32, #tpu.memory_space<vmem>> -> memref<128xi32, #tpu.memory_space<vmem>>
    %dma_start3A_858 = arith.constant 0 : i32
    %dma_start3A_859 = tpu.memref_slice %arg18[%dma_start3A_858] : memref<61440xf32, #tpu.memory_space<vmem_shared>> -> memref<61440xf32, #tpu.memory_space<vmem_shared>>
    tpu.enqueue_indirect_dma source(%dma_start3A_859 : memref<61440xf32, #tpu.memory_space<vmem_shared>>) target(%dma_start3A_854 : memref<128xf32, #tpu.memory_space<vmem>>) offsets(%dma_start3A_857 : memref<128xi32, #tpu.memory_space<vmem>>) semaphore(%arg19 : memref<!tpu.dma_semaphore, #tpu.memory_space<semaphore_mem>>)
    %dma_start3A_860 = arith.constant 6 : i32
    %dma_start3A_861 = arith.constant 768 : i32
    %dma_start3A_862 = tpu.memref_slice %arg13[%dma_start3A_861] : memref<3840xf32, #tpu.memory_space<vmem>> -> memref<128xf32, #tpu.memory_space<vmem>>
    %dma_start3A_863 = arith.constant 0 : i32
    %dma_start3A_864 = tpu.memref_slice %arg9[%dma_start3A_860, %dma_start3A_863] : memref<30x128xi32, #tpu.memory_space<vmem>> -> memref<1x128xi32, #tpu.memory_space<vmem>>
    %dma_start3A_865 = tpu.memref_squeeze %dma_start3A_864 : memref<1x128xi32, #tpu.memory_space<vmem>> -> memref<128xi32, #tpu.memory_space<vmem>>
    %dma_start3A_866 = arith.constant 0 : i32
    %dma_start3A_867 = tpu.memref_slice %arg18[%dma_start3A_866] : memref<61440xf32, #tpu.memory_space<vmem_shared>> -> memref<61440xf32, #tpu.memory_space<vmem_shared>>
    tpu.enqueue_indirect_dma source(%dma_start3A_867 : memref<61440xf32, #tpu.memory_space<vmem_shared>>) target(%dma_start3A_862 : memref<128xf32, #tpu.memory_space<vmem>>) offsets(%dma_start3A_865 : memref<128xi32, #tpu.memory_space<vmem>>) semaphore(%arg19 : memref<!tpu.dma_semaphore, #tpu.memory_space<semaphore_mem>>)
    %dma_start3A_868 = arith.constant 7 : i32
    %dma_start3A_869 = arith.constant 896 : i32
    %dma_start3A_870 = tpu.memref_slice %arg13[%dma_start3A_869] : memref<3840xf32, #tpu.memory_space<vmem>> -> memref<128xf32, #tpu.memory_space<vmem>>
    %dma_start3A_871 = arith.constant 0 : i32
    %dma_start3A_872 = tpu.memref_slice %arg9[%dma_start3A_868, %dma_start3A_871] : memref<30x128xi32, #tpu.memory_space<vmem>> -> memref<1x128xi32, #tpu.memory_space<vmem>>
    %dma_start3A_873 = tpu.memref_squeeze %dma_start3A_872 : memref<1x128xi32, #tpu.memory_space<vmem>> -> memref<128xi32, #tpu.memory_space<vmem>>
    %dma_start3A_874 = arith.constant 0 : i32
    %dma_start3A_875 = tpu.memref_slice %arg18[%dma_start3A_874] : memref<61440xf32, #tpu.memory_space<vmem_shared>> -> memref<61440xf32, #tpu.memory_space<vmem_shared>>
    tpu.enqueue_indirect_dma source(%dma_start3A_875 : memref<61440xf32, #tpu.memory_space<vmem_shared>>) target(%dma_start3A_870 : memref<128xf32, #tpu.memory_space<vmem>>) offsets(%dma_start3A_873 : memref<128xi32, #tpu.memory_space<vmem>>) semaphore(%arg19 : memref<!tpu.dma_semaphore, #tpu.memory_space<semaphore_mem>>)
    %dma_start3A_876 = arith.constant 8 : i32
    %dma_start3A_877 = arith.constant 1024 : i32
    %dma_start3A_878 = tpu.memref_slice %arg13[%dma_start3A_877] : memref<3840xf32, #tpu.memory_space<vmem>> -> memref<128xf32, #tpu.memory_space<vmem>>
    %dma_start3A_879 = arith.constant 0 : i32
    %dma_start3A_880 = tpu.memref_slice %arg9[%dma_start3A_876, %dma_start3A_879] : memref<30x128xi32, #tpu.memory_space<vmem>> -> memref<1x128xi32, #tpu.memory_space<vmem>>
    %dma_start3A_881 = tpu.memref_squeeze %dma_start3A_880 : memref<1x128xi32, #tpu.memory_space<vmem>> -> memref<128xi32, #tpu.memory_space<vmem>>
    %dma_start3A_882 = arith.constant 0 : i32
    %dma_start3A_883 = tpu.memref_slice %arg18[%dma_start3A_882] : memref<61440xf32, #tpu.memory_space<vmem_shared>> -> memref<61440xf32, #tpu.memory_space<vmem_shared>>
    tpu.enqueue_indirect_dma source(%dma_start3A_883 : memref<61440xf32, #tpu.memory_space<vmem_shared>>) target(%dma_start3A_878 : memref<128xf32, #tpu.memory_space<vmem>>) offsets(%dma_start3A_881 : memref<128xi32, #tpu.memory_space<vmem>>) semaphore(%arg19 : memref<!tpu.dma_semaphore, #tpu.memory_space<semaphore_mem>>)
    %dma_start3A_884 = arith.constant 9 : i32
    %dma_start3A_885 = arith.constant 1152 : i32
    %dma_start3A_886 = tpu.memref_slice %arg13[%dma_start3A_885] : memref<3840xf32, #tpu.memory_space<vmem>> -> memref<128xf32, #tpu.memory_space<vmem>>
    %dma_start3A_887 = arith.constant 0 : i32
    %dma_start3A_888 = tpu.memref_slice %arg9[%dma_start3A_884, %dma_start3A_887] : memref<30x128xi32, #tpu.memory_space<vmem>> -> memref<1x128xi32, #tpu.memory_space<vmem>>
    %dma_start3A_889 = tpu.memref_squeeze %dma_start3A_888 : memref<1x128xi32, #tpu.memory_space<vmem>> -> memref<128xi32, #tpu.memory_space<vmem>>
    %dma_start3A_890 = arith.constant 0 : i32
    %dma_start3A_891 = tpu.memref_slice %arg18[%dma_start3A_890] : memref<61440xf32, #tpu.memory_space<vmem_shared>> -> memref<61440xf32, #tpu.memory_space<vmem_shared>>
    tpu.enqueue_indirect_dma source(%dma_start3A_891 : memref<61440xf32, #tpu.memory_space<vmem_shared>>) target(%dma_start3A_886 : memref<128xf32, #tpu.memory_space<vmem>>) offsets(%dma_start3A_889 : memref<128xi32, #tpu.memory_space<vmem>>) semaphore(%arg19 : memref<!tpu.dma_semaphore, #tpu.memory_space<semaphore_mem>>)
    %dma_start3A_892 = arith.constant 10 : i32
    %dma_start3A_893 = arith.constant 1280 : i32
    %dma_start3A_894 = tpu.memref_slice %arg13[%dma_start3A_893] : memref<3840xf32, #tpu.memory_space<vmem>> -> memref<128xf32, #tpu.memory_space<vmem>>
    %dma_start3A_895 = arith.constant 0 : i32
    %dma_start3A_896 = tpu.memref_slice %arg9[%dma_start3A_892, %dma_start3A_895] : memref<30x128xi32, #tpu.memory_space<vmem>> -> memref<1x128xi32, #tpu.memory_space<vmem>>
    %dma_start3A_897 = tpu.memref_squeeze %dma_start3A_896 : memref<1x128xi32, #tpu.memory_space<vmem>> -> memref<128xi32, #tpu.memory_space<vmem>>
    %dma_start3A_898 = arith.constant 0 : i32
    %dma_start3A_899 = tpu.memref_slice %arg18[%dma_start3A_898] : memref<61440xf32, #tpu.memory_space<vmem_shared>> -> memref<61440xf32, #tpu.memory_space<vmem_shared>>
    tpu.enqueue_indirect_dma source(%dma_start3A_899 : memref<61440xf32, #tpu.memory_space<vmem_shared>>) target(%dma_start3A_894 : memref<128xf32, #tpu.memory_space<vmem>>) offsets(%dma_start3A_897 : memref<128xi32, #tpu.memory_space<vmem>>) semaphore(%arg19 : memref<!tpu.dma_semaphore, #tpu.memory_space<semaphore_mem>>)
    %dma_start3A_900 = arith.constant 11 : i32
    %dma_start3A_901 = arith.constant 1408 : i32
    %dma_start3A_902 = tpu.memref_slice %arg13[%dma_start3A_901] : memref<3840xf32, #tpu.memory_space<vmem>> -> memref<128xf32, #tpu.memory_space<vmem>>
    %dma_start3A_903 = arith.constant 0 : i32
    %dma_start3A_904 = tpu.memref_slice %arg9[%dma_start3A_900, %dma_start3A_903] : memref<30x128xi32, #tpu.memory_space<vmem>> -> memref<1x128xi32, #tpu.memory_space<vmem>>
    %dma_start3A_905 = tpu.memref_squeeze %dma_start3A_904 : memref<1x128xi32, #tpu.memory_space<vmem>> -> memref<128xi32, #tpu.memory_space<vmem>>
    %dma_start3A_906 = arith.constant 0 : i32
    %dma_start3A_907 = tpu.memref_slice %arg18[%dma_start3A_906] : memref<61440xf32, #tpu.memory_space<vmem_shared>> -> memref<61440xf32, #tpu.memory_space<vmem_shared>>
    tpu.enqueue_indirect_dma source(%dma_start3A_907 : memref<61440xf32, #tpu.memory_space<vmem_shared>>) target(%dma_start3A_902 : memref<128xf32, #tpu.memory_space<vmem>>) offsets(%dma_start3A_905 : memref<128xi32, #tpu.memory_space<vmem>>) semaphore(%arg19 : memref<!tpu.dma_semaphore, #tpu.memory_space<semaphore_mem>>)
    %dma_start3A_908 = arith.constant 12 : i32
    %dma_start3A_909 = arith.constant 1536 : i32
    %dma_start3A_910 = tpu.memref_slice %arg13[%dma_start3A_909] : memref<3840xf32, #tpu.memory_space<vmem>> -> memref<128xf32, #tpu.memory_space<vmem>>
    %dma_start3A_911 = arith.constant 0 : i32
    %dma_start3A_912 = tpu.memref_slice %arg9[%dma_start3A_908, %dma_start3A_911] : memref<30x128xi32, #tpu.memory_space<vmem>> -> memref<1x128xi32, #tpu.memory_space<vmem>>
    %dma_start3A_913 = tpu.memref_squeeze %dma_start3A_912 : memref<1x128xi32, #tpu.memory_space<vmem>> -> memref<128xi32, #tpu.memory_space<vmem>>
    %dma_start3A_914 = arith.constant 0 : i32
    %dma_start3A_915 = tpu.memref_slice %arg18[%dma_start3A_914] : memref<61440xf32, #tpu.memory_space<vmem_shared>> -> memref<61440xf32, #tpu.memory_space<vmem_shared>>
    tpu.enqueue_indirect_dma source(%dma_start3A_915 : memref<61440xf32, #tpu.memory_space<vmem_shared>>) target(%dma_start3A_910 : memref<128xf32, #tpu.memory_space<vmem>>) offsets(%dma_start3A_913 : memref<128xi32, #tpu.memory_space<vmem>>) semaphore(%arg19 : memref<!tpu.dma_semaphore, #tpu.memory_space<semaphore_mem>>)
    %dma_start3A_916 = arith.constant 13 : i32
    %dma_start3A_917 = arith.constant 1664 : i32
    %dma_start3A_918 = tpu.memref_slice %arg13[%dma_start3A_917] : memref<3840xf32, #tpu.memory_space<vmem>> -> memref<128xf32, #tpu.memory_space<vmem>>
    %dma_start3A_919 = arith.constant 0 : i32
    %dma_start3A_920 = tpu.memref_slice %arg9[%dma_start3A_916, %dma_start3A_919] : memref<30x128xi32, #tpu.memory_space<vmem>> -> memref<1x128xi32, #tpu.memory_space<vmem>>
    %dma_start3A_921 = tpu.memref_squeeze %dma_start3A_920 : memref<1x128xi32, #tpu.memory_space<vmem>> -> memref<128xi32, #tpu.memory_space<vmem>>
    %dma_start3A_922 = arith.constant 0 : i32
    %dma_start3A_923 = tpu.memref_slice %arg18[%dma_start3A_922] : memref<61440xf32, #tpu.memory_space<vmem_shared>> -> memref<61440xf32, #tpu.memory_space<vmem_shared>>
    tpu.enqueue_indirect_dma source(%dma_start3A_923 : memref<61440xf32, #tpu.memory_space<vmem_shared>>) target(%dma_start3A_918 : memref<128xf32, #tpu.memory_space<vmem>>) offsets(%dma_start3A_921 : memref<128xi32, #tpu.memory_space<vmem>>) semaphore(%arg19 : memref<!tpu.dma_semaphore, #tpu.memory_space<semaphore_mem>>)
    %dma_start3A_924 = arith.constant 14 : i32
    %dma_start3A_925 = arith.constant 1792 : i32
    %dma_start3A_926 = tpu.memref_slice %arg13[%dma_start3A_925] : memref<3840xf32, #tpu.memory_space<vmem>> -> memref<128xf32, #tpu.memory_space<vmem>>
    %dma_start3A_927 = arith.constant 0 : i32
    %dma_start3A_928 = tpu.memref_slice %arg9[%dma_start3A_924, %dma_start3A_927] : memref<30x128xi32, #tpu.memory_space<vmem>> -> memref<1x128xi32, #tpu.memory_space<vmem>>
    %dma_start3A_929 = tpu.memref_squeeze %dma_start3A_928 : memref<1x128xi32, #tpu.memory_space<vmem>> -> memref<128xi32, #tpu.memory_space<vmem>>
    %dma_start3A_930 = arith.constant 0 : i32
    %dma_start3A_931 = tpu.memref_slice %arg18[%dma_start3A_930] : memref<61440xf32, #tpu.memory_space<vmem_shared>> -> memref<61440xf32, #tpu.memory_space<vmem_shared>>
    tpu.enqueue_indirect_dma source(%dma_start3A_931 : memref<61440xf32, #tpu.memory_space<vmem_shared>>) target(%dma_start3A_926 : memref<128xf32, #tpu.memory_space<vmem>>) offsets(%dma_start3A_929 : memref<128xi32, #tpu.memory_space<vmem>>) semaphore(%arg19 : memref<!tpu.dma_semaphore, #tpu.memory_space<semaphore_mem>>)
    %dma_start3A_932 = arith.constant 15 : i32
    %dma_start3A_933 = arith.constant 1920 : i32
    %dma_start3A_934 = tpu.memref_slice %arg13[%dma_start3A_933] : memref<3840xf32, #tpu.memory_space<vmem>> -> memref<128xf32, #tpu.memory_space<vmem>>
    %dma_start3A_935 = arith.constant 0 : i32
    %dma_start3A_936 = tpu.memref_slice %arg9[%dma_start3A_932, %dma_start3A_935] : memref<30x128xi32, #tpu.memory_space<vmem>> -> memref<1x128xi32, #tpu.memory_space<vmem>>
    %dma_start3A_937 = tpu.memref_squeeze %dma_start3A_936 : memref<1x128xi32, #tpu.memory_space<vmem>> -> memref<128xi32, #tpu.memory_space<vmem>>
    %dma_start3A_938 = arith.constant 0 : i32
    %dma_start3A_939 = tpu.memref_slice %arg18[%dma_start3A_938] : memref<61440xf32, #tpu.memory_space<vmem_shared>> -> memref<61440xf32, #tpu.memory_space<vmem_shared>>
    tpu.enqueue_indirect_dma source(%dma_start3A_939 : memref<61440xf32, #tpu.memory_space<vmem_shared>>) target(%dma_start3A_934 : memref<128xf32, #tpu.memory_space<vmem>>) offsets(%dma_start3A_937 : memref<128xi32, #tpu.memory_space<vmem>>) semaphore(%arg19 : memref<!tpu.dma_semaphore, #tpu.memory_space<semaphore_mem>>)
    %dma_start3A_940 = arith.constant 16 : i32
    %dma_start3A_941 = arith.constant 2048 : i32
    %dma_start3A_942 = tpu.memref_slice %arg13[%dma_start3A_941] : memref<3840xf32, #tpu.memory_space<vmem>> -> memref<128xf32, #tpu.memory_space<vmem>>
    %dma_start3A_943 = arith.constant 0 : i32
    %dma_start3A_944 = tpu.memref_slice %arg9[%dma_start3A_940, %dma_start3A_943] : memref<30x128xi32, #tpu.memory_space<vmem>> -> memref<1x128xi32, #tpu.memory_space<vmem>>
    %dma_start3A_945 = tpu.memref_squeeze %dma_start3A_944 : memref<1x128xi32, #tpu.memory_space<vmem>> -> memref<128xi32, #tpu.memory_space<vmem>>
    %dma_start3A_946 = arith.constant 0 : i32
    %dma_start3A_947 = tpu.memref_slice %arg18[%dma_start3A_946] : memref<61440xf32, #tpu.memory_space<vmem_shared>> -> memref<61440xf32, #tpu.memory_space<vmem_shared>>
    tpu.enqueue_indirect_dma source(%dma_start3A_947 : memref<61440xf32, #tpu.memory_space<vmem_shared>>) target(%dma_start3A_942 : memref<128xf32, #tpu.memory_space<vmem>>) offsets(%dma_start3A_945 : memref<128xi32, #tpu.memory_space<vmem>>) semaphore(%arg19 : memref<!tpu.dma_semaphore, #tpu.memory_space<semaphore_mem>>)
    %dma_start3A_948 = arith.constant 17 : i32
    %dma_start3A_949 = arith.constant 2176 : i32
    %dma_start3A_950 = tpu.memref_slice %arg13[%dma_start3A_949] : memref<3840xf32, #tpu.memory_space<vmem>> -> memref<128xf32, #tpu.memory_space<vmem>>
    %dma_start3A_951 = arith.constant 0 : i32
    %dma_start3A_952 = tpu.memref_slice %arg9[%dma_start3A_948, %dma_start3A_951] : memref<30x128xi32, #tpu.memory_space<vmem>> -> memref<1x128xi32, #tpu.memory_space<vmem>>
    %dma_start3A_953 = tpu.memref_squeeze %dma_start3A_952 : memref<1x128xi32, #tpu.memory_space<vmem>> -> memref<128xi32, #tpu.memory_space<vmem>>
    %dma_start3A_954 = arith.constant 0 : i32
    %dma_start3A_955 = tpu.memref_slice %arg18[%dma_start3A_954] : memref<61440xf32, #tpu.memory_space<vmem_shared>> -> memref<61440xf32, #tpu.memory_space<vmem_shared>>
    tpu.enqueue_indirect_dma source(%dma_start3A_955 : memref<61440xf32, #tpu.memory_space<vmem_shared>>) target(%dma_start3A_950 : memref<128xf32, #tpu.memory_space<vmem>>) offsets(%dma_start3A_953 : memref<128xi32, #tpu.memory_space<vmem>>) semaphore(%arg19 : memref<!tpu.dma_semaphore, #tpu.memory_space<semaphore_mem>>)
    %dma_start3A_956 = arith.constant 18 : i32
    %dma_start3A_957 = arith.constant 2304 : i32
    %dma_start3A_958 = tpu.memref_slice %arg13[%dma_start3A_957] : memref<3840xf32, #tpu.memory_space<vmem>> -> memref<128xf32, #tpu.memory_space<vmem>>
    %dma_start3A_959 = arith.constant 0 : i32
    %dma_start3A_960 = tpu.memref_slice %arg9[%dma_start3A_956, %dma_start3A_959] : memref<30x128xi32, #tpu.memory_space<vmem>> -> memref<1x128xi32, #tpu.memory_space<vmem>>
    %dma_start3A_961 = tpu.memref_squeeze %dma_start3A_960 : memref<1x128xi32, #tpu.memory_space<vmem>> -> memref<128xi32, #tpu.memory_space<vmem>>
    %dma_start3A_962 = arith.constant 0 : i32
    %dma_start3A_963 = tpu.memref_slice %arg18[%dma_start3A_962] : memref<61440xf32, #tpu.memory_space<vmem_shared>> -> memref<61440xf32, #tpu.memory_space<vmem_shared>>
    tpu.enqueue_indirect_dma source(%dma_start3A_963 : memref<61440xf32, #tpu.memory_space<vmem_shared>>) target(%dma_start3A_958 : memref<128xf32, #tpu.memory_space<vmem>>) offsets(%dma_start3A_961 : memref<128xi32, #tpu.memory_space<vmem>>) semaphore(%arg19 : memref<!tpu.dma_semaphore, #tpu.memory_space<semaphore_mem>>)
    %dma_start3A_964 = arith.constant 19 : i32
    %dma_start3A_965 = arith.constant 2432 : i32
    %dma_start3A_966 = tpu.memref_slice %arg13[%dma_start3A_965] : memref<3840xf32, #tpu.memory_space<vmem>> -> memref<128xf32, #tpu.memory_space<vmem>>
    %dma_start3A_967 = arith.constant 0 : i32
    %dma_start3A_968 = tpu.memref_slice %arg9[%dma_start3A_964, %dma_start3A_967] : memref<30x128xi32, #tpu.memory_space<vmem>> -> memref<1x128xi32, #tpu.memory_space<vmem>>
    %dma_start3A_969 = tpu.memref_squeeze %dma_start3A_968 : memref<1x128xi32, #tpu.memory_space<vmem>> -> memref<128xi32, #tpu.memory_space<vmem>>
    %dma_start3A_970 = arith.constant 0 : i32
    %dma_start3A_971 = tpu.memref_slice %arg18[%dma_start3A_970] : memref<61440xf32, #tpu.memory_space<vmem_shared>> -> memref<61440xf32, #tpu.memory_space<vmem_shared>>
    tpu.enqueue_indirect_dma source(%dma_start3A_971 : memref<61440xf32, #tpu.memory_space<vmem_shared>>) target(%dma_start3A_966 : memref<128xf32, #tpu.memory_space<vmem>>) offsets(%dma_start3A_969 : memref<128xi32, #tpu.memory_space<vmem>>) semaphore(%arg19 : memref<!tpu.dma_semaphore, #tpu.memory_space<semaphore_mem>>)
    %dma_start3A_972 = arith.constant 20 : i32
    %dma_start3A_973 = arith.constant 2560 : i32
    %dma_start3A_974 = tpu.memref_slice %arg13[%dma_start3A_973] : memref<3840xf32, #tpu.memory_space<vmem>> -> memref<128xf32, #tpu.memory_space<vmem>>
    %dma_start3A_975 = arith.constant 0 : i32
    %dma_start3A_976 = tpu.memref_slice %arg9[%dma_start3A_972, %dma_start3A_975] : memref<30x128xi32, #tpu.memory_space<vmem>> -> memref<1x128xi32, #tpu.memory_space<vmem>>
    %dma_start3A_977 = tpu.memref_squeeze %dma_start3A_976 : memref<1x128xi32, #tpu.memory_space<vmem>> -> memref<128xi32, #tpu.memory_space<vmem>>
    %dma_start3A_978 = arith.constant 0 : i32
    %dma_start3A_979 = tpu.memref_slice %arg18[%dma_start3A_978] : memref<61440xf32, #tpu.memory_space<vmem_shared>> -> memref<61440xf32, #tpu.memory_space<vmem_shared>>
    tpu.enqueue_indirect_dma source(%dma_start3A_979 : memref<61440xf32, #tpu.memory_space<vmem_shared>>) target(%dma_start3A_974 : memref<128xf32, #tpu.memory_space<vmem>>) offsets(%dma_start3A_977 : memref<128xi32, #tpu.memory_space<vmem>>) semaphore(%arg19 : memref<!tpu.dma_semaphore, #tpu.memory_space<semaphore_mem>>)
    %dma_start3A_980 = arith.constant 21 : i32
    %dma_start3A_981 = arith.constant 2688 : i32
    %dma_start3A_982 = tpu.memref_slice %arg13[%dma_start3A_981] : memref<3840xf32, #tpu.memory_space<vmem>> -> memref<128xf32, #tpu.memory_space<vmem>>
    %dma_start3A_983 = arith.constant 0 : i32
    %dma_start3A_984 = tpu.memref_slice %arg9[%dma_start3A_980, %dma_start3A_983] : memref<30x128xi32, #tpu.memory_space<vmem>> -> memref<1x128xi32, #tpu.memory_space<vmem>>
    %dma_start3A_985 = tpu.memref_squeeze %dma_start3A_984 : memref<1x128xi32, #tpu.memory_space<vmem>> -> memref<128xi32, #tpu.memory_space<vmem>>
    %dma_start3A_986 = arith.constant 0 : i32
    %dma_start3A_987 = tpu.memref_slice %arg18[%dma_start3A_986] : memref<61440xf32, #tpu.memory_space<vmem_shared>> -> memref<61440xf32, #tpu.memory_space<vmem_shared>>
    tpu.enqueue_indirect_dma source(%dma_start3A_987 : memref<61440xf32, #tpu.memory_space<vmem_shared>>) target(%dma_start3A_982 : memref<128xf32, #tpu.memory_space<vmem>>) offsets(%dma_start3A_985 : memref<128xi32, #tpu.memory_space<vmem>>) semaphore(%arg19 : memref<!tpu.dma_semaphore, #tpu.memory_space<semaphore_mem>>)
    %dma_start3A_988 = arith.constant 22 : i32
    %dma_start3A_989 = arith.constant 2816 : i32
    %dma_start3A_990 = tpu.memref_slice %arg13[%dma_start3A_989] : memref<3840xf32, #tpu.memory_space<vmem>> -> memref<128xf32, #tpu.memory_space<vmem>>
    %dma_start3A_991 = arith.constant 0 : i32
    %dma_start3A_992 = tpu.memref_slice %arg9[%dma_start3A_988, %dma_start3A_991] : memref<30x128xi32, #tpu.memory_space<vmem>> -> memref<1x128xi32, #tpu.memory_space<vmem>>
    %dma_start3A_993 = tpu.memref_squeeze %dma_start3A_992 : memref<1x128xi32, #tpu.memory_space<vmem>> -> memref<128xi32, #tpu.memory_space<vmem>>
    %dma_start3A_994 = arith.constant 0 : i32
    %dma_start3A_995 = tpu.memref_slice %arg18[%dma_start3A_994] : memref<61440xf32, #tpu.memory_space<vmem_shared>> -> memref<61440xf32, #tpu.memory_space<vmem_shared>>
    tpu.enqueue_indirect_dma source(%dma_start3A_995 : memref<61440xf32, #tpu.memory_space<vmem_shared>>) target(%dma_start3A_990 : memref<128xf32, #tpu.memory_space<vmem>>) offsets(%dma_start3A_993 : memref<128xi32, #tpu.memory_space<vmem>>) semaphore(%arg19 : memref<!tpu.dma_semaphore, #tpu.memory_space<semaphore_mem>>)
    %dma_start3A_996 = arith.constant 23 : i32
    %dma_start3A_997 = arith.constant 2944 : i32
    %dma_start3A_998 = tpu.memref_slice %arg13[%dma_start3A_997] : memref<3840xf32, #tpu.memory_space<vmem>> -> memref<128xf32, #tpu.memory_space<vmem>>
    %dma_start3A_999 = arith.constant 0 : i32
    %dma_start3A_1000 = tpu.memref_slice %arg9[%dma_start3A_996, %dma_start3A_999] : memref<30x128xi32, #tpu.memory_space<vmem>> -> memref<1x128xi32, #tpu.memory_space<vmem>>
    %dma_start3A_1001 = tpu.memref_squeeze %dma_start3A_1000 : memref<1x128xi32, #tpu.memory_space<vmem>> -> memref<128xi32, #tpu.memory_space<vmem>>
    %dma_start3A_1002 = arith.constant 0 : i32
    %dma_start3A_1003 = tpu.memref_slice %arg18[%dma_start3A_1002] : memref<61440xf32, #tpu.memory_space<vmem_shared>> -> memref<61440xf32, #tpu.memory_space<vmem_shared>>
    tpu.enqueue_indirect_dma source(%dma_start3A_1003 : memref<61440xf32, #tpu.memory_space<vmem_shared>>) target(%dma_start3A_998 : memref<128xf32, #tpu.memory_space<vmem>>) offsets(%dma_start3A_1001 : memref<128xi32, #tpu.memory_space<vmem>>) semaphore(%arg19 : memref<!tpu.dma_semaphore, #tpu.memory_space<semaphore_mem>>)
    %dma_start3A_1004 = arith.constant 24 : i32
    %dma_start3A_1005 = arith.constant 3072 : i32
    %dma_start3A_1006 = tpu.memref_slice %arg13[%dma_start3A_1005] : memref<3840xf32, #tpu.memory_space<vmem>> -> memref<128xf32, #tpu.memory_space<vmem>>
    %dma_start3A_1007 = arith.constant 0 : i32
    %dma_start3A_1008 = tpu.memref_slice %arg9[%dma_start3A_1004, %dma_start3A_1007] : memref<30x128xi32, #tpu.memory_space<vmem>> -> memref<1x128xi32, #tpu.memory_space<vmem>>
    %dma_start3A_1009 = tpu.memref_squeeze %dma_start3A_1008 : memref<1x128xi32, #tpu.memory_space<vmem>> -> memref<128xi32, #tpu.memory_space<vmem>>
    %dma_start3A_1010 = arith.constant 0 : i32
    %dma_start3A_1011 = tpu.memref_slice %arg18[%dma_start3A_1010] : memref<61440xf32, #tpu.memory_space<vmem_shared>> -> memref<61440xf32, #tpu.memory_space<vmem_shared>>
    tpu.enqueue_indirect_dma source(%dma_start3A_1011 : memref<61440xf32, #tpu.memory_space<vmem_shared>>) target(%dma_start3A_1006 : memref<128xf32, #tpu.memory_space<vmem>>) offsets(%dma_start3A_1009 : memref<128xi32, #tpu.memory_space<vmem>>) semaphore(%arg19 : memref<!tpu.dma_semaphore, #tpu.memory_space<semaphore_mem>>)
    %dma_start3A_1012 = arith.constant 25 : i32
    %dma_start3A_1013 = arith.constant 3200 : i32
    %dma_start3A_1014 = tpu.memref_slice %arg13[%dma_start3A_1013] : memref<3840xf32, #tpu.memory_space<vmem>> -> memref<128xf32, #tpu.memory_space<vmem>>
    %dma_start3A_1015 = arith.constant 0 : i32
    %dma_start3A_1016 = tpu.memref_slice %arg9[%dma_start3A_1012, %dma_start3A_1015] : memref<30x128xi32, #tpu.memory_space<vmem>> -> memref<1x128xi32, #tpu.memory_space<vmem>>
    %dma_start3A_1017 = tpu.memref_squeeze %dma_start3A_1016 : memref<1x128xi32, #tpu.memory_space<vmem>> -> memref<128xi32, #tpu.memory_space<vmem>>
    %dma_start3A_1018 = arith.constant 0 : i32
    %dma_start3A_1019 = tpu.memref_slice %arg18[%dma_start3A_1018] : memref<61440xf32, #tpu.memory_space<vmem_shared>> -> memref<61440xf32, #tpu.memory_space<vmem_shared>>
    tpu.enqueue_indirect_dma source(%dma_start3A_1019 : memref<61440xf32, #tpu.memory_space<vmem_shared>>) target(%dma_start3A_1014 : memref<128xf32, #tpu.memory_space<vmem>>) offsets(%dma_start3A_1017 : memref<128xi32, #tpu.memory_space<vmem>>) semaphore(%arg19 : memref<!tpu.dma_semaphore, #tpu.memory_space<semaphore_mem>>)
    %dma_start3A_1020 = arith.constant 26 : i32
    %dma_start3A_1021 = arith.constant 3328 : i32
    %dma_start3A_1022 = tpu.memref_slice %arg13[%dma_start3A_1021] : memref<3840xf32, #tpu.memory_space<vmem>> -> memref<128xf32, #tpu.memory_space<vmem>>
    %dma_start3A_1023 = arith.constant 0 : i32
    %dma_start3A_1024 = tpu.memref_slice %arg9[%dma_start3A_1020, %dma_start3A_1023] : memref<30x128xi32, #tpu.memory_space<vmem>> -> memref<1x128xi32, #tpu.memory_space<vmem>>
    %dma_start3A_1025 = tpu.memref_squeeze %dma_start3A_1024 : memref<1x128xi32, #tpu.memory_space<vmem>> -> memref<128xi32, #tpu.memory_space<vmem>>
    %dma_start3A_1026 = arith.constant 0 : i32
    %dma_start3A_1027 = tpu.memref_slice %arg18[%dma_start3A_1026] : memref<61440xf32, #tpu.memory_space<vmem_shared>> -> memref<61440xf32, #tpu.memory_space<vmem_shared>>
    tpu.enqueue_indirect_dma source(%dma_start3A_1027 : memref<61440xf32, #tpu.memory_space<vmem_shared>>) target(%dma_start3A_1022 : memref<128xf32, #tpu.memory_space<vmem>>) offsets(%dma_start3A_1025 : memref<128xi32, #tpu.memory_space<vmem>>) semaphore(%arg19 : memref<!tpu.dma_semaphore, #tpu.memory_space<semaphore_mem>>)
    %dma_start3A_1028 = arith.constant 27 : i32
    %dma_start3A_1029 = arith.constant 3456 : i32
    %dma_start3A_1030 = tpu.memref_slice %arg13[%dma_start3A_1029] : memref<3840xf32, #tpu.memory_space<vmem>> -> memref<128xf32, #tpu.memory_space<vmem>>
    %dma_start3A_1031 = arith.constant 0 : i32
    %dma_start3A_1032 = tpu.memref_slice %arg9[%dma_start3A_1028, %dma_start3A_1031] : memref<30x128xi32, #tpu.memory_space<vmem>> -> memref<1x128xi32, #tpu.memory_space<vmem>>
    %dma_start3A_1033 = tpu.memref_squeeze %dma_start3A_1032 : memref<1x128xi32, #tpu.memory_space<vmem>> -> memref<128xi32, #tpu.memory_space<vmem>>
    %dma_start3A_1034 = arith.constant 0 : i32
    %dma_start3A_1035 = tpu.memref_slice %arg18[%dma_start3A_1034] : memref<61440xf32, #tpu.memory_space<vmem_shared>> -> memref<61440xf32, #tpu.memory_space<vmem_shared>>
    tpu.enqueue_indirect_dma source(%dma_start3A_1035 : memref<61440xf32, #tpu.memory_space<vmem_shared>>) target(%dma_start3A_1030 : memref<128xf32, #tpu.memory_space<vmem>>) offsets(%dma_start3A_1033 : memref<128xi32, #tpu.memory_space<vmem>>) semaphore(%arg19 : memref<!tpu.dma_semaphore, #tpu.memory_space<semaphore_mem>>)
    %dma_start3A_1036 = arith.constant 28 : i32
    %dma_start3A_1037 = arith.constant 3584 : i32
    %dma_start3A_1038 = tpu.memref_slice %arg13[%dma_start3A_1037] : memref<3840xf32, #tpu.memory_space<vmem>> -> memref<128xf32, #tpu.memory_space<vmem>>
    %dma_start3A_1039 = arith.constant 0 : i32
    %dma_start3A_1040 = tpu.memref_slice %arg9[%dma_start3A_1036, %dma_start3A_1039] : memref<30x128xi32, #tpu.memory_space<vmem>> -> memref<1x128xi32, #tpu.memory_space<vmem>>
    %dma_start3A_1041 = tpu.memref_squeeze %dma_start3A_1040 : memref<1x128xi32, #tpu.memory_space<vmem>> -> memref<128xi32, #tpu.memory_space<vmem>>
    %dma_start3A_1042 = arith.constant 0 : i32
    %dma_start3A_1043 = tpu.memref_slice %arg18[%dma_start3A_1042] : memref<61440xf32, #tpu.memory_space<vmem_shared>> -> memref<61440xf32, #tpu.memory_space<vmem_shared>>
    tpu.enqueue_indirect_dma source(%dma_start3A_1043 : memref<61440xf32, #tpu.memory_space<vmem_shared>>) target(%dma_start3A_1038 : memref<128xf32, #tpu.memory_space<vmem>>) offsets(%dma_start3A_1041 : memref<128xi32, #tpu.memory_space<vmem>>) semaphore(%arg19 : memref<!tpu.dma_semaphore, #tpu.memory_space<semaphore_mem>>)
    %dma_start3A_1044 = arith.constant 29 : i32
    %dma_start3A_1045 = arith.constant 3712 : i32
    %dma_start3A_1046 = tpu.memref_slice %arg13[%dma_start3A_1045] : memref<3840xf32, #tpu.memory_space<vmem>> -> memref<128xf32, #tpu.memory_space<vmem>>
    %dma_start3A_1047 = arith.constant 0 : i32
    %dma_start3A_1048 = tpu.memref_slice %arg9[%dma_start3A_1044, %dma_start3A_1047] : memref<30x128xi32, #tpu.memory_space<vmem>> -> memref<1x128xi32, #tpu.memory_space<vmem>>
    %dma_start3A_1049 = tpu.memref_squeeze %dma_start3A_1048 : memref<1x128xi32, #tpu.memory_space<vmem>> -> memref<128xi32, #tpu.memory_space<vmem>>
    %dma_start3A_1050 = arith.constant 0 : i32
    %dma_start3A_1051 = tpu.memref_slice %arg18[%dma_start3A_1050] : memref<61440xf32, #tpu.memory_space<vmem_shared>> -> memref<61440xf32, #tpu.memory_space<vmem_shared>>
    tpu.enqueue_indirect_dma source(%dma_start3A_1051 : memref<61440xf32, #tpu.memory_space<vmem_shared>>) target(%dma_start3A_1046 : memref<128xf32, #tpu.memory_space<vmem>>) offsets(%dma_start3A_1049 : memref<128xi32, #tpu.memory_space<vmem>>) semaphore(%arg19 : memref<!tpu.dma_semaphore, #tpu.memory_space<semaphore_mem>>)
    %dma_wait3A_1052 = arith.constant 0 : i32
    %dma_wait3A_1053 = arith.constant 0 : i32
    %dma_wait3A_1054 = tpu.memref_slice %arg13[%dma_wait3A_1053] : memref<3840xf32, #tpu.memory_space<vmem>> -> memref<128xf32, #tpu.memory_space<vmem>>
    %dma_wait3A_1055 = arith.constant 0 : i32
    %dma_wait3A_1056 = tpu.memref_slice %arg9[%dma_wait3A_1052, %dma_wait3A_1055] : memref<30x128xi32, #tpu.memory_space<vmem>> -> memref<1x128xi32, #tpu.memory_space<vmem>>
    %dma_wait3A_1057 = tpu.memref_squeeze %dma_wait3A_1056 : memref<1x128xi32, #tpu.memory_space<vmem>> -> memref<128xi32, #tpu.memory_space<vmem>>
    %dma_wait3A_1058 = arith.constant 0 : i32
    %dma_wait3A_1059 = tpu.memref_slice %arg18[%dma_wait3A_1058] : memref<61440xf32, #tpu.memory_space<vmem_shared>> -> memref<61440xf32, #tpu.memory_space<vmem_shared>>
    tpu.wait_indirect_dma semaphore(%arg19 : memref<!tpu.dma_semaphore, #tpu.memory_space<semaphore_mem>>) src(%dma_wait3A_1059 : memref<61440xf32, #tpu.memory_space<vmem_shared>>) dst(%dma_wait3A_1054 : memref<128xf32, #tpu.memory_space<vmem>>)
    %dma_wait3A_1060 = arith.constant 1 : i32
    %dma_wait3A_1061 = arith.constant 128 : i32
    %dma_wait3A_1062 = tpu.memref_slice %arg13[%dma_wait3A_1061] : memref<3840xf32, #tpu.memory_space<vmem>> -> memref<128xf32, #tpu.memory_space<vmem>>
    %dma_wait3A_1063 = arith.constant 0 : i32
    %dma_wait3A_1064 = tpu.memref_slice %arg9[%dma_wait3A_1060, %dma_wait3A_1063] : memref<30x128xi32, #tpu.memory_space<vmem>> -> memref<1x128xi32, #tpu.memory_space<vmem>>
    %dma_wait3A_1065 = tpu.memref_squeeze %dma_wait3A_1064 : memref<1x128xi32, #tpu.memory_space<vmem>> -> memref<128xi32, #tpu.memory_space<vmem>>
    %dma_wait3A_1066 = arith.constant 0 : i32
    %dma_wait3A_1067 = tpu.memref_slice %arg18[%dma_wait3A_1066] : memref<61440xf32, #tpu.memory_space<vmem_shared>> -> memref<61440xf32, #tpu.memory_space<vmem_shared>>
    tpu.wait_indirect_dma semaphore(%arg19 : memref<!tpu.dma_semaphore, #tpu.memory_space<semaphore_mem>>) src(%dma_wait3A_1067 : memref<61440xf32, #tpu.memory_space<vmem_shared>>) dst(%dma_wait3A_1062 : memref<128xf32, #tpu.memory_space<vmem>>)
    %dma_wait3A_1068 = arith.constant 2 : i32
    %dma_wait3A_1069 = arith.constant 256 : i32
    %dma_wait3A_1070 = tpu.memref_slice %arg13[%dma_wait3A_1069] : memref<3840xf32, #tpu.memory_space<vmem>> -> memref<128xf32, #tpu.memory_space<vmem>>
    %dma_wait3A_1071 = arith.constant 0 : i32
    %dma_wait3A_1072 = tpu.memref_slice %arg9[%dma_wait3A_1068, %dma_wait3A_1071] : memref<30x128xi32, #tpu.memory_space<vmem>> -> memref<1x128xi32, #tpu.memory_space<vmem>>
    %dma_wait3A_1073 = tpu.memref_squeeze %dma_wait3A_1072 : memref<1x128xi32, #tpu.memory_space<vmem>> -> memref<128xi32, #tpu.memory_space<vmem>>
    %dma_wait3A_1074 = arith.constant 0 : i32
    %dma_wait3A_1075 = tpu.memref_slice %arg18[%dma_wait3A_1074] : memref<61440xf32, #tpu.memory_space<vmem_shared>> -> memref<61440xf32, #tpu.memory_space<vmem_shared>>
    tpu.wait_indirect_dma semaphore(%arg19 : memref<!tpu.dma_semaphore, #tpu.memory_space<semaphore_mem>>) src(%dma_wait3A_1075 : memref<61440xf32, #tpu.memory_space<vmem_shared>>) dst(%dma_wait3A_1070 : memref<128xf32, #tpu.memory_space<vmem>>)
    %dma_wait3A_1076 = arith.constant 3 : i32
    %dma_wait3A_1077 = arith.constant 384 : i32
    %dma_wait3A_1078 = tpu.memref_slice %arg13[%dma_wait3A_1077] : memref<3840xf32, #tpu.memory_space<vmem>> -> memref<128xf32, #tpu.memory_space<vmem>>
    %dma_wait3A_1079 = arith.constant 0 : i32
    %dma_wait3A_1080 = tpu.memref_slice %arg9[%dma_wait3A_1076, %dma_wait3A_1079] : memref<30x128xi32, #tpu.memory_space<vmem>> -> memref<1x128xi32, #tpu.memory_space<vmem>>
    %dma_wait3A_1081 = tpu.memref_squeeze %dma_wait3A_1080 : memref<1x128xi32, #tpu.memory_space<vmem>> -> memref<128xi32, #tpu.memory_space<vmem>>
    %dma_wait3A_1082 = arith.constant 0 : i32
    %dma_wait3A_1083 = tpu.memref_slice %arg18[%dma_wait3A_1082] : memref<61440xf32, #tpu.memory_space<vmem_shared>> -> memref<61440xf32, #tpu.memory_space<vmem_shared>>
    tpu.wait_indirect_dma semaphore(%arg19 : memref<!tpu.dma_semaphore, #tpu.memory_space<semaphore_mem>>) src(%dma_wait3A_1083 : memref<61440xf32, #tpu.memory_space<vmem_shared>>) dst(%dma_wait3A_1078 : memref<128xf32, #tpu.memory_space<vmem>>)
    %dma_wait3A_1084 = arith.constant 4 : i32
    %dma_wait3A_1085 = arith.constant 512 : i32
    %dma_wait3A_1086 = tpu.memref_slice %arg13[%dma_wait3A_1085] : memref<3840xf32, #tpu.memory_space<vmem>> -> memref<128xf32, #tpu.memory_space<vmem>>
    %dma_wait3A_1087 = arith.constant 0 : i32
    %dma_wait3A_1088 = tpu.memref_slice %arg9[%dma_wait3A_1084, %dma_wait3A_1087] : memref<30x128xi32, #tpu.memory_space<vmem>> -> memref<1x128xi32, #tpu.memory_space<vmem>>
    %dma_wait3A_1089 = tpu.memref_squeeze %dma_wait3A_1088 : memref<1x128xi32, #tpu.memory_space<vmem>> -> memref<128xi32, #tpu.memory_space<vmem>>
    %dma_wait3A_1090 = arith.constant 0 : i32
    %dma_wait3A_1091 = tpu.memref_slice %arg18[%dma_wait3A_1090] : memref<61440xf32, #tpu.memory_space<vmem_shared>> -> memref<61440xf32, #tpu.memory_space<vmem_shared>>
    tpu.wait_indirect_dma semaphore(%arg19 : memref<!tpu.dma_semaphore, #tpu.memory_space<semaphore_mem>>) src(%dma_wait3A_1091 : memref<61440xf32, #tpu.memory_space<vmem_shared>>) dst(%dma_wait3A_1086 : memref<128xf32, #tpu.memory_space<vmem>>)
    %dma_wait3A_1092 = arith.constant 5 : i32
    %dma_wait3A_1093 = arith.constant 640 : i32
    %dma_wait3A_1094 = tpu.memref_slice %arg13[%dma_wait3A_1093] : memref<3840xf32, #tpu.memory_space<vmem>> -> memref<128xf32, #tpu.memory_space<vmem>>
    %dma_wait3A_1095 = arith.constant 0 : i32
    %dma_wait3A_1096 = tpu.memref_slice %arg9[%dma_wait3A_1092, %dma_wait3A_1095] : memref<30x128xi32, #tpu.memory_space<vmem>> -> memref<1x128xi32, #tpu.memory_space<vmem>>
    %dma_wait3A_1097 = tpu.memref_squeeze %dma_wait3A_1096 : memref<1x128xi32, #tpu.memory_space<vmem>> -> memref<128xi32, #tpu.memory_space<vmem>>
    %dma_wait3A_1098 = arith.constant 0 : i32
    %dma_wait3A_1099 = tpu.memref_slice %arg18[%dma_wait3A_1098] : memref<61440xf32, #tpu.memory_space<vmem_shared>> -> memref<61440xf32, #tpu.memory_space<vmem_shared>>
    tpu.wait_indirect_dma semaphore(%arg19 : memref<!tpu.dma_semaphore, #tpu.memory_space<semaphore_mem>>) src(%dma_wait3A_1099 : memref<61440xf32, #tpu.memory_space<vmem_shared>>) dst(%dma_wait3A_1094 : memref<128xf32, #tpu.memory_space<vmem>>)
    %dma_wait3A_1100 = arith.constant 6 : i32
    %dma_wait3A_1101 = arith.constant 768 : i32
    %dma_wait3A_1102 = tpu.memref_slice %arg13[%dma_wait3A_1101] : memref<3840xf32, #tpu.memory_space<vmem>> -> memref<128xf32, #tpu.memory_space<vmem>>
    %dma_wait3A_1103 = arith.constant 0 : i32
    %dma_wait3A_1104 = tpu.memref_slice %arg9[%dma_wait3A_1100, %dma_wait3A_1103] : memref<30x128xi32, #tpu.memory_space<vmem>> -> memref<1x128xi32, #tpu.memory_space<vmem>>
    %dma_wait3A_1105 = tpu.memref_squeeze %dma_wait3A_1104 : memref<1x128xi32, #tpu.memory_space<vmem>> -> memref<128xi32, #tpu.memory_space<vmem>>
    %dma_wait3A_1106 = arith.constant 0 : i32
    %dma_wait3A_1107 = tpu.memref_slice %arg18[%dma_wait3A_1106] : memref<61440xf32, #tpu.memory_space<vmem_shared>> -> memref<61440xf32, #tpu.memory_space<vmem_shared>>
    tpu.wait_indirect_dma semaphore(%arg19 : memref<!tpu.dma_semaphore, #tpu.memory_space<semaphore_mem>>) src(%dma_wait3A_1107 : memref<61440xf32, #tpu.memory_space<vmem_shared>>) dst(%dma_wait3A_1102 : memref<128xf32, #tpu.memory_space<vmem>>)
    %dma_wait3A_1108 = arith.constant 7 : i32
    %dma_wait3A_1109 = arith.constant 896 : i32
    %dma_wait3A_1110 = tpu.memref_slice %arg13[%dma_wait3A_1109] : memref<3840xf32, #tpu.memory_space<vmem>> -> memref<128xf32, #tpu.memory_space<vmem>>
    %dma_wait3A_1111 = arith.constant 0 : i32
    %dma_wait3A_1112 = tpu.memref_slice %arg9[%dma_wait3A_1108, %dma_wait3A_1111] : memref<30x128xi32, #tpu.memory_space<vmem>> -> memref<1x128xi32, #tpu.memory_space<vmem>>
    %dma_wait3A_1113 = tpu.memref_squeeze %dma_wait3A_1112 : memref<1x128xi32, #tpu.memory_space<vmem>> -> memref<128xi32, #tpu.memory_space<vmem>>
    %dma_wait3A_1114 = arith.constant 0 : i32
    %dma_wait3A_1115 = tpu.memref_slice %arg18[%dma_wait3A_1114] : memref<61440xf32, #tpu.memory_space<vmem_shared>> -> memref<61440xf32, #tpu.memory_space<vmem_shared>>
    tpu.wait_indirect_dma semaphore(%arg19 : memref<!tpu.dma_semaphore, #tpu.memory_space<semaphore_mem>>) src(%dma_wait3A_1115 : memref<61440xf32, #tpu.memory_space<vmem_shared>>) dst(%dma_wait3A_1110 : memref<128xf32, #tpu.memory_space<vmem>>)
    %dma_wait3A_1116 = arith.constant 8 : i32
    %dma_wait3A_1117 = arith.constant 1024 : i32
    %dma_wait3A_1118 = tpu.memref_slice %arg13[%dma_wait3A_1117] : memref<3840xf32, #tpu.memory_space<vmem>> -> memref<128xf32, #tpu.memory_space<vmem>>
    %dma_wait3A_1119 = arith.constant 0 : i32
    %dma_wait3A_1120 = tpu.memref_slice %arg9[%dma_wait3A_1116, %dma_wait3A_1119] : memref<30x128xi32, #tpu.memory_space<vmem>> -> memref<1x128xi32, #tpu.memory_space<vmem>>
    %dma_wait3A_1121 = tpu.memref_squeeze %dma_wait3A_1120 : memref<1x128xi32, #tpu.memory_space<vmem>> -> memref<128xi32, #tpu.memory_space<vmem>>
    %dma_wait3A_1122 = arith.constant 0 : i32
    %dma_wait3A_1123 = tpu.memref_slice %arg18[%dma_wait3A_1122] : memref<61440xf32, #tpu.memory_space<vmem_shared>> -> memref<61440xf32, #tpu.memory_space<vmem_shared>>
    tpu.wait_indirect_dma semaphore(%arg19 : memref<!tpu.dma_semaphore, #tpu.memory_space<semaphore_mem>>) src(%dma_wait3A_1123 : memref<61440xf32, #tpu.memory_space<vmem_shared>>) dst(%dma_wait3A_1118 : memref<128xf32, #tpu.memory_space<vmem>>)
    %dma_wait3A_1124 = arith.constant 9 : i32
    %dma_wait3A_1125 = arith.constant 1152 : i32
    %dma_wait3A_1126 = tpu.memref_slice %arg13[%dma_wait3A_1125] : memref<3840xf32, #tpu.memory_space<vmem>> -> memref<128xf32, #tpu.memory_space<vmem>>
    %dma_wait3A_1127 = arith.constant 0 : i32
    %dma_wait3A_1128 = tpu.memref_slice %arg9[%dma_wait3A_1124, %dma_wait3A_1127] : memref<30x128xi32, #tpu.memory_space<vmem>> -> memref<1x128xi32, #tpu.memory_space<vmem>>
    %dma_wait3A_1129 = tpu.memref_squeeze %dma_wait3A_1128 : memref<1x128xi32, #tpu.memory_space<vmem>> -> memref<128xi32, #tpu.memory_space<vmem>>
    %dma_wait3A_1130 = arith.constant 0 : i32
    %dma_wait3A_1131 = tpu.memref_slice %arg18[%dma_wait3A_1130] : memref<61440xf32, #tpu.memory_space<vmem_shared>> -> memref<61440xf32, #tpu.memory_space<vmem_shared>>
    tpu.wait_indirect_dma semaphore(%arg19 : memref<!tpu.dma_semaphore, #tpu.memory_space<semaphore_mem>>) src(%dma_wait3A_1131 : memref<61440xf32, #tpu.memory_space<vmem_shared>>) dst(%dma_wait3A_1126 : memref<128xf32, #tpu.memory_space<vmem>>)
    %dma_wait3A_1132 = arith.constant 10 : i32
    %dma_wait3A_1133 = arith.constant 1280 : i32
    %dma_wait3A_1134 = tpu.memref_slice %arg13[%dma_wait3A_1133] : memref<3840xf32, #tpu.memory_space<vmem>> -> memref<128xf32, #tpu.memory_space<vmem>>
    %dma_wait3A_1135 = arith.constant 0 : i32
    %dma_wait3A_1136 = tpu.memref_slice %arg9[%dma_wait3A_1132, %dma_wait3A_1135] : memref<30x128xi32, #tpu.memory_space<vmem>> -> memref<1x128xi32, #tpu.memory_space<vmem>>
    %dma_wait3A_1137 = tpu.memref_squeeze %dma_wait3A_1136 : memref<1x128xi32, #tpu.memory_space<vmem>> -> memref<128xi32, #tpu.memory_space<vmem>>
    %dma_wait3A_1138 = arith.constant 0 : i32
    %dma_wait3A_1139 = tpu.memref_slice %arg18[%dma_wait3A_1138] : memref<61440xf32, #tpu.memory_space<vmem_shared>> -> memref<61440xf32, #tpu.memory_space<vmem_shared>>
    tpu.wait_indirect_dma semaphore(%arg19 : memref<!tpu.dma_semaphore, #tpu.memory_space<semaphore_mem>>) src(%dma_wait3A_1139 : memref<61440xf32, #tpu.memory_space<vmem_shared>>) dst(%dma_wait3A_1134 : memref<128xf32, #tpu.memory_space<vmem>>)
    %dma_wait3A_1140 = arith.constant 11 : i32
    %dma_wait3A_1141 = arith.constant 1408 : i32
    %dma_wait3A_1142 = tpu.memref_slice %arg13[%dma_wait3A_1141] : memref<3840xf32, #tpu.memory_space<vmem>> -> memref<128xf32, #tpu.memory_space<vmem>>
    %dma_wait3A_1143 = arith.constant 0 : i32
    %dma_wait3A_1144 = tpu.memref_slice %arg9[%dma_wait3A_1140, %dma_wait3A_1143] : memref<30x128xi32, #tpu.memory_space<vmem>> -> memref<1x128xi32, #tpu.memory_space<vmem>>
    %dma_wait3A_1145 = tpu.memref_squeeze %dma_wait3A_1144 : memref<1x128xi32, #tpu.memory_space<vmem>> -> memref<128xi32, #tpu.memory_space<vmem>>
    %dma_wait3A_1146 = arith.constant 0 : i32
    %dma_wait3A_1147 = tpu.memref_slice %arg18[%dma_wait3A_1146] : memref<61440xf32, #tpu.memory_space<vmem_shared>> -> memref<61440xf32, #tpu.memory_space<vmem_shared>>
    tpu.wait_indirect_dma semaphore(%arg19 : memref<!tpu.dma_semaphore, #tpu.memory_space<semaphore_mem>>) src(%dma_wait3A_1147 : memref<61440xf32, #tpu.memory_space<vmem_shared>>) dst(%dma_wait3A_1142 : memref<128xf32, #tpu.memory_space<vmem>>)
    %dma_wait3A_1148 = arith.constant 12 : i32
    %dma_wait3A_1149 = arith.constant 1536 : i32
    %dma_wait3A_1150 = tpu.memref_slice %arg13[%dma_wait3A_1149] : memref<3840xf32, #tpu.memory_space<vmem>> -> memref<128xf32, #tpu.memory_space<vmem>>
    %dma_wait3A_1151 = arith.constant 0 : i32
    %dma_wait3A_1152 = tpu.memref_slice %arg9[%dma_wait3A_1148, %dma_wait3A_1151] : memref<30x128xi32, #tpu.memory_space<vmem>> -> memref<1x128xi32, #tpu.memory_space<vmem>>
    %dma_wait3A_1153 = tpu.memref_squeeze %dma_wait3A_1152 : memref<1x128xi32, #tpu.memory_space<vmem>> -> memref<128xi32, #tpu.memory_space<vmem>>
    %dma_wait3A_1154 = arith.constant 0 : i32
    %dma_wait3A_1155 = tpu.memref_slice %arg18[%dma_wait3A_1154] : memref<61440xf32, #tpu.memory_space<vmem_shared>> -> memref<61440xf32, #tpu.memory_space<vmem_shared>>
    tpu.wait_indirect_dma semaphore(%arg19 : memref<!tpu.dma_semaphore, #tpu.memory_space<semaphore_mem>>) src(%dma_wait3A_1155 : memref<61440xf32, #tpu.memory_space<vmem_shared>>) dst(%dma_wait3A_1150 : memref<128xf32, #tpu.memory_space<vmem>>)
    %dma_wait3A_1156 = arith.constant 13 : i32
    %dma_wait3A_1157 = arith.constant 1664 : i32
    %dma_wait3A_1158 = tpu.memref_slice %arg13[%dma_wait3A_1157] : memref<3840xf32, #tpu.memory_space<vmem>> -> memref<128xf32, #tpu.memory_space<vmem>>
    %dma_wait3A_1159 = arith.constant 0 : i32
    %dma_wait3A_1160 = tpu.memref_slice %arg9[%dma_wait3A_1156, %dma_wait3A_1159] : memref<30x128xi32, #tpu.memory_space<vmem>> -> memref<1x128xi32, #tpu.memory_space<vmem>>
    %dma_wait3A_1161 = tpu.memref_squeeze %dma_wait3A_1160 : memref<1x128xi32, #tpu.memory_space<vmem>> -> memref<128xi32, #tpu.memory_space<vmem>>
    %dma_wait3A_1162 = arith.constant 0 : i32
    %dma_wait3A_1163 = tpu.memref_slice %arg18[%dma_wait3A_1162] : memref<61440xf32, #tpu.memory_space<vmem_shared>> -> memref<61440xf32, #tpu.memory_space<vmem_shared>>
    tpu.wait_indirect_dma semaphore(%arg19 : memref<!tpu.dma_semaphore, #tpu.memory_space<semaphore_mem>>) src(%dma_wait3A_1163 : memref<61440xf32, #tpu.memory_space<vmem_shared>>) dst(%dma_wait3A_1158 : memref<128xf32, #tpu.memory_space<vmem>>)
    %dma_wait3A_1164 = arith.constant 14 : i32
    %dma_wait3A_1165 = arith.constant 1792 : i32
    %dma_wait3A_1166 = tpu.memref_slice %arg13[%dma_wait3A_1165] : memref<3840xf32, #tpu.memory_space<vmem>> -> memref<128xf32, #tpu.memory_space<vmem>>
    %dma_wait3A_1167 = arith.constant 0 : i32
    %dma_wait3A_1168 = tpu.memref_slice %arg9[%dma_wait3A_1164, %dma_wait3A_1167] : memref<30x128xi32, #tpu.memory_space<vmem>> -> memref<1x128xi32, #tpu.memory_space<vmem>>
    %dma_wait3A_1169 = tpu.memref_squeeze %dma_wait3A_1168 : memref<1x128xi32, #tpu.memory_space<vmem>> -> memref<128xi32, #tpu.memory_space<vmem>>
    %dma_wait3A_1170 = arith.constant 0 : i32
    %dma_wait3A_1171 = tpu.memref_slice %arg18[%dma_wait3A_1170] : memref<61440xf32, #tpu.memory_space<vmem_shared>> -> memref<61440xf32, #tpu.memory_space<vmem_shared>>
    tpu.wait_indirect_dma semaphore(%arg19 : memref<!tpu.dma_semaphore, #tpu.memory_space<semaphore_mem>>) src(%dma_wait3A_1171 : memref<61440xf32, #tpu.memory_space<vmem_shared>>) dst(%dma_wait3A_1166 : memref<128xf32, #tpu.memory_space<vmem>>)
    %dma_wait3A_1172 = arith.constant 15 : i32
    %dma_wait3A_1173 = arith.constant 1920 : i32
    %dma_wait3A_1174 = tpu.memref_slice %arg13[%dma_wait3A_1173] : memref<3840xf32, #tpu.memory_space<vmem>> -> memref<128xf32, #tpu.memory_space<vmem>>
    %dma_wait3A_1175 = arith.constant 0 : i32
    %dma_wait3A_1176 = tpu.memref_slice %arg9[%dma_wait3A_1172, %dma_wait3A_1175] : memref<30x128xi32, #tpu.memory_space<vmem>> -> memref<1x128xi32, #tpu.memory_space<vmem>>
    %dma_wait3A_1177 = tpu.memref_squeeze %dma_wait3A_1176 : memref<1x128xi32, #tpu.memory_space<vmem>> -> memref<128xi32, #tpu.memory_space<vmem>>
    %dma_wait3A_1178 = arith.constant 0 : i32
    %dma_wait3A_1179 = tpu.memref_slice %arg18[%dma_wait3A_1178] : memref<61440xf32, #tpu.memory_space<vmem_shared>> -> memref<61440xf32, #tpu.memory_space<vmem_shared>>
    tpu.wait_indirect_dma semaphore(%arg19 : memref<!tpu.dma_semaphore, #tpu.memory_space<semaphore_mem>>) src(%dma_wait3A_1179 : memref<61440xf32, #tpu.memory_space<vmem_shared>>) dst(%dma_wait3A_1174 : memref<128xf32, #tpu.memory_space<vmem>>)
    %dma_wait3A_1180 = arith.constant 16 : i32
    %dma_wait3A_1181 = arith.constant 2048 : i32
    %dma_wait3A_1182 = tpu.memref_slice %arg13[%dma_wait3A_1181] : memref<3840xf32, #tpu.memory_space<vmem>> -> memref<128xf32, #tpu.memory_space<vmem>>
    %dma_wait3A_1183 = arith.constant 0 : i32
    %dma_wait3A_1184 = tpu.memref_slice %arg9[%dma_wait3A_1180, %dma_wait3A_1183] : memref<30x128xi32, #tpu.memory_space<vmem>> -> memref<1x128xi32, #tpu.memory_space<vmem>>
    %dma_wait3A_1185 = tpu.memref_squeeze %dma_wait3A_1184 : memref<1x128xi32, #tpu.memory_space<vmem>> -> memref<128xi32, #tpu.memory_space<vmem>>
    %dma_wait3A_1186 = arith.constant 0 : i32
    %dma_wait3A_1187 = tpu.memref_slice %arg18[%dma_wait3A_1186] : memref<61440xf32, #tpu.memory_space<vmem_shared>> -> memref<61440xf32, #tpu.memory_space<vmem_shared>>
    tpu.wait_indirect_dma semaphore(%arg19 : memref<!tpu.dma_semaphore, #tpu.memory_space<semaphore_mem>>) src(%dma_wait3A_1187 : memref<61440xf32, #tpu.memory_space<vmem_shared>>) dst(%dma_wait3A_1182 : memref<128xf32, #tpu.memory_space<vmem>>)
    %dma_wait3A_1188 = arith.constant 17 : i32
    %dma_wait3A_1189 = arith.constant 2176 : i32
    %dma_wait3A_1190 = tpu.memref_slice %arg13[%dma_wait3A_1189] : memref<3840xf32, #tpu.memory_space<vmem>> -> memref<128xf32, #tpu.memory_space<vmem>>
    %dma_wait3A_1191 = arith.constant 0 : i32
    %dma_wait3A_1192 = tpu.memref_slice %arg9[%dma_wait3A_1188, %dma_wait3A_1191] : memref<30x128xi32, #tpu.memory_space<vmem>> -> memref<1x128xi32, #tpu.memory_space<vmem>>
    %dma_wait3A_1193 = tpu.memref_squeeze %dma_wait3A_1192 : memref<1x128xi32, #tpu.memory_space<vmem>> -> memref<128xi32, #tpu.memory_space<vmem>>
    %dma_wait3A_1194 = arith.constant 0 : i32
    %dma_wait3A_1195 = tpu.memref_slice %arg18[%dma_wait3A_1194] : memref<61440xf32, #tpu.memory_space<vmem_shared>> -> memref<61440xf32, #tpu.memory_space<vmem_shared>>
    tpu.wait_indirect_dma semaphore(%arg19 : memref<!tpu.dma_semaphore, #tpu.memory_space<semaphore_mem>>) src(%dma_wait3A_1195 : memref<61440xf32, #tpu.memory_space<vmem_shared>>) dst(%dma_wait3A_1190 : memref<128xf32, #tpu.memory_space<vmem>>)
    %dma_wait3A_1196 = arith.constant 18 : i32
    %dma_wait3A_1197 = arith.constant 2304 : i32
    %dma_wait3A_1198 = tpu.memref_slice %arg13[%dma_wait3A_1197] : memref<3840xf32, #tpu.memory_space<vmem>> -> memref<128xf32, #tpu.memory_space<vmem>>
    %dma_wait3A_1199 = arith.constant 0 : i32
    %dma_wait3A_1200 = tpu.memref_slice %arg9[%dma_wait3A_1196, %dma_wait3A_1199] : memref<30x128xi32, #tpu.memory_space<vmem>> -> memref<1x128xi32, #tpu.memory_space<vmem>>
    %dma_wait3A_1201 = tpu.memref_squeeze %dma_wait3A_1200 : memref<1x128xi32, #tpu.memory_space<vmem>> -> memref<128xi32, #tpu.memory_space<vmem>>
    %dma_wait3A_1202 = arith.constant 0 : i32
    %dma_wait3A_1203 = tpu.memref_slice %arg18[%dma_wait3A_1202] : memref<61440xf32, #tpu.memory_space<vmem_shared>> -> memref<61440xf32, #tpu.memory_space<vmem_shared>>
    tpu.wait_indirect_dma semaphore(%arg19 : memref<!tpu.dma_semaphore, #tpu.memory_space<semaphore_mem>>) src(%dma_wait3A_1203 : memref<61440xf32, #tpu.memory_space<vmem_shared>>) dst(%dma_wait3A_1198 : memref<128xf32, #tpu.memory_space<vmem>>)
    %dma_wait3A_1204 = arith.constant 19 : i32
    %dma_wait3A_1205 = arith.constant 2432 : i32
    %dma_wait3A_1206 = tpu.memref_slice %arg13[%dma_wait3A_1205] : memref<3840xf32, #tpu.memory_space<vmem>> -> memref<128xf32, #tpu.memory_space<vmem>>
    %dma_wait3A_1207 = arith.constant 0 : i32
    %dma_wait3A_1208 = tpu.memref_slice %arg9[%dma_wait3A_1204, %dma_wait3A_1207] : memref<30x128xi32, #tpu.memory_space<vmem>> -> memref<1x128xi32, #tpu.memory_space<vmem>>
    %dma_wait3A_1209 = tpu.memref_squeeze %dma_wait3A_1208 : memref<1x128xi32, #tpu.memory_space<vmem>> -> memref<128xi32, #tpu.memory_space<vmem>>
    %dma_wait3A_1210 = arith.constant 0 : i32
    %dma_wait3A_1211 = tpu.memref_slice %arg18[%dma_wait3A_1210] : memref<61440xf32, #tpu.memory_space<vmem_shared>> -> memref<61440xf32, #tpu.memory_space<vmem_shared>>
    tpu.wait_indirect_dma semaphore(%arg19 : memref<!tpu.dma_semaphore, #tpu.memory_space<semaphore_mem>>) src(%dma_wait3A_1211 : memref<61440xf32, #tpu.memory_space<vmem_shared>>) dst(%dma_wait3A_1206 : memref<128xf32, #tpu.memory_space<vmem>>)
    %dma_wait3A_1212 = arith.constant 20 : i32
    %dma_wait3A_1213 = arith.constant 2560 : i32
    %dma_wait3A_1214 = tpu.memref_slice %arg13[%dma_wait3A_1213] : memref<3840xf32, #tpu.memory_space<vmem>> -> memref<128xf32, #tpu.memory_space<vmem>>
    %dma_wait3A_1215 = arith.constant 0 : i32
    %dma_wait3A_1216 = tpu.memref_slice %arg9[%dma_wait3A_1212, %dma_wait3A_1215] : memref<30x128xi32, #tpu.memory_space<vmem>> -> memref<1x128xi32, #tpu.memory_space<vmem>>
    %dma_wait3A_1217 = tpu.memref_squeeze %dma_wait3A_1216 : memref<1x128xi32, #tpu.memory_space<vmem>> -> memref<128xi32, #tpu.memory_space<vmem>>
    %dma_wait3A_1218 = arith.constant 0 : i32
    %dma_wait3A_1219 = tpu.memref_slice %arg18[%dma_wait3A_1218] : memref<61440xf32, #tpu.memory_space<vmem_shared>> -> memref<61440xf32, #tpu.memory_space<vmem_shared>>
    tpu.wait_indirect_dma semaphore(%arg19 : memref<!tpu.dma_semaphore, #tpu.memory_space<semaphore_mem>>) src(%dma_wait3A_1219 : memref<61440xf32, #tpu.memory_space<vmem_shared>>) dst(%dma_wait3A_1214 : memref<128xf32, #tpu.memory_space<vmem>>)
    %dma_wait3A_1220 = arith.constant 21 : i32
    %dma_wait3A_1221 = arith.constant 2688 : i32
    %dma_wait3A_1222 = tpu.memref_slice %arg13[%dma_wait3A_1221] : memref<3840xf32, #tpu.memory_space<vmem>> -> memref<128xf32, #tpu.memory_space<vmem>>
    %dma_wait3A_1223 = arith.constant 0 : i32
    %dma_wait3A_1224 = tpu.memref_slice %arg9[%dma_wait3A_1220, %dma_wait3A_1223] : memref<30x128xi32, #tpu.memory_space<vmem>> -> memref<1x128xi32, #tpu.memory_space<vmem>>
    %dma_wait3A_1225 = tpu.memref_squeeze %dma_wait3A_1224 : memref<1x128xi32, #tpu.memory_space<vmem>> -> memref<128xi32, #tpu.memory_space<vmem>>
    %dma_wait3A_1226 = arith.constant 0 : i32
    %dma_wait3A_1227 = tpu.memref_slice %arg18[%dma_wait3A_1226] : memref<61440xf32, #tpu.memory_space<vmem_shared>> -> memref<61440xf32, #tpu.memory_space<vmem_shared>>
    tpu.wait_indirect_dma semaphore(%arg19 : memref<!tpu.dma_semaphore, #tpu.memory_space<semaphore_mem>>) src(%dma_wait3A_1227 : memref<61440xf32, #tpu.memory_space<vmem_shared>>) dst(%dma_wait3A_1222 : memref<128xf32, #tpu.memory_space<vmem>>)
    %dma_wait3A_1228 = arith.constant 22 : i32
    %dma_wait3A_1229 = arith.constant 2816 : i32
    %dma_wait3A_1230 = tpu.memref_slice %arg13[%dma_wait3A_1229] : memref<3840xf32, #tpu.memory_space<vmem>> -> memref<128xf32, #tpu.memory_space<vmem>>
    %dma_wait3A_1231 = arith.constant 0 : i32
    %dma_wait3A_1232 = tpu.memref_slice %arg9[%dma_wait3A_1228, %dma_wait3A_1231] : memref<30x128xi32, #tpu.memory_space<vmem>> -> memref<1x128xi32, #tpu.memory_space<vmem>>
    %dma_wait3A_1233 = tpu.memref_squeeze %dma_wait3A_1232 : memref<1x128xi32, #tpu.memory_space<vmem>> -> memref<128xi32, #tpu.memory_space<vmem>>
    %dma_wait3A_1234 = arith.constant 0 : i32
    %dma_wait3A_1235 = tpu.memref_slice %arg18[%dma_wait3A_1234] : memref<61440xf32, #tpu.memory_space<vmem_shared>> -> memref<61440xf32, #tpu.memory_space<vmem_shared>>
    tpu.wait_indirect_dma semaphore(%arg19 : memref<!tpu.dma_semaphore, #tpu.memory_space<semaphore_mem>>) src(%dma_wait3A_1235 : memref<61440xf32, #tpu.memory_space<vmem_shared>>) dst(%dma_wait3A_1230 : memref<128xf32, #tpu.memory_space<vmem>>)
    %dma_wait3A_1236 = arith.constant 23 : i32
    %dma_wait3A_1237 = arith.constant 2944 : i32
    %dma_wait3A_1238 = tpu.memref_slice %arg13[%dma_wait3A_1237] : memref<3840xf32, #tpu.memory_space<vmem>> -> memref<128xf32, #tpu.memory_space<vmem>>
    %dma_wait3A_1239 = arith.constant 0 : i32
    %dma_wait3A_1240 = tpu.memref_slice %arg9[%dma_wait3A_1236, %dma_wait3A_1239] : memref<30x128xi32, #tpu.memory_space<vmem>> -> memref<1x128xi32, #tpu.memory_space<vmem>>
    %dma_wait3A_1241 = tpu.memref_squeeze %dma_wait3A_1240 : memref<1x128xi32, #tpu.memory_space<vmem>> -> memref<128xi32, #tpu.memory_space<vmem>>
    %dma_wait3A_1242 = arith.constant 0 : i32
    %dma_wait3A_1243 = tpu.memref_slice %arg18[%dma_wait3A_1242] : memref<61440xf32, #tpu.memory_space<vmem_shared>> -> memref<61440xf32, #tpu.memory_space<vmem_shared>>
    tpu.wait_indirect_dma semaphore(%arg19 : memref<!tpu.dma_semaphore, #tpu.memory_space<semaphore_mem>>) src(%dma_wait3A_1243 : memref<61440xf32, #tpu.memory_space<vmem_shared>>) dst(%dma_wait3A_1238 : memref<128xf32, #tpu.memory_space<vmem>>)
    %dma_wait3A_1244 = arith.constant 24 : i32
    %dma_wait3A_1245 = arith.constant 3072 : i32
    %dma_wait3A_1246 = tpu.memref_slice %arg13[%dma_wait3A_1245] : memref<3840xf32, #tpu.memory_space<vmem>> -> memref<128xf32, #tpu.memory_space<vmem>>
    %dma_wait3A_1247 = arith.constant 0 : i32
    %dma_wait3A_1248 = tpu.memref_slice %arg9[%dma_wait3A_1244, %dma_wait3A_1247] : memref<30x128xi32, #tpu.memory_space<vmem>> -> memref<1x128xi32, #tpu.memory_space<vmem>>
    %dma_wait3A_1249 = tpu.memref_squeeze %dma_wait3A_1248 : memref<1x128xi32, #tpu.memory_space<vmem>> -> memref<128xi32, #tpu.memory_space<vmem>>
    %dma_wait3A_1250 = arith.constant 0 : i32
    %dma_wait3A_1251 = tpu.memref_slice %arg18[%dma_wait3A_1250] : memref<61440xf32, #tpu.memory_space<vmem_shared>> -> memref<61440xf32, #tpu.memory_space<vmem_shared>>
    tpu.wait_indirect_dma semaphore(%arg19 : memref<!tpu.dma_semaphore, #tpu.memory_space<semaphore_mem>>) src(%dma_wait3A_1251 : memref<61440xf32, #tpu.memory_space<vmem_shared>>) dst(%dma_wait3A_1246 : memref<128xf32, #tpu.memory_space<vmem>>)
    %dma_wait3A_1252 = arith.constant 25 : i32
    %dma_wait3A_1253 = arith.constant 3200 : i32
    %dma_wait3A_1254 = tpu.memref_slice %arg13[%dma_wait3A_1253] : memref<3840xf32, #tpu.memory_space<vmem>> -> memref<128xf32, #tpu.memory_space<vmem>>
    %dma_wait3A_1255 = arith.constant 0 : i32
    %dma_wait3A_1256 = tpu.memref_slice %arg9[%dma_wait3A_1252, %dma_wait3A_1255] : memref<30x128xi32, #tpu.memory_space<vmem>> -> memref<1x128xi32, #tpu.memory_space<vmem>>
    %dma_wait3A_1257 = tpu.memref_squeeze %dma_wait3A_1256 : memref<1x128xi32, #tpu.memory_space<vmem>> -> memref<128xi32, #tpu.memory_space<vmem>>
    %dma_wait3A_1258 = arith.constant 0 : i32
    %dma_wait3A_1259 = tpu.memref_slice %arg18[%dma_wait3A_1258] : memref<61440xf32, #tpu.memory_space<vmem_shared>> -> memref<61440xf32, #tpu.memory_space<vmem_shared>>
    tpu.wait_indirect_dma semaphore(%arg19 : memref<!tpu.dma_semaphore, #tpu.memory_space<semaphore_mem>>) src(%dma_wait3A_1259 : memref<61440xf32, #tpu.memory_space<vmem_shared>>) dst(%dma_wait3A_1254 : memref<128xf32, #tpu.memory_space<vmem>>)
    %dma_wait3A_1260 = arith.constant 26 : i32
    %dma_wait3A_1261 = arith.constant 3328 : i32
    %dma_wait3A_1262 = tpu.memref_slice %arg13[%dma_wait3A_1261] : memref<3840xf32, #tpu.memory_space<vmem>> -> memref<128xf32, #tpu.memory_space<vmem>>
    %dma_wait3A_1263 = arith.constant 0 : i32
    %dma_wait3A_1264 = tpu.memref_slice %arg9[%dma_wait3A_1260, %dma_wait3A_1263] : memref<30x128xi32, #tpu.memory_space<vmem>> -> memref<1x128xi32, #tpu.memory_space<vmem>>
    %dma_wait3A_1265 = tpu.memref_squeeze %dma_wait3A_1264 : memref<1x128xi32, #tpu.memory_space<vmem>> -> memref<128xi32, #tpu.memory_space<vmem>>
    %dma_wait3A_1266 = arith.constant 0 : i32
    %dma_wait3A_1267 = tpu.memref_slice %arg18[%dma_wait3A_1266] : memref<61440xf32, #tpu.memory_space<vmem_shared>> -> memref<61440xf32, #tpu.memory_space<vmem_shared>>
    tpu.wait_indirect_dma semaphore(%arg19 : memref<!tpu.dma_semaphore, #tpu.memory_space<semaphore_mem>>) src(%dma_wait3A_1267 : memref<61440xf32, #tpu.memory_space<vmem_shared>>) dst(%dma_wait3A_1262 : memref<128xf32, #tpu.memory_space<vmem>>)
    %dma_wait3A_1268 = arith.constant 27 : i32
    %dma_wait3A_1269 = arith.constant 3456 : i32
    %dma_wait3A_1270 = tpu.memref_slice %arg13[%dma_wait3A_1269] : memref<3840xf32, #tpu.memory_space<vmem>> -> memref<128xf32, #tpu.memory_space<vmem>>
    %dma_wait3A_1271 = arith.constant 0 : i32
    %dma_wait3A_1272 = tpu.memref_slice %arg9[%dma_wait3A_1268, %dma_wait3A_1271] : memref<30x128xi32, #tpu.memory_space<vmem>> -> memref<1x128xi32, #tpu.memory_space<vmem>>
    %dma_wait3A_1273 = tpu.memref_squeeze %dma_wait3A_1272 : memref<1x128xi32, #tpu.memory_space<vmem>> -> memref<128xi32, #tpu.memory_space<vmem>>
    %dma_wait3A_1274 = arith.constant 0 : i32
    %dma_wait3A_1275 = tpu.memref_slice %arg18[%dma_wait3A_1274] : memref<61440xf32, #tpu.memory_space<vmem_shared>> -> memref<61440xf32, #tpu.memory_space<vmem_shared>>
    tpu.wait_indirect_dma semaphore(%arg19 : memref<!tpu.dma_semaphore, #tpu.memory_space<semaphore_mem>>) src(%dma_wait3A_1275 : memref<61440xf32, #tpu.memory_space<vmem_shared>>) dst(%dma_wait3A_1270 : memref<128xf32, #tpu.memory_space<vmem>>)
    %dma_wait3A_1276 = arith.constant 28 : i32
    %dma_wait3A_1277 = arith.constant 3584 : i32
    %dma_wait3A_1278 = tpu.memref_slice %arg13[%dma_wait3A_1277] : memref<3840xf32, #tpu.memory_space<vmem>> -> memref<128xf32, #tpu.memory_space<vmem>>
    %dma_wait3A_1279 = arith.constant 0 : i32
    %dma_wait3A_1280 = tpu.memref_slice %arg9[%dma_wait3A_1276, %dma_wait3A_1279] : memref<30x128xi32, #tpu.memory_space<vmem>> -> memref<1x128xi32, #tpu.memory_space<vmem>>
    %dma_wait3A_1281 = tpu.memref_squeeze %dma_wait3A_1280 : memref<1x128xi32, #tpu.memory_space<vmem>> -> memref<128xi32, #tpu.memory_space<vmem>>
    %dma_wait3A_1282 = arith.constant 0 : i32
    %dma_wait3A_1283 = tpu.memref_slice %arg18[%dma_wait3A_1282] : memref<61440xf32, #tpu.memory_space<vmem_shared>> -> memref<61440xf32, #tpu.memory_space<vmem_shared>>
    tpu.wait_indirect_dma semaphore(%arg19 : memref<!tpu.dma_semaphore, #tpu.memory_space<semaphore_mem>>) src(%dma_wait3A_1283 : memref<61440xf32, #tpu.memory_space<vmem_shared>>) dst(%dma_wait3A_1278 : memref<128xf32, #tpu.memory_space<vmem>>)
    %dma_wait3A_1284 = arith.constant 29 : i32
    %dma_wait3A_1285 = arith.constant 3712 : i32
    %dma_wait3A_1286 = tpu.memref_slice %arg13[%dma_wait3A_1285] : memref<3840xf32, #tpu.memory_space<vmem>> -> memref<128xf32, #tpu.memory_space<vmem>>
    %dma_wait3A_1287 = arith.constant 0 : i32
    %dma_wait3A_1288 = tpu.memref_slice %arg9[%dma_wait3A_1284, %dma_wait3A_1287] : memref<30x128xi32, #tpu.memory_space<vmem>> -> memref<1x128xi32, #tpu.memory_space<vmem>>
    %dma_wait3A_1289 = tpu.memref_squeeze %dma_wait3A_1288 : memref<1x128xi32, #tpu.memory_space<vmem>> -> memref<128xi32, #tpu.memory_space<vmem>>
    %dma_wait3A_1290 = arith.constant 0 : i32
    %dma_wait3A_1291 = tpu.memref_slice %arg18[%dma_wait3A_1290] : memref<61440xf32, #tpu.memory_space<vmem_shared>> -> memref<61440xf32, #tpu.memory_space<vmem_shared>>
    tpu.wait_indirect_dma semaphore(%arg19 : memref<!tpu.dma_semaphore, #tpu.memory_space<semaphore_mem>>) src(%dma_wait3A_1291 : memref<61440xf32, #tpu.memory_space<vmem_shared>>) dst(%dma_wait3A_1286 : memref<128xf32, #tpu.memory_space<vmem>>)
    %mul3A_1292 = arith.constant 3 : i32
    %mul3A_1293 = arith.muli %arg0, %mul3A_1292 : i32
    %add3A_1294 = arith.constant 0 : i32
    %add3A_1295 = arith.addi %mul3A_1293, %add3A_1294 : i32
    %mul3A_1296 = arith.constant 20480 : i32
    %mul3A_1297 = arith.muli %add3A_1295, %mul3A_1296 : i32
    %add3A_1298 = arith.addi %mul3A_1297, %mul3A_0 : i32
    "tpu.region"() ({
      %run_scoped3A = tpu.sem_alloc : memref<!tpu.dma_semaphore, #tpu.memory_space<semaphore_mem>>
      %dma_start3A_1313 = arith.constant 0 : i32
      %dma_start3A_1314 = tpu.memref_slice %arg13[%dma_start3A_1313] : memref<3840xf32, #tpu.memory_space<vmem>> -> memref<1280xf32, #tpu.memory_space<vmem>>
      %dma_start3A_1315 = tpu.memref_slice %arg4[%add3A_1298] : memref<122880xf32, #tpu.memory_space<hbm>> -> memref<1280xf32, #tpu.memory_space<hbm>>
      %dma_start3A_1316 = tpu.memref_slice %arg4[%add3A_1298] : memref<122880xf32, #tpu.memory_space<hbm>> -> memref<1280xf32, #tpu.memory_space<hbm>>
      %dma_start3A_1317 = arith.constant 0 : i32
      %dma_start3A_1318 = tpu.memref_slice %arg13[%dma_start3A_1317] : memref<3840xf32, #tpu.memory_space<vmem>> -> memref<1280xf32, #tpu.memory_space<vmem>>
      tpu.enqueue_dma source(%dma_start3A_1318 : memref<1280xf32, #tpu.memory_space<vmem>>) target(%dma_start3A_1316 : memref<1280xf32, #tpu.memory_space<hbm>>) target_semaphore(%run_scoped3A : memref<!tpu.dma_semaphore, #tpu.memory_space<semaphore_mem>>)
      %dma_wait3A_1319 = arith.constant 0 : i32
      %dma_wait3A_1320 = tpu.memref_slice %arg13[%dma_wait3A_1319] : memref<3840xf32, #tpu.memory_space<vmem>> -> memref<1280xf32, #tpu.memory_space<vmem>>
      %dma_wait3A_1321 = tpu.memref_slice %arg4[%add3A_1298] : memref<122880xf32, #tpu.memory_space<hbm>> -> memref<1280xf32, #tpu.memory_space<hbm>>
      %dma_wait3A_1322 = tpu.memref_slice %arg4[%add3A_1298] : memref<122880xf32, #tpu.memory_space<hbm>> -> memref<1280xf32, #tpu.memory_space<hbm>>
      %dma_wait3A_1323 = arith.constant 0 : i32
      %dma_wait3A_1324 = tpu.memref_slice %arg13[%dma_wait3A_1323] : memref<3840xf32, #tpu.memory_space<vmem>> -> memref<1280xf32, #tpu.memory_space<vmem>>
      tpu.wait_dma2 semaphore(%run_scoped3A : memref<!tpu.dma_semaphore, #tpu.memory_space<semaphore_mem>>) src(%dma_wait3A_1324 : memref<1280xf32, #tpu.memory_space<vmem>>) dst(%dma_wait3A_1322 : memref<1280xf32, #tpu.memory_space<hbm>>)
      tpu.yield
    }) : () -> ()
    %mul3A_1299 = arith.constant 3 : i32
    %mul3A_1300 = arith.muli %arg0, %mul3A_1299 : i32
    %add3A_1301 = arith.constant 1 : i32
    %add3A_1302 = arith.addi %mul3A_1300, %add3A_1301 : i32
    %mul3A_1303 = arith.constant 20480 : i32
    %mul3A_1304 = arith.muli %add3A_1302, %mul3A_1303 : i32
    %add3A_1305 = arith.addi %mul3A_1304, %mul3A_0 : i32
    "tpu.region"() ({
      %run_scoped3A = tpu.sem_alloc : memref<!tpu.dma_semaphore, #tpu.memory_space<semaphore_mem>>
      %dma_start3A_1313 = arith.constant 1280 : i32
      %dma_start3A_1314 = tpu.memref_slice %arg13[%dma_start3A_1313] : memref<3840xf32, #tpu.memory_space<vmem>> -> memref<1280xf32, #tpu.memory_space<vmem>>
      %dma_start3A_1315 = tpu.memref_slice %arg4[%add3A_1305] : memref<122880xf32, #tpu.memory_space<hbm>> -> memref<1280xf32, #tpu.memory_space<hbm>>
      %dma_start3A_1316 = tpu.memref_slice %arg4[%add3A_1305] : memref<122880xf32, #tpu.memory_space<hbm>> -> memref<1280xf32, #tpu.memory_space<hbm>>
      %dma_start3A_1317 = arith.constant 1280 : i32
      %dma_start3A_1318 = tpu.memref_slice %arg13[%dma_start3A_1317] : memref<3840xf32, #tpu.memory_space<vmem>> -> memref<1280xf32, #tpu.memory_space<vmem>>
      tpu.enqueue_dma source(%dma_start3A_1318 : memref<1280xf32, #tpu.memory_space<vmem>>) target(%dma_start3A_1316 : memref<1280xf32, #tpu.memory_space<hbm>>) target_semaphore(%run_scoped3A : memref<!tpu.dma_semaphore, #tpu.memory_space<semaphore_mem>>)
      %dma_wait3A_1319 = arith.constant 1280 : i32
      %dma_wait3A_1320 = tpu.memref_slice %arg13[%dma_wait3A_1319] : memref<3840xf32, #tpu.memory_space<vmem>> -> memref<1280xf32, #tpu.memory_space<vmem>>
      %dma_wait3A_1321 = tpu.memref_slice %arg4[%add3A_1305] : memref<122880xf32, #tpu.memory_space<hbm>> -> memref<1280xf32, #tpu.memory_space<hbm>>
      %dma_wait3A_1322 = tpu.memref_slice %arg4[%add3A_1305] : memref<122880xf32, #tpu.memory_space<hbm>> -> memref<1280xf32, #tpu.memory_space<hbm>>
      %dma_wait3A_1323 = arith.constant 1280 : i32
      %dma_wait3A_1324 = tpu.memref_slice %arg13[%dma_wait3A_1323] : memref<3840xf32, #tpu.memory_space<vmem>> -> memref<1280xf32, #tpu.memory_space<vmem>>
      tpu.wait_dma2 semaphore(%run_scoped3A : memref<!tpu.dma_semaphore, #tpu.memory_space<semaphore_mem>>) src(%dma_wait3A_1324 : memref<1280xf32, #tpu.memory_space<vmem>>) dst(%dma_wait3A_1322 : memref<1280xf32, #tpu.memory_space<hbm>>)
      tpu.yield
    }) : () -> ()
    %mul3A_1306 = arith.constant 3 : i32
    %mul3A_1307 = arith.muli %arg0, %mul3A_1306 : i32
    %add3A_1308 = arith.constant 2 : i32
    %add3A_1309 = arith.addi %mul3A_1307, %add3A_1308 : i32
    %mul3A_1310 = arith.constant 20480 : i32
    %mul3A_1311 = arith.muli %add3A_1309, %mul3A_1310 : i32
    %add3A_1312 = arith.addi %mul3A_1311, %mul3A_0 : i32
    "tpu.region"() ({
      %run_scoped3A = tpu.sem_alloc : memref<!tpu.dma_semaphore, #tpu.memory_space<semaphore_mem>>
      %dma_start3A_1313 = arith.constant 2560 : i32
      %dma_start3A_1314 = tpu.memref_slice %arg13[%dma_start3A_1313] : memref<3840xf32, #tpu.memory_space<vmem>> -> memref<1280xf32, #tpu.memory_space<vmem>>
      %dma_start3A_1315 = tpu.memref_slice %arg4[%add3A_1312] : memref<122880xf32, #tpu.memory_space<hbm>> -> memref<1280xf32, #tpu.memory_space<hbm>>
      %dma_start3A_1316 = tpu.memref_slice %arg4[%add3A_1312] : memref<122880xf32, #tpu.memory_space<hbm>> -> memref<1280xf32, #tpu.memory_space<hbm>>
      %dma_start3A_1317 = arith.constant 2560 : i32
      %dma_start3A_1318 = tpu.memref_slice %arg13[%dma_start3A_1317] : memref<3840xf32, #tpu.memory_space<vmem>> -> memref<1280xf32, #tpu.memory_space<vmem>>
      tpu.enqueue_dma source(%dma_start3A_1318 : memref<1280xf32, #tpu.memory_space<vmem>>) target(%dma_start3A_1316 : memref<1280xf32, #tpu.memory_space<hbm>>) target_semaphore(%run_scoped3A : memref<!tpu.dma_semaphore, #tpu.memory_space<semaphore_mem>>)
      %dma_wait3A_1319 = arith.constant 2560 : i32
      %dma_wait3A_1320 = tpu.memref_slice %arg13[%dma_wait3A_1319] : memref<3840xf32, #tpu.memory_space<vmem>> -> memref<1280xf32, #tpu.memory_space<vmem>>
      %dma_wait3A_1321 = tpu.memref_slice %arg4[%add3A_1312] : memref<122880xf32, #tpu.memory_space<hbm>> -> memref<1280xf32, #tpu.memory_space<hbm>>
      %dma_wait3A_1322 = tpu.memref_slice %arg4[%add3A_1312] : memref<122880xf32, #tpu.memory_space<hbm>> -> memref<1280xf32, #tpu.memory_space<hbm>>
      %dma_wait3A_1323 = arith.constant 2560 : i32
      %dma_wait3A_1324 = tpu.memref_slice %arg13[%dma_wait3A_1323] : memref<3840xf32, #tpu.memory_space<vmem>> -> memref<1280xf32, #tpu.memory_space<vmem>>
      tpu.wait_dma2 semaphore(%run_scoped3A : memref<!tpu.dma_semaphore, #tpu.memory_space<semaphore_mem>>) src(%dma_wait3A_1324 : memref<1280xf32, #tpu.memory_space<vmem>>) dst(%dma_wait3A_1322 : memref<1280xf32, #tpu.memory_space<hbm>>)
      tpu.yield
    }) : () -> ()
    return
  }
}

module attributes {stable_mosaic.version = 14 : i64} {
  func.func @_cmp_body(%arg0: memref<960x128xf32, #tpu.memory_space<vmem>>, %arg1: memref<1x1xf32, #tpu.memory_space<smem>>) attributes {dimension_semantics = [], scalar_prefetch = 0 : i64, scratch_operands = 0 : i64, tpu.core_type = #tpu.core_type<tc>} {
    %get3A = arith.constant 0 : index
    %get3A_0 = arith.constant 0 : index
    %get3A_1 = vector.load %arg0[%get3A, %get3A_0] : memref<960x128xf32, #tpu.memory_space<vmem>>, vector<960x128xf32>
    %iota3A = tpu.iota {dimensions = array<i32: 0>} : vector<480x128xi32>
    %mul3A = arith.constant 128 : i32
    %mul3A_2 = vector.broadcast %mul3A : i32 to vector<480x128xi32>
    %mul3A_3 = arith.muli %iota3A, %mul3A_2 : vector<480x128xi32>
    %iota3A_4 = tpu.iota {dimensions = array<i32: 1>} : vector<480x128xi32>
    %add3A = arith.addi %mul3A_3, %iota3A_4 : vector<480x128xi32>
    %jit3A = arith.constant 20480 : i32
    %div3A = vector.broadcast %jit3A : i32 to vector<480x128xi32>
    %div3A_5 = arith.divsi %add3A, %div3A : vector<480x128xi32>
    %sign3A = arith.constant 0 : i32
    %sign3A_6 = vector.broadcast %sign3A : i32 to vector<480x128xi32>
    %sign3A_7 = arith.cmpi sgt, %add3A, %sign3A_6 : vector<480x128xi32>
    %sign3A_8 = arith.extui %sign3A_7 : vector<480x128xi1> to vector<480x128xi32>
    %sign3A_9 = arith.constant 0 : i32
    %sign3A_10 = vector.broadcast %sign3A_9 : i32 to vector<480x128xi32>
    %sign3A_11 = arith.cmpi slt, %add3A, %sign3A_10 : vector<480x128xi32>
    %sign3A_12 = arith.extui %sign3A_11 : vector<480x128xi1> to vector<480x128xi32>
    %sign3A_13 = arith.subi %sign3A_8, %sign3A_12 : vector<480x128xi32>
    %sign3A_14 = arith.constant 0 : i32
    %sign3A_15 = arith.cmpi sgt, %jit3A, %sign3A_14 : i32
    %sign3A_16 = arith.extui %sign3A_15 : i1 to i32
    %sign3A_17 = arith.constant 0 : i32
    %sign3A_18 = arith.cmpi slt, %jit3A, %sign3A_17 : i32
    %sign3A_19 = arith.extui %sign3A_18 : i1 to i32
    %sign3A_20 = arith.subi %sign3A_16, %sign3A_19 : i32
    %ne3A = vector.broadcast %sign3A_20 : i32 to vector<480x128xi32>
    %ne3A_21 = arith.cmpi ne, %sign3A_13, %ne3A : vector<480x128xi32>
    %rem3A = vector.broadcast %jit3A : i32 to vector<480x128xi32>
    %rem3A_22 = arith.remsi %add3A, %rem3A : vector<480x128xi32>
    %ne3A_23 = arith.constant 0 : i32
    %ne3A_24 = vector.broadcast %ne3A_23 : i32 to vector<480x128xi32>
    %ne3A_25 = arith.cmpi ne, %rem3A_22, %ne3A_24 : vector<480x128xi32>
    %and3A = arith.andi %ne3A_21, %ne3A_25 : vector<480x128xi1>
    %sub3A = arith.constant 1 : i32
    %sub3A_26 = vector.broadcast %sub3A : i32 to vector<480x128xi32>
    %sub3A_27 = arith.subi %div3A_5, %sub3A_26 : vector<480x128xi32>
    %select_n3A = arith.select %and3A, %sub3A_27, %div3A_5 : vector<480x128xi1>, vector<480x128xi32>
    %mul3A_28 = arith.constant 20480 : i32
    %mul3A_29 = vector.broadcast %mul3A_28 : i32 to vector<480x128xi32>
    %mul3A_30 = arith.muli %select_n3A, %mul3A_29 : vector<480x128xi32>
    %sub3A_31 = arith.subi %add3A, %mul3A_30 : vector<480x128xi32>
    %slice3A = vector.extract_strided_slice %get3A_1 {offsets = [0, 0], sizes = [480, 128], strides = [1, 1]} : vector<960x128xf32> to vector<480x128xf32>
    %slice3A_32 = vector.extract_strided_slice %get3A_1 {offsets = [480, 0], sizes = [480, 128], strides = [1, 1]} : vector<960x128xf32> to vector<480x128xf32>
    %ne3A_33 = arith.cmpf one, %slice3A, %slice3A_32 : vector<480x128xf32>
    %lt3A = arith.constant 20000 : i32
    %lt3A_34 = vector.broadcast %lt3A : i32 to vector<480x128xi32>
    %lt3A_35 = arith.cmpi slt, %sub3A_31, %lt3A_34 : vector<480x128xi32>
    %and3A_36 = arith.andi %ne3A_33, %lt3A_35 : vector<480x128xi1>
    %jit3A_37 = arith.constant 1.000000e+00 : f32
    %jit3A_38 = arith.constant 0.000000e+00 : f32
    %broadcast_in_dim3A = vector.broadcast %jit3A_37 : f32 to vector<480x128xf32>
    %broadcast_in_dim3A_39 = vector.broadcast %jit3A_38 : f32 to vector<480x128xf32>
    %select_n3A_40 = arith.select %and3A_36, %broadcast_in_dim3A, %broadcast_in_dim3A_39 : vector<480x128xi1>, vector<480x128xf32>
    %reduce_sum3A = vector.shape_cast %select_n3A_40 : vector<480x128xf32> to vector<1x480x128xf32>
    %reduce_sum3A_41 = arith.constant dense<0.000000e+00> : vector<1xf32>
    %reduce_sum3A_42 = vector.multi_reduction <add>, %reduce_sum3A, %reduce_sum3A_41 [1, 2] : vector<1x480x128xf32> to vector<1xf32>
    %reduce_sum3A_43 = vector.shape_cast %reduce_sum3A_42 : vector<1xf32> to vector<1x1x1xf32>
    %reduce_sum3A_44 = vector.extract %reduce_sum3A_43[0, 0, 0] : f32 from vector<1x1x1xf32>
    %eq3A = arith.constant 0.000000e+00 : f32
    %eq3A_45 = arith.cmpf oeq, %reduce_sum3A_44, %eq3A : f32
    %jit3A_46 = arith.constant 1.000000e+00 : f32
    %jit3A_47 = arith.constant 0.000000e+00 : f32
    %select_n3A_48 = arith.select %eq3A_45, %jit3A_46, %jit3A_47 : f32
    %swap3A = arith.constant 0 : index
    %swap3A_49 = arith.constant 0 : index
    %swap3A_50 = memref.load %arg1[%swap3A, %swap3A_49] : memref<1x1xf32, #tpu.memory_space<smem>>
    memref.store %select_n3A_48, %arg1[%swap3A, %swap3A_49] : memref<1x1xf32, #tpu.memory_space<smem>>
    return
  }
}

</mosaic_0001>

<sc_bundles>
// kernel: kernel.4.cloned.1.call-start
scs
__scs_entry_jumppad:
0x0: {  	(pc) =	sbr.rel $0x88, $3  }
0x1: {  	(tag) =	ssettag $0x0;
	lr =	simm.s32 $0x1  }
0x2: {  	[smem:$0x3F9F] =	sst lr;
	_ =	strace $0xD0000000  }
0x3: {  	_ = 	snop  }
0x4: {  	_ = 	snop  }
0x5: {  	_ = 	snop  }
0x6: {  	_ = 	snop  }
0x7: {  	_ = 	snop  }
__scs_overlays_trampoline_lowered:
0x8: {  	[smem:$0x3FAE] =	sst s0  }
0x9: {  	[smem:$0x3FAF] =	sst s1  }
0xa: {  	[smem:$0x3FB0] =	sst s2  }
0xb: {  	[smem:$0x3FB1] =	sst s3  }
0xc: {  	[smem:$0x3FB2] =	sst s4  }
0xd: {  	[smem:$0x3FB3] =	sst s5  }
0xe: {  	[smem:$0x3FB4] =	sst s6  }
0xf: {  	[smem:$0x3FB5] =	sst s7  }
0x10: {  	[smem:$0x3FB6] =	sst s8  }
0x11: {  	[smem:$0x3FB7] =	sst s9;
	s0 =	simm.s32 @!p0 $0x0  }
0x12: {  	s1 =	sld [smem:$0x3F9D];
	s0 =	simm.s32 @p0 $0x1  }
0x13: {  	[smem:$0x3FB8] =	sst s0;
	s0 =	simm.s32 @!p1 $0x0  }
0x14: {  	s2 =	sld [smem:$0x3F9C];
	s0 =	simm.s32 @p1 $0x1  }
0x15: {  	[smem:$0x3FB9] =	sst s0;
	s0 =	simm.s32 @!p2 $0x0  }
0x16: {  	s3 =	sld [smem:$0x3FDB];
	s0 =	simm.s32 @p2 $0x1  }
0x17: {  	s4 =	simm.s32 $0x1BF5;
	[smem:$0x3FBB] =	sst s0  }
0x18: {  	s0 =	sld [smem:$0x3F9E];
	_ =	swait.ge [sflag:s4], $0x0  }
0x19: {  	s7 =	sld [smem:$0x3F9F]  }
0x1a: {  	s8 =	sadd.s32 $0xFFFFE003, lr  }
0x1b: {  	s9 =	sadd.s32 $0xFFFFFEF7, lr;
	s5 =	simm.s32 $0xFFFFFFFF;
	p2 =	slt.u32 s8, $0xFFFFF086  }
0x1c: {  	p1 =	slt.u32 s9, $0xF7A;
	s5 =	simm.s32 @!p2 $0x0  }
0x1d: {  	s5 =	simm.s32 @p1 $0x1;
	p0 =	seq.s32 s7, s2  }
0x1e: {  	s7 =	smul.u32 @!p0 $0xF7A, s2;
	p2 =	seq.s32 @!p0 s5, $0x0  }
0x1f: {  	s9 =	smul.u32 $0xF7A, s1;
	s8 =	simm.s32 @!p0 $0x1BF5;
	p2 =	por !p2, p0  }
0x20: {  	[sflag:s8] =	ssyncset.s32 @!p0 $0xFFFFF086;
	s6 =	sadd.s32 @!p0 s3, s7;
	s7 =	simm.s32 @!p0 $0x108  }
0x21: {  	s3 =	sadd.s32 s3, s9;
	s6 =	sadd.s32 @!p0 $0x88, s6;
	s7 =	simm.s32 @p2 $0x1082  }
0x22: {  	[simem:s7], [sflag:s8] =	dma.local @!p0 [hbm:s6], $0xF7A  }
0x23: {  	s9 =	sor.u32 $0xD0000000, s2;
	s6 =	simm.s32 $0x108;
	_ =	swait.ge @!p0 [sflag:s8], $0x0  }
0x24: {  	s3 =	sadd.s32 $0x88, s3;
	s6 =	simm.s32 @!p1 $0x1082;
	[sflag:s4] =	ssyncset.s32 $0xFFFFF086  }
0x25: {  	[simem:s6], [sflag:s4] =	dma.local [hbm:s3], $0xF7A  }
0x26: {  	[smem:$0x3F9F] =	sst s1;
	(tag) =	ssettag s2;
	_ =	strace s9  }
0x27: {  	s1 =	sld [smem:$0x3FAF]  }
0x28: {  	s2 =	sld [smem:$0x3FB0]  }
0x29: {  	s4 =	sld [smem:$0x3FB2]  }
0x2a: {  	p0 =	seq.s32 s5, $0x0;
	s5 =	sld [smem:$0x3FB3]  }
0x2b: {  	s6 =	sld [smem:$0x3FB4]  }
0x2c: {  	s7 =	sld [smem:$0x3FB5]  }
0x2d: {  	s3 =	simm.s32 $0x108;
	s8 =	sld [smem:$0x3FB6]  }
0x2e: {  	s3 =	simm.s32 @!p0 $0x1082;
	s9 =	sld [smem:$0x3FB7]  }
0x2f: {  	lr =	sadd.s32 s0, s3;
	s0 =	sld [smem:$0x3FAE]  }
0x30: {  	s3 =	sld [smem:$0x3FB1]  }
0x31: {  	[smem:$0x3FBA] =	sst s10  }
0x32: {  	s10 =	sld [smem:$0x3FB8];
	_ =	sdelay $0x3  }
0x33: {  	p0 =	seq.s32 s10, $0x1;
	s10 =	sld [smem:$0x3FBA];
	_ =	sdelay $0x3  }
0x34: {  	[smem:$0x3FBA] =	sst s10  }
0x35: {  	s10 =	sld [smem:$0x3FB9];
	_ =	sdelay $0x3  }
0x36: {  	p1 =	seq.s32 s10, $0x1;
	s10 =	sld [smem:$0x3FBA];
	_ =	sdelay $0x3  }
0x37: {  	[smem:$0x3FBA] =	sst s10  }
0x38: {  	s10 =	sld [smem:$0x3FBB]  }
0x39: {  	_ = 	snop;
	(pc) =	sbr.ind lr, $3  }
0x3a: {  	_ = 	snop  }
0x3b: {  	_ = 	snop  }
0x3c: {  	p2 =	seq.s32 s10, $0x1;
	s10 =	sld [smem:$0x3FBA]  }
0x3d: {  	_ =	shalt  }
0x3e: {  	_ =	shalt  }
0x3f: {  	_ =	shalt  }
0x40: {  	_ =	shalt  }
0x41: {  	_ =	shalt  }
0x42: {  	_ =	shalt  }
0x43: {  	_ =	shalt  }
0x44: {  	_ =	shalt  }
0x45: {  	_ =	shalt  }
0x46: {  	_ =	shalt  }
0x47: {  	_ =	shalt  }
0x48: {  	_ =	shalt  }
0x49: {  	_ =	shalt  }
0x4a: {  	_ =	shalt  }
0x4b: {  	_ =	shalt  }
0x4c: {  	_ =	shalt  }
0x4d: {  	_ =	shalt  }
0x4e: {  	_ =	shalt  }
0x4f: {  	_ =	shalt  }
0x50: {  	_ =	shalt  }
0x51: {  	_ =	shalt  }
0x52: {  	_ =	shalt  }
0x53: {  	_ =	shalt  }
0x54: {  	_ =	shalt  }
0x55: {  	_ =	shalt  }
0x56: {  	_ =	shalt  }
0x57: {  	_ =	shalt  }
0x58: {  	_ =	shalt  }
0x59: {  	_ =	shalt  }
0x5a: {  	_ =	shalt  }
0x5b: {  	_ =	shalt  }
0x5c: {  	_ =	shalt  }
0x5d: {  	_ =	shalt  }
0x5e: {  	_ =	shalt  }
0x5f: {  	_ =	shalt  }
0x60: {  	_ =	shalt  }
0x61: {  	_ =	shalt  }
0x62: {  	_ =	shalt  }
0x63: {  	_ =	shalt  }
0x64: {  	_ =	shalt  }
0x65: {  	_ =	shalt  }
0x66: {  	_ =	shalt  }
0x67: {  	_ =	shalt  }
0x68: {  	_ =	shalt  }
0x69: {  	_ =	shalt  }
0x6a: {  	_ =	shalt  }
0x6b: {  	_ =	shalt  }
0x6c: {  	_ =	shalt  }
0x6d: {  	_ =	shalt  }
0x6e: {  	_ =	shalt  }
0x6f: {  	_ =	shalt  }
0x70: {  	_ =	shalt  }
0x71: {  	_ =	shalt  }
0x72: {  	_ =	shalt  }
0x73: {  	_ =	shalt  }
0x74: {  	_ =	shalt  }
0x75: {  	_ =	shalt  }
0x76: {  	_ =	shalt  }
0x77: {  	_ =	shalt  }
0x78: {  	_ =	shalt  }
0x79: {  	_ =	shalt  }
0x7a: {  	_ =	shalt  }
0x7b: {  	_ =	shalt  }
0x7c: {  	_ =	shalt  }
0x7d: {  	_ =	shalt  }
0x7e: {  	_ =	shalt  }
0x7f: {  	_ =	shalt  }
0x80: {  	_ =	shalt  }
0x81: {  	_ =	shalt  }
0x82: {  	_ =	shalt  }
0x83: {  	_ =	shalt  }
0x84: {  	_ =	shalt  }
0x85: {  	_ =	shalt  }
0x86: {  	_ =	shalt  }
0x87: {  	_ =	shalt  }
.Lfunc_end0:
.L_simem_size_0:
called_computation_lowered:
.L_overlay_start_0:
0x88: {  	s2 =	sld [smem:$0x3FD9]  }
0x89: {  	s3 =	sld [smem:$0x3FFE];
	_ =	sdelay $0x1  }
0x8a: {  	s1 =	srdreg.scid  }
0x8b: {  	s0 =	sand.u32 $0x1, s1  }
0x8c: {  	s16 =	sshll.u32 s0, $0xA;
	s2 =	sadd.s32 s3, s2  }
0x8d: {  	s2 =	sadd.s32 s2, s16  }
0x8e: {  	[smem:$0x3FC6] =	sst s2  }
0x8f: {  	_ = 	snop  }
0x90: {  	(tm) =	ssettm $0x1  }
0x91: {  	s17 =	sld [smem:$0x3FFB];
	_ =	sdelay $0x3  }
0x92: {  	_ =	strace s17  }
0x93: {  	s2 =	sld [smem:$0x3FFC];
	_ =	sdelay $0x3  }
0x94: {  	_ =	strace s2  }
0x95: {  	s2 =	sld [smem:$0x3FFD];
	_ =	sdelay $0x3  }
0x96: {  	_ =	strace s2  }
0x97: {  	_ =	strace $0x8FFFFFFF  }
0x98: {  	s18 =	sld [smem:$0x3FDB];
	_ =	sdelay $0x1  }
0x99: {  	s19 =	simm.s32 $_scs_section_size  }
0x9a: {  	s4 =	simm.s32 $_size__tile_overlayer_lowered;
	s5 =	simm.s32 $_tile_overlayer_lowered  }
0x9b: {  	s22 =	simm.s32 $0x1BFF;
	s21 =	sshll.u32 s5, $0x1;
	s2 =	sadd.s32 s19, s18  }
0x9c: {  	s6 =	simm.s32 $0x0;
	s20 =	sshll.u32 s4, $0x1;
	s4 =	sadd.s32 s21, s2  }
0x9d: {  	[timem:s6], [sflag:s22] =	dma.local [hbm:s4], s20  }
0x9e: {  	_ =	swait.ge [sflag:s22], s20  }
0x9f: {  	s3 =	ssub.s32 $0x0, s20;
	[sflag:s22] =	ssyncset.done $0x0  }
0xa0: {  	[sflag:s22] =	ssyncadd.s32 s3;
	_ =	sdelay $0x1  }
0xa1: {  	s23 =	simm.s32 $0x1B8B  }
0xa2: {  	_ =	swait.ge [sflag:s23], $0x1  }
0xa3: {  	[sflag:s23] =	ssyncset.done $0x0  }
0xa4: {  	s25 =	simm.s32 $0x1B8E;
	s24 =	sld [smem:$0x3FFE];
	[sflag:s23] =	ssyncadd.s32 $0xFFFFFFFF  }
0xa5: {  	s26 =	simm.s32 $execute0_lowered;
	[smem:$0x3FD2] =	sst s25  }
0xa6: {  	s4 =	sshll.u32 s26, $0x1;
	_ =	strace $0x80000046;
	[dreg:$0x1] =	wrdreg $0xFFFFFFFF  }
0xa7: {  	s28 =	simm.s32 $_size_execute0_lowered;
	s2 =	sadd.s32 s2, s4;
	[dreg:$0x0] =	wrdreg $0x0  }
0xa8: {  	s4 =	sshll.u32 s28, $0x1;
	[dreg:$0x2] =	wrdreg s2  }
0xa9: {  	[dreg:$0x3] =	wrdreg s4  }
0xaa: {  	[dreg:$0x4] =	wrdreg $0xC0  }
0xab: {  	_ =	task [dreg:s6], $0x5FFFF  }
0xac: {  	[dreg:$0x1] =	wrdreg $0xFFFFFFFF  }
0xad: {  	[dreg:$0x0] =	wrdreg $0x60  }
0xae: {  	[dreg:$0x2] =	wrdreg s24  }
0xaf: {  	[dreg:$0x3] =	wrdreg $0x12C000  }
0xb0: {  	[dreg:$0x4] =	wrdreg $0x13B000  }
0xb1: {  	[dreg:$0x5] =	wrdreg $0x12B000  }
0xb2: {  	[dreg:$0x6] =	wrdreg $0x131000  }
0xb3: {  	[dreg:$0x7] =	wrdreg $0x136000  }
0xb4: {  	[dreg:$0x8] =	wrdreg $0x9  }
0xb5: {  	_ =	task.clear_ibuf [dreg:s6], $0x9FFFF;
	_ =	strace $0x90000046  }
0xb6: {  	s29 =	simm.s32 $0x9;
	_ =	strace $0x80000048  }
0xb7: {  	_ =	swait.ge [sflag:s29], $0x1  }
0xb8: {  	[sflag:s29] =	ssyncadd.s32 $0xFFFFFFFF  }
0xb9: {  	_ =	strace $0x90000048  }
0xba: {  	_ =	sfence  }
0xbb: {  	s30 =	sld [smem:$0x0];
	_ =	sdelay $0x2  }
0xbc: {  	s31 =	sshll.u32 s1, $0xD;
	s1 =	sshrl.u32 s1, $0x2  }
0xbd: {  	s3 =	sand.u32 $0x4000, s31;
	s1 =	sadd.s32 s1, s30  }
0xbe: {  	s0 =	sor.u32 s3, s0;
	s1 =	sshll.u32 s1, $0x11  }
0xbf: {  	s0 =	sor.u32 s1, s0  }
0xc0: {  	s0 =	sadd.s32 $0x8F2B, s0  }
0xc1: {  	[sflag:s0] =	ssyncadd.remote.s32 $0x1  }
0xc2: {  	_ =	sfence.sel $0xFFFF  }
0xc3: {  	[dreg:$0x0] =	wrdreg $0xFFFFFFFF;
	(pc) =	sbr.abs _section_cstart, $3  }
0xc4: {  	[dreg:$0x1] =	wrdreg $0xFFFFFFFF  }
0xc5: {  	_ =	task.clear_ibuf [dreg:s6], $0x2FFFF;
	_ =	strace $0x9FFFFFFF  }
0xc6: {  	(tm) =	ssettm $0x7FFFFFFF  }
0xc7: {  	_ =	shalt  }
tec
execute0_lowered:
.L_overlay_start_1:
0x0: {  	(tag) =	ssettag $0x1  }
0x1: {  	s0 =	rddreg [dreg:$0x0]  }
0x2: {  	s16 =	rddreg [dreg:$0x1]  }
0x3: {  	s2 =	rddreg [dreg:$0x2]  }
0x4: {  	s17 =	rddreg [dreg:$0x3]  }
0x5: {  	s5 =	rddreg [dreg:$0x4]  }
0x6: {  	s6 =	rddreg [dreg:$0x5];
	s1 =	srdreg.scid  }
0x7: {  	s4 =	stileid.u32;
	s7 =	simm.s32 $0x0;
	s1 =	sand.u32 $0x1, s1  }
0x8: {  	s8 =	smul.u32 $0x500, s4;
	[smem:$0x7FF] =	sst s7;
	s9 =	sadd.s32 $0x800, s0  }
0x9: {  	s10 =	sadd.s32 $0x4EA00, s0;
	s12 =	smul.u32 $0x28000, s4;
	p1 =	sne.s32 s4, $0xF  }
0xa: {  	s14 =	smul.u32 $0x5000, s4;
	p4 =	seq.s32 s4, $0xF;
	s18 =	sshll.u32 s4, $0x7  }
0xb: {  	s19 =	sadd.s32 $0x99A00, s0;
	s20 =	sadd.s32 $0x9AE00, s0;
	s3 =	smul.u32 $0xF000, s1  }
0xc: {  	_ =	strace $0x80000047;
	s11 =	ssub.s32 $0x2, s1;
	[dreg:$0x12] =	wrdreg s19  }
0xd: {  	p2 =	seq.s32 s1, $0x0;
	p3 =	seq.s32 s1, $0x1;
	[dreg:$0x13] =	wrdreg s20  }
0xe: {  	s19 =	simm.s32 $0x10B00;
	s13 =	sshrl.u32 s11, $0x1;
	s12 =	sshrl.u32 s12, $0x3  }
0xf: {  	p0 =	por !p2, !p1;
	s15 =	sadd.s32 s9, s14;
	p1 =	por !p1, !p3  }
0x10: {  	s30 =	sadd.s32 s10, s14;
	p2 =	por !p2, !p4;
	s14 =	sadd.s32 $0x4E000, s0  }
0x11: {  	p3 =	por !p4, !p3;
	s3 =	sadd.s32 s8, s3;
	s11 =	ssub.s32 s11, s13  }
0x12: {  	s24 =	sadd.s32 $0x1400, s12;
	p0 =	por !p0, !p0;
	[dreg:$0x7] =	wrdreg s15  }
0x13: {  	s26 =	sadd.s32 $0x2800, s12;
	s12 =	sadd.s32 $0x3C00, s12;
	[dreg:$0xb] =	wrdreg s30  }
0x14: {  	p1 =	por !p1, !p1;
	s13 =	sadd.s32 $0x4CC00, s0;
	[dreg:$0x11] =	wrdreg s14  }
0x15: {  	p2 =	por !p2, !p2;
	s30 =	sadd.s32 s8, s5;
	[dreg:$0x10] =	wrdreg s13  }
0x16: {  	s15 =	sshll.u32 s4, $0x8;
	s25 =	sadd.s32 s9, s24;
	[dreg:$0x1d] =	wrdreg s30  }
0x17: {  	p3 =	por !p3, !p3;
	s28 =	sadd.s32 s9, s26;
	[dreg:$0x8] =	wrdreg s25  }
0x18: {  	s3 =	sshrl.u32 s3, $0x3;
	s29 =	sadd.s32 s9, s12;
	[dreg:$0x9] =	wrdreg s28  }
0x19: {  	s31 =	sadd.s32 s10, s24;
	s9 =	sadd.s32 s10, s26;
	[dreg:$0xa] =	wrdreg s29  }
0x1a: {  	s10 =	sadd.s32 s10, s12;
	s12 =	sadd.s32 $0x4B800, s0;
	[dreg:$0xc] =	wrdreg s31  }
0x1b: {  	s1 =	sand.u32 $0x800, s15;
	s26 =	sadd.s32 s8, s2;
	[dreg:$0xd] =	wrdreg s9  }
0x1c: {  	s15 =	simm.s32 $0x10A00;
	s13 =	simm.s32 $0xFD00;
	[dreg:$0xe] =	wrdreg s10  }
0x1d: {  	s3 =	sadd.s32 s3, s0;
	[dreg:$0xf] =	wrdreg s12;
	s9 =	sand.u32 $0x380, s18  }
0x1e: {  	s1 =	sadd.s32 s1, s17;
	s0 =	sadd.s32 $0x9C200, s0;
	[dreg:$0x19] =	wrdreg s26  }
0x1f: {  	s25 =	smax.u32 s11, $0x1;
	s28 =	sadd.s32 s8, s16;
	[dreg:$0x14] =	wrdreg s0  }
0x20: {  	s29 =	sadd.s32 $0x5000, s26;
	s31 =	sadd.s32 s8, s6;
	[dreg:$0x18] =	wrdreg s25  }
0x21: {  	s10 =	simm.s32 $0x2;
	s11 =	simm.s32 $0xA500;
	[dreg:$0x1a] =	wrdreg s28  }
0x22: {  	s16 =	simm.s32 $0x80;
	s18 =	simm.s32 $0xFE00;
	[dreg:$0x1b] =	wrdreg s29  }
0x23: {  	s21 =	sadd.s32 s9, s1;
	s22 =	sadd.s32 $0x9CC00, s3;
	[dreg:$0x1e] =	wrdreg s31  }
0x24: {  	s23 =	sadd.s32 $0x9D600, s3;
	s24 =	sadd.s32 $0x9E000, s3;
	[dreg:$0x15] =	wrdreg s22  }
0x25: {  	s0 =	sadd.s32 $0xA000, s26;
	s25 =	simm.s32 $0x12600;
	[dreg:$0x16] =	wrdreg s23  }
0x26: {  	s3 =	simm.s32 $0xFD80;
	s26 =	simm.s32 $0xFE80;
	[dreg:$0x17] =	wrdreg s24  }
0x27: {  	v0 =	vlaneseq.u32;
	s1 =	simm.s32 $0x1;
	[dreg:$0x1c] =	wrdreg s0;
	s23 =	simm.s32 $0x11C00  }
0x28: {  	v2 =	vimm.s32 $0x0;
	v3 =	vimm.s32 $0x1;
	v1 =	vmul.u32 $0x80, v0;
	s24 =	simm.s32 $0x12100;
	s22 =	simm.s32 $0xF500;
	s0 =	simm.s32 $0x0  }
.LBB2_1:
.Ltmp0:
0x29: {  	(pc) =	sbr.rel @!p0 .LBB2_11-.Ltmp0, $1  }
0x2a: {  	_ =	sdelay $0x3  }
0x2b: {  	s17 =	simm.s32 $0x0  }
0x2c: {  	v4 =	vmov s17  }
0x2d: {  	v4 =	vshll.u32 v4, $0x7  }
0x2e: {  	v4 =	vor.u32 v1, v4  }
0x2f: {  	s9 =	rddreg [dreg:$0x7];
	v5 =	vor.u32 $0x1, v4  }
0x30: {  	[tilespmem:s17], [sflag:$0x2] =	stream.linear.gather [hbm4b:s9+s17], $0xA000, $0x38;
	[tilespmem:$0x14A00] =	vst v63  }
0x31: {  	_ =	swait.ge [sflag:s10], $0xA000  }
0x32: {  	[sflag:s10] =	ssyncset.done $0x0  }
0x33: {  	[sflag:s10] =	ssyncadd.s32 $0xFFFF6000  }
0x34: {  	v5 =	vld.idx.msk [tilespmem:v5+s7+$0x0], $0xffff  }
0x35: {  	v6 =	vor.u32 $0x4, v4;
	_ =	sdelay $0x2  }
0x36: {  	s12 =	simm.s32 $0xA000  }
0x37: {  	[tilespmem:s12+$0x0] =	vst v5  }
0x38: {  	v5 =	vld.idx.msk [tilespmem:v6+s7+$0x0], $0xffff  }
0x39: {  	v6 =	vor.u32 $0x5, v4;
	_ =	sdelay $0x2  }
0x3a: {  	s14 =	simm.s32 $0x11C00  }
0x3b: {  	[tilespmem:s14+$0x0] =	vst v5  }
0x3c: {  	v6 =	vld.idx.msk [tilespmem:v6+s7+$0x0], $0xffff  }
0x3d: {  	v4 =	vor.u32 $0x6, v4;
	_ =	sdelay $0x2  }
0x3e: {  	s9 =	simm.s32 $0x10;
	s20 =	sand.u32 $0x1F0, s17  }
0x3f: {  	s17 =	simm.s32 $0x20;
	v5 =	vmov s9;
	[tilespmem:s20+$0x12100] =	vst v6  }
.LBB2_3:
0x40: {  	p4 =	sne.s32 s17, $0x130;
	v5 =	vshll.u32 v5, $0x7;
	v4 =	vld.idx.msk [tilespmem:v4+s7+$0x0], $0xffff  }
0x41: {  	v5 =	vor.u32 v1, v5  }
0x42: {  	v6 =	vor.u32 $0x1, v5;
	_ =	sdelay $0x3  }
0x43: {  	[tilespmem:s20+$0x12600] =	vst v4  }
0x44: {  	v4 =	vld.idx.msk [tilespmem:v6+s7+$0x0], $0xffff;
	_ =	sdelay $0x1  }
0x45: {  	v6 =	vor.u32 $0x4, v5;
	_ =	sdelay $0x2  }
0x46: {  	s12 =	sadd.s32 $0x10, s12  }
0x47: {  	[tilespmem:s12+$0x0] =	vst v4  }
0x48: {  	v4 =	vld.idx.msk [tilespmem:v6+s7+$0x0], $0xffff;
	_ =	sdelay $0x1  }
0x49: {  	v6 =	vor.u32 $0x5, v5;
	_ =	sdelay $0x2  }
0x4a: {  	s14 =	sadd.s32 $0x10, s14  }
0x4b: {  	[tilespmem:s14+$0x0] =	vst v4  }
0x4c: {  	v6 =	vld.idx.msk [tilespmem:v6+s7+$0x0], $0xffff;
	_ =	sdelay $0x1  }
.Ltmp1:
0x4d: {  	v4 =	vor.u32 $0x6, v5;
	(pc) =	sbr.rel @p4 .LBB2_3-.Ltmp1, $3  }
0x4e: {  	_ =	sdelay $0x1  }
0x4f: {  	s20 =	sand.u32 $0x1F0, s9;
	s9 =	smov.u32 s17  }
0x50: {  	s17 =	sadd.s32 $0x10, s17;
	v5 =	vmov s9;
	[tilespmem:s20+$0x12100] =	vst v6  }
0x51: {  	_ =	sdelay $0x2  }
0x52: {  	v5 =	vshll.u32 v5, $0x7  }
0x53: {  	v4 =	vld.idx.msk [tilespmem:v4+s7+$0x0], $0xffff;
	v5 =	vor.u32 v1, v5  }
0x54: {  	v6 =	vor.u32 $0x1, v5;
	_ =	sdelay $0x3  }
0x55: {  	[tilespmem:s20+$0x12600] =	vst v4  }
0x56: {  	v4 =	vld.idx.msk [tilespmem:v6+s7+$0x0], $0xffff  }
0x57: {  	v6 =	vor.u32 $0x4, v5;
	_ =	sdelay $0x2  }
0x58: {  	s12 =	sadd.s32 $0x10, s12  }
0x59: {  	[tilespmem:s12+$0x0] =	vst v4  }
0x5a: {  	v4 =	vld.idx.msk [tilespmem:v6+s7+$0x0], $0xffff  }
0x5b: {  	v6 =	vor.u32 $0x5, v5;
	_ =	sdelay $0x2  }
0x5c: {  	s28 =	sadd.s32 $0x10, s14  }
0x5d: {  	[tilespmem:s28+$0x0] =	vst v4  }
0x5e: {  	v4 =	vld.idx.msk [tilespmem:v6+s7+$0x0], $0xffff  }
0x5f: {  	v5 =	vor.u32 $0x6, v5;
	_ =	sdelay $0x2  }
0x60: {  	s9 =	sand.u32 $0x1F0, s9  }
0x61: {  	[tilespmem:s9+$0x12100] =	vst v4  }
0x62: {  	v4 =	vld.idx.msk [tilespmem:v5+s7+$0x0], $0xffff  }
0x63: {  	s29 =	simm.s32 $0x0  }
0x64: {  	v5 =	vmov s29  }
0x65: {  	v5 =	vshll.u32 v5, $0x7  }
0x66: {  	v5 =	vor.u32 v1, v5  }
0x67: {  	s30 =	rddreg [dreg:$0x8];
	[tilespmem:s9+$0x12600] =	vst v4;
	v4 =	vor.u32 $0x1, v5  }
0x68: {  	[tilespmem:s29], [sflag:$0x2] =	stream.linear.gather [hbm4b:s30+s29], $0xA000, $0x38;
	[tilespmem:$0x14A00] =	vst v63  }
0x69: {  	_ =	swait.ge [sflag:s10], $0xA000  }
0x6a: {  	[sflag:s10] =	ssyncset.done $0x0  }
0x6b: {  	[sflag:s10] =	ssyncadd.s32 $0xFFFF6000  }
0x6c: {  	v4 =	vld.idx.msk [tilespmem:v4+s7+$0x0], $0xffff  }
0x6d: {  	v6 =	vor.u32 $0x4, v5;
	_ =	sdelay $0x2  }
0x6e: {  	s12 =	simm.s32 $0xA140  }
0x6f: {  	[tilespmem:s12+$0x0] =	vst v4  }
0x70: {  	v4 =	vld.idx.msk [tilespmem:v6+s7+$0x0], $0xffff  }
0x71: {  	v6 =	vor.u32 $0x5, v5;
	_ =	sdelay $0x2  }
0x72: {  	s9 =	simm.s32 $0x12240  }
0x73: {  	[tilespmem:s9+$0xFFFFFB00] =	vst v4  }
0x74: {  	v6 =	vld.idx.msk [tilespmem:v6+s7+$0x0], $0xffff  }
0x75: {  	v4 =	vor.u32 $0x6, v5;
	_ =	sdelay $0x2  }
0x76: {  	s31 =	simm.s32 $0x10  }
0x77: {  	s14 =	simm.s32 $0x20;
	v5 =	vmov s31;
	[tilespmem:s9+$0x0] =	vst v6  }
.LBB2_5:
0x78: {  	p4 =	sne.s32 s14, $0x130;
	v5 =	vshll.u32 v5, $0x7;
	v4 =	vld.idx.msk [tilespmem:v4+s7+$0x0], $0xffff  }
0x79: {  	v5 =	vor.u32 v1, v5  }
0x7a: {  	v6 =	vor.u32 $0x1, v5;
	_ =	sdelay $0x3  }
0x7b: {  	[tilespmem:s9+$0x500] =	vst v4  }
0x7c: {  	v4 =	vld.idx.msk [tilespmem:v6+s7+$0x0], $0xffff;
	_ =	sdelay $0x1  }
0x7d: {  	v6 =	vor.u32 $0x4, v5;
	_ =	sdelay $0x2  }
0x7e: {  	s12 =	sadd.s32 $0x10, s12  }
0x7f: {  	[tilespmem:s12+$0x0] =	vst v4  }
0x80: {  	v4 =	vld.idx.msk [tilespmem:v6+s7+$0x0], $0xffff;
	_ =	sdelay $0x1  }
0x81: {  	v6 =	vor.u32 $0x5, v5;
	_ =	sdelay $0x2  }
0x82: {  	s9 =	sadd.s32 $0x10, s9  }
0x83: {  	[tilespmem:s9+$0xFFFFFB00] =	vst v4  }
0x84: {  	v6 =	vld.idx.msk [tilespmem:v6+s7+$0x0], $0xffff;
	_ =	sdelay $0x1  }
.Ltmp2:
0x85: {  	v4 =	vor.u32 $0x6, v5;
	(pc) =	sbr.rel @p4 .LBB2_5-.Ltmp2, $2  }
0x86: {  	_ =	sdelay $0x2  }
0x87: {  	v5 =	vmov s14;
	s14 =	sadd.s32 $0x10, s14;
	[tilespmem:s9+$0x0] =	vst v6  }
0x88: {  	_ =	sdelay $0x2  }
0x89: {  	v5 =	vshll.u32 v5, $0x7  }
0x8a: {  	v4 =	vld.idx.msk [tilespmem:v4+s7+$0x0], $0xffff;
	v5 =	vor.u32 v1, v5  }
0x8b: {  	v6 =	vor.u32 $0x1, v5;
	_ =	sdelay $0x3  }
0x8c: {  	[tilespmem:s9+$0x500] =	vst v4  }
0x8d: {  	v4 =	vld.idx.msk [tilespmem:v6+s7+$0x0], $0xffff  }
0x8e: {  	v6 =	vor.u32 $0x4, v5;
	_ =	sdelay $0x2  }
0x8f: {  	s12 =	sadd.s32 $0x10, s12  }
0x90: {  	[tilespmem:s12+$0x0] =	vst v4  }
0x91: {  	v4 =	vld.idx.msk [tilespmem:v6+s7+$0x0], $0xffff  }
0x92: {  	v6 =	vor.u32 $0x5, v5;
	_ =	sdelay $0x2  }
0x93: {  	s29 =	sadd.s32 $0x10, s9  }
0x94: {  	[tilespmem:s29+$0xFFFFFB00] =	vst v4  }
0x95: {  	v4 =	vld.idx.msk [tilespmem:v6+s7+$0x0], $0xffff  }
0x96: {  	v5 =	vor.u32 $0x6, v5;
	_ =	sdelay $0x3  }
0x97: {  	[tilespmem:s29+$0x0] =	vst v4  }
0x98: {  	v4 =	vld.idx.msk [tilespmem:v5+s7+$0x0], $0xffff  }
0x99: {  	s30 =	simm.s32 $0x0  }
0x9a: {  	v5 =	vmov s30  }
0x9b: {  	v5 =	vshll.u32 v5, $0x7  }
0x9c: {  	v5 =	vor.u32 v1, v5  }
0x9d: {  	s31 =	rddreg [dreg:$0x9];
	[tilespmem:s29+$0x500] =	vst v4;
	v4 =	vor.u32 $0x1, v5  }
0x9e: {  	[tilespmem:s30], [sflag:$0x2] =	stream.linear.gather [hbm4b:s31+s30], $0xA000, $0x38;
	[tilespmem:$0x14A00] =	vst v63  }
0x9f: {  	_ =	swait.ge [sflag:s10], $0xA000  }
0xa0: {  	[sflag:s10] =	ssyncset.done $0x0  }
0xa1: {  	[sflag:s10] =	ssyncadd.s32 $0xFFFF6000  }
0xa2: {  	v4 =	vld.idx.msk [tilespmem:v4+s7+$0x0], $0xffff  }
0xa3: {  	v6 =	vor.u32 $0x4, v5;
	_ =	sdelay $0x2  }
0xa4: {  	s12 =	sand.u32 $0x1F0, s30  }
0xa5: {  	[tilespmem:s12+$0xA280] =	vst v4  }
0xa6: {  	v4 =	vld.idx.msk [tilespmem:v6+s7+$0x0], $0xffff  }
0xa7: {  	v6 =	vor.u32 $0x5, v5;
	_ =	sdelay $0x3  }
0xa8: {  	[tilespmem:s12+$0x11E80] =	vst v4  }
0xa9: {  	v6 =	vld.idx.msk [tilespmem:v6+s7+$0x0], $0xffff  }
0xaa: {  	v4 =	vor.u32 $0x6, v5;
	_ =	sdelay $0x2  }
0xab: {  	s9 =	simm.s32 $0x10  }
0xac: {  	s14 =	simm.s32 $0x20;
	v5 =	vmov s9;
	[tilespmem:s12+$0x12380] =	vst v6  }
.LBB2_7:
0xad: {  	p4 =	sne.s32 s14, $0x130;
	v5 =	vshll.u32 v5, $0x7;
	v4 =	vld.idx.msk [tilespmem:v4+s7+$0x0], $0xffff  }
0xae: {  	v5 =	vor.u32 v1, v5  }
0xaf: {  	v6 =	vor.u32 $0x1, v5;
	_ =	sdelay $0x3  }
0xb0: {  	[tilespmem:s12+$0x12880] =	vst v4  }
0xb1: {  	v4 =	vld.idx.msk [tilespmem:v6+s7+$0x0], $0xffff;
	_ =	sdelay $0x1  }
0xb2: {  	v6 =	vor.u32 $0x4, v5;
	_ =	sdelay $0x2  }
0xb3: {  	s12 =	sand.u32 $0x1F0, s9;
	s9 =	smov.u32 s14  }
0xb4: {  	[tilespmem:s12+$0xA280] =	vst v4  }
0xb5: {  	v4 =	vld.idx.msk [tilespmem:v6+s7+$0x0], $0xffff;
	_ =	sdelay $0x1  }
0xb6: {  	v6 =	vor.u32 $0x5, v5;
	_ =	sdelay $0x3  }
0xb7: {  	[tilespmem:s12+$0x11E80] =	vst v4  }
0xb8: {  	v6 =	vld.idx.msk [tilespmem:v6+s7+$0x0], $0xffff;
	_ =	sdelay $0x1  }
.Ltmp3:
0xb9: {  	v4 =	vor.u32 $0x6, v5;
	(pc) =	sbr.rel @p4 .LBB2_7-.Ltmp3, $2  }
0xba: {  	_ =	sdelay $0x2  }
0xbb: {  	s14 =	sadd.s32 $0x10, s14;
	v5 =	vmov s9;
	[tilespmem:s12+$0x12380] =	vst v6  }
0xbc: {  	_ =	sdelay $0x2  }
0xbd: {  	v5 =	vshll.u32 v5, $0x7  }
0xbe: {  	v4 =	vld.idx.msk [tilespmem:v4+s7+$0x0], $0xffff;
	v5 =	vor.u32 v1, v5  }
0xbf: {  	v6 =	vor.u32 $0x1, v5;
	_ =	sdelay $0x3  }
0xc0: {  	[tilespmem:s12+$0x12880] =	vst v4  }
0xc1: {  	v4 =	vld.idx.msk [tilespmem:v6+s7+$0x0], $0xffff  }
0xc2: {  	v6 =	vor.u32 $0x4, v5;
	_ =	sdelay $0x2  }
0xc3: {  	s9 =	sand.u32 $0x1F0, s9  }
0xc4: {  	[tilespmem:s9+$0xA280] =	vst v4  }
0xc5: {  	v4 =	vld.idx.msk [tilespmem:v6+s7+$0x0], $0xffff  }
0xc6: {  	v6 =	vor.u32 $0x5, v5;
	_ =	sdelay $0x3  }
0xc7: {  	[tilespmem:s9+$0x11E80] =	vst v4  }
0xc8: {  	v4 =	vld.idx.msk [tilespmem:v6+s7+$0x0], $0xffff  }
0xc9: {  	v5 =	vor.u32 $0x6, v5;
	_ =	sdelay $0x3  }
0xca: {  	[tilespmem:s9+$0x12380] =	vst v4  }
0xcb: {  	v4 =	vld.idx.msk [tilespmem:v5+s7+$0x0], $0xffff  }
0xcc: {  	s30 =	simm.s32 $0x0  }
0xcd: {  	v5 =	vmov s30  }
0xce: {  	v5 =	vshll.u32 v5, $0x7  }
0xcf: {  	v5 =	vor.u32 v1, v5  }
0xd0: {  	s31 =	rddreg [dreg:$0xa];
	[tilespmem:s9+$0x12880] =	vst v4;
	v4 =	vor.u32 $0x1, v5  }
0xd1: {  	[tilespmem:s30], [sflag:$0x2] =	stream.linear.gather [hbm4b:s31+s30], $0xA000, $0x38;
	[tilespmem:$0x14A00] =	vst v63  }
0xd2: {  	_ =	swait.ge [sflag:s10], $0xA000  }
0xd3: {  	[sflag:s10] =	ssyncset.done $0x0  }
0xd4: {  	[sflag:s10] =	ssyncadd.s32 $0xFFFF6000  }
0xd5: {  	v4 =	vld.idx.msk [tilespmem:v4+s7+$0x0], $0xffff  }
0xd6: {  	v6 =	vor.u32 $0x4, v5;
	_ =	sdelay $0x2  }
0xd7: {  	s12 =	simm.s32 $0xA3C0  }
0xd8: {  	[tilespmem:s12+$0x0] =	vst v4  }
0xd9: {  	v4 =	vld.idx.msk [tilespmem:v6+s7+$0x0], $0xffff  }
0xda: {  	v6 =	vor.u32 $0x5, v5;
	_ =	sdelay $0x2  }
0xdb: {  	s9 =	simm.s32 $0x124C0  }
0xdc: {  	[tilespmem:s9+$0xFFFFFB00] =	vst v4  }
0xdd: {  	v6 =	vld.idx.msk [tilespmem:v6+s7+$0x0], $0xffff  }
0xde: {  	v4 =	vor.u32 $0x6, v5;
	_ =	sdelay $0x2  }
0xdf: {  	s14 =	simm.s32 $0x10  }
0xe0: {  	v5 =	vmov s14;
	s14 =	simm.s32 $0x20;
	[tilespmem:s9+$0x0] =	vst v6  }
.LBB2_9:
0xe1: {  	p4 =	sne.s32 s14, $0x130;
	v5 =	vshll.u32 v5, $0x7;
	v4 =	vld.idx.msk [tilespmem:v4+s7+$0x0], $0xffff  }
0xe2: {  	v5 =	vor.u32 v1, v5  }
0xe3: {  	v6 =	vor.u32 $0x1, v5;
	_ =	sdelay $0x3  }
0xe4: {  	[tilespmem:s9+$0x500] =	vst v4  }
0xe5: {  	v4 =	vld.idx.msk [tilespmem:v6+s7+$0x0], $0xffff;
	_ =	sdelay $0x1  }
0xe6: {  	v6 =	vor.u32 $0x4, v5;
	_ =	sdelay $0x2  }
0xe7: {  	s12 =	sadd.s32 $0x10, s12  }
0xe8: {  	[tilespmem:s12+$0x0] =	vst v4  }
0xe9: {  	v4 =	vld.idx.msk [tilespmem:v6+s7+$0x0], $0xffff;
	_ =	sdelay $0x1  }
0xea: {  	v6 =	vor.u32 $0x5, v5;
	_ =	sdelay $0x2  }
0xeb: {  	s9 =	sadd.s32 $0x10, s9  }
0xec: {  	[tilespmem:s9+$0xFFFFFB00] =	vst v4  }
0xed: {  	v6 =	vld.idx.msk [tilespmem:v6+s7+$0x0], $0xffff;
	_ =	sdelay $0x1  }
.Ltmp4:
0xee: {  	v4 =	vor.u32 $0x6, v5;
	(pc) =	sbr.rel @p4 .LBB2_9-.Ltmp4, $2  }
0xef: {  	_ =	sdelay $0x2  }
0xf0: {  	v5 =	vmov s14;
	s14 =	sadd.s32 $0x10, s14;
	[tilespmem:s9+$0x0] =	vst v6  }
0xf1: {  	_ =	sdelay $0x2  }
0xf2: {  	v5 =	vshll.u32 v5, $0x7  }
0xf3: {  	v4 =	vld.idx.msk [tilespmem:v4+s7+$0x0], $0xffff;
	v5 =	vor.u32 v1, v5  }
0xf4: {  	v6 =	vor.u32 $0x1, v5;
	_ =	sdelay $0x3  }
0xf5: {  	[tilespmem:s9+$0x500] =	vst v4  }
0xf6: {  	v4 =	vld.idx.msk [tilespmem:v6+s7+$0x0], $0xffff  }
0xf7: {  	v62 =	vor.u32 $0x4, v5;
	_ =	sdelay $0x2  }
0xf8: {  	s12 =	sadd.s32 $0x10, s12  }
0xf9: {  	[tilespmem:s12+$0x0] =	vst v4  }
0xfa: {  	v4 =	vld.idx.msk [tilespmem:v62+s7+$0x0], $0xffff  }
0xfb: {  	v63 =	vor.u32 $0x5, v5;
	_ =	sdelay $0x2  }
0xfc: {  	s31 =	sadd.s32 $0x10, s9  }
0xfd: {  	[tilespmem:s31+$0xFFFFFB00] =	vst v4  }
0xfe: {  	v4 =	vld.idx.msk [tilespmem:v63+s7+$0x0], $0xffff  }
0xff: {  	v5 =	vor.u32 $0x6, v5;
	_ =	sdelay $0x3  }
0x100: {  	[tilespmem:s31+$0x0] =	vst v4  }
0x101: {  	v4 =	vld.idx.msk [tilespmem:v5+s7+$0x0], $0xffff;
	_ =	sdelay $0x4  }
0x102: {  	[tilespmem:s31+$0x500] =	vst v4  }
.LBB2_11:
.Ltmp5:
0x103: {  	(pc) =	sbr.rel @!p1 .LBB2_21-.Ltmp5, $1  }
0x104: {  	_ =	sdelay $0x3  }
0x105: {  	s17 =	simm.s32 $0x0  }
0x106: {  	v4 =	vmov s17  }
0x107: {  	v4 =	vshll.u32 v4, $0x7  }
0x108: {  	v4 =	vor.u32 v1, v4  }
0x109: {  	s9 =	rddreg [dreg:$0xb];
	v5 =	vor.u32 $0x1, v4  }
0x10a: {  	[tilespmem:s17], [sflag:$0x2] =	stream.linear.gather [hbm4b:s9+s17], $0xA000, $0x38;
	[tilespmem:$0x14A00] =	vst v63  }
0x10b: {  	_ =	swait.ge [sflag:s10], $0xA000  }
0x10c: {  	[sflag:s10] =	ssyncset.done $0x0  }
0x10d: {  	[sflag:s10] =	ssyncadd.s32 $0xFFFF6000  }
0x10e: {  	v5 =	vld.idx.msk [tilespmem:v5+s7+$0x0], $0xffff  }
0x10f: {  	v6 =	vor.u32 $0x4, v4;
	_ =	sdelay $0x2  }
0x110: {  	s12 =	simm.s32 $0xA000  }
0x111: {  	[tilespmem:s12+$0x0] =	vst v5  }
0x112: {  	v5 =	vld.idx.msk [tilespmem:v6+s7+$0x0], $0xffff  }
0x113: {  	v6 =	vor.u32 $0x5, v4;
	_ =	sdelay $0x2  }
0x114: {  	s14 =	simm.s32 $0x11C00  }
0x115: {  	[tilespmem:s14+$0x0] =	vst v5  }
0x116: {  	v6 =	vld.idx.msk [tilespmem:v6+s7+$0x0], $0xffff  }
0x117: {  	v4 =	vor.u32 $0x6, v4;
	_ =	sdelay $0x2  }
0x118: {  	s9 =	simm.s32 $0x10;
	s20 =	sand.u32 $0x1F0, s17  }
0x119: {  	s17 =	simm.s32 $0x20;
	v5 =	vmov s9;
	[tilespmem:s20+$0x12100] =	vst v6  }
.LBB2_13:
0x11a: {  	p4 =	sne.s32 s17, $0x130;
	v5 =	vshll.u32 v5, $0x7;
	v4 =	vld.idx.msk [tilespmem:v4+s7+$0x0], $0xffff  }
0x11b: {  	v5 =	vor.u32 v1, v5  }
0x11c: {  	v6 =	vor.u32 $0x1, v5;
	_ =	sdelay $0x3  }
0x11d: {  	[tilespmem:s20+$0x12600] =	vst v4  }
0x11e: {  	v4 =	vld.idx.msk [tilespmem:v6+s7+$0x0], $0xffff;
	_ =	sdelay $0x1  }
0x11f: {  	v6 =	vor.u32 $0x4, v5;
	_ =	sdelay $0x2  }
0x120: {  	s12 =	sadd.s32 $0x10, s12  }
0x121: {  	[tilespmem:s12+$0x0] =	vst v4  }
0x122: {  	v4 =	vld.idx.msk [tilespmem:v6+s7+$0x0], $0xffff;
	_ =	sdelay $0x1  }
0x123: {  	v6 =	vor.u32 $0x5, v5;
	_ =	sdelay $0x2  }
0x124: {  	s14 =	sadd.s32 $0x10, s14  }
0x125: {  	[tilespmem:s14+$0x0] =	vst v4  }
0x126: {  	v6 =	vld.idx.msk [tilespmem:v6+s7+$0x0], $0xffff;
	_ =	sdelay $0x1  }
.Ltmp6:
0x127: {  	v4 =	vor.u32 $0x6, v5;
	(pc) =	sbr.rel @p4 .LBB2_13-.Ltmp6, $3  }
0x128: {  	_ =	sdelay $0x1  }
0x129: {  	s20 =	sand.u32 $0x1F0, s9;
	s9 =	smov.u32 s17  }
0x12a: {  	s17 =	sadd.s32 $0x10, s17;
	v5 =	vmov s9;
	[tilespmem:s20+$0x12100] =	vst v6  }
0x12b: {  	_ =	sdelay $0x2  }
0x12c: {  	v5 =	vshll.u32 v5, $0x7  }
0x12d: {  	v4 =	vld.idx.msk [tilespmem:v4+s7+$0x0], $0xffff;
	v5 =	vor.u32 v1, v5  }
0x12e: {  	v6 =	vor.u32 $0x1, v5;
	_ =	sdelay $0x3  }
0x12f: {  	[tilespmem:s20+$0x12600] =	vst v4  }
0x130: {  	v4 =	vld.idx.msk [tilespmem:v6+s7+$0x0], $0xffff  }
0x131: {  	v6 =	vor.u32 $0x4, v5;
	_ =	sdelay $0x2  }
0x132: {  	s12 =	sadd.s32 $0x10, s12  }
0x133: {  	[tilespmem:s12+$0x0] =	vst v4  }
0x134: {  	v4 =	vld.idx.msk [tilespmem:v6+s7+$0x0], $0xffff  }
0x135: {  	v6 =	vor.u32 $0x5, v5;
	_ =	sdelay $0x2  }
0x136: {  	s28 =	sadd.s32 $0x10, s14  }
0x137: {  	[tilespmem:s28+$0x0] =	vst v4  }
0x138: {  	v4 =	vld.idx.msk [tilespmem:v6+s7+$0x0], $0xffff  }
0x139: {  	v5 =	vor.u32 $0x6, v5;
	_ =	sdelay $0x2  }
0x13a: {  	s9 =	sand.u32 $0x1F0, s9  }
0x13b: {  	[tilespmem:s9+$0x12100] =	vst v4  }
0x13c: {  	v4 =	vld.idx.msk [tilespmem:v5+s7+$0x0], $0xffff  }
0x13d: {  	s29 =	simm.s32 $0x0  }
0x13e: {  	v5 =	vmov s29  }
0x13f: {  	v5 =	vshll.u32 v5, $0x7  }
0x140: {  	v5 =	vor.u32 v1, v5  }
0x141: {  	s30 =	rddreg [dreg:$0xc];
	[tilespmem:s9+$0x12600] =	vst v4;
	v4 =	vor.u32 $0x1, v5  }
0x142: {  	[tilespmem:s29], [sflag:$0x2] =	stream.linear.gather [hbm4b:s30+s29], $0xA000, $0x38;
	[tilespmem:$0x14A00] =	vst v63  }
0x143: {  	_ =	swait.ge [sflag:s10], $0xA000  }
0x144: {  	[sflag:s10] =	ssyncset.done $0x0  }
0x145: {  	[sflag:s10] =	ssyncadd.s32 $0xFFFF6000  }
0x146: {  	v4 =	vld.idx.msk [tilespmem:v4+s7+$0x0], $0xffff  }
0x147: {  	v6 =	vor.u32 $0x4, v5;
	_ =	sdelay $0x2  }
0x148: {  	s12 =	simm.s32 $0xA140  }
0x149: {  	[tilespmem:s12+$0x0] =	vst v4  }
0x14a: {  	v4 =	vld.idx.msk [tilespmem:v6+s7+$0x0], $0xffff  }
0x14b: {  	v6 =	vor.u32 $0x5, v5;
	_ =	sdelay $0x2  }
0x14c: {  	s9 =	simm.s32 $0x12240  }
0x14d: {  	[tilespmem:s9+$0xFFFFFB00] =	vst v4  }
0x14e: {  	v6 =	vld.idx.msk [tilespmem:v6+s7+$0x0], $0xffff  }
0x14f: {  	v4 =	vor.u32 $0x6, v5;
	_ =	sdelay $0x2  }
0x150: {  	s31 =	simm.s32 $0x10  }
0x151: {  	s14 =	simm.s32 $0x20;
	v5 =	vmov s31;
	[tilespmem:s9+$0x0] =	vst v6  }
.LBB2_15:
0x152: {  	p4 =	sne.s32 s14, $0x130;
	v5 =	vshll.u32 v5, $0x7;
	v4 =	vld.idx.msk [tilespmem:v4+s7+$0x0], $0xffff  }
0x153: {  	v5 =	vor.u32 v1, v5  }
0x154: {  	v6 =	vor.u32 $0x1, v5;
	_ =	sdelay $0x3  }
0x155: {  	[tilespmem:s9+$0x500] =	vst v4  }
0x156: {  	v4 =	vld.idx.msk [tilespmem:v6+s7+$0x0], $0xffff;
	_ =	sdelay $0x1  }
0x157: {  	v6 =	vor.u32 $0x4, v5;
	_ =	sdelay $0x2  }
0x158: {  	s12 =	sadd.s32 $0x10, s12  }
0x159: {  	[tilespmem:s12+$0x0] =	vst v4  }
0x15a: {  	v4 =	vld.idx.msk [tilespmem:v6+s7+$0x0], $0xffff;
	_ =	sdelay $0x1  }
0x15b: {  	v6 =	vor.u32 $0x5, v5;
	_ =	sdelay $0x2  }
0x15c: {  	s9 =	sadd.s32 $0x10, s9  }
0x15d: {  	[tilespmem:s9+$0xFFFFFB00] =	vst v4  }
0x15e: {  	v6 =	vld.idx.msk [tilespmem:v6+s7+$0x0], $0xffff;
	_ =	sdelay $0x1  }
.Ltmp7:
0x15f: {  	v4 =	vor.u32 $0x6, v5;
	(pc) =	sbr.rel @p4 .LBB2_15-.Ltmp7, $2  }
0x160: {  	_ =	sdelay $0x2  }
0x161: {  	v5 =	vmov s14;
	s14 =	sadd.s32 $0x10, s14;
	[tilespmem:s9+$0x0] =	vst v6  }
0x162: {  	_ =	sdelay $0x2  }
0x163: {  	v5 =	vshll.u32 v5, $0x7  }
0x164: {  	v4 =	vld.idx.msk [tilespmem:v4+s7+$0x0], $0xffff;
	v5 =	vor.u32 v1, v5  }
0x165: {  	v6 =	vor.u32 $0x1, v5;
	_ =	sdelay $0x3  }
0x166: {  	[tilespmem:s9+$0x500] =	vst v4  }
0x167: {  	v4 =	vld.idx.msk [tilespmem:v6+s7+$0x0], $0xffff  }
0x168: {  	v6 =	vor.u32 $0x4, v5;
	_ =	sdelay $0x2  }
0x169: {  	s12 =	sadd.s32 $0x10, s12  }
0x16a: {  	[tilespmem:s12+$0x0] =	vst v4  }
0x16b: {  	v4 =	vld.idx.msk [tilespmem:v6+s7+$0x0], $0xffff  }
0x16c: {  	v6 =	vor.u32 $0x5, v5;
	_ =	sdelay $0x2  }
0x16d: {  	s29 =	sadd.s32 $0x10, s9  }
0x16e: {  	[tilespmem:s29+$0xFFFFFB00] =	vst v4  }
0x16f: {  	v4 =	vld.idx.msk [tilespmem:v6+s7+$0x0], $0xffff  }
0x170: {  	v5 =	vor.u32 $0x6, v5;
	_ =	sdelay $0x3  }
0x171: {  	[tilespmem:s29+$0x0] =	vst v4  }
0x172: {  	v4 =	vld.idx.msk [tilespmem:v5+s7+$0x0], $0xffff  }
0x173: {  	s30 =	simm.s32 $0x0  }
0x174: {  	v5 =	vmov s30  }
0x175: {  	v5 =	vshll.u32 v5, $0x7  }
0x176: {  	v5 =	vor.u32 v1, v5  }
0x177: {  	s31 =	rddreg [dreg:$0xd];
	[tilespmem:s29+$0x500] =	vst v4;
	v4 =	vor.u32 $0x1, v5  }
0x178: {  	[tilespmem:s30], [sflag:$0x2] =	stream.linear.gather [hbm4b:s31+s30], $0xA000, $0x38;
	[tilespmem:$0x14A00] =	vst v63  }
0x179: {  	_ =	swait.ge [sflag:s10], $0xA000  }
0x17a: {  	[sflag:s10] =	ssyncset.done $0x0  }
0x17b: {  	[sflag:s10] =	ssyncadd.s32 $0xFFFF6000  }
0x17c: {  	v4 =	vld.idx.msk [tilespmem:v4+s7+$0x0], $0xffff  }
0x17d: {  	v6 =	vor.u32 $0x4, v5;
	_ =	sdelay $0x2  }
0x17e: {  	s12 =	sand.u32 $0x1F0, s30  }
0x17f: {  	[tilespmem:s12+$0xA280] =	vst v4  }
0x180: {  	v4 =	vld.idx.msk [tilespmem:v6+s7+$0x0], $0xffff  }
0x181: {  	v6 =	vor.u32 $0x5, v5;
	_ =	sdelay $0x3  }
0x182: {  	[tilespmem:s12+$0x11E80] =	vst v4  }
0x183: {  	v6 =	vld.idx.msk [tilespmem:v6+s7+$0x0], $0xffff  }
0x184: {  	v4 =	vor.u32 $0x6, v5;
	_ =	sdelay $0x2  }
0x185: {  	s9 =	simm.s32 $0x10  }
0x186: {  	s14 =	simm.s32 $0x20;
	v5 =	vmov s9;
	[tilespmem:s12+$0x12380] =	vst v6  }
.LBB2_17:
0x187: {  	p4 =	sne.s32 s14, $0x130;
	v5 =	vshll.u32 v5, $0x7;
	v4 =	vld.idx.msk [tilespmem:v4+s7+$0x0], $0xffff  }
0x188: {  	v5 =	vor.u32 v1, v5  }
0x189: {  	v6 =	vor.u32 $0x1, v5;
	_ =	sdelay $0x3  }
0x18a: {  	[tilespmem:s12+$0x12880] =	vst v4  }
0x18b: {  	v4 =	vld.idx.msk [tilespmem:v6+s7+$0x0], $0xffff;
	_ =	sdelay $0x1  }
0x18c: {  	v6 =	vor.u32 $0x4, v5;
	_ =	sdelay $0x2  }
0x18d: {  	s12 =	sand.u32 $0x1F0, s9;
	s9 =	smov.u32 s14  }
0x18e: {  	[tilespmem:s12+$0xA280] =	vst v4  }
0x18f: {  	v4 =	vld.idx.msk [tilespmem:v6+s7+$0x0], $0xffff;
	_ =	sdelay $0x1  }
0x190: {  	v6 =	vor.u32 $0x5, v5;
	_ =	sdelay $0x3  }
0x191: {  	[tilespmem:s12+$0x11E80] =	vst v4  }
0x192: {  	v6 =	vld.idx.msk [tilespmem:v6+s7+$0x0], $0xffff;
	_ =	sdelay $0x1  }
.Ltmp8:
0x193: {  	v4 =	vor.u32 $0x6, v5;
	(pc) =	sbr.rel @p4 .LBB2_17-.Ltmp8, $2  }
0x194: {  	_ =	sdelay $0x2  }
0x195: {  	s14 =	sadd.s32 $0x10, s14;
	v5 =	vmov s9;
	[tilespmem:s12+$0x12380] =	vst v6  }
0x196: {  	_ =	sdelay $0x2  }
0x197: {  	v5 =	vshll.u32 v5, $0x7  }
0x198: {  	v4 =	vld.idx.msk [tilespmem:v4+s7+$0x0], $0xffff;
	v5 =	vor.u32 v1, v5  }
0x199: {  	v6 =	vor.u32 $0x1, v5;
	_ =	sdelay $0x3  }
0x19a: {  	[tilespmem:s12+$0x12880] =	vst v4  }
0x19b: {  	v4 =	vld.idx.msk [tilespmem:v6+s7+$0x0], $0xffff  }
0x19c: {  	v6 =	vor.u32 $0x4, v5;
	_ =	sdelay $0x2  }
0x19d: {  	s9 =	sand.u32 $0x1F0, s9  }
0x19e: {  	[tilespmem:s9+$0xA280] =	vst v4  }
0x19f: {  	v4 =	vld.idx.msk [tilespmem:v6+s7+$0x0], $0xffff  }
0x1a0: {  	v6 =	vor.u32 $0x5, v5;
	_ =	sdelay $0x3  }
0x1a1: {  	[tilespmem:s9+$0x11E80] =	vst v4  }
0x1a2: {  	v4 =	vld.idx.msk [tilespmem:v6+s7+$0x0], $0xffff  }
0x1a3: {  	v5 =	vor.u32 $0x6, v5;
	_ =	sdelay $0x3  }
0x1a4: {  	[tilespmem:s9+$0x12380] =	vst v4  }
0x1a5: {  	v4 =	vld.idx.msk [tilespmem:v5+s7+$0x0], $0xffff  }
0x1a6: {  	s30 =	simm.s32 $0x0  }
0x1a7: {  	v5 =	vmov s30  }
0x1a8: {  	v5 =	vshll.u32 v5, $0x7  }
0x1a9: {  	v5 =	vor.u32 v1, v5  }
0x1aa: {  	s31 =	rddreg [dreg:$0xe];
	[tilespmem:s9+$0x12880] =	vst v4;
	v4 =	vor.u32 $0x1, v5  }
0x1ab: {  	[tilespmem:s30], [sflag:$0x2] =	stream.linear.gather [hbm4b:s31+s30], $0xA000, $0x38;
	[tilespmem:$0x14A00] =	vst v63  }
0x1ac: {  	_ =	swait.ge [sflag:s10], $0xA000  }
0x1ad: {  	[sflag:s10] =	ssyncset.done $0x0  }
0x1ae: {  	[sflag:s10] =	ssyncadd.s32 $0xFFFF6000  }
0x1af: {  	v4 =	vld.idx.msk [tilespmem:v4+s7+$0x0], $0xffff  }
0x1b0: {  	v6 =	vor.u32 $0x4, v5;
	_ =	sdelay $0x2  }
0x1b1: {  	s12 =	simm.s32 $0xA3C0  }
0x1b2: {  	[tilespmem:s12+$0x0] =	vst v4  }
0x1b3: {  	v4 =	vld.idx.msk [tilespmem:v6+s7+$0x0], $0xffff  }
0x1b4: {  	v6 =	vor.u32 $0x5, v5;
	_ =	sdelay $0x2  }
0x1b5: {  	s9 =	simm.s32 $0x124C0  }
0x1b6: {  	[tilespmem:s9+$0xFFFFFB00] =	vst v4  }
0x1b7: {  	v6 =	vld.idx.msk [tilespmem:v6+s7+$0x0], $0xffff  }
0x1b8: {  	v4 =	vor.u32 $0x6, v5;
	_ =	sdelay $0x2  }
0x1b9: {  	s14 =	simm.s32 $0x10  }
0x1ba: {  	v5 =	vmov s14;
	s14 =	simm.s32 $0x20;
	[tilespmem:s9+$0x0] =	vst v6  }
.LBB2_19:
0x1bb: {  	p4 =	sne.s32 s14, $0x130;
	v5 =	vshll.u32 v5, $0x7;
	v4 =	vld.idx.msk [tilespmem:v4+s7+$0x0], $0xffff  }
0x1bc: {  	v5 =	vor.u32 v1, v5  }
0x1bd: {  	v6 =	vor.u32 $0x1, v5;
	_ =	sdelay $0x3  }
0x1be: {  	[tilespmem:s9+$0x500] =	vst v4  }
0x1bf: {  	v4 =	vld.idx.msk [tilespmem:v6+s7+$0x0], $0xffff;
	_ =	sdelay $0x1  }
0x1c0: {  	v6 =	vor.u32 $0x4, v5;
	_ =	sdelay $0x2  }
0x1c1: {  	s12 =	sadd.s32 $0x10, s12  }
0x1c2: {  	[tilespmem:s12+$0x0] =	vst v4  }
0x1c3: {  	v4 =	vld.idx.msk [tilespmem:v6+s7+$0x0], $0xffff;
	_ =	sdelay $0x1  }
0x1c4: {  	v6 =	vor.u32 $0x5, v5;
	_ =	sdelay $0x2  }
0x1c5: {  	s9 =	sadd.s32 $0x10, s9  }
0x1c6: {  	[tilespmem:s9+$0xFFFFFB00] =	vst v4  }
0x1c7: {  	v6 =	vld.idx.msk [tilespmem:v6+s7+$0x0], $0xffff;
	_ =	sdelay $0x1  }
.Ltmp9:
0x1c8: {  	v4 =	vor.u32 $0x6, v5;
	(pc) =	sbr.rel @p4 .LBB2_19-.Ltmp9, $2  }
0x1c9: {  	_ =	sdelay $0x2  }
0x1ca: {  	v5 =	vmov s14;
	s14 =	sadd.s32 $0x10, s14;
	[tilespmem:s9+$0x0] =	vst v6  }
0x1cb: {  	_ =	sdelay $0x2  }
0x1cc: {  	v5 =	vshll.u32 v5, $0x7  }
0x1cd: {  	v4 =	vld.idx.msk [tilespmem:v4+s7+$0x0], $0xffff;
	v5 =	vor.u32 v1, v5  }
0x1ce: {  	v6 =	vor.u32 $0x1, v5;
	_ =	sdelay $0x3  }
0x1cf: {  	[tilespmem:s9+$0x500] =	vst v4  }
0x1d0: {  	v4 =	vld.idx.msk [tilespmem:v6+s7+$0x0], $0xffff  }
0x1d1: {  	v62 =	vor.u32 $0x4, v5;
	_ =	sdelay $0x2  }
0x1d2: {  	s12 =	sadd.s32 $0x10, s12  }
0x1d3: {  	[tilespmem:s12+$0x0] =	vst v4  }
0x1d4: {  	v4 =	vld.idx.msk [tilespmem:v62+s7+$0x0], $0xffff  }
0x1d5: {  	v63 =	vor.u32 $0x5, v5;
	_ =	sdelay $0x2  }
0x1d6: {  	s31 =	sadd.s32 $0x10, s9  }
0x1d7: {  	[tilespmem:s31+$0xFFFFFB00] =	vst v4  }
0x1d8: {  	v4 =	vld.idx.msk [tilespmem:v63+s7+$0x0], $0xffff  }
0x1d9: {  	v5 =	vor.u32 $0x6, v5;
	_ =	sdelay $0x3  }
0x1da: {  	[tilespmem:s31+$0x0] =	vst v4  }
0x1db: {  	v4 =	vld.idx.msk [tilespmem:v5+s7+$0x0], $0xffff;
	_ =	sdelay $0x4  }
0x1dc: {  	[tilespmem:s31+$0x500] =	vst v4  }
.LBB2_21:
.Ltmp10:
0x1dd: {  	(pc) =	sbr.rel @!p2 .LBB2_29-.Ltmp10, $1  }
0x1de: {  	_ =	sdelay $0x3  }
0x1df: {  	s17 =	simm.s32 $0x0  }
0x1e0: {  	v4 =	vmov s17  }
0x1e1: {  	v4 =	vshll.u32 v4, $0x7  }
0x1e2: {  	v4 =	vor.u32 v1, v4  }
0x1e3: {  	s9 =	rddreg [dreg:$0xf];
	v5 =	vor.u32 $0x1, v4  }
0x1e4: {  	[tilespmem:s17], [sflag:$0x2] =	stream.linear.gather [hbm4b:s9+s17], $0xA000, $0x38;
	[tilespmem:$0x14A00] =	vst v63  }
0x1e5: {  	_ =	swait.ge [sflag:s10], $0xA000  }
0x1e6: {  	[sflag:s10] =	ssyncset.done $0x0  }
0x1e7: {  	[sflag:s10] =	ssyncadd.s32 $0xFFFF6000  }
0x1e8: {  	v5 =	vld.idx.msk [tilespmem:v5+s7+$0x0], $0xffff  }
0x1e9: {  	v6 =	vor.u32 $0x4, v4;
	_ =	sdelay $0x2  }
0x1ea: {  	s12 =	simm.s32 $0xA000  }
0x1eb: {  	[tilespmem:s12+$0x0] =	vst v5  }
0x1ec: {  	v5 =	vld.idx.msk [tilespmem:v6+s7+$0x0], $0xffff  }
0x1ed: {  	v6 =	vor.u32 $0x5, v4;
	_ =	sdelay $0x2  }
0x1ee: {  	s14 =	simm.s32 $0x11C00  }
0x1ef: {  	[tilespmem:s14+$0x0] =	vst v5  }
0x1f0: {  	v6 =	vld.idx.msk [tilespmem:v6+s7+$0x0], $0xffff  }
0x1f1: {  	v4 =	vor.u32 $0x6, v4;
	_ =	sdelay $0x2  }
0x1f2: {  	s9 =	simm.s32 $0x10;
	s20 =	sand.u32 $0x1F0, s17  }
0x1f3: {  	s17 =	simm.s32 $0x20;
	v5 =	vmov s9;
	[tilespmem:s20+$0x12100] =	vst v6  }
.LBB2_23:
0x1f4: {  	p4 =	sne.s32 s17, $0x130;
	v5 =	vshll.u32 v5, $0x7;
	v4 =	vld.idx.msk [tilespmem:v4+s7+$0x0], $0xffff  }
0x1f5: {  	v5 =	vor.u32 v1, v5  }
0x1f6: {  	v6 =	vor.u32 $0x1, v5;
	_ =	sdelay $0x3  }
0x1f7: {  	[tilespmem:s20+$0x12600] =	vst v4  }
0x1f8: {  	v4 =	vld.idx.msk [tilespmem:v6+s7+$0x0], $0xffff;
	_ =	sdelay $0x1  }
0x1f9: {  	v6 =	vor.u32 $0x4, v5;
	_ =	sdelay $0x2  }
0x1fa: {  	s12 =	sadd.s32 $0x10, s12  }
0x1fb: {  	[tilespmem:s12+$0x0] =	vst v4  }
0x1fc: {  	v4 =	vld.idx.msk [tilespmem:v6+s7+$0x0], $0xffff;
	_ =	sdelay $0x1  }
0x1fd: {  	v6 =	vor.u32 $0x5, v5;
	_ =	sdelay $0x2  }
0x1fe: {  	s14 =	sadd.s32 $0x10, s14  }
0x1ff: {  	[tilespmem:s14+$0x0] =	vst v4  }
0x200: {  	v6 =	vld.idx.msk [tilespmem:v6+s7+$0x0], $0xffff;
	_ =	sdelay $0x1  }
.Ltmp11:
0x201: {  	v4 =	vor.u32 $0x6, v5;
	(pc) =	sbr.rel @p4 .LBB2_23-.Ltmp11, $3  }
0x202: {  	_ =	sdelay $0x1  }
0x203: {  	s20 =	sand.u32 $0x1F0, s9;
	s9 =	smov.u32 s17  }
0x204: {  	s17 =	sadd.s32 $0x10, s17;
	v5 =	vmov s9;
	[tilespmem:s20+$0x12100] =	vst v6  }
0x205: {  	_ =	sdelay $0x2  }
0x206: {  	v5 =	vshll.u32 v5, $0x7  }
0x207: {  	v4 =	vld.idx.msk [tilespmem:v4+s7+$0x0], $0xffff;
	v5 =	vor.u32 v1, v5  }
0x208: {  	v6 =	vor.u32 $0x1, v5;
	_ =	sdelay $0x3  }
0x209: {  	[tilespmem:s20+$0x12600] =	vst v4  }
0x20a: {  	v4 =	vld.idx.msk [tilespmem:v6+s7+$0x0], $0xffff  }
0x20b: {  	v6 =	vor.u32 $0x4, v5;
	_ =	sdelay $0x2  }
0x20c: {  	s12 =	sadd.s32 $0x10, s12  }
0x20d: {  	[tilespmem:s12+$0x0] =	vst v4  }
0x20e: {  	v4 =	vld.idx.msk [tilespmem:v6+s7+$0x0], $0xffff  }
0x20f: {  	v6 =	vor.u32 $0x5, v5;
	_ =	sdelay $0x2  }
0x210: {  	s28 =	sadd.s32 $0x10, s14  }
0x211: {  	[tilespmem:s28+$0x0] =	vst v4  }
0x212: {  	v4 =	vld.idx.msk [tilespmem:v6+s7+$0x0], $0xffff  }
0x213: {  	v5 =	vor.u32 $0x6, v5;
	_ =	sdelay $0x2  }
0x214: {  	s9 =	sand.u32 $0x1F0, s9  }
0x215: {  	[tilespmem:s9+$0x12100] =	vst v4  }
0x216: {  	v4 =	vld.idx.msk [tilespmem:v5+s7+$0x0], $0xffff  }
0x217: {  	s29 =	simm.s32 $0x0  }
0x218: {  	v5 =	vmov s29  }
0x219: {  	v5 =	vshll.u32 v5, $0x7  }
0x21a: {  	v5 =	vor.u32 v1, v5  }
0x21b: {  	s30 =	rddreg [dreg:$0x10];
	[tilespmem:s9+$0x12600] =	vst v4;
	v4 =	vor.u32 $0x1, v5  }
0x21c: {  	[tilespmem:s29], [sflag:$0x2] =	stream.linear.gather [hbm4b:s30+s29], $0xA000, $0x38;
	[tilespmem:$0x14A00] =	vst v63  }
0x21d: {  	_ =	swait.ge [sflag:s10], $0xA000  }
0x21e: {  	[sflag:s10] =	ssyncset.done $0x0  }
0x21f: {  	[sflag:s10] =	ssyncadd.s32 $0xFFFF6000  }
0x220: {  	v4 =	vld.idx.msk [tilespmem:v4+s7+$0x0], $0xffff  }
0x221: {  	v6 =	vor.u32 $0x4, v5;
	_ =	sdelay $0x2  }
0x222: {  	s12 =	simm.s32 $0xA140  }
0x223: {  	[tilespmem:s12+$0x0] =	vst v4  }
0x224: {  	v4 =	vld.idx.msk [tilespmem:v6+s7+$0x0], $0xffff  }
0x225: {  	v6 =	vor.u32 $0x5, v5;
	_ =	sdelay $0x2  }
0x226: {  	s9 =	simm.s32 $0x12240  }
0x227: {  	[tilespmem:s9+$0xFFFFFB00] =	vst v4  }
0x228: {  	v6 =	vld.idx.msk [tilespmem:v6+s7+$0x0], $0xffff  }
0x229: {  	v4 =	vor.u32 $0x6, v5;
	_ =	sdelay $0x2  }
0x22a: {  	s31 =	simm.s32 $0x10  }
0x22b: {  	s14 =	simm.s32 $0x20;
	v5 =	vmov s31;
	[tilespmem:s9+$0x0] =	vst v6  }
.LBB2_25:
0x22c: {  	p4 =	sne.s32 s14, $0x130;
	v5 =	vshll.u32 v5, $0x7;
	v4 =	vld.idx.msk [tilespmem:v4+s7+$0x0], $0xffff  }
0x22d: {  	v5 =	vor.u32 v1, v5  }
0x22e: {  	v6 =	vor.u32 $0x1, v5;
	_ =	sdelay $0x3  }
0x22f: {  	[tilespmem:s9+$0x500] =	vst v4  }
0x230: {  	v4 =	vld.idx.msk [tilespmem:v6+s7+$0x0], $0xffff;
	_ =	sdelay $0x1  }
0x231: {  	v6 =	vor.u32 $0x4, v5;
	_ =	sdelay $0x2  }
0x232: {  	s12 =	sadd.s32 $0x10, s12  }
0x233: {  	[tilespmem:s12+$0x0] =	vst v4  }
0x234: {  	v4 =	vld.idx.msk [tilespmem:v6+s7+$0x0], $0xffff;
	_ =	sdelay $0x1  }
0x235: {  	v6 =	vor.u32 $0x5, v5;
	_ =	sdelay $0x2  }
0x236: {  	s9 =	sadd.s32 $0x10, s9  }
0x237: {  	[tilespmem:s9+$0xFFFFFB00] =	vst v4  }
0x238: {  	v6 =	vld.idx.msk [tilespmem:v6+s7+$0x0], $0xffff;
	_ =	sdelay $0x1  }
.Ltmp12:
0x239: {  	v4 =	vor.u32 $0x6, v5;
	(pc) =	sbr.rel @p4 .LBB2_25-.Ltmp12, $2  }
0x23a: {  	_ =	sdelay $0x2  }
0x23b: {  	v5 =	vmov s14;
	s14 =	sadd.s32 $0x10, s14;
	[tilespmem:s9+$0x0] =	vst v6  }
0x23c: {  	_ =	sdelay $0x2  }
0x23d: {  	v5 =	vshll.u32 v5, $0x7  }
0x23e: {  	v4 =	vld.idx.msk [tilespmem:v4+s7+$0x0], $0xffff;
	v5 =	vor.u32 v1, v5  }
0x23f: {  	v6 =	vor.u32 $0x1, v5;
	_ =	sdelay $0x3  }
0x240: {  	[tilespmem:s9+$0x500] =	vst v4  }
0x241: {  	v4 =	vld.idx.msk [tilespmem:v6+s7+$0x0], $0xffff  }
0x242: {  	v6 =	vor.u32 $0x4, v5;
	_ =	sdelay $0x2  }
0x243: {  	s12 =	sadd.s32 $0x10, s12  }
0x244: {  	[tilespmem:s12+$0x0] =	vst v4  }
0x245: {  	v4 =	vld.idx.msk [tilespmem:v6+s7+$0x0], $0xffff  }
0x246: {  	v6 =	vor.u32 $0x5, v5;
	_ =	sdelay $0x2  }
0x247: {  	s29 =	sadd.s32 $0x10, s9  }
0x248: {  	[tilespmem:s29+$0xFFFFFB00] =	vst v4  }
0x249: {  	v4 =	vld.idx.msk [tilespmem:v6+s7+$0x0], $0xffff  }
0x24a: {  	v5 =	vor.u32 $0x6, v5;
	_ =	sdelay $0x3  }
0x24b: {  	[tilespmem:s29+$0x0] =	vst v4  }
0x24c: {  	v4 =	vld.idx.msk [tilespmem:v5+s7+$0x0], $0xffff  }
0x24d: {  	s30 =	simm.s32 $0x0  }
0x24e: {  	v5 =	vmov s30  }
0x24f: {  	v5 =	vshll.u32 v5, $0x7  }
0x250: {  	v5 =	vor.u32 v1, v5  }
0x251: {  	s31 =	rddreg [dreg:$0x11];
	[tilespmem:s29+$0x500] =	vst v4;
	v4 =	vor.u32 $0x1, v5  }
0x252: {  	[tilespmem:s30], [sflag:$0x2] =	stream.linear.gather [hbm4b:s31+s30], $0x5000, $0x38;
	[tilespmem:$0x14A00] =	vst v63  }
0x253: {  	_ =	swait.ge [sflag:s10], $0x5000  }
0x254: {  	[sflag:s10] =	ssyncset.done $0x0  }
0x255: {  	[sflag:s10] =	ssyncadd.s32 $0xFFFFB000  }
0x256: {  	v4 =	vld.idx.msk [tilespmem:v4+s7+$0x0], $0xffff  }
0x257: {  	v6 =	vor.u32 $0x4, v5;
	_ =	sdelay $0x2  }
0x258: {  	s12 =	sand.u32 $0xF0, s30  }
0x259: {  	[tilespmem:s12+$0xA280] =	vst v4  }
0x25a: {  	v4 =	vld.idx.msk [tilespmem:v6+s7+$0x0], $0xffff  }
0x25b: {  	v6 =	vor.u32 $0x5, v5;
	_ =	sdelay $0x3  }
0x25c: {  	[tilespmem:s12+$0x11E80] =	vst v4  }
0x25d: {  	v6 =	vld.idx.msk [tilespmem:v6+s7+$0x0], $0xffff  }
0x25e: {  	v4 =	vor.u32 $0x6, v5;
	_ =	sdelay $0x2  }
0x25f: {  	s9 =	simm.s32 $0x10  }
0x260: {  	s14 =	simm.s32 $0x20;
	v5 =	vmov s9;
	[tilespmem:s12+$0x12380] =	vst v6  }
.LBB2_27:
0x261: {  	p4 =	sne.s32 s14, $0x90;
	v5 =	vshll.u32 v5, $0x7;
	v4 =	vld.idx.msk [tilespmem:v4+s7+$0x0], $0xffff  }
0x262: {  	v5 =	vor.u32 v1, v5  }
0x263: {  	v6 =	vor.u32 $0x1, v5;
	_ =	sdelay $0x3  }
0x264: {  	[tilespmem:s12+$0x12880] =	vst v4  }
0x265: {  	v4 =	vld.idx.msk [tilespmem:v6+s7+$0x0], $0xffff;
	_ =	sdelay $0x1  }
0x266: {  	v6 =	vor.u32 $0x4, v5;
	_ =	sdelay $0x2  }
0x267: {  	s12 =	sand.u32 $0xF0, s9;
	s9 =	smov.u32 s14  }
0x268: {  	[tilespmem:s12+$0xA280] =	vst v4  }
0x269: {  	v4 =	vld.idx.msk [tilespmem:v6+s7+$0x0], $0xffff;
	_ =	sdelay $0x1  }
0x26a: {  	v6 =	vor.u32 $0x5, v5;
	_ =	sdelay $0x3  }
0x26b: {  	[tilespmem:s12+$0x11E80] =	vst v4  }
0x26c: {  	v6 =	vld.idx.msk [tilespmem:v6+s7+$0x0], $0xffff;
	_ =	sdelay $0x1  }
.Ltmp13:
0x26d: {  	v4 =	vor.u32 $0x6, v5;
	(pc) =	sbr.rel @p4 .LBB2_27-.Ltmp13, $2  }
0x26e: {  	_ =	sdelay $0x2  }
0x26f: {  	s14 =	sadd.s32 $0x10, s14;
	v5 =	vmov s9;
	[tilespmem:s12+$0x12380] =	vst v6  }
0x270: {  	_ =	sdelay $0x2  }
0x271: {  	v5 =	vshll.u32 v5, $0x7  }
0x272: {  	v4 =	vld.idx.msk [tilespmem:v4+s7+$0x0], $0xffff;
	v5 =	vor.u32 v1, v5  }
0x273: {  	v6 =	vor.u32 $0x1, v5;
	_ =	sdelay $0x3  }
0x274: {  	[tilespmem:s12+$0x12880] =	vst v4  }
0x275: {  	v4 =	vld.idx.msk [tilespmem:v6+s7+$0x0], $0xffff  }
0x276: {  	v62 =	vor.u32 $0x4, v5;
	_ =	sdelay $0x2  }
0x277: {  	s9 =	sand.u32 $0xF0, s9  }
0x278: {  	[tilespmem:s9+$0xA280] =	vst v4  }
0x279: {  	v4 =	vld.idx.msk [tilespmem:v62+s7+$0x0], $0xffff  }
0x27a: {  	v63 =	vor.u32 $0x5, v5;
	_ =	sdelay $0x3  }
0x27b: {  	[tilespmem:s9+$0x11E80] =	vst v4  }
0x27c: {  	v4 =	vld.idx.msk [tilespmem:v63+s7+$0x0], $0xffff  }
0x27d: {  	v5 =	vor.u32 $0x6, v5;
	_ =	sdelay $0x3  }
0x27e: {  	[tilespmem:s9+$0x12380] =	vst v4  }
0x27f: {  	v4 =	vld.idx.msk [tilespmem:v5+s7+$0x0], $0xffff;
	_ =	sdelay $0x4  }
0x280: {  	[tilespmem:s9+$0x12880] =	vst v4  }
.LBB2_29:
.Ltmp14:
0x281: {  	(pc) =	sbr.rel @!p3 .LBB2_37-.Ltmp14, $1  }
0x282: {  	_ =	sdelay $0x3  }
0x283: {  	s17 =	simm.s32 $0x0  }
0x284: {  	v4 =	vmov s17  }
0x285: {  	v4 =	vshll.u32 v4, $0x7  }
0x286: {  	v4 =	vor.u32 v1, v4  }
0x287: {  	s9 =	rddreg [dreg:$0x12];
	v5 =	vor.u32 $0x1, v4  }
0x288: {  	[tilespmem:s17], [sflag:$0x2] =	stream.linear.gather [hbm4b:s9+s17], $0xA000, $0x38;
	[tilespmem:$0x14A00] =	vst v63  }
0x289: {  	_ =	swait.ge [sflag:s10], $0xA000  }
0x28a: {  	[sflag:s10] =	ssyncset.done $0x0  }
0x28b: {  	[sflag:s10] =	ssyncadd.s32 $0xFFFF6000  }
0x28c: {  	v5 =	vld.idx.msk [tilespmem:v5+s7+$0x0], $0xffff  }
0x28d: {  	v6 =	vor.u32 $0x4, v4;
	_ =	sdelay $0x2  }
0x28e: {  	s12 =	simm.s32 $0xA000  }
0x28f: {  	[tilespmem:s12+$0x0] =	vst v5  }
0x290: {  	v5 =	vld.idx.msk [tilespmem:v6+s7+$0x0], $0xffff  }
0x291: {  	v6 =	vor.u32 $0x5, v4;
	_ =	sdelay $0x2  }
0x292: {  	s14 =	simm.s32 $0x11C00  }
0x293: {  	[tilespmem:s14+$0x0] =	vst v5  }
0x294: {  	v6 =	vld.idx.msk [tilespmem:v6+s7+$0x0], $0xffff  }
0x295: {  	v4 =	vor.u32 $0x6, v4;
	_ =	sdelay $0x2  }
0x296: {  	s9 =	simm.s32 $0x10;
	s20 =	sand.u32 $0x1F0, s17  }
0x297: {  	s17 =	simm.s32 $0x20;
	v5 =	vmov s9;
	[tilespmem:s20+$0x12100] =	vst v6  }
.LBB2_31:
0x298: {  	p4 =	sne.s32 s17, $0x130;
	v5 =	vshll.u32 v5, $0x7;
	v4 =	vld.idx.msk [tilespmem:v4+s7+$0x0], $0xffff  }
0x299: {  	v5 =	vor.u32 v1, v5  }
0x29a: {  	v6 =	vor.u32 $0x1, v5;
	_ =	sdelay $0x3  }
0x29b: {  	[tilespmem:s20+$0x12600] =	vst v4  }
0x29c: {  	v4 =	vld.idx.msk [tilespmem:v6+s7+$0x0], $0xffff;
	_ =	sdelay $0x1  }
0x29d: {  	v6 =	vor.u32 $0x4, v5;
	_ =	sdelay $0x2  }
0x29e: {  	s12 =	sadd.s32 $0x10, s12  }
0x29f: {  	[tilespmem:s12+$0x0] =	vst v4  }
0x2a0: {  	v4 =	vld.idx.msk [tilespmem:v6+s7+$0x0], $0xffff;
	_ =	sdelay $0x1  }
0x2a1: {  	v6 =	vor.u32 $0x5, v5;
	_ =	sdelay $0x2  }
0x2a2: {  	s14 =	sadd.s32 $0x10, s14  }
0x2a3: {  	[tilespmem:s14+$0x0] =	vst v4  }
0x2a4: {  	v6 =	vld.idx.msk [tilespmem:v6+s7+$0x0], $0xffff;
	_ =	sdelay $0x1  }
.Ltmp15:
0x2a5: {  	v4 =	vor.u32 $0x6, v5;
	(pc) =	sbr.rel @p4 .LBB2_31-.Ltmp15, $3  }
0x2a6: {  	_ =	sdelay $0x1  }
0x2a7: {  	s20 =	sand.u32 $0x1F0, s9;
	s9 =	smov.u32 s17  }
0x2a8: {  	s17 =	sadd.s32 $0x10, s17;
	v5 =	vmov s9;
	[tilespmem:s20+$0x12100] =	vst v6  }
0x2a9: {  	_ =	sdelay $0x2  }
0x2aa: {  	v5 =	vshll.u32 v5, $0x7  }
0x2ab: {  	v4 =	vld.idx.msk [tilespmem:v4+s7+$0x0], $0xffff;
	v5 =	vor.u32 v1, v5  }
0x2ac: {  	v6 =	vor.u32 $0x1, v5;
	_ =	sdelay $0x3  }
0x2ad: {  	[tilespmem:s20+$0x12600] =	vst v4  }
0x2ae: {  	v4 =	vld.idx.msk [tilespmem:v6+s7+$0x0], $0xffff  }
0x2af: {  	v6 =	vor.u32 $0x4, v5;
	_ =	sdelay $0x2  }
0x2b0: {  	s12 =	sadd.s32 $0x10, s12  }
0x2b1: {  	[tilespmem:s12+$0x0] =	vst v4  }
0x2b2: {  	v4 =	vld.idx.msk [tilespmem:v6+s7+$0x0], $0xffff  }
0x2b3: {  	v6 =	vor.u32 $0x5, v5;
	_ =	sdelay $0x2  }
0x2b4: {  	s28 =	sadd.s32 $0x10, s14  }
0x2b5: {  	[tilespmem:s28+$0x0] =	vst v4  }
0x2b6: {  	v4 =	vld.idx.msk [tilespmem:v6+s7+$0x0], $0xffff  }
0x2b7: {  	v5 =	vor.u32 $0x6, v5;
	_ =	sdelay $0x2  }
0x2b8: {  	s9 =	sand.u32 $0x1F0, s9  }
0x2b9: {  	[tilespmem:s9+$0x12100] =	vst v4  }
0x2ba: {  	v4 =	vld.idx.msk [tilespmem:v5+s7+$0x0], $0xffff  }
0x2bb: {  	s29 =	simm.s32 $0x0  }
0x2bc: {  	v5 =	vmov s29  }
0x2bd: {  	v5 =	vshll.u32 v5, $0x7  }
0x2be: {  	v5 =	vor.u32 v1, v5  }
0x2bf: {  	s30 =	rddreg [dreg:$0x13];
	[tilespmem:s9+$0x12600] =	vst v4;
	v4 =	vor.u32 $0x1, v5  }
0x2c0: {  	[tilespmem:s29], [sflag:$0x2] =	stream.linear.gather [hbm4b:s30+s29], $0xA000, $0x38;
	[tilespmem:$0x14A00] =	vst v63  }
0x2c1: {  	_ =	swait.ge [sflag:s10], $0xA000  }
0x2c2: {  	[sflag:s10] =	ssyncset.done $0x0  }
0x2c3: {  	[sflag:s10] =	ssyncadd.s32 $0xFFFF6000  }
0x2c4: {  	v4 =	vld.idx.msk [tilespmem:v4+s7+$0x0], $0xffff  }
0x2c5: {  	v6 =	vor.u32 $0x4, v5;
	_ =	sdelay $0x2  }
0x2c6: {  	s12 =	simm.s32 $0xA140  }
0x2c7: {  	[tilespmem:s12+$0x0] =	vst v4  }
0x2c8: {  	v4 =	vld.idx.msk [tilespmem:v6+s7+$0x0], $0xffff  }
0x2c9: {  	v6 =	vor.u32 $0x5, v5;
	_ =	sdelay $0x2  }
0x2ca: {  	s9 =	simm.s32 $0x12240  }
0x2cb: {  	[tilespmem:s9+$0xFFFFFB00] =	vst v4  }
0x2cc: {  	v6 =	vld.idx.msk [tilespmem:v6+s7+$0x0], $0xffff  }
0x2cd: {  	v4 =	vor.u32 $0x6, v5;
	_ =	sdelay $0x2  }
0x2ce: {  	s31 =	simm.s32 $0x10  }
0x2cf: {  	s14 =	simm.s32 $0x20;
	v5 =	vmov s31;
	[tilespmem:s9+$0x0] =	vst v6  }
.LBB2_33:
0x2d0: {  	p4 =	sne.s32 s14, $0x130;
	v5 =	vshll.u32 v5, $0x7;
	v4 =	vld.idx.msk [tilespmem:v4+s7+$0x0], $0xffff  }
0x2d1: {  	v5 =	vor.u32 v1, v5  }
0x2d2: {  	v6 =	vor.u32 $0x1, v5;
	_ =	sdelay $0x3  }
0x2d3: {  	[tilespmem:s9+$0x500] =	vst v4  }
0x2d4: {  	v4 =	vld.idx.msk [tilespmem:v6+s7+$0x0], $0xffff;
	_ =	sdelay $0x1  }
0x2d5: {  	v6 =	vor.u32 $0x4, v5;
	_ =	sdelay $0x2  }
0x2d6: {  	s12 =	sadd.s32 $0x10, s12  }
0x2d7: {  	[tilespmem:s12+$0x0] =	vst v4  }
0x2d8: {  	v4 =	vld.idx.msk [tilespmem:v6+s7+$0x0], $0xffff;
	_ =	sdelay $0x1  }
0x2d9: {  	v6 =	vor.u32 $0x5, v5;
	_ =	sdelay $0x2  }
0x2da: {  	s9 =	sadd.s32 $0x10, s9  }
0x2db: {  	[tilespmem:s9+$0xFFFFFB00] =	vst v4  }
0x2dc: {  	v6 =	vld.idx.msk [tilespmem:v6+s7+$0x0], $0xffff;
	_ =	sdelay $0x1  }
.Ltmp16:
0x2dd: {  	v4 =	vor.u32 $0x6, v5;
	(pc) =	sbr.rel @p4 .LBB2_33-.Ltmp16, $2  }
0x2de: {  	_ =	sdelay $0x2  }
0x2df: {  	v5 =	vmov s14;
	s14 =	sadd.s32 $0x10, s14;
	[tilespmem:s9+$0x0] =	vst v6  }
0x2e0: {  	_ =	sdelay $0x2  }
0x2e1: {  	v5 =	vshll.u32 v5, $0x7  }
0x2e2: {  	v4 =	vld.idx.msk [tilespmem:v4+s7+$0x0], $0xffff;
	v5 =	vor.u32 v1, v5  }
0x2e3: {  	v6 =	vor.u32 $0x1, v5;
	_ =	sdelay $0x3  }
0x2e4: {  	[tilespmem:s9+$0x500] =	vst v4  }
0x2e5: {  	v4 =	vld.idx.msk [tilespmem:v6+s7+$0x0], $0xffff  }
0x2e6: {  	v6 =	vor.u32 $0x4, v5;
	_ =	sdelay $0x2  }
0x2e7: {  	s12 =	sadd.s32 $0x10, s12  }
0x2e8: {  	[tilespmem:s12+$0x0] =	vst v4  }
0x2e9: {  	v4 =	vld.idx.msk [tilespmem:v6+s7+$0x0], $0xffff  }
0x2ea: {  	v6 =	vor.u32 $0x5, v5;
	_ =	sdelay $0x2  }
0x2eb: {  	s29 =	sadd.s32 $0x10, s9  }
0x2ec: {  	[tilespmem:s29+$0xFFFFFB00] =	vst v4  }
0x2ed: {  	v4 =	vld.idx.msk [tilespmem:v6+s7+$0x0], $0xffff  }
0x2ee: {  	v5 =	vor.u32 $0x6, v5;
	_ =	sdelay $0x3  }
0x2ef: {  	[tilespmem:s29+$0x0] =	vst v4  }
0x2f0: {  	v4 =	vld.idx.msk [tilespmem:v5+s7+$0x0], $0xffff  }
0x2f1: {  	s30 =	simm.s32 $0x0  }
0x2f2: {  	v5 =	vmov s30  }
0x2f3: {  	v5 =	vshll.u32 v5, $0x7  }
0x2f4: {  	v5 =	vor.u32 v1, v5  }
0x2f5: {  	s31 =	rddreg [dreg:$0x14];
	[tilespmem:s29+$0x500] =	vst v4;
	v4 =	vor.u32 $0x1, v5  }
0x2f6: {  	[tilespmem:s30], [sflag:$0x2] =	stream.linear.gather [hbm4b:s31+s30], $0x5000, $0x38;
	[tilespmem:$0x14A00] =	vst v63  }
0x2f7: {  	_ =	swait.ge [sflag:s10], $0x5000  }
0x2f8: {  	[sflag:s10] =	ssyncset.done $0x0  }
0x2f9: {  	[sflag:s10] =	ssyncadd.s32 $0xFFFFB000  }
0x2fa: {  	v4 =	vld.idx.msk [tilespmem:v4+s7+$0x0], $0xffff  }
0x2fb: {  	v6 =	vor.u32 $0x4, v5;
	_ =	sdelay $0x2  }
0x2fc: {  	s12 =	sand.u32 $0xF0, s30  }
0x2fd: {  	[tilespmem:s12+$0xA280] =	vst v4  }
0x2fe: {  	v4 =	vld.idx.msk [tilespmem:v6+s7+$0x0], $0xffff  }
0x2ff: {  	v6 =	vor.u32 $0x5, v5;
	_ =	sdelay $0x3  }
0x300: {  	[tilespmem:s12+$0x11E80] =	vst v4  }
0x301: {  	v6 =	vld.idx.msk [tilespmem:v6+s7+$0x0], $0xffff  }
0x302: {  	v4 =	vor.u32 $0x6, v5;
	_ =	sdelay $0x2  }
0x303: {  	s9 =	simm.s32 $0x10  }
0x304: {  	s14 =	simm.s32 $0x20;
	v5 =	vmov s9;
	[tilespmem:s12+$0x12380] =	vst v6  }
.LBB2_35:
0x305: {  	p4 =	sne.s32 s14, $0x90;
	v5 =	vshll.u32 v5, $0x7;
	v4 =	vld.idx.msk [tilespmem:v4+s7+$0x0], $0xffff  }
0x306: {  	v5 =	vor.u32 v1, v5  }
0x307: {  	v6 =	vor.u32 $0x1, v5;
	_ =	sdelay $0x3  }
0x308: {  	[tilespmem:s12+$0x12880] =	vst v4  }
0x309: {  	v4 =	vld.idx.msk [tilespmem:v6+s7+$0x0], $0xffff;
	_ =	sdelay $0x1  }
0x30a: {  	v6 =	vor.u32 $0x4, v5;
	_ =	sdelay $0x2  }
0x30b: {  	s12 =	sand.u32 $0xF0, s9;
	s9 =	smov.u32 s14  }
0x30c: {  	[tilespmem:s12+$0xA280] =	vst v4  }
0x30d: {  	v4 =	vld.idx.msk [tilespmem:v6+s7+$0x0], $0xffff;
	_ =	sdelay $0x1  }
0x30e: {  	v6 =	vor.u32 $0x5, v5;
	_ =	sdelay $0x3  }
0x30f: {  	[tilespmem:s12+$0x11E80] =	vst v4  }
0x310: {  	v6 =	vld.idx.msk [tilespmem:v6+s7+$0x0], $0xffff;
	_ =	sdelay $0x1  }
.Ltmp17:
0x311: {  	v4 =	vor.u32 $0x6, v5;
	(pc) =	sbr.rel @p4 .LBB2_35-.Ltmp17, $2  }
0x312: {  	_ =	sdelay $0x2  }
0x313: {  	s14 =	sadd.s32 $0x10, s14;
	v5 =	vmov s9;
	[tilespmem:s12+$0x12380] =	vst v6  }
0x314: {  	_ =	sdelay $0x2  }
0x315: {  	v5 =	vshll.u32 v5, $0x7  }
0x316: {  	v4 =	vld.idx.msk [tilespmem:v4+s7+$0x0], $0xffff;
	v5 =	vor.u32 v1, v5  }
0x317: {  	v6 =	vor.u32 $0x1, v5;
	_ =	sdelay $0x3  }
0x318: {  	[tilespmem:s12+$0x12880] =	vst v4  }
0x319: {  	v4 =	vld.idx.msk [tilespmem:v6+s7+$0x0], $0xffff  }
0x31a: {  	v62 =	vor.u32 $0x4, v5;
	_ =	sdelay $0x2  }
0x31b: {  	s9 =	sand.u32 $0xF0, s9  }
0x31c: {  	[tilespmem:s9+$0xA280] =	vst v4  }
0x31d: {  	v4 =	vld.idx.msk [tilespmem:v62+s7+$0x0], $0xffff  }
0x31e: {  	v63 =	vor.u32 $0x5, v5;
	_ =	sdelay $0x3  }
0x31f: {  	[tilespmem:s9+$0x11E80] =	vst v4  }
0x320: {  	v4 =	vld.idx.msk [tilespmem:v63+s7+$0x0], $0xffff  }
0x321: {  	v5 =	vor.u32 $0x6, v5;
	_ =	sdelay $0x3  }
0x322: {  	[tilespmem:s9+$0x12380] =	vst v4  }
0x323: {  	v4 =	vld.idx.msk [tilespmem:v5+s7+$0x0], $0xffff;
	_ =	sdelay $0x4  }
0x324: {  	[tilespmem:s9+$0x12880] =	vst v4  }
.LBB2_37:
0x325: {  	s9 =	simm.s32 $0xA000  }
0x326: {  	v4 =	vld [tilespmem:s9+$0x0];
	_ =	sdelay $0x4  }
0x327: {  	v4 =	vadd.f32 $0.0e+00, v4;
	_ =	sdelay $0x1  }
0x328: {  	s31 =	sadd.s32 $0x0, s8;
	v5 =	vxor.u32 $0x80000000, v4;
	v6 =	vxor.u32 $0xFFFFFFFF, v4;
	vm0 =	vlt.s32 v4, $0x0  }
0x329: {  	p4 =	slt.u32 s31, $0x4E20;
	v4 =	vsel vm0, v6, v5  }
0x32a: {  	s9 =	simm.s32 $0xA500;
	v4 =	vpsel !p4, $0xFFFFFFFF, v4  }
0x32b: {  	s14 =	simm.s32 $0xA010;
	[tilespmem:s9+$0x0] =	vst v4  }
0x32c: {  	s12 =	simm.s32 $0x10;
	s17 =	simm.s32 $0x20;
	v4 =	vld [tilespmem:s14+$0x0]  }
.LBB2_38:
0x32d: {  	p4 =	sne.s32 s17, $0x4F0;
	_ =	sdelay $0x3  }
0x32e: {  	v4 =	vadd.f32 $0.0e+00, v4;
	_ =	sdelay $0x1  }
.Ltmp18:
0x32f: {  	s20 =	sadd.s32 s12, s8;
	s12 =	smov.u32 s17;
	v5 =	vxor.u32 $0x80000000, v4;
	v6 =	vxor.u32 $0xFFFFFFFF, v4;
	vm0 =	vlt.s32 v4, $0x0;
	(pc) =	sbr.rel @p4 .LBB2_38-.Ltmp18, $4  }
0x330: {  	p5 =	slt.u32 s20, $0x4E20;
	v4 =	vsel vm0, v6, v5  }
0x331: {  	s9 =	sadd.s32 $0x10, s9;
	v4 =	vpsel !p5, $0xFFFFFFFF, v4  }
0x332: {  	s14 =	sadd.s32 $0x10, s14;
	[tilespmem:s9+$0x0] =	vst v4  }
0x333: {  	s17 =	sadd.s32 $0x10, s17;
	v4 =	vld [tilespmem:s14+$0x0]  }
0x334: {  	_ =	sdelay $0x3  }
0x335: {  	v4 =	vadd.f32 $0.0e+00, v4;
	_ =	sdelay $0x1  }
0x336: {  	s12 =	sadd.s32 s12, s8;
	v5 =	vxor.u32 $0x80000000, v4;
	v6 =	vxor.u32 $0xFFFFFFFF, v4;
	vm0 =	vlt.s32 v4, $0x0  }
0x337: {  	p4 =	slt.u32 s12, $0x4E20;
	v4 =	vsel vm0, v6, v5  }
0x338: {  	s9 =	sadd.s32 $0x10, s9;
	v4 =	vpsel !p4, $0xFFFFFFFF, v4  }
0x339: {  	s17 =	rddreg [dreg:$0x1a];
	[tilespmem:s9+$0x0] =	vst v4  }
0x33a: {  	[spmem:s17] =	stream.linear.scatter [tilespmem:s11], [sflag:$0x2], $0x500, $0x38;
	[tilespmem:$0x14A00] =	vst v63  }
0x33b: {  	_ =	swait.ge [sflag:s10], $0x500  }
0x33c: {  	[sflag:s10] =	ssyncset.done $0x0  }
0x33d: {  	s20 =	rddreg [dreg:$0x19];
	[sflag:s10] =	ssyncadd.s32 $0xFFFFFB00  }
0x33e: {  	[spmem:s20] =	stream.linear.scatter [tilespmem:s23], [sflag:$0x2], $0x500, $0x38;
	[tilespmem:$0x14A00] =	vst v63  }
0x33f: {  	_ =	swait.ge [sflag:s10], $0x500  }
0x340: {  	[sflag:s10] =	ssyncset.done $0x0  }
0x341: {  	s23 =	rddreg [dreg:$0x1b];
	[sflag:s10] =	ssyncadd.s32 $0xFFFFFB00  }
0x342: {  	[spmem:s23] =	stream.linear.scatter [tilespmem:s24], [sflag:$0x2], $0x500, $0x38;
	[tilespmem:$0x14A00] =	vst v63  }
0x343: {  	_ =	swait.ge [sflag:s10], $0x500  }
0x344: {  	[sflag:s10] =	ssyncset.done $0x0  }
0x345: {  	s28 =	rddreg [dreg:$0x1c];
	[sflag:s10] =	ssyncadd.s32 $0xFFFFFB00  }
0x346: {  	[spmem:s28] =	stream.linear.scatter [tilespmem:s25], [sflag:$0x2], $0x500, $0x38;
	[tilespmem:$0x14A00] =	vst v63  }
0x347: {  	_ =	swait.ge [sflag:s10], $0x500  }
0x348: {  	[sflag:s10] =	ssyncset.done $0x0  }
0x349: {  	[sflag:s10] =	ssyncadd.s32 $0xFFFFFB00  }
0x34a: {  	[bflag:$0x0] =	sbarrier.arrive $0xFFFF  }
0x34b: {  	s29 =	rddreg [dreg:$0x1]  }
0x34c: {  	[tilespmem:s11], [sflag:$0x2] =	stream.linear.gather [spmem:s29], $0x5000, $0x38;
	[tilespmem:$0x14A00] =	vst v63  }
0x34d: {  	_ =	swait.ge [sflag:s10], $0x5000  }
0x34e: {  	[sflag:s10] =	ssyncset.done $0x0  }
0x34f: {  	[sflag:s10] =	ssyncadd.s32 $0xFFFFB000  }
0x350: {  	[tilespmem:$0x10A00] =	vst v2  }
0x351: {  	[tilespmem:$0x10A10] =	vst v2  }
0x352: {  	[tilespmem:$0x10A20] =	vst v2  }
0x353: {  	[tilespmem:$0x10A30] =	vst v2  }
0x354: {  	[tilespmem:$0x10A40] =	vst v2  }
0x355: {  	[tilespmem:$0x10A50] =	vst v2  }
0x356: {  	[tilespmem:$0x10A60] =	vst v2  }
0x357: {  	[tilespmem:$0x10A70] =	vst v2  }
0x358: {  	[tilespmem:$0x10A80] =	vst v2  }
0x359: {  	[tilespmem:$0x10A90] =	vst v2  }
0x35a: {  	[tilespmem:$0x10AA0] =	vst v2  }
0x35b: {  	[tilespmem:$0x10AB0] =	vst v2  }
0x35c: {  	[tilespmem:$0x10AC0] =	vst v2  }
0x35d: {  	s30 =	simm.s32 $0x0;
	s31 =	sadd.s32 $0x0, s8;
	[tilespmem:$0x10AD0] =	vst v2  }
0x35e: {  	s12 =	sand.u32 $0xFF80, s31;
	s9 =	sand.u32 $0x70, s30;
	[tilespmem:$0x10AE0] =	vst v2  }
0x35f: {  	s9 =	sor.u32 s9, s12;
	[tilespmem:$0x10AF0] =	vst v2  }
0x360: {  	v4 =	vld [tilespmem:s9+$0xA500];
	_ =	sdelay $0x4  }
0x361: {  	v4 =	vand.u32 $0xFF, v4;
	_ =	sdelay $0x2  }
0x362: {  	s14 =	sadd.s32 $0x10, s8;
	s12 =	simm.s32 $0x20;
	s9 =	simm.s32 $0x10  }
.LBB2_40:
0x363: {  	p4 =	sne.s32 s12, $0x4F0;
	s14 =	sand.u32 $0xFF80, s14;
	s9 =	sand.u32 $0x70, s9  }
0x364: {  	s14 =	sor.u32 s9, s14;
	[tilespmem:v4+s15+$0x0] =	vst.idx.add.s32.msk $0xffff, v3;
	s9 =	smov.u32 s12  }
0x365: {  	v4 =	vld [tilespmem:s14+$0xA500];
	_ =	sdelay $0x3  }
.Ltmp19:
0x366: {  	(pc) =	sbr.rel @p4 .LBB2_40-.Ltmp19, $2  }
0x367: {  	v4 =	vand.u32 $0xFF, v4;
	_ =	sdelay $0x2  }
0x368: {  	s12 =	sadd.s32 $0x10, s12;
	s14 =	sadd.s32 s9, s8  }
0x369: {  	_ =	sdelay $0x2  }
0x36a: {  	s12 =	sand.u32 $0xFF80, s14;
	s9 =	sand.u32 $0x70, s9  }
0x36b: {  	[tilespmem:v4+s15+$0x0] =	vst.idx.add.s32.msk $0xffff, v3;
	s9 =	sor.u32 s9, s12  }
0x36c: {  	v4 =	vld [tilespmem:s9+$0xA500];
	_ =	sdelay $0x4  }
0x36d: {  	v4 =	vand.u32 $0xFF, v4;
	_ =	sdelay $0x4  }
0x36e: {  	s29 =	simm.s32 $0x400;
	[tilespmem:v4+s15+$0x0] =	vst.idx.add.s32.msk $0xffff, v3  }
0x36f: {  	[spmem:s21] =	stream.strided.scatter [tilespmem:s15], [sflag:$0x2], $0x100, s29, s16, $0x38;
	[tilespmem:$0x14A00] =	vst v63  }
0x370: {  	_ =	swait.ge [sflag:s10], $0x100  }
0x371: {  	[sflag:s10] =	ssyncset.done $0x0  }
0x372: {  	[sflag:s10] =	ssyncadd.s32 $0xFFFFFF00  }
0x373: {  	[bflag:$0x0] =	sbarrier.arrive $0xFFFF  }
0x374: {  	s31 =	simm.s32 $0x10C00;
	s30 =	rddreg [dreg:$0x3]  }
0x375: {  	[tilespmem:s31], [sflag:$0x2] =	stream.linear.gather [spmem:s30], $0x1000, $0x38;
	[tilespmem:$0x14A00] =	vst v63  }
0x376: {  	_ =	swait.ge [sflag:s10], $0x1000  }
0x377: {  	s14 =	simm.s32 $0x0;
	[sflag:s10] =	ssyncset.done $0x0  }
0x378: {  	s12 =	simm.s32 $0x0;
	s9 =	simm.s32 $0x0;
	[sflag:s10] =	ssyncadd.s32 $0xFFFFF000  }
.LBB2_42:
0x379: {  	s17 =	sshll.u32 s12, $0x4  }
0x37a: {  	s20 =	sand.u32 $0x70, s17  }
0x37b: {  	s23 =	sshll.u32 s12, $0x7;
	v4 =	vmov s20  }
0x37c: {  	s28 =	sand.u32 $0x400, s23  }
0x37d: {  	s29 =	sand.u32 $0x800, s9;
	s24 =	sadd.s32 $0x10C00, s28  }
0x37e: {  	s31 =	sand.u32 $0x380, s9;
	s25 =	sadd.s32 s29, s24  }
0x37f: {  	s30 =	simm.s32 $0x0;
	s23 =	sadd.s32 s31, s25  }
0x380: {  	v7 =	vimm.s32 $0x0;
	v6 =	vimm.s32 $0x0;
	s20 =	simm.s32 $0x1;
	s25 =	simm.s32 $0x100;
	v5 =	vld.idx.msk [tilespmem:v4+s23+$0x0 ss:$0x1], $0xffff;
	s23 =	simm.s32 $0x80  }
.LBB2_43:
0x381: {  	s28 =	sand.u32 $0x800, s25  }
0x382: {  	p4 =	sne.s32 s20, $0xF;
	s31 =	smov.u32 s20;
	s20 =	sadd.s32 $0x1, s20  }
.Ltmp20:
0x383: {  	s29 =	sand.u32 $0x380, s23;
	s28 =	sadd.s32 s28, s24;
	(pc) =	sbr.rel @p4 .LBB2_43-.Ltmp20, $4  }
0x384: {  	p5 =	slt.u32 s30, s4;
	s30 =	smov.u32 s31;
	s28 =	sadd.s32 s29, s28  }
0x385: {  	v7 =	vadd.s32 v7, v5;
	v8 =	vpsel !p5, $0x0, v5;
	v5 =	vld.idx.msk [tilespmem:v4+s28+$0x0 ss:$0x1], $0xffff  }
0x386: {  	v6 =	vadd.s32 v6, v8  }
0x387: {  	s23 =	sadd.s32 $0x80, s23;
	s25 =	sadd.s32 $0x100, s25  }
0x388: {  	_ =	sdelay $0x1  }
0x389: {  	v4 =	vadd.s32 v7, v5  }
0x38a: {  	(xrf0) =	vadd.scan.msk.s32 $0xffff, v4;
	_ =	sdelay $0x5  }
0x38b: {  	v63, _, _ =	vpop (xrf0)  }
0x38c: {  	v8 =	vxor.u32 $0x80000000, v63  }
0x38d: {  	(xrf0) =	vmax.scan.msk.u32 $0xffff, v8;
	_ =	sdelay $0x5  }
0x38e: {  	v8, _, _ =	vpop (xrf0)  }
0x38f: {  	(v2sf) =	vpush v8, $0xF;
	_ =	sdelay $0xa  }
0x390: {  	p4 =	slt.u32 s30, s4;
	s12 =	sadd.s32 $0x1, s12  }
0x391: {  	v5 =	vpsel !p4, $0x0, v5;
	p4 =	sne.s32 s12, $0x10  }
.Ltmp21:
0x392: {  	_ = 	snop;
	(pc) =	sbr.rel @p4 .LBB2_42-.Ltmp21, $4  }
0x393: {  	v5 =	vadd.s32 v6, v5;
	v4 =	vsub.s32 s14, v4  }
0x394: {  	v4 =	vadd.s32 v5, v4;
	s20 =	spop (v2sf)  }
0x395: {  	s17 =	sand.u32 $0x3FFFFFF0, s17;
	v4 =	vadd.s32 v63, v4;
	s31 =	sadd.s32 s20, s14  }
0x396: {  	[tilespmem:s17+$0x10B00] =	vst v4;
	s17 =	simm.s32 $0x0;
	s14 =	sadd.s32 $0x80000000, s31  }
0x397: {  	s9 =	sadd.s32 $0x0, s8  }
0x398: {  	s12 =	sand.u32 $0x70, s17;
	s9 =	sand.u32 $0xFF80, s9  }
0x399: {  	s9 =	sor.u32 s12, s9  }
0x39a: {  	v4 =	vld [tilespmem:s9+$0xA500];
	_ =	sdelay $0x4  }
0x39b: {  	v4 =	vand.u32 $0xFF, v4  }
0x39c: {  	(xrf1) =	vunique.msk.u32 $0xffff, v4;
	_ =	sdelay $0x9  }
0x39d: {  	v5 =	vld.idx.msk [tilespmem:v4+s19+$0x0], $0xffff;
	_ =	sdelay $0x3  }
0x39e: {  	s14 =	sand.u32 $0x1E00, s17;
	_, v6, _ =	vpop (xrf1)  }
0x39f: {  	s20 =	sadd.s32 $0x10, s8;
	s24 =	simm.s32 $0x80;
	s17 =	sshrl.u32 s14, $0x2;
	v5 =	vadd.s32 v6, v5  }
0x3a0: {  	s14 =	simm.s32 $0x10;
	s20 =	sand.u32 $0xFF80, s20;
	s17 =	sor.u32 s12, s17;
	v5 =	vadd.s32 $0xFFFFFFFF, v5  }
0x3a1: {  	s12 =	sand.u32 $0x70, s14;
	s9 =	simm.s32 $0x40;
	[tilespmem:s17+$0xFA00] =	vst v5;
	s17 =	simm.s32 $0x40  }
.LBB2_46:
0x3a2: {  	p4 =	sne.s32 s24, $0x13C0;
	s20 =	sor.u32 s12, s20;
	[tilespmem:v4+s19+$0x0] =	vst.idx.add.s32.msk $0xffff, v3  }
0x3a3: {  	v4 =	vld [tilespmem:s20+$0xA500];
	_ =	sdelay $0x4  }
0x3a4: {  	v4 =	vand.u32 $0xFF, v4  }
0x3a5: {  	(xrf1) =	vunique.msk.u32 $0xffff, v4;
	_ =	sdelay $0x8  }
0x3a6: {  	v5 =	vld.idx.msk [tilespmem:v4+s19+$0x0], $0xffff;
	_ =	sdelay $0x3  }
.Ltmp22:
0x3a7: {  	(pc) =	sbr.rel @p4 .LBB2_46-.Ltmp22, $4  }
0x3a8: {  	s20 =	sand.u32 $0x1E00, s17;
	s17 =	smov.u32 s24;
	_, v6, _ =	vpop (xrf1)  }
0x3a9: {  	s14 =	sadd.s32 $0x10, s14;
	s20 =	sshrl.u32 s20, $0x2;
	v5 =	vadd.s32 v6, v5  }
0x3aa: {  	s23 =	sadd.s32 s14, s8;
	s25 =	sor.u32 s12, s20;
	v5 =	vadd.s32 $0xFFFFFFFF, v5  }
0x3ab: {  	s24 =	sadd.s32 $0x40, s24;
	s20 =	sand.u32 $0xFF80, s23;
	s12 =	sand.u32 $0x70, s14;
	[tilespmem:s25+$0xFA00] =	vst v5  }
0x3ac: {  	_ =	sdelay $0x3  }
0x3ad: {  	s14 =	sor.u32 s12, s20;
	[tilespmem:v4+s19+$0x0] =	vst.idx.add.s32.msk $0xffff, v3  }
0x3ae: {  	v4 =	vld [tilespmem:s14+$0xA500];
	_ =	sdelay $0x4  }
0x3af: {  	v4 =	vand.u32 $0xFF, v4  }
0x3b0: {  	(xrf1) =	vunique.msk.u32 $0xffff, v4;
	_ =	sdelay $0x9  }
0x3b1: {  	v5 =	vld.idx.msk [tilespmem:v4+s19+$0x0], $0xffff;
	_ =	sdelay $0x3  }
0x3b2: {  	s30 =	sand.u32 $0x1E00, s17;
	_, v6, _ =	vpop (xrf1)  }
0x3b3: {  	s14 =	sshrl.u32 s30, $0x2;
	v5 =	vadd.s32 v6, v5  }
0x3b4: {  	s31 =	sor.u32 s12, s14;
	v5 =	vadd.s32 $0xFFFFFFFF, v5  }
0x3b5: {  	[tilespmem:s31+$0xFA00] =	vst v5  }
0x3b6: {  	s14 =	simm.s32 $0x0;
	s12 =	smov.u32 s8;
	[tilespmem:v4+s19+$0x0] =	vst.idx.add.s32.msk $0xffff, v3;
	v4 =	vor.u32 s8, v0  }
.LBB2_48:
0x3b7: {  	p4 =	sne.s32 s9, $0x13C0  }
0x3b8: {  	[tilespmem:s14+$0xF500] =	vst v4;
	s12 =	sadd.s32 $0x10, s12;
	s14 =	smov.u32 s9;
	s9 =	sadd.s32 $0x40, s9  }
.Ltmp23:
0x3b9: {  	(pc) =	sbr.rel @p4 .LBB2_48-.Ltmp23, $2  }
0x3ba: {  	_ =	sdelay $0x2  }
0x3bb: {  	v4 =	vor.u32 s12, v0;
	s14 =	sshra.s32 s14, $0x2  }
0x3bc: {  	[tilespmem:s14+$0xF500] =	vst v4;
	s9 =	simm.s32 $0xFA00  }
0x3bd: {  	[spmem:s5] =	stream.indirect.scatter [tilespmem:s22], [sflag:$0x1], $0x1, s9, s16, $0xb8;
	[tilespmem:$0x14A00] =	vst v63  }
0x3be: {  	s29 =	simm.s32 $0xFA80;
	s12 =	simm.s32 $0xF580  }
0x3bf: {  	[spmem:s5] =	stream.indirect.scatter [tilespmem:s12], [sflag:$0x1], $0x1, s29, s16, $0xb8;
	[tilespmem:$0x14A00] =	vst v63  }
0x3c0: {  	s30 =	simm.s32 $0xFB00;
	s31 =	simm.s32 $0xF600  }
0x3c1: {  	[spmem:s5] =	stream.indirect.scatter [tilespmem:s31], [sflag:$0x1], $0x1, s30, s16, $0xb8;
	[tilespmem:$0x14A00] =	vst v63  }
0x3c2: {  	s14 =	simm.s32 $0xF680;
	s12 =	simm.s32 $0xFB80  }
0x3c3: {  	[spmem:s5] =	stream.indirect.scatter [tilespmem:s14], [sflag:$0x1], $0x1, s12, s16, $0xb8;
	[tilespmem:$0x14A00] =	vst v63  }
0x3c4: {  	s17 =	simm.s32 $0xFC00;
	s20 =	simm.s32 $0xF700  }
0x3c5: {  	[spmem:s5] =	stream.indirect.scatter [tilespmem:s20], [sflag:$0x1], $0x1, s17, s16, $0xb8;
	[tilespmem:$0x14A00] =	vst v63  }
0x3c6: {  	s23 =	simm.s32 $0xFC80;
	s24 =	simm.s32 $0xF780  }
0x3c7: {  	[spmem:s5] =	stream.indirect.scatter [tilespmem:s24], [sflag:$0x1], $0x1, s23, s16, $0xb8;
	[tilespmem:$0x14A00] =	vst v63  }
0x3c8: {  	s25 =	simm.s32 $0xF800  }
0x3c9: {  	[spmem:s5] =	stream.indirect.scatter [tilespmem:s25], [sflag:$0x1], $0x1, s13, s16, $0xb8;
	[tilespmem:$0x14A00] =	vst v63  }
0x3ca: {  	s28 =	simm.s32 $0xF880  }
0x3cb: {  	[spmem:s5] =	stream.indirect.scatter [tilespmem:s28], [sflag:$0x1], $0x1, s3, s16, $0xb8;
	[tilespmem:$0x14A00] =	vst v63  }
0x3cc: {  	s29 =	simm.s32 $0xF900  }
0x3cd: {  	[spmem:s5] =	stream.indirect.scatter [tilespmem:s29], [sflag:$0x1], $0x1, s18, s16, $0xb8;
	[tilespmem:$0x14A00] =	vst v63  }
0x3ce: {  	s30 =	simm.s32 $0xF980  }
0x3cf: {  	[spmem:s5] =	stream.indirect.scatter [tilespmem:s30], [sflag:$0x1], $0x1, s26, s16, $0xb8;
	[tilespmem:$0x14A00] =	vst v63  }
0x3d0: {  	_ =	swait.ge [sflag:s1], $0x80  }
0x3d1: {  	[sflag:s1] =	ssyncset.done $0x0  }
0x3d2: {  	[sflag:s1] =	ssyncadd.s32 $0xFFFFFF80  }
0x3d3: {  	_ =	swait.ge [sflag:s1], $0x80  }
0x3d4: {  	[sflag:s1] =	ssyncset.done $0x0  }
0x3d5: {  	[sflag:s1] =	ssyncadd.s32 $0xFFFFFF80  }
0x3d6: {  	_ =	swait.ge [sflag:s1], $0x80  }
0x3d7: {  	[sflag:s1] =	ssyncset.done $0x0  }
0x3d8: {  	[sflag:s1] =	ssyncadd.s32 $0xFFFFFF80  }
0x3d9: {  	_ =	swait.ge [sflag:s1], $0x80  }
0x3da: {  	[sflag:s1] =	ssyncset.done $0x0  }
0x3db: {  	[sflag:s1] =	ssyncadd.s32 $0xFFFFFF80  }
0x3dc: {  	_ =	swait.ge [sflag:s1], $0x80  }
0x3dd: {  	[sflag:s1] =	ssyncset.done $0x0  }
0x3de: {  	[sflag:s1] =	ssyncadd.s32 $0xFFFFFF80  }
0x3df: {  	_ =	swait.ge [sflag:s1], $0x80  }
0x3e0: {  	[sflag:s1] =	ssyncset.done $0x0  }
0x3e1: {  	[sflag:s1] =	ssyncadd.s32 $0xFFFFFF80  }
0x3e2: {  	_ =	swait.ge [sflag:s1], $0x80  }
0x3e3: {  	[sflag:s1] =	ssyncset.done $0x0  }
0x3e4: {  	[sflag:s1] =	ssyncadd.s32 $0xFFFFFF80  }
0x3e5: {  	_ =	swait.ge [sflag:s1], $0x80  }
0x3e6: {  	[sflag:s1] =	ssyncset.done $0x0  }
0x3e7: {  	[sflag:s1] =	ssyncadd.s32 $0xFFFFFF80  }
0x3e8: {  	_ =	swait.ge [sflag:s1], $0x80  }
0x3e9: {  	[sflag:s1] =	ssyncset.done $0x0  }
0x3ea: {  	[sflag:s1] =	ssyncadd.s32 $0xFFFFFF80  }
0x3eb: {  	_ =	swait.ge [sflag:s1], $0x80  }
0x3ec: {  	[sflag:s1] =	ssyncset.done $0x0  }
0x3ed: {  	[sflag:s1] =	ssyncadd.s32 $0xFFFFFF80  }
0x3ee: {  	[bflag:$0x0] =	sbarrier.arrive $0xFFFF  }
0x3ef: {  	s31 =	rddreg [dreg:$0x1d]  }
0x3f0: {  	[tilespmem:s22], [sflag:$0x2] =	stream.linear.gather [spmem:s31], $0x500, $0x38;
	[tilespmem:$0x14A00] =	vst v63  }
0x3f1: {  	_ =	swait.ge [sflag:s10], $0x500  }
0x3f2: {  	[sflag:s10] =	ssyncset.done $0x0  }
0x3f3: {  	[sflag:s10] =	ssyncadd.s32 $0xFFFFFB00  }
0x3f4: {  	[tilespmem:$0x10A00] =	vst v2  }
0x3f5: {  	[tilespmem:$0x10A10] =	vst v2  }
0x3f6: {  	[tilespmem:$0x10A20] =	vst v2  }
0x3f7: {  	[tilespmem:$0x10A30] =	vst v2  }
0x3f8: {  	[tilespmem:$0x10A40] =	vst v2  }
0x3f9: {  	[tilespmem:$0x10A50] =	vst v2  }
0x3fa: {  	[tilespmem:$0x10A60] =	vst v2  }
0x3fb: {  	[tilespmem:$0x10A70] =	vst v2  }
0x3fc: {  	[tilespmem:$0x10A80] =	vst v2  }
0x3fd: {  	[tilespmem:$0x10A90] =	vst v2  }
0x3fe: {  	[tilespmem:$0x10AA0] =	vst v2  }
0x3ff: {  	[tilespmem:$0x10AB0] =	vst v2  }
0x400: {  	[tilespmem:$0x10AC0] =	vst v2  }
0x401: {  	[tilespmem:$0x10AD0] =	vst v2  }
0x402: {  	[tilespmem:$0x10AE0] =	vst v2  }
0x403: {  	s9 =	simm.s32 $0x0;
	[tilespmem:$0x10AF0] =	vst v2  }
.LBB2_50:
0x404: {  	s12 =	sshra.s32 s9, $0x2  }
0x405: {  	v4 =	vld [tilespmem:s12+$0xF500];
	_ =	sdelay $0x7  }
0x406: {  	v4 =	vld.idx.msk [tilespmem:v4+s11+$0x0], $0xffff;
	_ =	sdelay $0x4  }
0x407: {  	v4 =	vshrl.u32 v4, $0x8  }
0x408: {  	p4 =	sne.s32 s9, $0x13C0;
	v4 =	vand.u32 $0xFF, v4  }
.Ltmp24:
0x409: {  	_ = 	snop;
	(pc) =	sbr.rel @p4 .LBB2_50-.Ltmp24, $2  }
0x40a: {  	_ =	sdelay $0x2  }
0x40b: {  	s9 =	sadd.s32 $0x40, s9;
	[tilespmem:v4+s15+$0x0] =	vst.idx.add.s32.msk $0xffff, v3  }
0x40c: {  	s9 =	simm.s32 $0x400  }
0x40d: {  	[spmem:s21] =	stream.strided.scatter [tilespmem:s15], [sflag:$0x2], $0x100, s9, s16, $0x38;
	[tilespmem:$0x14A00] =	vst v63  }
0x40e: {  	_ =	swait.ge [sflag:s10], $0x100  }
0x40f: {  	[sflag:s10] =	ssyncset.done $0x0  }
0x410: {  	[sflag:s10] =	ssyncadd.s32 $0xFFFFFF00  }
0x411: {  	[bflag:$0x0] =	sbarrier.arrive $0xFFFF  }
0x412: {  	s12 =	simm.s32 $0x10C00;
	s31 =	rddreg [dreg:$0x3]  }
0x413: {  	[tilespmem:s12], [sflag:$0x2] =	stream.linear.gather [spmem:s31], $0x1000, $0x38;
	[tilespmem:$0x14A00] =	vst v63  }
0x414: {  	_ =	swait.ge [sflag:s10], $0x1000  }
0x415: {  	s14 =	simm.s32 $0x0;
	[sflag:s10] =	ssyncset.done $0x0  }
0x416: {  	s9 =	simm.s32 $0x0;
	s12 =	simm.s32 $0x0;
	[sflag:s10] =	ssyncadd.s32 $0xFFFFF000  }
.LBB2_52:
0x417: {  	s17 =	sshll.u32 s12, $0x4  }
0x418: {  	s20 =	sand.u32 $0x70, s17  }
0x419: {  	s23 =	sshll.u32 s12, $0x7;
	v4 =	vmov s20  }
0x41a: {  	s28 =	sand.u32 $0x400, s23  }
0x41b: {  	s29 =	sand.u32 $0x800, s9;
	s24 =	sadd.s32 $0x10C00, s28  }
0x41c: {  	s31 =	sand.u32 $0x380, s9;
	s25 =	sadd.s32 s29, s24  }
0x41d: {  	s30 =	simm.s32 $0x0;
	s23 =	sadd.s32 s31, s25  }
0x41e: {  	v7 =	vimm.s32 $0x0;
	v6 =	vimm.s32 $0x0;
	s20 =	simm.s32 $0x1;
	s25 =	simm.s32 $0x100;
	v5 =	vld.idx.msk [tilespmem:v4+s23+$0x0 ss:$0x1], $0xffff;
	s23 =	simm.s32 $0x80  }
.LBB2_53:
0x41f: {  	s28 =	sand.u32 $0x800, s25  }
0x420: {  	p4 =	sne.s32 s20, $0xF;
	s29 =	smov.u32 s20;
	s20 =	sadd.s32 $0x1, s20  }
.Ltmp25:
0x421: {  	s31 =	sand.u32 $0x380, s23;
	s28 =	sadd.s32 s28, s24;
	(pc) =	sbr.rel @p4 .LBB2_53-.Ltmp25, $4  }
0x422: {  	p5 =	slt.u32 s30, s4;
	s30 =	smov.u32 s29;
	s28 =	sadd.s32 s31, s28  }
0x423: {  	v7 =	vadd.s32 v7, v5;
	v8 =	vpsel !p5, $0x0, v5;
	v5 =	vld.idx.msk [tilespmem:v4+s28+$0x0 ss:$0x1], $0xffff  }
0x424: {  	v6 =	vadd.s32 v6, v8  }
0x425: {  	s23 =	sadd.s32 $0x80, s23;
	s25 =	sadd.s32 $0x100, s25  }
0x426: {  	_ =	sdelay $0x1  }
0x427: {  	v4 =	vadd.s32 v7, v5  }
0x428: {  	(xrf0) =	vadd.scan.msk.s32 $0xffff, v4;
	_ =	sdelay $0x5  }
0x429: {  	v63, _, _ =	vpop (xrf0)  }
0x42a: {  	v8 =	vxor.u32 $0x80000000, v63  }
0x42b: {  	(xrf0) =	vmax.scan.msk.u32 $0xffff, v8;
	_ =	sdelay $0x5  }
0x42c: {  	v8, _, _ =	vpop (xrf0)  }
0x42d: {  	(v2sf) =	vpush v8, $0xF;
	_ =	sdelay $0xa  }
0x42e: {  	p4 =	slt.u32 s30, s4;
	s12 =	sadd.s32 $0x1, s12  }
0x42f: {  	v5 =	vpsel !p4, $0x0, v5;
	p4 =	sne.s32 s12, $0x10  }
.Ltmp26:
0x430: {  	_ = 	snop;
	(pc) =	sbr.rel @p4 .LBB2_52-.Ltmp26, $4  }
0x431: {  	v5 =	vadd.s32 v6, v5;
	v4 =	vsub.s32 s14, v4  }
0x432: {  	v4 =	vadd.s32 v5, v4;
	s20 =	spop (v2sf)  }
0x433: {  	s17 =	sand.u32 $0x3FFFFFF0, s17;
	v4 =	vadd.s32 v63, v4;
	s31 =	sadd.s32 s20, s14  }
0x434: {  	[tilespmem:s17+$0x10B00] =	vst v4;
	s14 =	sadd.s32 $0x80000000, s31  }
0x435: {  	s12 =	simm.s32 $0x0  }
0x436: {  	s9 =	simm.s32 $0x0;
	s14 =	simm.s32 $0x10;
	v4 =	vld [tilespmem:s12+$0xF500];
	s12 =	simm.s32 $0x0  }
.LBB2_56:
0x437: {  	p4 =	sne.s32 s14, $0x4F0;
	_ =	sdelay $0x6  }
0x438: {  	v4 =	vld.idx.msk [tilespmem:v4+s11+$0x0], $0xffff;
	_ =	sdelay $0x5  }
0x439: {  	v4 =	vshrl.u32 v4, $0x8  }
0x43a: {  	v4 =	vand.u32 $0xFF, v4  }
0x43b: {  	(xrf1) =	vunique.msk.u32 $0xffff, v4;
	_ =	sdelay $0x8  }
0x43c: {  	v5 =	vld.idx.msk [tilespmem:v4+s19+$0x0], $0xffff;
	_ =	sdelay $0x4  }
0x43d: {  	s17 =	sand.u32 $0x1E00, s9;
	_, v6, _ =	vpop (xrf1)  }
.Ltmp27:
0x43e: {  	s12 =	sand.u32 $0x70, s12;
	s17 =	sshrl.u32 s17, $0x2;
	v5 =	vadd.s32 v6, v5;
	(pc) =	sbr.rel @p4 .LBB2_56-.Ltmp27, $4  }
0x43f: {  	s17 =	sor.u32 s12, s17;
	s12 =	smov.u32 s14;
	v5 =	vadd.s32 $0xFFFFFFFF, v5  }
0x440: {  	s9 =	sadd.s32 $0x40, s9;
	[tilespmem:s17+$0xFA00] =	vst v5  }
0x441: {  	s17 =	sshra.s32 s9, $0x2;
	[tilespmem:v4+s19+$0x0] =	vst.idx.add.s32.msk $0xffff, v3  }
0x442: {  	s14 =	sadd.s32 $0x10, s14;
	v4 =	vld [tilespmem:s17+$0xF500]  }
0x443: {  	_ =	sdelay $0x7  }
0x444: {  	v4 =	vld.idx.msk [tilespmem:v4+s11+$0x0], $0xffff;
	_ =	sdelay $0x4  }
0x445: {  	v4 =	vshrl.u32 v4, $0x8  }
0x446: {  	v4 =	vand.u32 $0xFF, v4  }
0x447: {  	(xrf1) =	vunique.msk.u32 $0xffff, v4;
	_ =	sdelay $0x9  }
0x448: {  	v5 =	vld.idx.msk [tilespmem:v4+s19+$0x0], $0xffff;
	_ =	sdelay $0x3  }
0x449: {  	s9 =	sand.u32 $0x1E00, s9;
	_, v6, _ =	vpop (xrf1)  }
0x44a: {  	s12 =	sand.u32 $0x70, s12;
	s9 =	sshrl.u32 s9, $0x2;
	v5 =	vadd.s32 v6, v5  }
0x44b: {  	s9 =	sor.u32 s12, s9;
	v5 =	vadd.s32 $0xFFFFFFFF, v5  }
0x44c: {  	[tilespmem:s9+$0xFA00] =	vst v5  }
0x44d: {  	s25 =	simm.s32 $0xFA00;
	[tilespmem:v4+s19+$0x0] =	vst.idx.add.s32.msk $0xffff, v3  }
0x44e: {  	[spmem:s6] =	stream.indirect.scatter [tilespmem:s22], [sflag:$0x1], $0x1, s25, s16, $0xb8;
	[tilespmem:$0x14A00] =	vst v63  }
0x44f: {  	s28 =	simm.s32 $0xFA80;
	s29 =	simm.s32 $0xF580  }
0x450: {  	[spmem:s6] =	stream.indirect.scatter [tilespmem:s29], [sflag:$0x1], $0x1, s28, s16, $0xb8;
	[tilespmem:$0x14A00] =	vst v63  }
0x451: {  	s30 =	simm.s32 $0xFB00;
	s31 =	simm.s32 $0xF600  }
0x452: {  	[spmem:s6] =	stream.indirect.scatter [tilespmem:s31], [sflag:$0x1], $0x1, s30, s16, $0xb8;
	[tilespmem:$0x14A00] =	vst v63  }
0x453: {  	s14 =	simm.s32 $0xF680;
	s12 =	simm.s32 $0xFB80  }
0x454: {  	[spmem:s6] =	stream.indirect.scatter [tilespmem:s14], [sflag:$0x1], $0x1, s12, s16, $0xb8;
	[tilespmem:$0x14A00] =	vst v63  }
0x455: {  	s17 =	simm.s32 $0xFC00;
	s20 =	simm.s32 $0xF700  }
0x456: {  	[spmem:s6] =	stream.indirect.scatter [tilespmem:s20], [sflag:$0x1], $0x1, s17, s16, $0xb8;
	[tilespmem:$0x14A00] =	vst v63  }
0x457: {  	s23 =	simm.s32 $0xFC80;
	s24 =	simm.s32 $0xF780  }
0x458: {  	[spmem:s6] =	stream.indirect.scatter [tilespmem:s24], [sflag:$0x1], $0x1, s23, s16, $0xb8;
	[tilespmem:$0x14A00] =	vst v63  }
0x459: {  	s25 =	simm.s32 $0xF800  }
0x45a: {  	[spmem:s6] =	stream.indirect.scatter [tilespmem:s25], [sflag:$0x1], $0x1, s13, s16, $0xb8;
	[tilespmem:$0x14A00] =	vst v63  }
0x45b: {  	s28 =	simm.s32 $0xF880  }
0x45c: {  	[spmem:s6] =	stream.indirect.scatter [tilespmem:s28], [sflag:$0x1], $0x1, s3, s16, $0xb8;
	[tilespmem:$0x14A00] =	vst v63  }
0x45d: {  	s29 =	simm.s32 $0xF900  }
0x45e: {  	[spmem:s6] =	stream.indirect.scatter [tilespmem:s29], [sflag:$0x1], $0x1, s18, s16, $0xb8;
	[tilespmem:$0x14A00] =	vst v63  }
0x45f: {  	s30 =	simm.s32 $0xF980  }
0x460: {  	[spmem:s6] =	stream.indirect.scatter [tilespmem:s30], [sflag:$0x1], $0x1, s26, s16, $0xb8;
	[tilespmem:$0x14A00] =	vst v63  }
0x461: {  	_ =	swait.ge [sflag:s1], $0x80  }
0x462: {  	[sflag:s1] =	ssyncset.done $0x0  }
0x463: {  	[sflag:s1] =	ssyncadd.s32 $0xFFFFFF80  }
0x464: {  	_ =	swait.ge [sflag:s1], $0x80  }
0x465: {  	[sflag:s1] =	ssyncset.done $0x0  }
0x466: {  	[sflag:s1] =	ssyncadd.s32 $0xFFFFFF80  }
0x467: {  	_ =	swait.ge [sflag:s1], $0x80  }
0x468: {  	[sflag:s1] =	ssyncset.done $0x0  }
0x469: {  	[sflag:s1] =	ssyncadd.s32 $0xFFFFFF80  }
0x46a: {  	_ =	swait.ge [sflag:s1], $0x80  }
0x46b: {  	[sflag:s1] =	ssyncset.done $0x0  }
0x46c: {  	[sflag:s1] =	ssyncadd.s32 $0xFFFFFF80  }
0x46d: {  	_ =	swait.ge [sflag:s1], $0x80  }
0x46e: {  	[sflag:s1] =	ssyncset.done $0x0  }
0x46f: {  	[sflag:s1] =	ssyncadd.s32 $0xFFFFFF80  }
0x470: {  	_ =	swait.ge [sflag:s1], $0x80  }
0x471: {  	[sflag:s1] =	ssyncset.done $0x0  }
0x472: {  	[sflag:s1] =	ssyncadd.s32 $0xFFFFFF80  }
0x473: {  	_ =	swait.ge [sflag:s1], $0x80  }
0x474: {  	[sflag:s1] =	ssyncset.done $0x0  }
0x475: {  	[sflag:s1] =	ssyncadd.s32 $0xFFFFFF80  }
0x476: {  	_ =	swait.ge [sflag:s1], $0x80  }
0x477: {  	[sflag:s1] =	ssyncset.done $0x0  }
0x478: {  	[sflag:s1] =	ssyncadd.s32 $0xFFFFFF80  }
0x479: {  	_ =	swait.ge [sflag:s1], $0x80  }
0x47a: {  	[sflag:s1] =	ssyncset.done $0x0  }
0x47b: {  	[sflag:s1] =	ssyncadd.s32 $0xFFFFFF80  }
0x47c: {  	_ =	swait.ge [sflag:s1], $0x80  }
0x47d: {  	[sflag:s1] =	ssyncset.done $0x0  }
0x47e: {  	[sflag:s1] =	ssyncadd.s32 $0xFFFFFF80  }
0x47f: {  	[bflag:$0x0] =	sbarrier.arrive $0xFFFF  }
0x480: {  	s31 =	rddreg [dreg:$0x1e]  }
0x481: {  	[tilespmem:s22], [sflag:$0x2] =	stream.linear.gather [spmem:s31], $0x500, $0x38;
	[tilespmem:$0x14A00] =	vst v63  }
0x482: {  	_ =	swait.ge [sflag:s10], $0x500  }
0x483: {  	[sflag:s10] =	ssyncset.done $0x0  }
0x484: {  	[sflag:s10] =	ssyncadd.s32 $0xFFFFFB00  }
0x485: {  	[tilespmem:$0x10A00] =	vst v2  }
0x486: {  	[tilespmem:$0x10A10] =	vst v2  }
0x487: {  	[tilespmem:$0x10A20] =	vst v2  }
0x488: {  	[tilespmem:$0x10A30] =	vst v2  }
0x489: {  	[tilespmem:$0x10A40] =	vst v2  }
0x48a: {  	[tilespmem:$0x10A50] =	vst v2  }
0x48b: {  	[tilespmem:$0x10A60] =	vst v2  }
0x48c: {  	[tilespmem:$0x10A70] =	vst v2  }
0x48d: {  	[tilespmem:$0x10A80] =	vst v2  }
0x48e: {  	[tilespmem:$0x10A90] =	vst v2  }
0x48f: {  	[tilespmem:$0x10AA0] =	vst v2  }
0x490: {  	[tilespmem:$0x10AB0] =	vst v2  }
0x491: {  	[tilespmem:$0x10AC0] =	vst v2  }
0x492: {  	[tilespmem:$0x10AD0] =	vst v2  }
0x493: {  	[tilespmem:$0x10AE0] =	vst v2  }
0x494: {  	s9 =	simm.s32 $0x0;
	[tilespmem:$0x10AF0] =	vst v2  }
.LBB2_58:
0x495: {  	s12 =	sshra.s32 s9, $0x2  }
0x496: {  	v4 =	vld [tilespmem:s12+$0xF500];
	_ =	sdelay $0x7  }
0x497: {  	v4 =	vld.idx.msk [tilespmem:v4+s11+$0x0], $0xffff;
	_ =	sdelay $0x4  }
0x498: {  	v4 =	vshrl.u32 v4, $0x10  }
0x499: {  	p4 =	sne.s32 s9, $0x13C0;
	v4 =	vand.u32 $0xFF, v4  }
.Ltmp28:
0x49a: {  	_ = 	snop;
	(pc) =	sbr.rel @p4 .LBB2_58-.Ltmp28, $2  }
0x49b: {  	_ =	sdelay $0x2  }
0x49c: {  	s9 =	sadd.s32 $0x40, s9;
	[tilespmem:v4+s15+$0x0] =	vst.idx.add.s32.msk $0xffff, v3  }
0x49d: {  	s9 =	simm.s32 $0x400  }
0x49e: {  	[spmem:s21] =	stream.strided.scatter [tilespmem:s15], [sflag:$0x2], $0x100, s9, s16, $0x38;
	[tilespmem:$0x14A00] =	vst v63  }
0x49f: {  	_ =	swait.ge [sflag:s10], $0x100  }
0x4a0: {  	[sflag:s10] =	ssyncset.done $0x0  }
0x4a1: {  	[sflag:s10] =	ssyncadd.s32 $0xFFFFFF00  }
0x4a2: {  	[bflag:$0x0] =	sbarrier.arrive $0xFFFF  }
0x4a3: {  	s12 =	simm.s32 $0x10C00;
	s31 =	rddreg [dreg:$0x3]  }
0x4a4: {  	[tilespmem:s12], [sflag:$0x2] =	stream.linear.gather [spmem:s31], $0x1000, $0x38;
	[tilespmem:$0x14A00] =	vst v63  }
0x4a5: {  	_ =	swait.ge [sflag:s10], $0x1000  }
0x4a6: {  	s14 =	simm.s32 $0x0;
	[sflag:s10] =	ssyncset.done $0x0  }
0x4a7: {  	s9 =	simm.s32 $0x0;
	s12 =	simm.s32 $0x0;
	[sflag:s10] =	ssyncadd.s32 $0xFFFFF000  }
.LBB2_60:
0x4a8: {  	s17 =	sshll.u32 s12, $0x4  }
0x4a9: {  	s20 =	sand.u32 $0x70, s17  }
0x4aa: {  	s23 =	sshll.u32 s12, $0x7;
	v4 =	vmov s20  }
0x4ab: {  	s28 =	sand.u32 $0x400, s23  }
0x4ac: {  	s29 =	sand.u32 $0x800, s9;
	s24 =	sadd.s32 $0x10C00, s28  }
0x4ad: {  	s31 =	sand.u32 $0x380, s9;
	s25 =	sadd.s32 s29, s24  }
0x4ae: {  	s30 =	simm.s32 $0x0;
	s23 =	sadd.s32 s31, s25  }
0x4af: {  	v7 =	vimm.s32 $0x0;
	v6 =	vimm.s32 $0x0;
	s20 =	simm.s32 $0x1;
	s25 =	simm.s32 $0x100;
	v5 =	vld.idx.msk [tilespmem:v4+s23+$0x0 ss:$0x1], $0xffff;
	s23 =	simm.s32 $0x80  }
.LBB2_61:
0x4b0: {  	s28 =	sand.u32 $0x800, s25  }
0x4b1: {  	p4 =	sne.s32 s20, $0xF;
	s29 =	smov.u32 s20;
	s20 =	sadd.s32 $0x1, s20  }
.Ltmp29:
0x4b2: {  	s31 =	sand.u32 $0x380, s23;
	s28 =	sadd.s32 s28, s24;
	(pc) =	sbr.rel @p4 .LBB2_61-.Ltmp29, $4  }
0x4b3: {  	p5 =	slt.u32 s30, s4;
	s30 =	smov.u32 s29;
	s28 =	sadd.s32 s31, s28  }
0x4b4: {  	v7 =	vadd.s32 v7, v5;
	v8 =	vpsel !p5, $0x0, v5;
	v5 =	vld.idx.msk [tilespmem:v4+s28+$0x0 ss:$0x1], $0xffff  }
0x4b5: {  	v6 =	vadd.s32 v6, v8  }
0x4b6: {  	s23 =	sadd.s32 $0x80, s23;
	s25 =	sadd.s32 $0x100, s25  }
0x4b7: {  	_ =	sdelay $0x1  }
0x4b8: {  	v4 =	vadd.s32 v7, v5  }
0x4b9: {  	(xrf0) =	vadd.scan.msk.s32 $0xffff, v4;
	_ =	sdelay $0x5  }
0x4ba: {  	v63, _, _ =	vpop (xrf0)  }
0x4bb: {  	v8 =	vxor.u32 $0x80000000, v63  }
0x4bc: {  	(xrf0) =	vmax.scan.msk.u32 $0xffff, v8;
	_ =	sdelay $0x5  }
0x4bd: {  	v8, _, _ =	vpop (xrf0)  }
0x4be: {  	(v2sf) =	vpush v8, $0xF;
	_ =	sdelay $0xa  }
0x4bf: {  	p4 =	slt.u32 s30, s4;
	s12 =	sadd.s32 $0x1, s12  }
0x4c0: {  	v5 =	vpsel !p4, $0x0, v5;
	p4 =	sne.s32 s12, $0x10  }
.Ltmp30:
0x4c1: {  	_ = 	snop;
	(pc) =	sbr.rel @p4 .LBB2_60-.Ltmp30, $4  }
0x4c2: {  	v5 =	vadd.s32 v6, v5;
	v4 =	vsub.s32 s14, v4  }
0x4c3: {  	v4 =	vadd.s32 v5, v4;
	s20 =	spop (v2sf)  }
0x4c4: {  	s17 =	sand.u32 $0x3FFFFFF0, s17;
	v4 =	vadd.s32 v63, v4;
	s31 =	sadd.s32 s20, s14  }
0x4c5: {  	[tilespmem:s17+$0x10B00] =	vst v4;
	s14 =	sadd.s32 $0x80000000, s31  }
0x4c6: {  	s12 =	simm.s32 $0x0  }
0x4c7: {  	s9 =	simm.s32 $0x0;
	s14 =	simm.s32 $0x10;
	v4 =	vld [tilespmem:s12+$0xF500];
	s12 =	simm.s32 $0x0  }
.LBB2_64:
0x4c8: {  	p4 =	sne.s32 s14, $0x4F0;
	_ =	sdelay $0x6  }
0x4c9: {  	v4 =	vld.idx.msk [tilespmem:v4+s11+$0x0], $0xffff;
	_ =	sdelay $0x5  }
0x4ca: {  	v4 =	vshrl.u32 v4, $0x10  }
0x4cb: {  	v4 =	vand.u32 $0xFF, v4  }
0x4cc: {  	(xrf1) =	vunique.msk.u32 $0xffff, v4;
	_ =	sdelay $0x8  }
0x4cd: {  	v5 =	vld.idx.msk [tilespmem:v4+s19+$0x0], $0xffff;
	_ =	sdelay $0x4  }
0x4ce: {  	s17 =	sand.u32 $0x1E00, s9;
	_, v6, _ =	vpop (xrf1)  }
.Ltmp31:
0x4cf: {  	s12 =	sand.u32 $0x70, s12;
	s17 =	sshrl.u32 s17, $0x2;
	v5 =	vadd.s32 v6, v5;
	(pc) =	sbr.rel @p4 .LBB2_64-.Ltmp31, $4  }
0x4d0: {  	s17 =	sor.u32 s12, s17;
	s12 =	smov.u32 s14;
	v5 =	vadd.s32 $0xFFFFFFFF, v5  }
0x4d1: {  	s9 =	sadd.s32 $0x40, s9;
	[tilespmem:s17+$0xFA00] =	vst v5  }
0x4d2: {  	s17 =	sshra.s32 s9, $0x2;
	[tilespmem:v4+s19+$0x0] =	vst.idx.add.s32.msk $0xffff, v3  }
0x4d3: {  	s14 =	sadd.s32 $0x10, s14;
	v4 =	vld [tilespmem:s17+$0xF500]  }
0x4d4: {  	_ =	sdelay $0x7  }
0x4d5: {  	v4 =	vld.idx.msk [tilespmem:v4+s11+$0x0], $0xffff;
	_ =	sdelay $0x4  }
0x4d6: {  	v4 =	vshrl.u32 v4, $0x10  }
0x4d7: {  	v4 =	vand.u32 $0xFF, v4  }
0x4d8: {  	(xrf1) =	vunique.msk.u32 $0xffff, v4;
	_ =	sdelay $0x9  }
0x4d9: {  	v5 =	vld.idx.msk [tilespmem:v4+s19+$0x0], $0xffff;
	_ =	sdelay $0x3  }
0x4da: {  	s9 =	sand.u32 $0x1E00, s9;
	_, v6, _ =	vpop (xrf1)  }
0x4db: {  	s12 =	sand.u32 $0x70, s12;
	s9 =	sshrl.u32 s9, $0x2;
	v5 =	vadd.s32 v6, v5  }
0x4dc: {  	s9 =	sor.u32 s12, s9;
	v5 =	vadd.s32 $0xFFFFFFFF, v5  }
0x4dd: {  	[tilespmem:s9+$0xFA00] =	vst v5  }
0x4de: {  	s25 =	simm.s32 $0xFA00;
	[tilespmem:v4+s19+$0x0] =	vst.idx.add.s32.msk $0xffff, v3  }
0x4df: {  	[spmem:s5] =	stream.indirect.scatter [tilespmem:s22], [sflag:$0x1], $0x1, s25, s16, $0xb8;
	[tilespmem:$0x14A00] =	vst v63  }
0x4e0: {  	s28 =	simm.s32 $0xFA80;
	s29 =	simm.s32 $0xF580  }
0x4e1: {  	[spmem:s5] =	stream.indirect.scatter [tilespmem:s29], [sflag:$0x1], $0x1, s28, s16, $0xb8;
	[tilespmem:$0x14A00] =	vst v63  }
0x4e2: {  	s30 =	simm.s32 $0xFB00;
	s31 =	simm.s32 $0xF600  }
0x4e3: {  	[spmem:s5] =	stream.indirect.scatter [tilespmem:s31], [sflag:$0x1], $0x1, s30, s16, $0xb8;
	[tilespmem:$0x14A00] =	vst v63  }
0x4e4: {  	s14 =	simm.s32 $0xF680;
	s12 =	simm.s32 $0xFB80  }
0x4e5: {  	[spmem:s5] =	stream.indirect.scatter [tilespmem:s14], [sflag:$0x1], $0x1, s12, s16, $0xb8;
	[tilespmem:$0x14A00] =	vst v63  }
0x4e6: {  	s17 =	simm.s32 $0xFC00;
	s20 =	simm.s32 $0xF700  }
0x4e7: {  	[spmem:s5] =	stream.indirect.scatter [tilespmem:s20], [sflag:$0x1], $0x1, s17, s16, $0xb8;
	[tilespmem:$0x14A00] =	vst v63  }
0x4e8: {  	s23 =	simm.s32 $0xFC80;
	s24 =	simm.s32 $0xF780  }
0x4e9: {  	[spmem:s5] =	stream.indirect.scatter [tilespmem:s24], [sflag:$0x1], $0x1, s23, s16, $0xb8;
	[tilespmem:$0x14A00] =	vst v63  }
0x4ea: {  	s25 =	simm.s32 $0xF800  }
0x4eb: {  	[spmem:s5] =	stream.indirect.scatter [tilespmem:s25], [sflag:$0x1], $0x1, s13, s16, $0xb8;
	[tilespmem:$0x14A00] =	vst v63  }
0x4ec: {  	s28 =	simm.s32 $0xF880  }
0x4ed: {  	[spmem:s5] =	stream.indirect.scatter [tilespmem:s28], [sflag:$0x1], $0x1, s3, s16, $0xb8;
	[tilespmem:$0x14A00] =	vst v63  }
0x4ee: {  	s29 =	simm.s32 $0xF900  }
0x4ef: {  	[spmem:s5] =	stream.indirect.scatter [tilespmem:s29], [sflag:$0x1], $0x1, s18, s16, $0xb8;
	[tilespmem:$0x14A00] =	vst v63  }
0x4f0: {  	s30 =	simm.s32 $0xF980  }
0x4f1: {  	[spmem:s5] =	stream.indirect.scatter [tilespmem:s30], [sflag:$0x1], $0x1, s26, s16, $0xb8;
	[tilespmem:$0x14A00] =	vst v63  }
0x4f2: {  	_ =	swait.ge [sflag:s1], $0x80  }
0x4f3: {  	[sflag:s1] =	ssyncset.done $0x0  }
0x4f4: {  	[sflag:s1] =	ssyncadd.s32 $0xFFFFFF80  }
0x4f5: {  	_ =	swait.ge [sflag:s1], $0x80  }
0x4f6: {  	[sflag:s1] =	ssyncset.done $0x0  }
0x4f7: {  	[sflag:s1] =	ssyncadd.s32 $0xFFFFFF80  }
0x4f8: {  	_ =	swait.ge [sflag:s1], $0x80  }
0x4f9: {  	[sflag:s1] =	ssyncset.done $0x0  }
0x4fa: {  	[sflag:s1] =	ssyncadd.s32 $0xFFFFFF80  }
0x4fb: {  	_ =	swait.ge [sflag:s1], $0x80  }
0x4fc: {  	[sflag:s1] =	ssyncset.done $0x0  }
0x4fd: {  	[sflag:s1] =	ssyncadd.s32 $0xFFFFFF80  }
0x4fe: {  	_ =	swait.ge [sflag:s1], $0x80  }
0x4ff: {  	[sflag:s1] =	ssyncset.done $0x0  }
0x500: {  	[sflag:s1] =	ssyncadd.s32 $0xFFFFFF80  }
0x501: {  	_ =	swait.ge [sflag:s1], $0x80  }
0x502: {  	[sflag:s1] =	ssyncset.done $0x0  }
0x503: {  	[sflag:s1] =	ssyncadd.s32 $0xFFFFFF80  }
0x504: {  	_ =	swait.ge [sflag:s1], $0x80  }
0x505: {  	[sflag:s1] =	ssyncset.done $0x0  }
0x506: {  	[sflag:s1] =	ssyncadd.s32 $0xFFFFFF80  }
0x507: {  	_ =	swait.ge [sflag:s1], $0x80  }
0x508: {  	[sflag:s1] =	ssyncset.done $0x0  }
0x509: {  	[sflag:s1] =	ssyncadd.s32 $0xFFFFFF80  }
0x50a: {  	_ =	swait.ge [sflag:s1], $0x80  }
0x50b: {  	[sflag:s1] =	ssyncset.done $0x0  }
0x50c: {  	[sflag:s1] =	ssyncadd.s32 $0xFFFFFF80  }
0x50d: {  	_ =	swait.ge [sflag:s1], $0x80  }
0x50e: {  	[sflag:s1] =	ssyncset.done $0x0  }
0x50f: {  	[sflag:s1] =	ssyncadd.s32 $0xFFFFFF80  }
0x510: {  	[bflag:$0x0] =	sbarrier.arrive $0xFFFF  }
0x511: {  	s31 =	rddreg [dreg:$0x1d]  }
0x512: {  	[tilespmem:s22], [sflag:$0x2] =	stream.linear.gather [spmem:s31], $0x500, $0x38;
	[tilespmem:$0x14A00] =	vst v63  }
0x513: {  	_ =	swait.ge [sflag:s10], $0x500  }
0x514: {  	[sflag:s10] =	ssyncset.done $0x0  }
0x515: {  	[sflag:s10] =	ssyncadd.s32 $0xFFFFFB00  }
0x516: {  	[tilespmem:$0x10A00] =	vst v2  }
0x517: {  	[tilespmem:$0x10A10] =	vst v2  }
0x518: {  	[tilespmem:$0x10A20] =	vst v2  }
0x519: {  	[tilespmem:$0x10A30] =	vst v2  }
0x51a: {  	[tilespmem:$0x10A40] =	vst v2  }
0x51b: {  	[tilespmem:$0x10A50] =	vst v2  }
0x51c: {  	[tilespmem:$0x10A60] =	vst v2  }
0x51d: {  	[tilespmem:$0x10A70] =	vst v2  }
0x51e: {  	[tilespmem:$0x10A80] =	vst v2  }
0x51f: {  	[tilespmem:$0x10A90] =	vst v2  }
0x520: {  	[tilespmem:$0x10AA0] =	vst v2  }
0x521: {  	[tilespmem:$0x10AB0] =	vst v2  }
0x522: {  	[tilespmem:$0x10AC0] =	vst v2  }
0x523: {  	[tilespmem:$0x10AD0] =	vst v2  }
0x524: {  	[tilespmem:$0x10AE0] =	vst v2  }
0x525: {  	s9 =	simm.s32 $0x0;
	[tilespmem:$0x10AF0] =	vst v2  }
.LBB2_66:
0x526: {  	s12 =	sshra.s32 s9, $0x2  }
0x527: {  	v4 =	vld [tilespmem:s12+$0xF500];
	_ =	sdelay $0x7  }
0x528: {  	v4 =	vld.idx.msk [tilespmem:v4+s11+$0x0], $0xffff;
	_ =	sdelay $0x4  }
0x529: {  	p4 =	sne.s32 s9, $0x13C0;
	v4 =	vshrl.u32 v4, $0x18  }
.Ltmp32:
0x52a: {  	_ = 	snop;
	(pc) =	sbr.rel @p4 .LBB2_66-.Ltmp32, $2  }
0x52b: {  	_ =	sdelay $0x2  }
0x52c: {  	s9 =	sadd.s32 $0x40, s9;
	[tilespmem:v4+s15+$0x0] =	vst.idx.add.s32.msk $0xffff, v3  }
0x52d: {  	s9 =	simm.s32 $0x400  }
0x52e: {  	[spmem:s21] =	stream.strided.scatter [tilespmem:s15], [sflag:$0x2], $0x100, s9, s16, $0x38;
	[tilespmem:$0x14A00] =	vst v63  }
0x52f: {  	_ =	swait.ge [sflag:s10], $0x100  }
0x530: {  	[sflag:s10] =	ssyncset.done $0x0  }
0x531: {  	[sflag:s10] =	ssyncadd.s32 $0xFFFFFF00  }
0x532: {  	[bflag:$0x0] =	sbarrier.arrive $0xFFFF  }
0x533: {  	s12 =	simm.s32 $0x10C00;
	s31 =	rddreg [dreg:$0x3]  }
0x534: {  	[tilespmem:s12], [sflag:$0x2] =	stream.linear.gather [spmem:s31], $0x1000, $0x38;
	[tilespmem:$0x14A00] =	vst v63  }
0x535: {  	_ =	swait.ge [sflag:s10], $0x1000  }
0x536: {  	s14 =	simm.s32 $0x0;
	[sflag:s10] =	ssyncset.done $0x0  }
0x537: {  	s9 =	simm.s32 $0x0;
	s12 =	simm.s32 $0x0;
	[sflag:s10] =	ssyncadd.s32 $0xFFFFF000  }
.LBB2_68:
0x538: {  	s17 =	sshll.u32 s12, $0x4  }
0x539: {  	s20 =	sand.u32 $0x70, s17  }
0x53a: {  	s23 =	sshll.u32 s12, $0x7;
	v4 =	vmov s20  }
0x53b: {  	s28 =	sand.u32 $0x400, s23  }
0x53c: {  	s29 =	sand.u32 $0x800, s9;
	s24 =	sadd.s32 $0x10C00, s28  }
0x53d: {  	s31 =	sand.u32 $0x380, s9;
	s25 =	sadd.s32 s29, s24  }
0x53e: {  	s30 =	simm.s32 $0x0;
	s23 =	sadd.s32 s31, s25  }
0x53f: {  	v7 =	vimm.s32 $0x0;
	v6 =	vimm.s32 $0x0;
	s20 =	simm.s32 $0x1;
	s25 =	simm.s32 $0x100;
	v5 =	vld.idx.msk [tilespmem:v4+s23+$0x0 ss:$0x1], $0xffff;
	s23 =	simm.s32 $0x80  }
.LBB2_69:
0x540: {  	s28 =	sand.u32 $0x800, s25  }
0x541: {  	p4 =	sne.s32 s20, $0xF;
	s29 =	smov.u32 s20;
	s20 =	sadd.s32 $0x1, s20  }
.Ltmp33:
0x542: {  	s31 =	sand.u32 $0x380, s23;
	s28 =	sadd.s32 s28, s24;
	(pc) =	sbr.rel @p4 .LBB2_69-.Ltmp33, $4  }
0x543: {  	p5 =	slt.u32 s30, s4;
	s30 =	smov.u32 s29;
	s28 =	sadd.s32 s31, s28  }
0x544: {  	v7 =	vadd.s32 v7, v5;
	v8 =	vpsel !p5, $0x0, v5;
	v5 =	vld.idx.msk [tilespmem:v4+s28+$0x0 ss:$0x1], $0xffff  }
0x545: {  	v6 =	vadd.s32 v6, v8  }
0x546: {  	s23 =	sadd.s32 $0x80, s23;
	s25 =	sadd.s32 $0x100, s25  }
0x547: {  	_ =	sdelay $0x1  }
0x548: {  	v4 =	vadd.s32 v7, v5  }
0x549: {  	(xrf0) =	vadd.scan.msk.s32 $0xffff, v4;
	_ =	sdelay $0x5  }
0x54a: {  	v63, _, _ =	vpop (xrf0)  }
0x54b: {  	v8 =	vxor.u32 $0x80000000, v63  }
0x54c: {  	(xrf0) =	vmax.scan.msk.u32 $0xffff, v8;
	_ =	sdelay $0x5  }
0x54d: {  	v8, _, _ =	vpop (xrf0)  }
0x54e: {  	(v2sf) =	vpush v8, $0xF;
	_ =	sdelay $0xa  }
0x54f: {  	p4 =	slt.u32 s30, s4;
	s12 =	sadd.s32 $0x1, s12  }
0x550: {  	v5 =	vpsel !p4, $0x0, v5;
	p4 =	sne.s32 s12, $0x10  }
.Ltmp34:
0x551: {  	_ = 	snop;
	(pc) =	sbr.rel @p4 .LBB2_68-.Ltmp34, $4  }
0x552: {  	v5 =	vadd.s32 v6, v5;
	v4 =	vsub.s32 s14, v4  }
0x553: {  	v4 =	vadd.s32 v5, v4;
	s20 =	spop (v2sf)  }
0x554: {  	s17 =	sand.u32 $0x3FFFFFF0, s17;
	v4 =	vadd.s32 v63, v4;
	s31 =	sadd.s32 s20, s14  }
0x555: {  	[tilespmem:s17+$0x10B00] =	vst v4;
	s14 =	sadd.s32 $0x80000000, s31  }
0x556: {  	s12 =	simm.s32 $0x0  }
0x557: {  	s9 =	simm.s32 $0x0;
	s14 =	simm.s32 $0x10;
	v4 =	vld [tilespmem:s12+$0xF500];
	s12 =	simm.s32 $0x0  }
.LBB2_72:
0x558: {  	p4 =	sne.s32 s14, $0x4F0;
	_ =	sdelay $0x6  }
0x559: {  	v4 =	vld.idx.msk [tilespmem:v4+s11+$0x0], $0xffff;
	_ =	sdelay $0x5  }
0x55a: {  	v4 =	vshrl.u32 v4, $0x18  }
0x55b: {  	(xrf1) =	vunique.msk.u32 $0xffff, v4;
	_ =	sdelay $0x8  }
0x55c: {  	v5 =	vld.idx.msk [tilespmem:v4+s19+$0x0], $0xffff;
	_ =	sdelay $0x4  }
0x55d: {  	s17 =	sand.u32 $0x1E00, s9;
	_, v6, _ =	vpop (xrf1)  }
.Ltmp35:
0x55e: {  	s12 =	sand.u32 $0x70, s12;
	s17 =	sshrl.u32 s17, $0x2;
	v5 =	vadd.s32 v6, v5;
	(pc) =	sbr.rel @p4 .LBB2_72-.Ltmp35, $4  }
0x55f: {  	s17 =	sor.u32 s12, s17;
	s12 =	smov.u32 s14;
	v5 =	vadd.s32 $0xFFFFFFFF, v5  }
0x560: {  	s9 =	sadd.s32 $0x40, s9;
	[tilespmem:s17+$0xFA00] =	vst v5  }
0x561: {  	s17 =	sshra.s32 s9, $0x2;
	[tilespmem:v4+s19+$0x0] =	vst.idx.add.s32.msk $0xffff, v3  }
0x562: {  	s14 =	sadd.s32 $0x10, s14;
	v4 =	vld [tilespmem:s17+$0xF500]  }
0x563: {  	_ =	sdelay $0x7  }
0x564: {  	v4 =	vld.idx.msk [tilespmem:v4+s11+$0x0], $0xffff;
	_ =	sdelay $0x4  }
0x565: {  	v4 =	vshrl.u32 v4, $0x18  }
0x566: {  	(xrf1) =	vunique.msk.u32 $0xffff, v4;
	_ =	sdelay $0x9  }
0x567: {  	v5 =	vld.idx.msk [tilespmem:v4+s19+$0x0], $0xffff;
	_ =	sdelay $0x3  }
0x568: {  	s9 =	sand.u32 $0x1E00, s9;
	_, v6, _ =	vpop (xrf1)  }
0x569: {  	s12 =	sand.u32 $0x70, s12;
	s9 =	sshrl.u32 s9, $0x2;
	v5 =	vadd.s32 v6, v5  }
0x56a: {  	s9 =	sor.u32 s12, s9;
	v5 =	vadd.s32 $0xFFFFFFFF, v5  }
0x56b: {  	[tilespmem:s9+$0xFA00] =	vst v5  }
0x56c: {  	s25 =	simm.s32 $0xFA00;
	[tilespmem:v4+s19+$0x0] =	vst.idx.add.s32.msk $0xffff, v3  }
0x56d: {  	[spmem:s6] =	stream.indirect.scatter [tilespmem:s22], [sflag:$0x1], $0x1, s25, s16, $0xb8;
	[tilespmem:$0x14A00] =	vst v63  }
0x56e: {  	s28 =	simm.s32 $0xFA80;
	s29 =	simm.s32 $0xF580  }
0x56f: {  	[spmem:s6] =	stream.indirect.scatter [tilespmem:s29], [sflag:$0x1], $0x1, s28, s16, $0xb8;
	[tilespmem:$0x14A00] =	vst v63  }
0x570: {  	s30 =	simm.s32 $0xFB00;
	s31 =	simm.s32 $0xF600  }
0x571: {  	[spmem:s6] =	stream.indirect.scatter [tilespmem:s31], [sflag:$0x1], $0x1, s30, s16, $0xb8;
	[tilespmem:$0x14A00] =	vst v63  }
0x572: {  	s14 =	simm.s32 $0xF680;
	s12 =	simm.s32 $0xFB80  }
0x573: {  	[spmem:s6] =	stream.indirect.scatter [tilespmem:s14], [sflag:$0x1], $0x1, s12, s16, $0xb8;
	[tilespmem:$0x14A00] =	vst v63  }
0x574: {  	s17 =	simm.s32 $0xFC00;
	s20 =	simm.s32 $0xF700  }
0x575: {  	[spmem:s6] =	stream.indirect.scatter [tilespmem:s20], [sflag:$0x1], $0x1, s17, s16, $0xb8;
	[tilespmem:$0x14A00] =	vst v63  }
0x576: {  	s23 =	simm.s32 $0xFC80;
	s24 =	simm.s32 $0xF780  }
0x577: {  	[spmem:s6] =	stream.indirect.scatter [tilespmem:s24], [sflag:$0x1], $0x1, s23, s16, $0xb8;
	[tilespmem:$0x14A00] =	vst v63  }
0x578: {  	s25 =	simm.s32 $0xF800  }
0x579: {  	[spmem:s6] =	stream.indirect.scatter [tilespmem:s25], [sflag:$0x1], $0x1, s13, s16, $0xb8;
	[tilespmem:$0x14A00] =	vst v63  }
0x57a: {  	s28 =	simm.s32 $0xF880  }
0x57b: {  	[spmem:s6] =	stream.indirect.scatter [tilespmem:s28], [sflag:$0x1], $0x1, s3, s16, $0xb8;
	[tilespmem:$0x14A00] =	vst v63  }
0x57c: {  	s29 =	simm.s32 $0xF900  }
0x57d: {  	[spmem:s6] =	stream.indirect.scatter [tilespmem:s29], [sflag:$0x1], $0x1, s18, s16, $0xb8;
	[tilespmem:$0x14A00] =	vst v63  }
0x57e: {  	s30 =	simm.s32 $0xF980  }
0x57f: {  	[spmem:s6] =	stream.indirect.scatter [tilespmem:s30], [sflag:$0x1], $0x1, s26, s16, $0xb8;
	[tilespmem:$0x14A00] =	vst v63  }
0x580: {  	_ =	swait.ge [sflag:s1], $0x80  }
0x581: {  	[sflag:s1] =	ssyncset.done $0x0  }
0x582: {  	[sflag:s1] =	ssyncadd.s32 $0xFFFFFF80  }
0x583: {  	_ =	swait.ge [sflag:s1], $0x80  }
0x584: {  	[sflag:s1] =	ssyncset.done $0x0  }
0x585: {  	[sflag:s1] =	ssyncadd.s32 $0xFFFFFF80  }
0x586: {  	_ =	swait.ge [sflag:s1], $0x80  }
0x587: {  	[sflag:s1] =	ssyncset.done $0x0  }
0x588: {  	[sflag:s1] =	ssyncadd.s32 $0xFFFFFF80  }
0x589: {  	_ =	swait.ge [sflag:s1], $0x80  }
0x58a: {  	[sflag:s1] =	ssyncset.done $0x0  }
0x58b: {  	[sflag:s1] =	ssyncadd.s32 $0xFFFFFF80  }
0x58c: {  	_ =	swait.ge [sflag:s1], $0x80  }
0x58d: {  	[sflag:s1] =	ssyncset.done $0x0  }
0x58e: {  	[sflag:s1] =	ssyncadd.s32 $0xFFFFFF80  }
0x58f: {  	_ =	swait.ge [sflag:s1], $0x80  }
0x590: {  	[sflag:s1] =	ssyncset.done $0x0  }
0x591: {  	[sflag:s1] =	ssyncadd.s32 $0xFFFFFF80  }
0x592: {  	_ =	swait.ge [sflag:s1], $0x80  }
0x593: {  	[sflag:s1] =	ssyncset.done $0x0  }
0x594: {  	[sflag:s1] =	ssyncadd.s32 $0xFFFFFF80  }
0x595: {  	_ =	swait.ge [sflag:s1], $0x80  }
0x596: {  	[sflag:s1] =	ssyncset.done $0x0  }
0x597: {  	[sflag:s1] =	ssyncadd.s32 $0xFFFFFF80  }
0x598: {  	_ =	swait.ge [sflag:s1], $0x80  }
0x599: {  	[sflag:s1] =	ssyncset.done $0x0  }
0x59a: {  	[sflag:s1] =	ssyncadd.s32 $0xFFFFFF80  }
0x59b: {  	_ =	swait.ge [sflag:s1], $0x80  }
0x59c: {  	[sflag:s1] =	ssyncset.done $0x0  }
0x59d: {  	[sflag:s1] =	ssyncadd.s32 $0xFFFFFF80  }
0x59e: {  	[bflag:$0x0] =	sbarrier.arrive $0xFFFF  }
0x59f: {  	s9 =	simm.s32 $0x0;
	s31 =	rddreg [dreg:$0x1e]  }
0x5a0: {  	[tilespmem:s22], [sflag:$0x2] =	stream.linear.gather [spmem:s31], $0x500, $0x38;
	[tilespmem:$0x14A00] =	vst v63  }
0x5a1: {  	s12 =	simm.s32 $0x10;
	s14 =	simm.s32 $0x0;
	_ =	swait.ge [sflag:s10], $0x500  }
0x5a2: {  	s17 =	simm.s32 $0x0;
	s23 =	simm.s32 $0x11C00;
	[sflag:s10] =	ssyncset.done $0x0  }
0x5a3: {  	s24 =	simm.s32 $0x12100;
	s25 =	simm.s32 $0x12600;
	[sflag:s10] =	ssyncadd.s32 $0xFFFFFB00  }
.LBB2_74:
0x5a4: {  	p4 =	sne.s32 s12, $0x4F0;
	v4 =	vld [tilespmem:s17+$0xF500];
	_ =	sdelay $0x1  }
0x5a5: {  	s17 =	sshrl.u32 s9, $0x2  }
.Ltmp36:
0x5a6: {  	s14 =	sand.u32 $0x70, s14;
	s17 =	sand.u32 $0x780, s17;
	(pc) =	sbr.rel @p4 .LBB2_74-.Ltmp36, $4  }
0x5a7: {  	s20 =	sor.u32 s14, s17;
	s14 =	smov.u32 s12  }
0x5a8: {  	[tilespmem:s20+$0xFA00] =	vst v4;
	v5 =	vadd.s32 $0x5000, v4;
	v4 =	vadd.s32 $0xA000, v4  }
0x5a9: {  	s9 =	sadd.s32 $0x40, s9;
	[tilespmem:s20+$0xFF00] =	vst v5  }
0x5aa: {  	s17 =	sshra.s32 s9, $0x2;
	s12 =	sadd.s32 $0x10, s12;
	[tilespmem:s20+$0x10400] =	vst v4  }
0x5ab: {  	v4 =	vld [tilespmem:s17+$0xF500];
	_ =	sdelay $0x1  }
0x5ac: {  	s9 =	sshrl.u32 s9, $0x2  }
0x5ad: {  	s12 =	sand.u32 $0x70, s14;
	s9 =	sand.u32 $0x780, s9  }
0x5ae: {  	s9 =	sor.u32 s12, s9  }
0x5af: {  	[tilespmem:s9+$0xFA00] =	vst v4;
	v5 =	vadd.s32 $0x5000, v4  }
0x5b0: {  	v4 =	vadd.s32 $0xA000, v4;
	[tilespmem:s9+$0xFF00] =	vst v5  }
0x5b1: {  	s29 =	simm.s32 $0xFA00;
	[tilespmem:s9+$0x10400] =	vst v4  }
0x5b2: {  	[tilespmem:s23], [sflag:$0x1] =	stream.indirect.gather [spmem:s2], $0x1, s29, s16, $0xb8;
	[tilespmem:$0x14A00] =	vst v63  }
0x5b3: {  	s30 =	simm.s32 $0xFA80;
	s31 =	simm.s32 $0x11C80  }
0x5b4: {  	[tilespmem:s31], [sflag:$0x1] =	stream.indirect.gather [spmem:s2], $0x1, s30, s16, $0xb8;
	[tilespmem:$0x14A00] =	vst v63  }
0x5b5: {  	s14 =	simm.s32 $0x11D00;
	s12 =	simm.s32 $0xFB00  }
0x5b6: {  	[tilespmem:s14], [sflag:$0x1] =	stream.indirect.gather [spmem:s2], $0x1, s12, s16, $0xb8;
	[tilespmem:$0x14A00] =	vst v63  }
0x5b7: {  	s17 =	simm.s32 $0xFB80;
	s20 =	simm.s32 $0x11D80  }
0x5b8: {  	[tilespmem:s20], [sflag:$0x1] =	stream.indirect.gather [spmem:s2], $0x1, s17, s16, $0xb8;
	[tilespmem:$0x14A00] =	vst v63  }
0x5b9: {  	s28 =	simm.s32 $0xFC00;
	s29 =	simm.s32 $0x11E00  }
0x5ba: {  	[tilespmem:s29], [sflag:$0x1] =	stream.indirect.gather [spmem:s2], $0x1, s28, s16, $0xb8;
	[tilespmem:$0x14A00] =	vst v63  }
0x5bb: {  	s30 =	simm.s32 $0xFC80;
	s31 =	simm.s32 $0x11E80  }
0x5bc: {  	[tilespmem:s31], [sflag:$0x1] =	stream.indirect.gather [spmem:s2], $0x1, s30, s16, $0xb8;
	[tilespmem:$0x14A00] =	vst v63  }
0x5bd: {  	s14 =	simm.s32 $0x11F00  }
0x5be: {  	[tilespmem:s14], [sflag:$0x1] =	stream.indirect.gather [spmem:s2], $0x1, s13, s16, $0xb8;
	[tilespmem:$0x14A00] =	vst v63  }
0x5bf: {  	s17 =	simm.s32 $0x11F80  }
0x5c0: {  	[tilespmem:s17], [sflag:$0x1] =	stream.indirect.gather [spmem:s2], $0x1, s3, s16, $0xb8;
	[tilespmem:$0x14A00] =	vst v63  }
0x5c1: {  	s20 =	simm.s32 $0x12000  }
0x5c2: {  	[tilespmem:s20], [sflag:$0x1] =	stream.indirect.gather [spmem:s2], $0x1, s18, s16, $0xb8;
	[tilespmem:$0x14A00] =	vst v63  }
0x5c3: {  	s28 =	simm.s32 $0x12080  }
0x5c4: {  	[tilespmem:s28], [sflag:$0x1] =	stream.indirect.gather [spmem:s2], $0x1, s26, s16, $0xb8;
	[tilespmem:$0x14A00] =	vst v63  }
0x5c5: {  	s29 =	simm.s32 $0xFF00  }
0x5c6: {  	[tilespmem:s24], [sflag:$0x1] =	stream.indirect.gather [spmem:s2], $0x1, s29, s16, $0xb8;
	[tilespmem:$0x14A00] =	vst v63  }
0x5c7: {  	s30 =	simm.s32 $0xFF80;
	s31 =	simm.s32 $0x12180  }
0x5c8: {  	[tilespmem:s31], [sflag:$0x1] =	stream.indirect.gather [spmem:s2], $0x1, s30, s16, $0xb8;
	[tilespmem:$0x14A00] =	vst v63  }
0x5c9: {  	s12 =	simm.s32 $0x10000;
	s14 =	simm.s32 $0x12200  }
0x5ca: {  	[tilespmem:s14], [sflag:$0x1] =	stream.indirect.gather [spmem:s2], $0x1, s12, s16, $0xb8;
	[tilespmem:$0x14A00] =	vst v63  }
0x5cb: {  	s17 =	simm.s32 $0x10080;
	s20 =	simm.s32 $0x12280  }
0x5cc: {  	[tilespmem:s20], [sflag:$0x1] =	stream.indirect.gather [spmem:s2], $0x1, s17, s16, $0xb8;
	[tilespmem:$0x14A00] =	vst v63  }
0x5cd: {  	s28 =	simm.s32 $0x10100;
	s29 =	simm.s32 $0x12300  }
0x5ce: {  	[tilespmem:s29], [sflag:$0x1] =	stream.indirect.gather [spmem:s2], $0x1, s28, s16, $0xb8;
	[tilespmem:$0x14A00] =	vst v63  }
0x5cf: {  	s30 =	simm.s32 $0x10180;
	s31 =	simm.s32 $0x12380  }
0x5d0: {  	[tilespmem:s31], [sflag:$0x1] =	stream.indirect.gather [spmem:s2], $0x1, s30, s16, $0xb8;
	[tilespmem:$0x14A00] =	vst v63  }
0x5d1: {  	s12 =	simm.s32 $0x10200;
	s14 =	simm.s32 $0x12400  }
0x5d2: {  	[tilespmem:s14], [sflag:$0x1] =	stream.indirect.gather [spmem:s2], $0x1, s12, s16, $0xb8;
	[tilespmem:$0x14A00] =	vst v63  }
0x5d3: {  	s17 =	simm.s32 $0x10280;
	s20 =	simm.s32 $0x12480  }
0x5d4: {  	[tilespmem:s20], [sflag:$0x1] =	stream.indirect.gather [spmem:s2], $0x1, s17, s16, $0xb8;
	[tilespmem:$0x14A00] =	vst v63  }
0x5d5: {  	s28 =	simm.s32 $0x10300;
	s29 =	simm.s32 $0x12500  }
0x5d6: {  	[tilespmem:s29], [sflag:$0x1] =	stream.indirect.gather [spmem:s2], $0x1, s28, s16, $0xb8;
	[tilespmem:$0x14A00] =	vst v63  }
0x5d7: {  	s30 =	simm.s32 $0x10380;
	s31 =	simm.s32 $0x12580  }
0x5d8: {  	[tilespmem:s31], [sflag:$0x1] =	stream.indirect.gather [spmem:s2], $0x1, s30, s16, $0xb8;
	[tilespmem:$0x14A00] =	vst v63  }
0x5d9: {  	s14 =	simm.s32 $0x10400  }
0x5da: {  	[tilespmem:s25], [sflag:$0x1] =	stream.indirect.gather [spmem:s2], $0x1, s14, s16, $0xb8;
	[tilespmem:$0x14A00] =	vst v63  }
0x5db: {  	s17 =	simm.s32 $0x10480;
	s20 =	simm.s32 $0x12680  }
0x5dc: {  	[tilespmem:s20], [sflag:$0x1] =	stream.indirect.gather [spmem:s2], $0x1, s17, s16, $0xb8;
	[tilespmem:$0x14A00] =	vst v63  }
0x5dd: {  	s28 =	simm.s32 $0x10500;
	s29 =	simm.s32 $0x12700  }
0x5de: {  	[tilespmem:s29], [sflag:$0x1] =	stream.indirect.gather [spmem:s2], $0x1, s28, s16, $0xb8;
	[tilespmem:$0x14A00] =	vst v63  }
0x5df: {  	s30 =	simm.s32 $0x10580;
	s31 =	simm.s32 $0x12780  }
0x5e0: {  	[tilespmem:s31], [sflag:$0x1] =	stream.indirect.gather [spmem:s2], $0x1, s30, s16, $0xb8;
	[tilespmem:$0x14A00] =	vst v63  }
0x5e1: {  	s12 =	simm.s32 $0x10600;
	s14 =	simm.s32 $0x12800  }
0x5e2: {  	[tilespmem:s14], [sflag:$0x1] =	stream.indirect.gather [spmem:s2], $0x1, s12, s16, $0xb8;
	[tilespmem:$0x14A00] =	vst v63  }
0x5e3: {  	s17 =	simm.s32 $0x10680;
	s20 =	simm.s32 $0x12880  }
0x5e4: {  	[tilespmem:s20], [sflag:$0x1] =	stream.indirect.gather [spmem:s2], $0x1, s17, s16, $0xb8;
	[tilespmem:$0x14A00] =	vst v63  }
0x5e5: {  	s28 =	simm.s32 $0x10700;
	s29 =	simm.s32 $0x12900  }
0x5e6: {  	[tilespmem:s29], [sflag:$0x1] =	stream.indirect.gather [spmem:s2], $0x1, s28, s16, $0xb8;
	[tilespmem:$0x14A00] =	vst v63  }
0x5e7: {  	s30 =	simm.s32 $0x10780;
	s31 =	simm.s32 $0x12980  }
0x5e8: {  	[tilespmem:s31], [sflag:$0x1] =	stream.indirect.gather [spmem:s2], $0x1, s30, s16, $0xb8;
	[tilespmem:$0x14A00] =	vst v63  }
0x5e9: {  	s12 =	simm.s32 $0x10800;
	s14 =	simm.s32 $0x12A00  }
0x5ea: {  	[tilespmem:s14], [sflag:$0x1] =	stream.indirect.gather [spmem:s2], $0x1, s12, s16, $0xb8;
	[tilespmem:$0x14A00] =	vst v63  }
0x5eb: {  	s17 =	simm.s32 $0x10880;
	s20 =	simm.s32 $0x12A80  }
0x5ec: {  	[tilespmem:s20], [sflag:$0x1] =	stream.indirect.gather [spmem:s2], $0x1, s17, s16, $0xb8;
	[tilespmem:$0x14A00] =	vst v63  }
0x5ed: {  	_ =	swait.ge [sflag:s1], $0x80  }
0x5ee: {  	[sflag:s1] =	ssyncset.done $0x0  }
0x5ef: {  	[sflag:s1] =	ssyncadd.s32 $0xFFFFFF80  }
0x5f0: {  	_ =	swait.ge [sflag:s1], $0x80  }
0x5f1: {  	[sflag:s1] =	ssyncset.done $0x0  }
0x5f2: {  	[sflag:s1] =	ssyncadd.s32 $0xFFFFFF80  }
0x5f3: {  	_ =	swait.ge [sflag:s1], $0x80  }
0x5f4: {  	[sflag:s1] =	ssyncset.done $0x0  }
0x5f5: {  	[sflag:s1] =	ssyncadd.s32 $0xFFFFFF80  }
0x5f6: {  	_ =	swait.ge [sflag:s1], $0x80  }
0x5f7: {  	[sflag:s1] =	ssyncset.done $0x0  }
0x5f8: {  	[sflag:s1] =	ssyncadd.s32 $0xFFFFFF80  }
0x5f9: {  	_ =	swait.ge [sflag:s1], $0x80  }
0x5fa: {  	[sflag:s1] =	ssyncset.done $0x0  }
0x5fb: {  	[sflag:s1] =	ssyncadd.s32 $0xFFFFFF80  }
0x5fc: {  	_ =	swait.ge [sflag:s1], $0x80  }
0x5fd: {  	[sflag:s1] =	ssyncset.done $0x0  }
0x5fe: {  	[sflag:s1] =	ssyncadd.s32 $0xFFFFFF80  }
0x5ff: {  	_ =	swait.ge [sflag:s1], $0x80  }
0x600: {  	[sflag:s1] =	ssyncset.done $0x0  }
0x601: {  	[sflag:s1] =	ssyncadd.s32 $0xFFFFFF80  }
0x602: {  	_ =	swait.ge [sflag:s1], $0x80  }
0x603: {  	[sflag:s1] =	ssyncset.done $0x0  }
0x604: {  	[sflag:s1] =	ssyncadd.s32 $0xFFFFFF80  }
0x605: {  	_ =	swait.ge [sflag:s1], $0x80  }
0x606: {  	[sflag:s1] =	ssyncset.done $0x0  }
0x607: {  	[sflag:s1] =	ssyncadd.s32 $0xFFFFFF80  }
0x608: {  	_ =	swait.ge [sflag:s1], $0x80  }
0x609: {  	[sflag:s1] =	ssyncset.done $0x0  }
0x60a: {  	[sflag:s1] =	ssyncadd.s32 $0xFFFFFF80  }
0x60b: {  	_ =	swait.ge [sflag:s1], $0x80  }
0x60c: {  	[sflag:s1] =	ssyncset.done $0x0  }
0x60d: {  	[sflag:s1] =	ssyncadd.s32 $0xFFFFFF80  }
0x60e: {  	_ =	swait.ge [sflag:s1], $0x80  }
0x60f: {  	[sflag:s1] =	ssyncset.done $0x0  }
0x610: {  	[sflag:s1] =	ssyncadd.s32 $0xFFFFFF80  }
0x611: {  	_ =	swait.ge [sflag:s1], $0x80  }
0x612: {  	[sflag:s1] =	ssyncset.done $0x0  }
0x613: {  	[sflag:s1] =	ssyncadd.s32 $0xFFFFFF80  }
0x614: {  	_ =	swait.ge [sflag:s1], $0x80  }
0x615: {  	[sflag:s1] =	ssyncset.done $0x0  }
0x616: {  	[sflag:s1] =	ssyncadd.s32 $0xFFFFFF80  }
0x617: {  	_ =	swait.ge [sflag:s1], $0x80  }
0x618: {  	[sflag:s1] =	ssyncset.done $0x0  }
0x619: {  	[sflag:s1] =	ssyncadd.s32 $0xFFFFFF80  }
0x61a: {  	_ =	swait.ge [sflag:s1], $0x80  }
0x61b: {  	[sflag:s1] =	ssyncset.done $0x0  }
0x61c: {  	[sflag:s1] =	ssyncadd.s32 $0xFFFFFF80  }
0x61d: {  	_ =	swait.ge [sflag:s1], $0x80  }
0x61e: {  	[sflag:s1] =	ssyncset.done $0x0  }
0x61f: {  	[sflag:s1] =	ssyncadd.s32 $0xFFFFFF80  }
0x620: {  	_ =	swait.ge [sflag:s1], $0x80  }
0x621: {  	[sflag:s1] =	ssyncset.done $0x0  }
0x622: {  	[sflag:s1] =	ssyncadd.s32 $0xFFFFFF80  }
0x623: {  	_ =	swait.ge [sflag:s1], $0x80  }
0x624: {  	[sflag:s1] =	ssyncset.done $0x0  }
0x625: {  	[sflag:s1] =	ssyncadd.s32 $0xFFFFFF80  }
0x626: {  	_ =	swait.ge [sflag:s1], $0x80  }
0x627: {  	[sflag:s1] =	ssyncset.done $0x0  }
0x628: {  	[sflag:s1] =	ssyncadd.s32 $0xFFFFFF80  }
0x629: {  	_ =	swait.ge [sflag:s1], $0x80  }
0x62a: {  	[sflag:s1] =	ssyncset.done $0x0  }
0x62b: {  	[sflag:s1] =	ssyncadd.s32 $0xFFFFFF80  }
0x62c: {  	_ =	swait.ge [sflag:s1], $0x80  }
0x62d: {  	[sflag:s1] =	ssyncset.done $0x0  }
0x62e: {  	[sflag:s1] =	ssyncadd.s32 $0xFFFFFF80  }
0x62f: {  	_ =	swait.ge [sflag:s1], $0x80  }
0x630: {  	[sflag:s1] =	ssyncset.done $0x0  }
0x631: {  	[sflag:s1] =	ssyncadd.s32 $0xFFFFFF80  }
0x632: {  	_ =	swait.ge [sflag:s1], $0x80  }
0x633: {  	[sflag:s1] =	ssyncset.done $0x0  }
0x634: {  	[sflag:s1] =	ssyncadd.s32 $0xFFFFFF80  }
0x635: {  	_ =	swait.ge [sflag:s1], $0x80  }
0x636: {  	[sflag:s1] =	ssyncset.done $0x0  }
0x637: {  	[sflag:s1] =	ssyncadd.s32 $0xFFFFFF80  }
0x638: {  	_ =	swait.ge [sflag:s1], $0x80  }
0x639: {  	[sflag:s1] =	ssyncset.done $0x0  }
0x63a: {  	[sflag:s1] =	ssyncadd.s32 $0xFFFFFF80  }
0x63b: {  	_ =	swait.ge [sflag:s1], $0x80  }
0x63c: {  	[sflag:s1] =	ssyncset.done $0x0  }
0x63d: {  	[sflag:s1] =	ssyncadd.s32 $0xFFFFFF80  }
0x63e: {  	_ =	swait.ge [sflag:s1], $0x80  }
0x63f: {  	[sflag:s1] =	ssyncset.done $0x0  }
0x640: {  	[sflag:s1] =	ssyncadd.s32 $0xFFFFFF80  }
0x641: {  	_ =	swait.ge [sflag:s1], $0x80  }
0x642: {  	[sflag:s1] =	ssyncset.done $0x0  }
0x643: {  	[sflag:s1] =	ssyncadd.s32 $0xFFFFFF80  }
0x644: {  	_ =	swait.ge [sflag:s1], $0x80  }
0x645: {  	[sflag:s1] =	ssyncset.done $0x0  }
0x646: {  	s28 =	rddreg [dreg:$0x15];
	[sflag:s1] =	ssyncadd.s32 $0xFFFFFF80  }
0x647: {  	[hbm4b:s28+s7] =	stream.linear.scatter [tilespmem:s23], [sflag:$0x2], $0x500, $0x38;
	[tilespmem:$0x14A00] =	vst v63  }
0x648: {  	_ =	swait.ge [sflag:s10], $0x500  }
0x649: {  	[sflag:s10] =	ssyncset.done $0x0  }
0x64a: {  	s29 =	rddreg [dreg:$0x16];
	[sflag:s10] =	ssyncadd.s32 $0xFFFFFB00  }
0x64b: {  	[hbm4b:s29+s7] =	stream.linear.scatter [tilespmem:s24], [sflag:$0x2], $0x500, $0x38;
	[tilespmem:$0x14A00] =	vst v63  }
0x64c: {  	_ =	swait.ge [sflag:s10], $0x500  }
0x64d: {  	[sflag:s10] =	ssyncset.done $0x0  }
0x64e: {  	s30 =	rddreg [dreg:$0x17];
	[sflag:s10] =	ssyncadd.s32 $0xFFFFFB00  }
0x64f: {  	[hbm4b:s30+s7] =	stream.linear.scatter [tilespmem:s25], [sflag:$0x2], $0x500, $0x38;
	[tilespmem:$0x14A00] =	vst v63  }
0x650: {  	_ =	swait.ge [sflag:s10], $0x500  }
0x651: {  	s0 =	sadd.s32 $0x1, s0;
	s31 =	rddreg [dreg:$0x18]  }
0x652: {  	p4 =	sne.s32 s0, s31  }
.Ltmp37:
0x653: {  	_ = 	snop;
	(pc) =	sbr.rel @p4 .LBB2_1-.Ltmp37, $3  }
0x654: {  	_ =	sdelay $0x1  }
0x655: {  	[sflag:s10] =	ssyncset.done $0x0  }
0x656: {  	[sflag:s10] =	ssyncadd.s32 $0xFFFFFB00  }
0x657: {  	_ =	sfence.sel $0x180000  }
0x658: {  	[bflag:$0x0] =	sbarrier.arrive $0xFFFF  }
0x659: {  	_ =	strace $0x90000047  }
0x65a: {  	[bflag:$0x2] =	sbarrier.arrive $0xFFFF  }
0x65b: {  	p0 =	sne.s32 s4, $0x0;
	s0 =	rddreg [dreg:$0x6]  }
0x65c: {  	s0 =	sadd.s32 @!p0 $0x100000, s0  }
0x65d: {  	[sflag:s0] =	ssyncadd.tile.s32 @!p0 $0x1;
	_ =	shalt  }
.Lfunc_end2:
_tile_overlayer_lowered:
.L_overlay_start_2:
0x65e: {  	(tag) =	ssettag $0x2  }
0x65f: {  	s0 =	rddreg [dreg:$0x0];
	s2 =	stileid.u32  }
0x660: {  	s1 =	rddreg [dreg:$0x1];
	p0 =	sne.s32 s2, $0x0  }
0x661: {  	s3 =	rddreg [dreg:$0x2];
	[bflag:$0x3] =	sbarrier.arrive $0xFFFF;
	s2 =	simm.s32 @!p0 $0x1C02  }
0x662: {  	[timem:s3], [sflag:s2] =	dma.local @!p0 [hbm:s0], s1  }
0x663: {  	s0 =	simm.s32 @!p0 $0x2  }
0x664: {  	_ =	swait.ge @!p0 [sflag:s0], s1  }
0x665: {  	s1 =	ssub.s32 @!p0 $0x0, s1;
	[sflag:s0] =	ssyncset.done @!p0 $0x0  }
0x666: {  	[sflag:s0] =	ssyncadd.s32 @!p0 s1  }
0x667: {  	[bflag:$0x3] =	sbarrier.arrive $0xFFFF  }
0x668: {  	_ =	shalt  }

</sc_bundles>
